<compile_context>
chip_gen: v7x
topology: tpu7x:2x2x1
jax: 0.10.2.dev20260603
libtpu: 0.0.44.dev20260713+nightly
codegen_flags: <defaults>
</compile_context>

<pallas_src>
import functools

import jax
import jax.numpy as jnp
from jax import lax
from jax.experimental import pallas as pl
from jax.experimental.pallas import tpu as pltpu
from jax.experimental.pallas import tpu_sc as plsc

MASK = 4194304 - 1
P1 = 19349663
P2 = 83492791
L = 16


def _mesh(NC, NS):
    return plsc.VectorSubcoreMesh(
        core_axis_name="c", subcore_axis_name="s",
        num_cores=NC, num_subcores=NS)


@functools.cache
def _make_k1(V, D, NC, NS):
    NW = NC * NS
    CW = 2048
    cols_w = V // NW
    n_sub = cols_w // CW
    OUT_CH = CW * D // 128
    UNR = 16
    VR2 = 136

    @functools.partial(
        pl.kernel,
        out_type=jax.ShapeDtypeStruct((V * D // 128, 128), jnp.float32),
        mesh=_mesh(NC, NS),
        scratch_types=[
            pltpu.VMEM((2 * VR2, 129), jnp.float32),
            pltpu.VMEM((2 * VR2, 129), jnp.float32),
            pltpu.VMEM((OUT_CH, 128), jnp.float32),
            pltpu.SemaphoreType.DMA,
            pltpu.SemaphoreType.DMA,
        ],
        compiler_params=pltpu.CompilerParams(
            use_tc_tiling_on_sc=False, needs_layout_passes=False),
    )
    def k1(tab_hbm, out_hbm, vin_a, vin_b, vout, si_a, si_b):
        wid = lax.axis_index("s") * NC + lax.axis_index("c")
        iota = lax.iota(jnp.int32, L)
        row_base = (iota // 8) * VR2 + (iota % 8)
        z, o = jnp.int32(0), jnp.int32(1)

        def issue_in(s, vin, sem):
            tcb8 = (wid * cols_w + s * CW) // 128 * 8
            pltpu.async_copy(tab_hbm.at[z].at[pl.ds(tcb8, 128)],
                             vin.at[pl.ds(0, 128), pl.ds(0, 128)], sem)
            pltpu.async_copy(tab_hbm.at[o].at[pl.ds(tcb8, 128)],
                             vin.at[pl.ds(VR2, 128), pl.ds(0, 128)], sem)

        def wait_in(vin, sem):
            pltpu.make_async_copy(
                tab_hbm.at[z].at[pl.ds(0, 128)],
                vin.at[pl.ds(0, 128), pl.ds(0, 128)], sem).wait()
            pltpu.make_async_copy(
                tab_hbm.at[z].at[pl.ds(0, 128)],
                vin.at[pl.ds(VR2, 128), pl.ds(0, 128)], sem).wait()

        def transpose(vin, vout):
            def tr_body(g, carry2):
                rvec = row_base + (g // 8) * 8
                c0 = (g % 8) * L
                for u in range(UNR):
                    vec = plsc.load_gather(
                        vin, [rvec, jnp.full((L,), c0 + u, jnp.int32)])
                    vout[2 * g + u // 8, pl.ds((u % 8) * L, L)] = vec
                return carry2

            lax.fori_loop(jnp.int32(0), jnp.int32(CW // UNR), tr_body, 0)

        issue_in(jnp.int32(0), vin_a, si_a)
        issue_in(jnp.int32(1), vin_b, si_b)

        def pair_body(t, carry):
            for par, vin, si in ((0, vin_a, si_a), (1, vin_b, si_b)):
                s = 2 * t + par
                wait_in(vin, si)
                transpose(vin, vout)

                @pl.when(t < (n_sub // 2) - 1)
                def _():
                    issue_in(s + 2, vin, si)

                orow0 = (wid * cols_w + s * CW) * D // 128
                pltpu.sync_copy(vout, out_hbm.at[pl.ds(orow0, OUT_CH)])
            return carry

        lax.fori_loop(jnp.int32(0), jnp.int32(n_sub // 2), pair_body, 0)

    return k1


@functools.cache
def _make_k2(B, V, D, NC, NS):
    NW = NC * NS
    b_w = B // NW
    CH = 2048
    n_sub = b_w // CH
    TC_CH = CH // 128
    VR = TC_CH * 8
    UNR = 8

    @functools.partial(
        pl.kernel,
        out_type=jax.ShapeDtypeStruct((D // 8, B // 128 * 8, 128),
                                      jnp.float32),
        mesh=_mesh(NC, NS),
        scratch_types=[
            pltpu.VMEM((CH,), jnp.int32),
            pltpu.VMEM((CH,), jnp.int32),
            pltpu.VMEM((CH,), jnp.int32),
            pltpu.VMEM((CH,), jnp.int32),
            pltpu.VMEM((CH, D), jnp.float32),
            pltpu.VMEM((2 * VR, 129), jnp.float32),
            pltpu.SemaphoreType.DMA,
        ],
        compiler_params=pltpu.CompilerParams(
            use_tc_tiling_on_sc=False, needs_layout_passes=False),
    )
    def k2(i0_hbm, i1_hbm, i2_hbm, table_hbm, out_hbm,
           i0_v, i1_v, i2_v, h_v, rows_v, vout, sem):
        wid = lax.axis_index("s") * NC + lax.axis_index("c")
        base_w = wid * b_w
        iota = lax.iota(jnp.int32, L)
        row_const = (iota // 8) * VR + (iota % 8)

        def sub_body(s, carry):
            base = base_w + s * CH
            pltpu.sync_copy(i0_hbm.at[pl.ds(base, CH)], i0_v)
            pltpu.sync_copy(i1_hbm.at[pl.ds(base, CH)], i1_v)
            pltpu.sync_copy(i2_hbm.at[pl.ds(base, CH)], i2_v)

            def hash_body(j, carry2):
                a = i0_v[pl.ds(j * L, L)]
                b = i1_v[pl.ds(j * L, L)]
                c = i2_v[pl.ds(j * L, L)]
                h_v[pl.ds(j * L, L)] = (a ^ (b * P1) ^ (c * P2)) & MASK
                return carry2

            lax.fori_loop(jnp.int32(0), jnp.int32(CH // L), hash_body, 0)
            pltpu.async_copy(table_hbm.at[h_v], rows_v, sem).wait()

            def tr_body(g, carry2):
                b0 = g * UNR
                rvec = row_const + (b0 // 128) * 8
                c0 = b0 % 128
                for u in range(UNR):
                    v = rows_v[b0 + u, pl.ds(0, L)]
                    plsc.store_scatter(
                        vout, [rvec, jnp.full((L,), c0 + u, jnp.int32)], v)
                return carry2

            lax.fori_loop(jnp.int32(0), jnp.int32(CH // UNR), tr_body, 0)

            tcr0 = base // 128 * 8
            z, o = jnp.int32(0), jnp.int32(1)
            pltpu.sync_copy(vout.at[pl.ds(0, VR), pl.ds(0, 128)],
                            out_hbm.at[z].at[pl.ds(tcr0, VR)])
            pltpu.sync_copy(vout.at[pl.ds(VR, VR), pl.ds(0, 128)],
                            out_hbm.at[o].at[pl.ds(tcr0, VR)])
            return carry

        lax.fori_loop(jnp.int32(0), jnp.int32(n_sub), sub_body, 0)

    return k2


def kernel(index, hash_table):
    B = index.shape[0]
    V, D = hash_table.shape
    try:
        info = plsc.get_sparse_core_info()
        NC, NS = info.num_cores, info.num_subcores
    except Exception:
        NC, NS = 2, 16
    idx32 = index.astype(jnp.int32)
    tab_bytes = (hash_table.reshape(V // 128, 128, D // 8, 8)
                 .transpose(2, 0, 3, 1).reshape(D // 8, V // 128 * 8, 128))
    table_lin = _make_k1(V, D, NC, NS)(tab_bytes)
    out3d = _make_k2(B, V, D, NC, NS)(
        idx32[:, 0], idx32[:, 1], idx32[:, 2],
        table_lin.reshape(V, D))
    return (out3d.reshape(D // 8, B // 128, 8, 128)
            .transpose(1, 3, 0, 2).reshape(B, D))

# --- scband reference (transcript-rebuilt; emitter-appended) ---
"""Pipeline reference for scband-hash-interpolator-19164144075547 (READ-ONLY COPY).

The authoritative reference and input builder live on the scoring server;
editing this copy changes nothing except your own understanding.
"""

import jax, jax.numpy as jnp
import numpy as np
jax.config.update("jax_enable_x64", True)

LARGE_PRIME = [1, 19349663, 83492791, 48397621]
N_DIM = 3
N_ENTRIES = 4194304
N_FEATURE = 16
BATCH = 1048576


def setup_inputs(seed: int = 0) -> dict:
    key = jax.random.key(seed)
    k1, k2 = jax.random.split(key)
    index = jax.random.randint(k1, (BATCH, N_DIM), 0, 1024, dtype=jnp.int64)
    hash_table = (jax.random.uniform(k2, (N_ENTRIES, N_FEATURE), dtype=jnp.float32) - 0.5) * 0.0002
    return {"index": index, "hash_table": hash_table}


def _hashing(index):
    # Faithful to HashInterpolator.hashing: XOR of coordinate*prime, mod n_entries.
    # torch promotes int32 ^ int64 -> int64, and % with positive divisor gives
    # non-negative results; jnp matches both with x64 enabled.
    h = jnp.zeros(index.shape[0], dtype=jnp.int64)
    for i in range(N_DIM):
        h = jnp.bitwise_xor(h, index[:, i] * LARGE_PRIME[i]) % N_ENTRIES
    return h


def reference(index, hash_table):
    # forward(index): hash the integer grid coordinates and gather feature rows
    # from the learned hash table (spatial-hash embedding lookup).
    h = _hashing(index)
    return jnp.take(hash_table, h, axis=0)

if __name__ == "__main__":
    import jax
    _d = setup_inputs()
    print(jax.jit(kernel)(*tuple(_d.values())))

</pallas_src>

<mosaic_0001>
#map = affine_map<(d0, d1) -> (0, 0, 0)>
#map1 = affine_map<(d0, d1) -> (0, 0)>
module attributes {stable_mosaic.version = 14 : i64} {
  func.func @k1(%arg0: i32, %arg1: i32, %arg2: memref<2x262144x128xf32, #tpu.memory_space<hbm>>, %arg3: memref<524288x128xf32, #tpu.memory_space<hbm>>, %arg4: memref<272x129xf32, #tpu.memory_space<vmem>>, %arg5: memref<272x129xf32, #tpu.memory_space<vmem>>, %arg6: memref<256x128xf32, #tpu.memory_space<vmem>>, %arg7: memref<!tpu.dma_semaphore, #tpu.memory_space<semaphore_mem>>, %arg8: memref<!tpu.dma_semaphore, #tpu.memory_space<semaphore_mem>>) attributes {dimension_semantics = [#tpu.dimension_semantics<core_parallel>, #tpu.dimension_semantics<subcore_parallel>], iteration_bounds = array<i64: 2, 16>, scalar_prefetch = 0 : i64, scratch_operands = 5 : i64, tpu.core_type = #tpu.core_type<sc_vector_subcore>, window_params = [{transform_indices = #map}, {transform_indices = #map1}]} {
    %mul3A = arith.constant 2 : i32
    %mul3A_0 = arith.muli %arg1, %mul3A : i32
    %add3A = arith.addi %mul3A_0, %arg0 : i32
    %iota3A = tpu.iota {dimensions = array<i32: 0>} : vector<16xi32>
    %jit3A = arith.constant 8 : i64
    %convert_element_type3A = arith.trunci %jit3A : i64 to i32
    %div3A = vector.broadcast %convert_element_type3A : i32 to vector<16xi32>
    %div3A_1 = arith.divsi %iota3A, %div3A : vector<16xi32>
    %sign3A = arith.constant 0 : i32
    %sign3A_2 = vector.broadcast %sign3A : i32 to vector<16xi32>
    %sign3A_3 = arith.cmpi sgt, %iota3A, %sign3A_2 : vector<16xi32>
    %sign3A_4 = arith.extui %sign3A_3 : vector<16xi1> to vector<16xi32>
    %sign3A_5 = arith.constant 0 : i32
    %sign3A_6 = vector.broadcast %sign3A_5 : i32 to vector<16xi32>
    %sign3A_7 = arith.cmpi slt, %iota3A, %sign3A_6 : vector<16xi32>
    %sign3A_8 = arith.extui %sign3A_7 : vector<16xi1> to vector<16xi32>
    %sign3A_9 = arith.subi %sign3A_4, %sign3A_8 : vector<16xi32>
    %sign3A_10 = arith.constant 0 : i32
    %sign3A_11 = arith.cmpi sgt, %convert_element_type3A, %sign3A_10 : i32
    %sign3A_12 = arith.extui %sign3A_11 : i1 to i32
    %sign3A_13 = arith.constant 0 : i32
    %sign3A_14 = arith.cmpi slt, %convert_element_type3A, %sign3A_13 : i32
    %sign3A_15 = arith.extui %sign3A_14 : i1 to i32
    %sign3A_16 = arith.subi %sign3A_12, %sign3A_15 : i32
    %ne3A = vector.broadcast %sign3A_16 : i32 to vector<16xi32>
    %ne3A_17 = arith.cmpi ne, %sign3A_9, %ne3A : vector<16xi32>
    %rem3A = vector.broadcast %convert_element_type3A : i32 to vector<16xi32>
    %rem3A_18 = arith.remsi %iota3A, %rem3A : vector<16xi32>
    %ne3A_19 = arith.constant 0 : i32
    %ne3A_20 = vector.broadcast %ne3A_19 : i32 to vector<16xi32>
    %ne3A_21 = arith.cmpi ne, %rem3A_18, %ne3A_20 : vector<16xi32>
    %and3A = arith.andi %ne3A_17, %ne3A_21 : vector<16xi1>
    %sub3A = arith.constant 1 : i32
    %sub3A_22 = vector.broadcast %sub3A : i32 to vector<16xi32>
    %sub3A_23 = arith.subi %div3A_1, %sub3A_22 : vector<16xi32>
    %select_n3A = arith.select %and3A, %sub3A_23, %div3A_1 : vector<16xi1>, vector<16xi32>
    %mul3A_24 = arith.constant 136 : i32
    %mul3A_25 = vector.broadcast %mul3A_24 : i32 to vector<16xi32>
    %mul3A_26 = arith.muli %select_n3A, %mul3A_25 : vector<16xi32>
    %jit3A_27 = arith.constant 8 : i64
    %convert_element_type3A_28 = arith.trunci %jit3A_27 : i64 to i32
    %eq3A = arith.constant 0 : i32
    %eq3A_29 = arith.cmpi eq, %convert_element_type3A_28, %eq3A : i32
    %jit3A_30 = arith.constant 1 : i32
    %select_n3A_31 = arith.select %eq3A_29, %jit3A_30, %convert_element_type3A_28 : i32
    %rem3A_32 = vector.broadcast %select_n3A_31 : i32 to vector<16xi32>
    %rem3A_33 = arith.remsi %iota3A, %rem3A_32 : vector<16xi32>
    %ne3A_34 = arith.constant 0 : i32
    %ne3A_35 = vector.broadcast %ne3A_34 : i32 to vector<16xi32>
    %ne3A_36 = arith.cmpi ne, %rem3A_33, %ne3A_35 : vector<16xi32>
    %lt3A = arith.constant 0 : i32
    %lt3A_37 = vector.broadcast %lt3A : i32 to vector<16xi32>
    %lt3A_38 = arith.cmpi slt, %rem3A_33, %lt3A_37 : vector<16xi32>
    %lt3A_39 = arith.constant 0 : i32
    %lt3A_40 = arith.cmpi slt, %select_n3A_31, %lt3A_39 : i32
    %ne3A_41 = vector.broadcast %lt3A_40 : i1 to vector<16xi1>
    %ne3A_42 = vector.broadcast %ne3A_41 : vector<16xi1> to vector<16xi1>
    %ne3A_43 = arith.xori %lt3A_38, %ne3A_42 : vector<16xi1>
    %and3A_44 = arith.andi %ne3A_43, %ne3A_36 : vector<16xi1>
    %add3A_45 = vector.broadcast %select_n3A_31 : i32 to vector<16xi32>
    %add3A_46 = arith.addi %rem3A_33, %add3A_45 : vector<16xi32>
    %select_n3A_47 = arith.select %and3A_44, %add3A_46, %rem3A_33 : vector<16xi1>, vector<16xi32>
    %add3A_48 = arith.addi %mul3A_26, %select_n3A_47 : vector<16xi32>
    %mul3A_49 = arith.constant 131072 : i32
    %mul3A_50 = arith.muli %add3A, %mul3A_49 : i32
    %mul3A_51 = arith.constant 0 : i32
    %mul3A_52 = arith.constant 2048 : i32
    %mul3A_53 = arith.muli %mul3A_51, %mul3A_52 : i32
    %add3A_54 = arith.addi %mul3A_50, %mul3A_53 : i32
    %jit3A_55 = arith.constant 128 : i64
    %convert_element_type3A_56 = arith.trunci %jit3A_55 : i64 to i32
    %div3A_57 = arith.divsi %add3A_54, %convert_element_type3A_56 : i32
    %sign3A_58 = arith.constant 0 : i32
    %sign3A_59 = arith.cmpi sgt, %add3A_54, %sign3A_58 : i32
    %sign3A_60 = arith.extui %sign3A_59 : i1 to i32
    %sign3A_61 = arith.constant 0 : i32
    %sign3A_62 = arith.cmpi slt, %add3A_54, %sign3A_61 : i32
    %sign3A_63 = arith.extui %sign3A_62 : i1 to i32
    %sign3A_64 = arith.subi %sign3A_60, %sign3A_63 : i32
    %sign3A_65 = arith.constant 0 : i32
    %sign3A_66 = arith.cmpi sgt, %convert_element_type3A_56, %sign3A_65 : i32
    %sign3A_67 = arith.extui %sign3A_66 : i1 to i32
    %sign3A_68 = arith.constant 0 : i32
    %sign3A_69 = arith.cmpi slt, %convert_element_type3A_56, %sign3A_68 : i32
    %sign3A_70 = arith.extui %sign3A_69 : i1 to i32
    %sign3A_71 = arith.subi %sign3A_67, %sign3A_70 : i32
    %ne3A_72 = arith.cmpi ne, %sign3A_64, %sign3A_71 : i32
    %rem3A_73 = arith.remsi %add3A_54, %convert_element_type3A_56 : i32
    %ne3A_74 = arith.constant 0 : i32
    %ne3A_75 = arith.cmpi ne, %rem3A_73, %ne3A_74 : i32
    %and3A_76 = arith.andi %ne3A_72, %ne3A_75 : i1
    %sub3A_77 = arith.constant 1 : i32
    %sub3A_78 = arith.subi %div3A_57, %sub3A_77 : i32
    %select_n3A_79 = arith.select %and3A_76, %sub3A_78, %div3A_57 : i32
    %mul3A_80 = arith.constant 8 : i32
    %mul3A_81 = arith.muli %select_n3A_79, %mul3A_80 : i32
    %dma_start3A = arith.constant 0 : i32
    %dma_start3A_82 = arith.constant 0 : i32
    %dma_start3A_83 = arith.constant 0 : i32
    %dma_start3A_84 = tpu.memref_slice %arg4[%dma_start3A_82, %dma_start3A_83] : memref<272x129xf32, #tpu.memory_space<vmem>> -> memref<128x128xf32, #tpu.memory_space<vmem>>
    %dma_start3A_85 = arith.constant 0 : i32
    %dma_start3A_86 = arith.constant 0 : i32
    %dma_start3A_87 = tpu.memref_slice %arg2[%dma_start3A, %dma_start3A_85, %dma_start3A_86] : memref<2x262144x128xf32, #tpu.memory_space<hbm>> -> memref<1x262144x128xf32, #tpu.memory_space<hbm>>
    %dma_start3A_88 = tpu.memref_squeeze %dma_start3A_87 : memref<1x262144x128xf32, #tpu.memory_space<hbm>> -> memref<262144x128xf32, #tpu.memory_space<hbm>>
    %dma_start3A_89 = arith.constant 0 : i32
    %dma_start3A_90 = tpu.memref_slice %dma_start3A_88[%mul3A_81, %dma_start3A_89] : memref<262144x128xf32, #tpu.memory_space<hbm>> -> memref<128x128xf32, #tpu.memory_space<hbm>>
    %dma_start3A_91 = arith.constant 0 : i32
    %dma_start3A_92 = arith.constant 0 : i32
    %dma_start3A_93 = tpu.memref_slice %arg4[%dma_start3A_91, %dma_start3A_92] : memref<272x129xf32, #tpu.memory_space<vmem>> -> memref<128x128xf32, #tpu.memory_space<vmem>>
    %dma_start3A_94 = arith.constant 0 : i32
    %dma_start3A_95 = arith.constant 0 : i32
    %dma_start3A_96 = tpu.memref_slice %arg2[%dma_start3A, %dma_start3A_94, %dma_start3A_95] : memref<2x262144x128xf32, #tpu.memory_space<hbm>> -> memref<1x262144x128xf32, #tpu.memory_space<hbm>>
    %dma_start3A_97 = tpu.memref_squeeze %dma_start3A_96 : memref<1x262144x128xf32, #tpu.memory_space<hbm>> -> memref<262144x128xf32, #tpu.memory_space<hbm>>
    %dma_start3A_98 = arith.constant 0 : i32
    %dma_start3A_99 = tpu.memref_slice %dma_start3A_97[%mul3A_81, %dma_start3A_98] : memref<262144x128xf32, #tpu.memory_space<hbm>> -> memref<128x128xf32, #tpu.memory_space<hbm>>
    tpu.enqueue_dma source(%dma_start3A_99 : memref<128x128xf32, #tpu.memory_space<hbm>>) target(%dma_start3A_93 : memref<128x128xf32, #tpu.memory_space<vmem>>) target_semaphore(%arg7 : memref<!tpu.dma_semaphore, #tpu.memory_space<semaphore_mem>>)
    %dma_start3A_100 = arith.constant 1 : i32
    %dma_start3A_101 = arith.constant 136 : i32
    %dma_start3A_102 = arith.constant 0 : i32
    %dma_start3A_103 = tpu.memref_slice %arg4[%dma_start3A_101, %dma_start3A_102] : memref<272x129xf32, #tpu.memory_space<vmem>> -> memref<128x128xf32, #tpu.memory_space<vmem>>
    %dma_start3A_104 = arith.constant 0 : i32
    %dma_start3A_105 = arith.constant 0 : i32
    %dma_start3A_106 = tpu.memref_slice %arg2[%dma_start3A_100, %dma_start3A_104, %dma_start3A_105] : memref<2x262144x128xf32, #tpu.memory_space<hbm>> -> memref<1x262144x128xf32, #tpu.memory_space<hbm>>
    %dma_start3A_107 = tpu.memref_squeeze %dma_start3A_106 : memref<1x262144x128xf32, #tpu.memory_space<hbm>> -> memref<262144x128xf32, #tpu.memory_space<hbm>>
    %dma_start3A_108 = arith.constant 0 : i32
    %dma_start3A_109 = tpu.memref_slice %dma_start3A_107[%mul3A_81, %dma_start3A_108] : memref<262144x128xf32, #tpu.memory_space<hbm>> -> memref<128x128xf32, #tpu.memory_space<hbm>>
    %dma_start3A_110 = arith.constant 136 : i32
    %dma_start3A_111 = arith.constant 0 : i32
    %dma_start3A_112 = tpu.memref_slice %arg4[%dma_start3A_110, %dma_start3A_111] : memref<272x129xf32, #tpu.memory_space<vmem>> -> memref<128x128xf32, #tpu.memory_space<vmem>>
    %dma_start3A_113 = arith.constant 0 : i32
    %dma_start3A_114 = arith.constant 0 : i32
    %dma_start3A_115 = tpu.memref_slice %arg2[%dma_start3A_100, %dma_start3A_113, %dma_start3A_114] : memref<2x262144x128xf32, #tpu.memory_space<hbm>> -> memref<1x262144x128xf32, #tpu.memory_space<hbm>>
    %dma_start3A_116 = tpu.memref_squeeze %dma_start3A_115 : memref<1x262144x128xf32, #tpu.memory_space<hbm>> -> memref<262144x128xf32, #tpu.memory_space<hbm>>
    %dma_start3A_117 = arith.constant 0 : i32
    %dma_start3A_118 = tpu.memref_slice %dma_start3A_116[%mul3A_81, %dma_start3A_117] : memref<262144x128xf32, #tpu.memory_space<hbm>> -> memref<128x128xf32, #tpu.memory_space<hbm>>
    tpu.enqueue_dma source(%dma_start3A_118 : memref<128x128xf32, #tpu.memory_space<hbm>>) target(%dma_start3A_112 : memref<128x128xf32, #tpu.memory_space<vmem>>) target_semaphore(%arg7 : memref<!tpu.dma_semaphore, #tpu.memory_space<semaphore_mem>>)
    %mul3A_119 = arith.constant 131072 : i32
    %mul3A_120 = arith.muli %add3A, %mul3A_119 : i32
    %mul3A_121 = arith.constant 1 : i32
    %mul3A_122 = arith.constant 2048 : i32
    %mul3A_123 = arith.muli %mul3A_121, %mul3A_122 : i32
    %add3A_124 = arith.addi %mul3A_120, %mul3A_123 : i32
    %jit3A_125 = arith.constant 128 : i64
    %convert_element_type3A_126 = arith.trunci %jit3A_125 : i64 to i32
    %div3A_127 = arith.divsi %add3A_124, %convert_element_type3A_126 : i32
    %sign3A_128 = arith.constant 0 : i32
    %sign3A_129 = arith.cmpi sgt, %add3A_124, %sign3A_128 : i32
    %sign3A_130 = arith.extui %sign3A_129 : i1 to i32
    %sign3A_131 = arith.constant 0 : i32
    %sign3A_132 = arith.cmpi slt, %add3A_124, %sign3A_131 : i32
    %sign3A_133 = arith.extui %sign3A_132 : i1 to i32
    %sign3A_134 = arith.subi %sign3A_130, %sign3A_133 : i32
    %sign3A_135 = arith.constant 0 : i32
    %sign3A_136 = arith.cmpi sgt, %convert_element_type3A_126, %sign3A_135 : i32
    %sign3A_137 = arith.extui %sign3A_136 : i1 to i32
    %sign3A_138 = arith.constant 0 : i32
    %sign3A_139 = arith.cmpi slt, %convert_element_type3A_126, %sign3A_138 : i32
    %sign3A_140 = arith.extui %sign3A_139 : i1 to i32
    %sign3A_141 = arith.subi %sign3A_137, %sign3A_140 : i32
    %ne3A_142 = arith.cmpi ne, %sign3A_134, %sign3A_141 : i32
    %rem3A_143 = arith.remsi %add3A_124, %convert_element_type3A_126 : i32
    %ne3A_144 = arith.constant 0 : i32
    %ne3A_145 = arith.cmpi ne, %rem3A_143, %ne3A_144 : i32
    %and3A_146 = arith.andi %ne3A_142, %ne3A_145 : i1
    %sub3A_147 = arith.constant 1 : i32
    %sub3A_148 = arith.subi %div3A_127, %sub3A_147 : i32
    %select_n3A_149 = arith.select %and3A_146, %sub3A_148, %div3A_127 : i32
    %mul3A_150 = arith.constant 8 : i32
    %mul3A_151 = arith.muli %select_n3A_149, %mul3A_150 : i32
    %dma_start3A_152 = arith.constant 0 : i32
    %dma_start3A_153 = arith.constant 0 : i32
    %dma_start3A_154 = arith.constant 0 : i32
    %dma_start3A_155 = tpu.memref_slice %arg5[%dma_start3A_153, %dma_start3A_154] : memref<272x129xf32, #tpu.memory_space<vmem>> -> memref<128x128xf32, #tpu.memory_space<vmem>>
    %dma_start3A_156 = arith.constant 0 : i32
    %dma_start3A_157 = arith.constant 0 : i32
    %dma_start3A_158 = tpu.memref_slice %arg2[%dma_start3A_152, %dma_start3A_156, %dma_start3A_157] : memref<2x262144x128xf32, #tpu.memory_space<hbm>> -> memref<1x262144x128xf32, #tpu.memory_space<hbm>>
    %dma_start3A_159 = tpu.memref_squeeze %dma_start3A_158 : memref<1x262144x128xf32, #tpu.memory_space<hbm>> -> memref<262144x128xf32, #tpu.memory_space<hbm>>
    %dma_start3A_160 = arith.constant 0 : i32
    %dma_start3A_161 = tpu.memref_slice %dma_start3A_159[%mul3A_151, %dma_start3A_160] : memref<262144x128xf32, #tpu.memory_space<hbm>> -> memref<128x128xf32, #tpu.memory_space<hbm>>
    %dma_start3A_162 = arith.constant 0 : i32
    %dma_start3A_163 = arith.constant 0 : i32
    %dma_start3A_164 = tpu.memref_slice %arg5[%dma_start3A_162, %dma_start3A_163] : memref<272x129xf32, #tpu.memory_space<vmem>> -> memref<128x128xf32, #tpu.memory_space<vmem>>
    %dma_start3A_165 = arith.constant 0 : i32
    %dma_start3A_166 = arith.constant 0 : i32
    %dma_start3A_167 = tpu.memref_slice %arg2[%dma_start3A_152, %dma_start3A_165, %dma_start3A_166] : memref<2x262144x128xf32, #tpu.memory_space<hbm>> -> memref<1x262144x128xf32, #tpu.memory_space<hbm>>
    %dma_start3A_168 = tpu.memref_squeeze %dma_start3A_167 : memref<1x262144x128xf32, #tpu.memory_space<hbm>> -> memref<262144x128xf32, #tpu.memory_space<hbm>>
    %dma_start3A_169 = arith.constant 0 : i32
    %dma_start3A_170 = tpu.memref_slice %dma_start3A_168[%mul3A_151, %dma_start3A_169] : memref<262144x128xf32, #tpu.memory_space<hbm>> -> memref<128x128xf32, #tpu.memory_space<hbm>>
    tpu.enqueue_dma source(%dma_start3A_170 : memref<128x128xf32, #tpu.memory_space<hbm>>) target(%dma_start3A_164 : memref<128x128xf32, #tpu.memory_space<vmem>>) target_semaphore(%arg8 : memref<!tpu.dma_semaphore, #tpu.memory_space<semaphore_mem>>)
    %dma_start3A_171 = arith.constant 1 : i32
    %dma_start3A_172 = arith.constant 136 : i32
    %dma_start3A_173 = arith.constant 0 : i32
    %dma_start3A_174 = tpu.memref_slice %arg5[%dma_start3A_172, %dma_start3A_173] : memref<272x129xf32, #tpu.memory_space<vmem>> -> memref<128x128xf32, #tpu.memory_space<vmem>>
    %dma_start3A_175 = arith.constant 0 : i32
    %dma_start3A_176 = arith.constant 0 : i32
    %dma_start3A_177 = tpu.memref_slice %arg2[%dma_start3A_171, %dma_start3A_175, %dma_start3A_176] : memref<2x262144x128xf32, #tpu.memory_space<hbm>> -> memref<1x262144x128xf32, #tpu.memory_space<hbm>>
    %dma_start3A_178 = tpu.memref_squeeze %dma_start3A_177 : memref<1x262144x128xf32, #tpu.memory_space<hbm>> -> memref<262144x128xf32, #tpu.memory_space<hbm>>
    %dma_start3A_179 = arith.constant 0 : i32
    %dma_start3A_180 = tpu.memref_slice %dma_start3A_178[%mul3A_151, %dma_start3A_179] : memref<262144x128xf32, #tpu.memory_space<hbm>> -> memref<128x128xf32, #tpu.memory_space<hbm>>
    %dma_start3A_181 = arith.constant 136 : i32
    %dma_start3A_182 = arith.constant 0 : i32
    %dma_start3A_183 = tpu.memref_slice %arg5[%dma_start3A_181, %dma_start3A_182] : memref<272x129xf32, #tpu.memory_space<vmem>> -> memref<128x128xf32, #tpu.memory_space<vmem>>
    %dma_start3A_184 = arith.constant 0 : i32
    %dma_start3A_185 = arith.constant 0 : i32
    %dma_start3A_186 = tpu.memref_slice %arg2[%dma_start3A_171, %dma_start3A_184, %dma_start3A_185] : memref<2x262144x128xf32, #tpu.memory_space<hbm>> -> memref<1x262144x128xf32, #tpu.memory_space<hbm>>
    %dma_start3A_187 = tpu.memref_squeeze %dma_start3A_186 : memref<1x262144x128xf32, #tpu.memory_space<hbm>> -> memref<262144x128xf32, #tpu.memory_space<hbm>>
    %dma_start3A_188 = arith.constant 0 : i32
    %dma_start3A_189 = tpu.memref_slice %dma_start3A_187[%mul3A_151, %dma_start3A_188] : memref<262144x128xf32, #tpu.memory_space<hbm>> -> memref<128x128xf32, #tpu.memory_space<hbm>>
    tpu.enqueue_dma source(%dma_start3A_189 : memref<128x128xf32, #tpu.memory_space<hbm>>) target(%dma_start3A_183 : memref<128x128xf32, #tpu.memory_space<vmem>>) target_semaphore(%arg8 : memref<!tpu.dma_semaphore, #tpu.memory_space<semaphore_mem>>)
    %while3A = arith.constant 0 : i64
    %while3A_190 = arith.constant 0 : i32
    %while3A_191 = arith.constant 1 : i32
    %while3A_192 = arith.constant 0 : i32
    %while3A_193 = arith.constant 32 : i32
    %while3A_194 = arith.subi %while3A_193, %while3A_192 : i32
    %while3A_195 = arith.addi %while3A_192, %while3A_194 : i32
    %while3A_196 = arith.constant 1 : i32
    %while3A_197 = arith.divsi %while3A_194, %while3A_196 : i32
    %while3A_198 = arith.muli %while3A_197, %while3A_196 : i32
    %while3A_199 = arith.addi %while3A_192, %while3A_198 : i32
    %while3A_200 = arith.constant 1 : i32
    scf.for %while3A_202 = %while3A_192 to %while3A_199 step %while3A_200  : i32 {
      %mul3A_203 = arith.constant 2 : i32
      %mul3A_204 = arith.muli %mul3A_203, %while3A_202 : i32
      %add3A_205 = arith.constant 0 : i32
      %add3A_206 = arith.addi %mul3A_204, %add3A_205 : i32
      %dma_wait3A = arith.constant 0 : i32
      %dma_wait3A_207 = arith.constant 0 : i32
      %dma_wait3A_208 = tpu.memref_slice %arg4[%dma_wait3A, %dma_wait3A_207] : memref<272x129xf32, #tpu.memory_space<vmem>> -> memref<128x128xf32, #tpu.memory_space<vmem>>
      %dma_wait3A_209 = arith.constant 0 : i32
      %dma_wait3A_210 = arith.constant 0 : i32
      %dma_wait3A_211 = tpu.memref_slice %arg2[%while3A_190, %dma_wait3A_209, %dma_wait3A_210] : memref<2x262144x128xf32, #tpu.memory_space<hbm>> -> memref<1x262144x128xf32, #tpu.memory_space<hbm>>
      %dma_wait3A_212 = tpu.memref_squeeze %dma_wait3A_211 : memref<1x262144x128xf32, #tpu.memory_space<hbm>> -> memref<262144x128xf32, #tpu.memory_space<hbm>>
      %dma_wait3A_213 = arith.constant 0 : i32
      %dma_wait3A_214 = arith.constant 0 : i32
      %dma_wait3A_215 = tpu.memref_slice %dma_wait3A_212[%dma_wait3A_213, %dma_wait3A_214] : memref<262144x128xf32, #tpu.memory_space<hbm>> -> memref<128x128xf32, #tpu.memory_space<hbm>>
      %dma_wait3A_216 = arith.constant 0 : i32
      %dma_wait3A_217 = arith.constant 0 : i32
      %dma_wait3A_218 = tpu.memref_slice %arg4[%dma_wait3A_216, %dma_wait3A_217] : memref<272x129xf32, #tpu.memory_space<vmem>> -> memref<128x128xf32, #tpu.memory_space<vmem>>
      %dma_wait3A_219 = arith.constant 0 : i32
      %dma_wait3A_220 = arith.constant 0 : i32
      %dma_wait3A_221 = tpu.memref_slice %arg2[%while3A_190, %dma_wait3A_219, %dma_wait3A_220] : memref<2x262144x128xf32, #tpu.memory_space<hbm>> -> memref<1x262144x128xf32, #tpu.memory_space<hbm>>
      %dma_wait3A_222 = tpu.memref_squeeze %dma_wait3A_221 : memref<1x262144x128xf32, #tpu.memory_space<hbm>> -> memref<262144x128xf32, #tpu.memory_space<hbm>>
      %dma_wait3A_223 = arith.constant 0 : i32
      %dma_wait3A_224 = arith.constant 0 : i32
      %dma_wait3A_225 = tpu.memref_slice %dma_wait3A_222[%dma_wait3A_223, %dma_wait3A_224] : memref<262144x128xf32, #tpu.memory_space<hbm>> -> memref<128x128xf32, #tpu.memory_space<hbm>>
      tpu.wait_dma2 semaphore(%arg7 : memref<!tpu.dma_semaphore, #tpu.memory_space<semaphore_mem>>) src(%dma_wait3A_225 : memref<128x128xf32, #tpu.memory_space<hbm>>) dst(%dma_wait3A_218 : memref<128x128xf32, #tpu.memory_space<vmem>>)
      %dma_wait3A_226 = arith.constant 136 : i32
      %dma_wait3A_227 = arith.constant 0 : i32
      %dma_wait3A_228 = tpu.memref_slice %arg4[%dma_wait3A_226, %dma_wait3A_227] : memref<272x129xf32, #tpu.memory_space<vmem>> -> memref<128x128xf32, #tpu.memory_space<vmem>>
      %dma_wait3A_229 = arith.constant 0 : i32
      %dma_wait3A_230 = arith.constant 0 : i32
      %dma_wait3A_231 = tpu.memref_slice %arg2[%while3A_190, %dma_wait3A_229, %dma_wait3A_230] : memref<2x262144x128xf32, #tpu.memory_space<hbm>> -> memref<1x262144x128xf32, #tpu.memory_space<hbm>>
      %dma_wait3A_232 = tpu.memref_squeeze %dma_wait3A_231 : memref<1x262144x128xf32, #tpu.memory_space<hbm>> -> memref<262144x128xf32, #tpu.memory_space<hbm>>
      %dma_wait3A_233 = arith.constant 0 : i32
      %dma_wait3A_234 = arith.constant 0 : i32
      %dma_wait3A_235 = tpu.memref_slice %dma_wait3A_232[%dma_wait3A_233, %dma_wait3A_234] : memref<262144x128xf32, #tpu.memory_space<hbm>> -> memref<128x128xf32, #tpu.memory_space<hbm>>
      %dma_wait3A_236 = arith.constant 136 : i32
      %dma_wait3A_237 = arith.constant 0 : i32
      %dma_wait3A_238 = tpu.memref_slice %arg4[%dma_wait3A_236, %dma_wait3A_237] : memref<272x129xf32, #tpu.memory_space<vmem>> -> memref<128x128xf32, #tpu.memory_space<vmem>>
      %dma_wait3A_239 = arith.constant 0 : i32
      %dma_wait3A_240 = arith.constant 0 : i32
      %dma_wait3A_241 = tpu.memref_slice %arg2[%while3A_190, %dma_wait3A_239, %dma_wait3A_240] : memref<2x262144x128xf32, #tpu.memory_space<hbm>> -> memref<1x262144x128xf32, #tpu.memory_space<hbm>>
      %dma_wait3A_242 = tpu.memref_squeeze %dma_wait3A_241 : memref<1x262144x128xf32, #tpu.memory_space<hbm>> -> memref<262144x128xf32, #tpu.memory_space<hbm>>
      %dma_wait3A_243 = arith.constant 0 : i32
      %dma_wait3A_244 = arith.constant 0 : i32
      %dma_wait3A_245 = tpu.memref_slice %dma_wait3A_242[%dma_wait3A_243, %dma_wait3A_244] : memref<262144x128xf32, #tpu.memory_space<hbm>> -> memref<128x128xf32, #tpu.memory_space<hbm>>
      tpu.wait_dma2 semaphore(%arg7 : memref<!tpu.dma_semaphore, #tpu.memory_space<semaphore_mem>>) src(%dma_wait3A_245 : memref<128x128xf32, #tpu.memory_space<hbm>>) dst(%dma_wait3A_238 : memref<128x128xf32, #tpu.memory_space<vmem>>)
      %while3A_246 = arith.constant 0 : i64
      %while3A_247 = arith.constant 0 : i32
      %while3A_248 = arith.constant 128 : i32
      %while3A_249 = arith.subi %while3A_248, %while3A_247 : i32
      %while3A_250 = arith.addi %while3A_247, %while3A_249 : i32
      %while3A_251 = arith.constant 1 : i32
      %while3A_252 = arith.divsi %while3A_249, %while3A_251 : i32
      %while3A_253 = arith.muli %while3A_252, %while3A_251 : i32
      %while3A_254 = arith.addi %while3A_247, %while3A_253 : i32
      %while3A_255 = arith.constant 1 : i32
      scf.for %while3A_385 = %while3A_247 to %while3A_254 step %while3A_255  : i32 {
        %jit3A_386 = arith.constant 8 : i64
        %convert_element_type3A_387 = arith.trunci %jit3A_386 : i64 to i32
        %div3A_388 = arith.divsi %while3A_385, %convert_element_type3A_387 : i32
        %sign3A_389 = arith.constant 0 : i32
        %sign3A_390 = arith.cmpi sgt, %while3A_385, %sign3A_389 : i32
        %sign3A_391 = arith.extui %sign3A_390 : i1 to i32
        %sign3A_392 = arith.constant 0 : i32
        %sign3A_393 = arith.cmpi slt, %while3A_385, %sign3A_392 : i32
        %sign3A_394 = arith.extui %sign3A_393 : i1 to i32
        %sign3A_395 = arith.subi %sign3A_391, %sign3A_394 : i32
        %sign3A_396 = arith.constant 0 : i32
        %sign3A_397 = arith.cmpi sgt, %convert_element_type3A_387, %sign3A_396 : i32
        %sign3A_398 = arith.extui %sign3A_397 : i1 to i32
        %sign3A_399 = arith.constant 0 : i32
        %sign3A_400 = arith.cmpi slt, %convert_element_type3A_387, %sign3A_399 : i32
        %sign3A_401 = arith.extui %sign3A_400 : i1 to i32
        %sign3A_402 = arith.subi %sign3A_398, %sign3A_401 : i32
        %ne3A_403 = arith.cmpi ne, %sign3A_395, %sign3A_402 : i32
        %rem3A_404 = arith.remsi %while3A_385, %convert_element_type3A_387 : i32
        %ne3A_405 = arith.constant 0 : i32
        %ne3A_406 = arith.cmpi ne, %rem3A_404, %ne3A_405 : i32
        %and3A_407 = arith.andi %ne3A_403, %ne3A_406 : i1
        %sub3A_408 = arith.constant 1 : i32
        %sub3A_409 = arith.subi %div3A_388, %sub3A_408 : i32
        %select_n3A_410 = arith.select %and3A_407, %sub3A_409, %div3A_388 : i32
        %mul3A_411 = arith.constant 8 : i32
        %mul3A_412 = arith.muli %select_n3A_410, %mul3A_411 : i32
        %add3A_413 = vector.broadcast %mul3A_412 : i32 to vector<16xi32>
        %add3A_414 = arith.addi %add3A_48, %add3A_413 : vector<16xi32>
        %jit3A_415 = arith.constant 8 : i64
        %convert_element_type3A_416 = arith.trunci %jit3A_415 : i64 to i32
        %eq3A_417 = arith.constant 0 : i32
        %eq3A_418 = arith.cmpi eq, %convert_element_type3A_416, %eq3A_417 : i32
        %jit3A_419 = arith.constant 1 : i32
        %select_n3A_420 = arith.select %eq3A_418, %jit3A_419, %convert_element_type3A_416 : i32
        %rem3A_421 = arith.remsi %while3A_385, %select_n3A_420 : i32
        %ne3A_422 = arith.constant 0 : i32
        %ne3A_423 = arith.cmpi ne, %rem3A_421, %ne3A_422 : i32
        %lt3A_424 = arith.constant 0 : i32
        %lt3A_425 = arith.cmpi slt, %rem3A_421, %lt3A_424 : i32
        %lt3A_426 = arith.constant 0 : i32
        %lt3A_427 = arith.cmpi slt, %select_n3A_420, %lt3A_426 : i32
        %ne3A_428 = arith.xori %lt3A_425, %lt3A_427 : i1
        %and3A_429 = arith.andi %ne3A_428, %ne3A_423 : i1
        %add3A_430 = arith.addi %rem3A_421, %select_n3A_420 : i32
        %select_n3A_431 = arith.select %and3A_429, %add3A_430, %rem3A_421 : i32
        %mul3A_432 = arith.constant 16 : i32
        %mul3A_433 = arith.muli %select_n3A_431, %mul3A_432 : i32
        %add3A_434 = arith.constant 0 : i32
        %add3A_435 = arith.addi %mul3A_433, %add3A_434 : i32
        %broadcast_in_dim3A = vector.broadcast %add3A_435 : i32 to vector<16xi32>
        %gather3A = tpu.vector_load_idx %arg4[%add3A_414, %broadcast_in_dim3A] : memref<272x129xf32, #tpu.memory_space<vmem>>[vector<16xi32>, vector<16xi32>], vector<16xf32>,
        %mul3A_436 = arith.constant 2 : i32
        %mul3A_437 = arith.muli %mul3A_436, %while3A_385 : i32
        %add3A_438 = arith.constant 0 : i32
        %add3A_439 = arith.addi %mul3A_437, %add3A_438 : i32
        %swap3A = arith.index_cast %add3A_439 : i32 to index
        %swap3A_440 = arith.constant 0 : index
        %swap3A_441 = tpu.vector_load %arg6[%swap3A, %swap3A_440] {strides = array<i32>} : memref<256x128xf32, #tpu.memory_space<vmem>>, vector<16xf32>,
        tpu.vector_store %arg6[%swap3A, %swap3A_440], %gather3A {strides = array<i32>} : memref<256x128xf32, #tpu.memory_space<vmem>>, vector<16xf32>,
        %add3A_442 = arith.constant 1 : i32
        %add3A_443 = arith.addi %mul3A_433, %add3A_442 : i32
        %broadcast_in_dim3A_444 = vector.broadcast %add3A_443 : i32 to vector<16xi32>
        %gather3A_445 = tpu.vector_load_idx %arg4[%add3A_414, %broadcast_in_dim3A_444] : memref<272x129xf32, #tpu.memory_space<vmem>>[vector<16xi32>, vector<16xi32>], vector<16xf32>,
        %mul3A_446 = arith.constant 2 : i32
        %mul3A_447 = arith.muli %mul3A_446, %while3A_385 : i32
        %add3A_448 = arith.constant 0 : i32
        %add3A_449 = arith.addi %mul3A_447, %add3A_448 : i32
        %swap3A_450 = arith.index_cast %add3A_449 : i32 to index
        %swap3A_451 = arith.constant 16 : index
        %swap3A_452 = tpu.vector_load %arg6[%swap3A_450, %swap3A_451] {strides = array<i32>} : memref<256x128xf32, #tpu.memory_space<vmem>>, vector<16xf32>,
        tpu.vector_store %arg6[%swap3A_450, %swap3A_451], %gather3A_445 {strides = array<i32>} : memref<256x128xf32, #tpu.memory_space<vmem>>, vector<16xf32>,
        %add3A_453 = arith.constant 2 : i32
        %add3A_454 = arith.addi %mul3A_433, %add3A_453 : i32
        %broadcast_in_dim3A_455 = vector.broadcast %add3A_454 : i32 to vector<16xi32>
        %gather3A_456 = tpu.vector_load_idx %arg4[%add3A_414, %broadcast_in_dim3A_455] : memref<272x129xf32, #tpu.memory_space<vmem>>[vector<16xi32>, vector<16xi32>], vector<16xf32>,
        %mul3A_457 = arith.constant 2 : i32
        %mul3A_458 = arith.muli %mul3A_457, %while3A_385 : i32
        %add3A_459 = arith.constant 0 : i32
        %add3A_460 = arith.addi %mul3A_458, %add3A_459 : i32
        %swap3A_461 = arith.index_cast %add3A_460 : i32 to index
        %swap3A_462 = arith.constant 32 : index
        %swap3A_463 = tpu.vector_load %arg6[%swap3A_461, %swap3A_462] {strides = array<i32>} : memref<256x128xf32, #tpu.memory_space<vmem>>, vector<16xf32>,
        tpu.vector_store %arg6[%swap3A_461, %swap3A_462], %gather3A_456 {strides = array<i32>} : memref<256x128xf32, #tpu.memory_space<vmem>>, vector<16xf32>,
        %add3A_464 = arith.constant 3 : i32
        %add3A_465 = arith.addi %mul3A_433, %add3A_464 : i32
        %broadcast_in_dim3A_466 = vector.broadcast %add3A_465 : i32 to vector<16xi32>
        %gather3A_467 = tpu.vector_load_idx %arg4[%add3A_414, %broadcast_in_dim3A_466] : memref<272x129xf32, #tpu.memory_space<vmem>>[vector<16xi32>, vector<16xi32>], vector<16xf32>,
        %mul3A_468 = arith.constant 2 : i32
        %mul3A_469 = arith.muli %mul3A_468, %while3A_385 : i32
        %add3A_470 = arith.constant 0 : i32
        %add3A_471 = arith.addi %mul3A_469, %add3A_470 : i32
        %swap3A_472 = arith.index_cast %add3A_471 : i32 to index
        %swap3A_473 = arith.constant 48 : index
        %swap3A_474 = tpu.vector_load %arg6[%swap3A_472, %swap3A_473] {strides = array<i32>} : memref<256x128xf32, #tpu.memory_space<vmem>>, vector<16xf32>,
        tpu.vector_store %arg6[%swap3A_472, %swap3A_473], %gather3A_467 {strides = array<i32>} : memref<256x128xf32, #tpu.memory_space<vmem>>, vector<16xf32>,
        %add3A_475 = arith.constant 4 : i32
        %add3A_476 = arith.addi %mul3A_433, %add3A_475 : i32
        %broadcast_in_dim3A_477 = vector.broadcast %add3A_476 : i32 to vector<16xi32>
        %gather3A_478 = tpu.vector_load_idx %arg4[%add3A_414, %broadcast_in_dim3A_477] : memref<272x129xf32, #tpu.memory_space<vmem>>[vector<16xi32>, vector<16xi32>], vector<16xf32>,
        %mul3A_479 = arith.constant 2 : i32
        %mul3A_480 = arith.muli %mul3A_479, %while3A_385 : i32
        %add3A_481 = arith.constant 0 : i32
        %add3A_482 = arith.addi %mul3A_480, %add3A_481 : i32
        %swap3A_483 = arith.index_cast %add3A_482 : i32 to index
        %swap3A_484 = arith.constant 64 : index
        %swap3A_485 = tpu.vector_load %arg6[%swap3A_483, %swap3A_484] {strides = array<i32>} : memref<256x128xf32, #tpu.memory_space<vmem>>, vector<16xf32>,
        tpu.vector_store %arg6[%swap3A_483, %swap3A_484], %gather3A_478 {strides = array<i32>} : memref<256x128xf32, #tpu.memory_space<vmem>>, vector<16xf32>,
        %add3A_486 = arith.constant 5 : i32
        %add3A_487 = arith.addi %mul3A_433, %add3A_486 : i32
        %broadcast_in_dim3A_488 = vector.broadcast %add3A_487 : i32 to vector<16xi32>
        %gather3A_489 = tpu.vector_load_idx %arg4[%add3A_414, %broadcast_in_dim3A_488] : memref<272x129xf32, #tpu.memory_space<vmem>>[vector<16xi32>, vector<16xi32>], vector<16xf32>,
        %mul3A_490 = arith.constant 2 : i32
        %mul3A_491 = arith.muli %mul3A_490, %while3A_385 : i32
        %add3A_492 = arith.constant 0 : i32
        %add3A_493 = arith.addi %mul3A_491, %add3A_492 : i32
        %swap3A_494 = arith.index_cast %add3A_493 : i32 to index
        %swap3A_495 = arith.constant 80 : index
        %swap3A_496 = tpu.vector_load %arg6[%swap3A_494, %swap3A_495] {strides = array<i32>} : memref<256x128xf32, #tpu.memory_space<vmem>>, vector<16xf32>,
        tpu.vector_store %arg6[%swap3A_494, %swap3A_495], %gather3A_489 {strides = array<i32>} : memref<256x128xf32, #tpu.memory_space<vmem>>, vector<16xf32>,
        %add3A_497 = arith.constant 6 : i32
        %add3A_498 = arith.addi %mul3A_433, %add3A_497 : i32
        %broadcast_in_dim3A_499 = vector.broadcast %add3A_498 : i32 to vector<16xi32>
        %gather3A_500 = tpu.vector_load_idx %arg4[%add3A_414, %broadcast_in_dim3A_499] : memref<272x129xf32, #tpu.memory_space<vmem>>[vector<16xi32>, vector<16xi32>], vector<16xf32>,
        %mul3A_501 = arith.constant 2 : i32
        %mul3A_502 = arith.muli %mul3A_501, %while3A_385 : i32
        %add3A_503 = arith.constant 0 : i32
        %add3A_504 = arith.addi %mul3A_502, %add3A_503 : i32
        %swap3A_505 = arith.index_cast %add3A_504 : i32 to index
        %swap3A_506 = arith.constant 96 : index
        %swap3A_507 = tpu.vector_load %arg6[%swap3A_505, %swap3A_506] {strides = array<i32>} : memref<256x128xf32, #tpu.memory_space<vmem>>, vector<16xf32>,
        tpu.vector_store %arg6[%swap3A_505, %swap3A_506], %gather3A_500 {strides = array<i32>} : memref<256x128xf32, #tpu.memory_space<vmem>>, vector<16xf32>,
        %add3A_508 = arith.constant 7 : i32
        %add3A_509 = arith.addi %mul3A_433, %add3A_508 : i32
        %broadcast_in_dim3A_510 = vector.broadcast %add3A_509 : i32 to vector<16xi32>
        %gather3A_511 = tpu.vector_load_idx %arg4[%add3A_414, %broadcast_in_dim3A_510] : memref<272x129xf32, #tpu.memory_space<vmem>>[vector<16xi32>, vector<16xi32>], vector<16xf32>,
        %mul3A_512 = arith.constant 2 : i32
        %mul3A_513 = arith.muli %mul3A_512, %while3A_385 : i32
        %add3A_514 = arith.constant 0 : i32
        %add3A_515 = arith.addi %mul3A_513, %add3A_514 : i32
        %swap3A_516 = arith.index_cast %add3A_515 : i32 to index
        %swap3A_517 = arith.constant 112 : index
        %swap3A_518 = tpu.vector_load %arg6[%swap3A_516, %swap3A_517] {strides = array<i32>} : memref<256x128xf32, #tpu.memory_space<vmem>>, vector<16xf32>,
        tpu.vector_store %arg6[%swap3A_516, %swap3A_517], %gather3A_511 {strides = array<i32>} : memref<256x128xf32, #tpu.memory_space<vmem>>, vector<16xf32>,
        %add3A_519 = arith.constant 8 : i32
        %add3A_520 = arith.addi %mul3A_433, %add3A_519 : i32
        %broadcast_in_dim3A_521 = vector.broadcast %add3A_520 : i32 to vector<16xi32>
        %gather3A_522 = tpu.vector_load_idx %arg4[%add3A_414, %broadcast_in_dim3A_521] : memref<272x129xf32, #tpu.memory_space<vmem>>[vector<16xi32>, vector<16xi32>], vector<16xf32>,
        %mul3A_523 = arith.constant 2 : i32
        %mul3A_524 = arith.muli %mul3A_523, %while3A_385 : i32
        %add3A_525 = arith.constant 1 : i32
        %add3A_526 = arith.addi %mul3A_524, %add3A_525 : i32
        %swap3A_527 = arith.index_cast %add3A_526 : i32 to index
        %swap3A_528 = arith.constant 0 : index
        %swap3A_529 = tpu.vector_load %arg6[%swap3A_527, %swap3A_528] {strides = array<i32>} : memref<256x128xf32, #tpu.memory_space<vmem>>, vector<16xf32>,
        tpu.vector_store %arg6[%swap3A_527, %swap3A_528], %gather3A_522 {strides = array<i32>} : memref<256x128xf32, #tpu.memory_space<vmem>>, vector<16xf32>,
        %add3A_530 = arith.constant 9 : i32
        %add3A_531 = arith.addi %mul3A_433, %add3A_530 : i32
        %broadcast_in_dim3A_532 = vector.broadcast %add3A_531 : i32 to vector<16xi32>
        %gather3A_533 = tpu.vector_load_idx %arg4[%add3A_414, %broadcast_in_dim3A_532] : memref<272x129xf32, #tpu.memory_space<vmem>>[vector<16xi32>, vector<16xi32>], vector<16xf32>,
        %mul3A_534 = arith.constant 2 : i32
        %mul3A_535 = arith.muli %mul3A_534, %while3A_385 : i32
        %add3A_536 = arith.constant 1 : i32
        %add3A_537 = arith.addi %mul3A_535, %add3A_536 : i32
        %swap3A_538 = arith.index_cast %add3A_537 : i32 to index
        %swap3A_539 = arith.constant 16 : index
        %swap3A_540 = tpu.vector_load %arg6[%swap3A_538, %swap3A_539] {strides = array<i32>} : memref<256x128xf32, #tpu.memory_space<vmem>>, vector<16xf32>,
        tpu.vector_store %arg6[%swap3A_538, %swap3A_539], %gather3A_533 {strides = array<i32>} : memref<256x128xf32, #tpu.memory_space<vmem>>, vector<16xf32>,
        %add3A_541 = arith.constant 10 : i32
        %add3A_542 = arith.addi %mul3A_433, %add3A_541 : i32
        %broadcast_in_dim3A_543 = vector.broadcast %add3A_542 : i32 to vector<16xi32>
        %gather3A_544 = tpu.vector_load_idx %arg4[%add3A_414, %broadcast_in_dim3A_543] : memref<272x129xf32, #tpu.memory_space<vmem>>[vector<16xi32>, vector<16xi32>], vector<16xf32>,
        %mul3A_545 = arith.constant 2 : i32
        %mul3A_546 = arith.muli %mul3A_545, %while3A_385 : i32
        %add3A_547 = arith.constant 1 : i32
        %add3A_548 = arith.addi %mul3A_546, %add3A_547 : i32
        %swap3A_549 = arith.index_cast %add3A_548 : i32 to index
        %swap3A_550 = arith.constant 32 : index
        %swap3A_551 = tpu.vector_load %arg6[%swap3A_549, %swap3A_550] {strides = array<i32>} : memref<256x128xf32, #tpu.memory_space<vmem>>, vector<16xf32>,
        tpu.vector_store %arg6[%swap3A_549, %swap3A_550], %gather3A_544 {strides = array<i32>} : memref<256x128xf32, #tpu.memory_space<vmem>>, vector<16xf32>,
        %add3A_552 = arith.constant 11 : i32
        %add3A_553 = arith.addi %mul3A_433, %add3A_552 : i32
        %broadcast_in_dim3A_554 = vector.broadcast %add3A_553 : i32 to vector<16xi32>
        %gather3A_555 = tpu.vector_load_idx %arg4[%add3A_414, %broadcast_in_dim3A_554] : memref<272x129xf32, #tpu.memory_space<vmem>>[vector<16xi32>, vector<16xi32>], vector<16xf32>,
        %mul3A_556 = arith.constant 2 : i32
        %mul3A_557 = arith.muli %mul3A_556, %while3A_385 : i32
        %add3A_558 = arith.constant 1 : i32
        %add3A_559 = arith.addi %mul3A_557, %add3A_558 : i32
        %swap3A_560 = arith.index_cast %add3A_559 : i32 to index
        %swap3A_561 = arith.constant 48 : index
        %swap3A_562 = tpu.vector_load %arg6[%swap3A_560, %swap3A_561] {strides = array<i32>} : memref<256x128xf32, #tpu.memory_space<vmem>>, vector<16xf32>,
        tpu.vector_store %arg6[%swap3A_560, %swap3A_561], %gather3A_555 {strides = array<i32>} : memref<256x128xf32, #tpu.memory_space<vmem>>, vector<16xf32>,
        %add3A_563 = arith.constant 12 : i32
        %add3A_564 = arith.addi %mul3A_433, %add3A_563 : i32
        %broadcast_in_dim3A_565 = vector.broadcast %add3A_564 : i32 to vector<16xi32>
        %gather3A_566 = tpu.vector_load_idx %arg4[%add3A_414, %broadcast_in_dim3A_565] : memref<272x129xf32, #tpu.memory_space<vmem>>[vector<16xi32>, vector<16xi32>], vector<16xf32>,
        %mul3A_567 = arith.constant 2 : i32
        %mul3A_568 = arith.muli %mul3A_567, %while3A_385 : i32
        %add3A_569 = arith.constant 1 : i32
        %add3A_570 = arith.addi %mul3A_568, %add3A_569 : i32
        %swap3A_571 = arith.index_cast %add3A_570 : i32 to index
        %swap3A_572 = arith.constant 64 : index
        %swap3A_573 = tpu.vector_load %arg6[%swap3A_571, %swap3A_572] {strides = array<i32>} : memref<256x128xf32, #tpu.memory_space<vmem>>, vector<16xf32>,
        tpu.vector_store %arg6[%swap3A_571, %swap3A_572], %gather3A_566 {strides = array<i32>} : memref<256x128xf32, #tpu.memory_space<vmem>>, vector<16xf32>,
        %add3A_574 = arith.constant 13 : i32
        %add3A_575 = arith.addi %mul3A_433, %add3A_574 : i32
        %broadcast_in_dim3A_576 = vector.broadcast %add3A_575 : i32 to vector<16xi32>
        %gather3A_577 = tpu.vector_load_idx %arg4[%add3A_414, %broadcast_in_dim3A_576] : memref<272x129xf32, #tpu.memory_space<vmem>>[vector<16xi32>, vector<16xi32>], vector<16xf32>,
        %mul3A_578 = arith.constant 2 : i32
        %mul3A_579 = arith.muli %mul3A_578, %while3A_385 : i32
        %add3A_580 = arith.constant 1 : i32
        %add3A_581 = arith.addi %mul3A_579, %add3A_580 : i32
        %swap3A_582 = arith.index_cast %add3A_581 : i32 to index
        %swap3A_583 = arith.constant 80 : index
        %swap3A_584 = tpu.vector_load %arg6[%swap3A_582, %swap3A_583] {strides = array<i32>} : memref<256x128xf32, #tpu.memory_space<vmem>>, vector<16xf32>,
        tpu.vector_store %arg6[%swap3A_582, %swap3A_583], %gather3A_577 {strides = array<i32>} : memref<256x128xf32, #tpu.memory_space<vmem>>, vector<16xf32>,
        %add3A_585 = arith.constant 14 : i32
        %add3A_586 = arith.addi %mul3A_433, %add3A_585 : i32
        %broadcast_in_dim3A_587 = vector.broadcast %add3A_586 : i32 to vector<16xi32>
        %gather3A_588 = tpu.vector_load_idx %arg4[%add3A_414, %broadcast_in_dim3A_587] : memref<272x129xf32, #tpu.memory_space<vmem>>[vector<16xi32>, vector<16xi32>], vector<16xf32>,
        %mul3A_589 = arith.constant 2 : i32
        %mul3A_590 = arith.muli %mul3A_589, %while3A_385 : i32
        %add3A_591 = arith.constant 1 : i32
        %add3A_592 = arith.addi %mul3A_590, %add3A_591 : i32
        %swap3A_593 = arith.index_cast %add3A_592 : i32 to index
        %swap3A_594 = arith.constant 96 : index
        %swap3A_595 = tpu.vector_load %arg6[%swap3A_593, %swap3A_594] {strides = array<i32>} : memref<256x128xf32, #tpu.memory_space<vmem>>, vector<16xf32>,
        tpu.vector_store %arg6[%swap3A_593, %swap3A_594], %gather3A_588 {strides = array<i32>} : memref<256x128xf32, #tpu.memory_space<vmem>>, vector<16xf32>,
        %add3A_596 = arith.constant 15 : i32
        %add3A_597 = arith.addi %mul3A_433, %add3A_596 : i32
        %broadcast_in_dim3A_598 = vector.broadcast %add3A_597 : i32 to vector<16xi32>
        %gather3A_599 = tpu.vector_load_idx %arg4[%add3A_414, %broadcast_in_dim3A_598] : memref<272x129xf32, #tpu.memory_space<vmem>>[vector<16xi32>, vector<16xi32>], vector<16xf32>,
        %mul3A_600 = arith.constant 2 : i32
        %mul3A_601 = arith.muli %mul3A_600, %while3A_385 : i32
        %add3A_602 = arith.constant 1 : i32
        %add3A_603 = arith.addi %mul3A_601, %add3A_602 : i32
        %swap3A_604 = arith.index_cast %add3A_603 : i32 to index
        %swap3A_605 = arith.constant 112 : index
        %swap3A_606 = tpu.vector_load %arg6[%swap3A_604, %swap3A_605] {strides = array<i32>} : memref<256x128xf32, #tpu.memory_space<vmem>>, vector<16xf32>,
        tpu.vector_store %arg6[%swap3A_604, %swap3A_605], %gather3A_599 {strides = array<i32>} : memref<256x128xf32, #tpu.memory_space<vmem>>, vector<16xf32>,
      }
      %while3A_256 = arith.constant 1 : i32
      scf.for %while3A_385 = %while3A_254 to %while3A_250 step %while3A_256  : i32 {
        %jit3A_386 = arith.constant 8 : i64
        %convert_element_type3A_387 = arith.trunci %jit3A_386 : i64 to i32
        %div3A_388 = arith.divsi %while3A_385, %convert_element_type3A_387 : i32
        %sign3A_389 = arith.constant 0 : i32
        %sign3A_390 = arith.cmpi sgt, %while3A_385, %sign3A_389 : i32
        %sign3A_391 = arith.extui %sign3A_390 : i1 to i32
        %sign3A_392 = arith.constant 0 : i32
        %sign3A_393 = arith.cmpi slt, %while3A_385, %sign3A_392 : i32
        %sign3A_394 = arith.extui %sign3A_393 : i1 to i32
        %sign3A_395 = arith.subi %sign3A_391, %sign3A_394 : i32
        %sign3A_396 = arith.constant 0 : i32
        %sign3A_397 = arith.cmpi sgt, %convert_element_type3A_387, %sign3A_396 : i32
        %sign3A_398 = arith.extui %sign3A_397 : i1 to i32
        %sign3A_399 = arith.constant 0 : i32
        %sign3A_400 = arith.cmpi slt, %convert_element_type3A_387, %sign3A_399 : i32
        %sign3A_401 = arith.extui %sign3A_400 : i1 to i32
        %sign3A_402 = arith.subi %sign3A_398, %sign3A_401 : i32
        %ne3A_403 = arith.cmpi ne, %sign3A_395, %sign3A_402 : i32
        %rem3A_404 = arith.remsi %while3A_385, %convert_element_type3A_387 : i32
        %ne3A_405 = arith.constant 0 : i32
        %ne3A_406 = arith.cmpi ne, %rem3A_404, %ne3A_405 : i32
        %and3A_407 = arith.andi %ne3A_403, %ne3A_406 : i1
        %sub3A_408 = arith.constant 1 : i32
        %sub3A_409 = arith.subi %div3A_388, %sub3A_408 : i32
        %select_n3A_410 = arith.select %and3A_407, %sub3A_409, %div3A_388 : i32
        %mul3A_411 = arith.constant 8 : i32
        %mul3A_412 = arith.muli %select_n3A_410, %mul3A_411 : i32
        %add3A_413 = vector.broadcast %mul3A_412 : i32 to vector<16xi32>
        %add3A_414 = arith.addi %add3A_48, %add3A_413 : vector<16xi32>
        %jit3A_415 = arith.constant 8 : i64
        %convert_element_type3A_416 = arith.trunci %jit3A_415 : i64 to i32
        %eq3A_417 = arith.constant 0 : i32
        %eq3A_418 = arith.cmpi eq, %convert_element_type3A_416, %eq3A_417 : i32
        %jit3A_419 = arith.constant 1 : i32
        %select_n3A_420 = arith.select %eq3A_418, %jit3A_419, %convert_element_type3A_416 : i32
        %rem3A_421 = arith.remsi %while3A_385, %select_n3A_420 : i32
        %ne3A_422 = arith.constant 0 : i32
        %ne3A_423 = arith.cmpi ne, %rem3A_421, %ne3A_422 : i32
        %lt3A_424 = arith.constant 0 : i32
        %lt3A_425 = arith.cmpi slt, %rem3A_421, %lt3A_424 : i32
        %lt3A_426 = arith.constant 0 : i32
        %lt3A_427 = arith.cmpi slt, %select_n3A_420, %lt3A_426 : i32
        %ne3A_428 = arith.xori %lt3A_425, %lt3A_427 : i1
        %and3A_429 = arith.andi %ne3A_428, %ne3A_423 : i1
        %add3A_430 = arith.addi %rem3A_421, %select_n3A_420 : i32
        %select_n3A_431 = arith.select %and3A_429, %add3A_430, %rem3A_421 : i32
        %mul3A_432 = arith.constant 16 : i32
        %mul3A_433 = arith.muli %select_n3A_431, %mul3A_432 : i32
        %add3A_434 = arith.constant 0 : i32
        %add3A_435 = arith.addi %mul3A_433, %add3A_434 : i32
        %broadcast_in_dim3A = vector.broadcast %add3A_435 : i32 to vector<16xi32>
        %gather3A = tpu.vector_load_idx %arg4[%add3A_414, %broadcast_in_dim3A] : memref<272x129xf32, #tpu.memory_space<vmem>>[vector<16xi32>, vector<16xi32>], vector<16xf32>,
        %mul3A_436 = arith.constant 2 : i32
        %mul3A_437 = arith.muli %mul3A_436, %while3A_385 : i32
        %add3A_438 = arith.constant 0 : i32
        %add3A_439 = arith.addi %mul3A_437, %add3A_438 : i32
        %swap3A = arith.index_cast %add3A_439 : i32 to index
        %swap3A_440 = arith.constant 0 : index
        %swap3A_441 = tpu.vector_load %arg6[%swap3A, %swap3A_440] {strides = array<i32>} : memref<256x128xf32, #tpu.memory_space<vmem>>, vector<16xf32>,
        tpu.vector_store %arg6[%swap3A, %swap3A_440], %gather3A {strides = array<i32>} : memref<256x128xf32, #tpu.memory_space<vmem>>, vector<16xf32>,
        %add3A_442 = arith.constant 1 : i32
        %add3A_443 = arith.addi %mul3A_433, %add3A_442 : i32
        %broadcast_in_dim3A_444 = vector.broadcast %add3A_443 : i32 to vector<16xi32>
        %gather3A_445 = tpu.vector_load_idx %arg4[%add3A_414, %broadcast_in_dim3A_444] : memref<272x129xf32, #tpu.memory_space<vmem>>[vector<16xi32>, vector<16xi32>], vector<16xf32>,
        %mul3A_446 = arith.constant 2 : i32
        %mul3A_447 = arith.muli %mul3A_446, %while3A_385 : i32
        %add3A_448 = arith.constant 0 : i32
        %add3A_449 = arith.addi %mul3A_447, %add3A_448 : i32
        %swap3A_450 = arith.index_cast %add3A_449 : i32 to index
        %swap3A_451 = arith.constant 16 : index
        %swap3A_452 = tpu.vector_load %arg6[%swap3A_450, %swap3A_451] {strides = array<i32>} : memref<256x128xf32, #tpu.memory_space<vmem>>, vector<16xf32>,
        tpu.vector_store %arg6[%swap3A_450, %swap3A_451], %gather3A_445 {strides = array<i32>} : memref<256x128xf32, #tpu.memory_space<vmem>>, vector<16xf32>,
        %add3A_453 = arith.constant 2 : i32
        %add3A_454 = arith.addi %mul3A_433, %add3A_453 : i32
        %broadcast_in_dim3A_455 = vector.broadcast %add3A_454 : i32 to vector<16xi32>
        %gather3A_456 = tpu.vector_load_idx %arg4[%add3A_414, %broadcast_in_dim3A_455] : memref<272x129xf32, #tpu.memory_space<vmem>>[vector<16xi32>, vector<16xi32>], vector<16xf32>,
        %mul3A_457 = arith.constant 2 : i32
        %mul3A_458 = arith.muli %mul3A_457, %while3A_385 : i32
        %add3A_459 = arith.constant 0 : i32
        %add3A_460 = arith.addi %mul3A_458, %add3A_459 : i32
        %swap3A_461 = arith.index_cast %add3A_460 : i32 to index
        %swap3A_462 = arith.constant 32 : index
        %swap3A_463 = tpu.vector_load %arg6[%swap3A_461, %swap3A_462] {strides = array<i32>} : memref<256x128xf32, #tpu.memory_space<vmem>>, vector<16xf32>,
        tpu.vector_store %arg6[%swap3A_461, %swap3A_462], %gather3A_456 {strides = array<i32>} : memref<256x128xf32, #tpu.memory_space<vmem>>, vector<16xf32>,
        %add3A_464 = arith.constant 3 : i32
        %add3A_465 = arith.addi %mul3A_433, %add3A_464 : i32
        %broadcast_in_dim3A_466 = vector.broadcast %add3A_465 : i32 to vector<16xi32>
        %gather3A_467 = tpu.vector_load_idx %arg4[%add3A_414, %broadcast_in_dim3A_466] : memref<272x129xf32, #tpu.memory_space<vmem>>[vector<16xi32>, vector<16xi32>], vector<16xf32>,
        %mul3A_468 = arith.constant 2 : i32
        %mul3A_469 = arith.muli %mul3A_468, %while3A_385 : i32
        %add3A_470 = arith.constant 0 : i32
        %add3A_471 = arith.addi %mul3A_469, %add3A_470 : i32
        %swap3A_472 = arith.index_cast %add3A_471 : i32 to index
        %swap3A_473 = arith.constant 48 : index
        %swap3A_474 = tpu.vector_load %arg6[%swap3A_472, %swap3A_473] {strides = array<i32>} : memref<256x128xf32, #tpu.memory_space<vmem>>, vector<16xf32>,
        tpu.vector_store %arg6[%swap3A_472, %swap3A_473], %gather3A_467 {strides = array<i32>} : memref<256x128xf32, #tpu.memory_space<vmem>>, vector<16xf32>,
        %add3A_475 = arith.constant 4 : i32
        %add3A_476 = arith.addi %mul3A_433, %add3A_475 : i32
        %broadcast_in_dim3A_477 = vector.broadcast %add3A_476 : i32 to vector<16xi32>
        %gather3A_478 = tpu.vector_load_idx %arg4[%add3A_414, %broadcast_in_dim3A_477] : memref<272x129xf32, #tpu.memory_space<vmem>>[vector<16xi32>, vector<16xi32>], vector<16xf32>,
        %mul3A_479 = arith.constant 2 : i32
        %mul3A_480 = arith.muli %mul3A_479, %while3A_385 : i32
        %add3A_481 = arith.constant 0 : i32
        %add3A_482 = arith.addi %mul3A_480, %add3A_481 : i32
        %swap3A_483 = arith.index_cast %add3A_482 : i32 to index
        %swap3A_484 = arith.constant 64 : index
        %swap3A_485 = tpu.vector_load %arg6[%swap3A_483, %swap3A_484] {strides = array<i32>} : memref<256x128xf32, #tpu.memory_space<vmem>>, vector<16xf32>,
        tpu.vector_store %arg6[%swap3A_483, %swap3A_484], %gather3A_478 {strides = array<i32>} : memref<256x128xf32, #tpu.memory_space<vmem>>, vector<16xf32>,
        %add3A_486 = arith.constant 5 : i32
        %add3A_487 = arith.addi %mul3A_433, %add3A_486 : i32
        %broadcast_in_dim3A_488 = vector.broadcast %add3A_487 : i32 to vector<16xi32>
        %gather3A_489 = tpu.vector_load_idx %arg4[%add3A_414, %broadcast_in_dim3A_488] : memref<272x129xf32, #tpu.memory_space<vmem>>[vector<16xi32>, vector<16xi32>], vector<16xf32>,
        %mul3A_490 = arith.constant 2 : i32
        %mul3A_491 = arith.muli %mul3A_490, %while3A_385 : i32
        %add3A_492 = arith.constant 0 : i32
        %add3A_493 = arith.addi %mul3A_491, %add3A_492 : i32
        %swap3A_494 = arith.index_cast %add3A_493 : i32 to index
        %swap3A_495 = arith.constant 80 : index
        %swap3A_496 = tpu.vector_load %arg6[%swap3A_494, %swap3A_495] {strides = array<i32>} : memref<256x128xf32, #tpu.memory_space<vmem>>, vector<16xf32>,
        tpu.vector_store %arg6[%swap3A_494, %swap3A_495], %gather3A_489 {strides = array<i32>} : memref<256x128xf32, #tpu.memory_space<vmem>>, vector<16xf32>,
        %add3A_497 = arith.constant 6 : i32
        %add3A_498 = arith.addi %mul3A_433, %add3A_497 : i32
        %broadcast_in_dim3A_499 = vector.broadcast %add3A_498 : i32 to vector<16xi32>
        %gather3A_500 = tpu.vector_load_idx %arg4[%add3A_414, %broadcast_in_dim3A_499] : memref<272x129xf32, #tpu.memory_space<vmem>>[vector<16xi32>, vector<16xi32>], vector<16xf32>,
        %mul3A_501 = arith.constant 2 : i32
        %mul3A_502 = arith.muli %mul3A_501, %while3A_385 : i32
        %add3A_503 = arith.constant 0 : i32
        %add3A_504 = arith.addi %mul3A_502, %add3A_503 : i32
        %swap3A_505 = arith.index_cast %add3A_504 : i32 to index
        %swap3A_506 = arith.constant 96 : index
        %swap3A_507 = tpu.vector_load %arg6[%swap3A_505, %swap3A_506] {strides = array<i32>} : memref<256x128xf32, #tpu.memory_space<vmem>>, vector<16xf32>,
        tpu.vector_store %arg6[%swap3A_505, %swap3A_506], %gather3A_500 {strides = array<i32>} : memref<256x128xf32, #tpu.memory_space<vmem>>, vector<16xf32>,
        %add3A_508 = arith.constant 7 : i32
        %add3A_509 = arith.addi %mul3A_433, %add3A_508 : i32
        %broadcast_in_dim3A_510 = vector.broadcast %add3A_509 : i32 to vector<16xi32>
        %gather3A_511 = tpu.vector_load_idx %arg4[%add3A_414, %broadcast_in_dim3A_510] : memref<272x129xf32, #tpu.memory_space<vmem>>[vector<16xi32>, vector<16xi32>], vector<16xf32>,
        %mul3A_512 = arith.constant 2 : i32
        %mul3A_513 = arith.muli %mul3A_512, %while3A_385 : i32
        %add3A_514 = arith.constant 0 : i32
        %add3A_515 = arith.addi %mul3A_513, %add3A_514 : i32
        %swap3A_516 = arith.index_cast %add3A_515 : i32 to index
        %swap3A_517 = arith.constant 112 : index
        %swap3A_518 = tpu.vector_load %arg6[%swap3A_516, %swap3A_517] {strides = array<i32>} : memref<256x128xf32, #tpu.memory_space<vmem>>, vector<16xf32>,
        tpu.vector_store %arg6[%swap3A_516, %swap3A_517], %gather3A_511 {strides = array<i32>} : memref<256x128xf32, #tpu.memory_space<vmem>>, vector<16xf32>,
        %add3A_519 = arith.constant 8 : i32
        %add3A_520 = arith.addi %mul3A_433, %add3A_519 : i32
        %broadcast_in_dim3A_521 = vector.broadcast %add3A_520 : i32 to vector<16xi32>
        %gather3A_522 = tpu.vector_load_idx %arg4[%add3A_414, %broadcast_in_dim3A_521] : memref<272x129xf32, #tpu.memory_space<vmem>>[vector<16xi32>, vector<16xi32>], vector<16xf32>,
        %mul3A_523 = arith.constant 2 : i32
        %mul3A_524 = arith.muli %mul3A_523, %while3A_385 : i32
        %add3A_525 = arith.constant 1 : i32
        %add3A_526 = arith.addi %mul3A_524, %add3A_525 : i32
        %swap3A_527 = arith.index_cast %add3A_526 : i32 to index
        %swap3A_528 = arith.constant 0 : index
        %swap3A_529 = tpu.vector_load %arg6[%swap3A_527, %swap3A_528] {strides = array<i32>} : memref<256x128xf32, #tpu.memory_space<vmem>>, vector<16xf32>,
        tpu.vector_store %arg6[%swap3A_527, %swap3A_528], %gather3A_522 {strides = array<i32>} : memref<256x128xf32, #tpu.memory_space<vmem>>, vector<16xf32>,
        %add3A_530 = arith.constant 9 : i32
        %add3A_531 = arith.addi %mul3A_433, %add3A_530 : i32
        %broadcast_in_dim3A_532 = vector.broadcast %add3A_531 : i32 to vector<16xi32>
        %gather3A_533 = tpu.vector_load_idx %arg4[%add3A_414, %broadcast_in_dim3A_532] : memref<272x129xf32, #tpu.memory_space<vmem>>[vector<16xi32>, vector<16xi32>], vector<16xf32>,
        %mul3A_534 = arith.constant 2 : i32
        %mul3A_535 = arith.muli %mul3A_534, %while3A_385 : i32
        %add3A_536 = arith.constant 1 : i32
        %add3A_537 = arith.addi %mul3A_535, %add3A_536 : i32
        %swap3A_538 = arith.index_cast %add3A_537 : i32 to index
        %swap3A_539 = arith.constant 16 : index
        %swap3A_540 = tpu.vector_load %arg6[%swap3A_538, %swap3A_539] {strides = array<i32>} : memref<256x128xf32, #tpu.memory_space<vmem>>, vector<16xf32>,
        tpu.vector_store %arg6[%swap3A_538, %swap3A_539], %gather3A_533 {strides = array<i32>} : memref<256x128xf32, #tpu.memory_space<vmem>>, vector<16xf32>,
        %add3A_541 = arith.constant 10 : i32
        %add3A_542 = arith.addi %mul3A_433, %add3A_541 : i32
        %broadcast_in_dim3A_543 = vector.broadcast %add3A_542 : i32 to vector<16xi32>
        %gather3A_544 = tpu.vector_load_idx %arg4[%add3A_414, %broadcast_in_dim3A_543] : memref<272x129xf32, #tpu.memory_space<vmem>>[vector<16xi32>, vector<16xi32>], vector<16xf32>,
        %mul3A_545 = arith.constant 2 : i32
        %mul3A_546 = arith.muli %mul3A_545, %while3A_385 : i32
        %add3A_547 = arith.constant 1 : i32
        %add3A_548 = arith.addi %mul3A_546, %add3A_547 : i32
        %swap3A_549 = arith.index_cast %add3A_548 : i32 to index
        %swap3A_550 = arith.constant 32 : index
        %swap3A_551 = tpu.vector_load %arg6[%swap3A_549, %swap3A_550] {strides = array<i32>} : memref<256x128xf32, #tpu.memory_space<vmem>>, vector<16xf32>,
        tpu.vector_store %arg6[%swap3A_549, %swap3A_550], %gather3A_544 {strides = array<i32>} : memref<256x128xf32, #tpu.memory_space<vmem>>, vector<16xf32>,
        %add3A_552 = arith.constant 11 : i32
        %add3A_553 = arith.addi %mul3A_433, %add3A_552 : i32
        %broadcast_in_dim3A_554 = vector.broadcast %add3A_553 : i32 to vector<16xi32>
        %gather3A_555 = tpu.vector_load_idx %arg4[%add3A_414, %broadcast_in_dim3A_554] : memref<272x129xf32, #tpu.memory_space<vmem>>[vector<16xi32>, vector<16xi32>], vector<16xf32>,
        %mul3A_556 = arith.constant 2 : i32
        %mul3A_557 = arith.muli %mul3A_556, %while3A_385 : i32
        %add3A_558 = arith.constant 1 : i32
        %add3A_559 = arith.addi %mul3A_557, %add3A_558 : i32
        %swap3A_560 = arith.index_cast %add3A_559 : i32 to index
        %swap3A_561 = arith.constant 48 : index
        %swap3A_562 = tpu.vector_load %arg6[%swap3A_560, %swap3A_561] {strides = array<i32>} : memref<256x128xf32, #tpu.memory_space<vmem>>, vector<16xf32>,
        tpu.vector_store %arg6[%swap3A_560, %swap3A_561], %gather3A_555 {strides = array<i32>} : memref<256x128xf32, #tpu.memory_space<vmem>>, vector<16xf32>,
        %add3A_563 = arith.constant 12 : i32
        %add3A_564 = arith.addi %mul3A_433, %add3A_563 : i32
        %broadcast_in_dim3A_565 = vector.broadcast %add3A_564 : i32 to vector<16xi32>
        %gather3A_566 = tpu.vector_load_idx %arg4[%add3A_414, %broadcast_in_dim3A_565] : memref<272x129xf32, #tpu.memory_space<vmem>>[vector<16xi32>, vector<16xi32>], vector<16xf32>,
        %mul3A_567 = arith.constant 2 : i32
        %mul3A_568 = arith.muli %mul3A_567, %while3A_385 : i32
        %add3A_569 = arith.constant 1 : i32
        %add3A_570 = arith.addi %mul3A_568, %add3A_569 : i32
        %swap3A_571 = arith.index_cast %add3A_570 : i32 to index
        %swap3A_572 = arith.constant 64 : index
        %swap3A_573 = tpu.vector_load %arg6[%swap3A_571, %swap3A_572] {strides = array<i32>} : memref<256x128xf32, #tpu.memory_space<vmem>>, vector<16xf32>,
        tpu.vector_store %arg6[%swap3A_571, %swap3A_572], %gather3A_566 {strides = array<i32>} : memref<256x128xf32, #tpu.memory_space<vmem>>, vector<16xf32>,
        %add3A_574 = arith.constant 13 : i32
        %add3A_575 = arith.addi %mul3A_433, %add3A_574 : i32
        %broadcast_in_dim3A_576 = vector.broadcast %add3A_575 : i32 to vector<16xi32>
        %gather3A_577 = tpu.vector_load_idx %arg4[%add3A_414, %broadcast_in_dim3A_576] : memref<272x129xf32, #tpu.memory_space<vmem>>[vector<16xi32>, vector<16xi32>], vector<16xf32>,
        %mul3A_578 = arith.constant 2 : i32
        %mul3A_579 = arith.muli %mul3A_578, %while3A_385 : i32
        %add3A_580 = arith.constant 1 : i32
        %add3A_581 = arith.addi %mul3A_579, %add3A_580 : i32
        %swap3A_582 = arith.index_cast %add3A_581 : i32 to index
        %swap3A_583 = arith.constant 80 : index
        %swap3A_584 = tpu.vector_load %arg6[%swap3A_582, %swap3A_583] {strides = array<i32>} : memref<256x128xf32, #tpu.memory_space<vmem>>, vector<16xf32>,
        tpu.vector_store %arg6[%swap3A_582, %swap3A_583], %gather3A_577 {strides = array<i32>} : memref<256x128xf32, #tpu.memory_space<vmem>>, vector<16xf32>,
        %add3A_585 = arith.constant 14 : i32
        %add3A_586 = arith.addi %mul3A_433, %add3A_585 : i32
        %broadcast_in_dim3A_587 = vector.broadcast %add3A_586 : i32 to vector<16xi32>
        %gather3A_588 = tpu.vector_load_idx %arg4[%add3A_414, %broadcast_in_dim3A_587] : memref<272x129xf32, #tpu.memory_space<vmem>>[vector<16xi32>, vector<16xi32>], vector<16xf32>,
        %mul3A_589 = arith.constant 2 : i32
        %mul3A_590 = arith.muli %mul3A_589, %while3A_385 : i32
        %add3A_591 = arith.constant 1 : i32
        %add3A_592 = arith.addi %mul3A_590, %add3A_591 : i32
        %swap3A_593 = arith.index_cast %add3A_592 : i32 to index
        %swap3A_594 = arith.constant 96 : index
        %swap3A_595 = tpu.vector_load %arg6[%swap3A_593, %swap3A_594] {strides = array<i32>} : memref<256x128xf32, #tpu.memory_space<vmem>>, vector<16xf32>,
        tpu.vector_store %arg6[%swap3A_593, %swap3A_594], %gather3A_588 {strides = array<i32>} : memref<256x128xf32, #tpu.memory_space<vmem>>, vector<16xf32>,
        %add3A_596 = arith.constant 15 : i32
        %add3A_597 = arith.addi %mul3A_433, %add3A_596 : i32
        %broadcast_in_dim3A_598 = vector.broadcast %add3A_597 : i32 to vector<16xi32>
        %gather3A_599 = tpu.vector_load_idx %arg4[%add3A_414, %broadcast_in_dim3A_598] : memref<272x129xf32, #tpu.memory_space<vmem>>[vector<16xi32>, vector<16xi32>], vector<16xf32>,
        %mul3A_600 = arith.constant 2 : i32
        %mul3A_601 = arith.muli %mul3A_600, %while3A_385 : i32
        %add3A_602 = arith.constant 1 : i32
        %add3A_603 = arith.addi %mul3A_601, %add3A_602 : i32
        %swap3A_604 = arith.index_cast %add3A_603 : i32 to index
        %swap3A_605 = arith.constant 112 : index
        %swap3A_606 = tpu.vector_load %arg6[%swap3A_604, %swap3A_605] {strides = array<i32>} : memref<256x128xf32, #tpu.memory_space<vmem>>, vector<16xf32>,
        tpu.vector_store %arg6[%swap3A_604, %swap3A_605], %gather3A_599 {strides = array<i32>} : memref<256x128xf32, #tpu.memory_space<vmem>>, vector<16xf32>,
      }
      %lt3A_257 = arith.constant 31 : i32
      %lt3A_258 = arith.cmpi slt, %while3A_202, %lt3A_257 : i32
      %convert_element_type3A_259 = arith.extui %lt3A_258 : i1 to i32
      %cond3A = arith.constant 0 : i32
      %cond3A_260 = arith.cmpi ne, %convert_element_type3A_259, %cond3A : i32
      scf.if %cond3A_260 {
        %add3A_385 = arith.constant 2 : i32
        %add3A_386 = arith.addi %add3A_206, %add3A_385 : i32
        %mul3A_387 = arith.constant 131072 : i32
        %mul3A_388 = arith.muli %add3A, %mul3A_387 : i32
        %mul3A_389 = arith.constant 2048 : i32
        %mul3A_390 = arith.muli %add3A_386, %mul3A_389 : i32
        %add3A_391 = arith.addi %mul3A_388, %mul3A_390 : i32
        %jit3A_392 = arith.constant 128 : i64
        %convert_element_type3A_393 = arith.trunci %jit3A_392 : i64 to i32
        %div3A_394 = arith.divsi %add3A_391, %convert_element_type3A_393 : i32
        %sign3A_395 = arith.constant 0 : i32
        %sign3A_396 = arith.cmpi sgt, %add3A_391, %sign3A_395 : i32
        %sign3A_397 = arith.extui %sign3A_396 : i1 to i32
        %sign3A_398 = arith.constant 0 : i32
        %sign3A_399 = arith.cmpi slt, %add3A_391, %sign3A_398 : i32
        %sign3A_400 = arith.extui %sign3A_399 : i1 to i32
        %sign3A_401 = arith.subi %sign3A_397, %sign3A_400 : i32
        %sign3A_402 = arith.constant 0 : i32
        %sign3A_403 = arith.cmpi sgt, %convert_element_type3A_393, %sign3A_402 : i32
        %sign3A_404 = arith.extui %sign3A_403 : i1 to i32
        %sign3A_405 = arith.constant 0 : i32
        %sign3A_406 = arith.cmpi slt, %convert_element_type3A_393, %sign3A_405 : i32
        %sign3A_407 = arith.extui %sign3A_406 : i1 to i32
        %sign3A_408 = arith.subi %sign3A_404, %sign3A_407 : i32
        %ne3A_409 = arith.cmpi ne, %sign3A_401, %sign3A_408 : i32
        %rem3A_410 = arith.remsi %add3A_391, %convert_element_type3A_393 : i32
        %ne3A_411 = arith.constant 0 : i32
        %ne3A_412 = arith.cmpi ne, %rem3A_410, %ne3A_411 : i32
        %and3A_413 = arith.andi %ne3A_409, %ne3A_412 : i1
        %sub3A_414 = arith.constant 1 : i32
        %sub3A_415 = arith.subi %div3A_394, %sub3A_414 : i32
        %select_n3A_416 = arith.select %and3A_413, %sub3A_415, %div3A_394 : i32
        %mul3A_417 = arith.constant 8 : i32
        %mul3A_418 = arith.muli %select_n3A_416, %mul3A_417 : i32
        %dma_start3A_419 = arith.constant 0 : i32
        %dma_start3A_420 = arith.constant 0 : i32
        %dma_start3A_421 = tpu.memref_slice %arg4[%dma_start3A_419, %dma_start3A_420] : memref<272x129xf32, #tpu.memory_space<vmem>> -> memref<128x128xf32, #tpu.memory_space<vmem>>
        %dma_start3A_422 = arith.constant 0 : i32
        %dma_start3A_423 = arith.constant 0 : i32
        %dma_start3A_424 = tpu.memref_slice %arg2[%while3A_190, %dma_start3A_422, %dma_start3A_423] : memref<2x262144x128xf32, #tpu.memory_space<hbm>> -> memref<1x262144x128xf32, #tpu.memory_space<hbm>>
        %dma_start3A_425 = tpu.memref_squeeze %dma_start3A_424 : memref<1x262144x128xf32, #tpu.memory_space<hbm>> -> memref<262144x128xf32, #tpu.memory_space<hbm>>
        %dma_start3A_426 = arith.constant 0 : i32
        %dma_start3A_427 = tpu.memref_slice %dma_start3A_425[%mul3A_418, %dma_start3A_426] : memref<262144x128xf32, #tpu.memory_space<hbm>> -> memref<128x128xf32, #tpu.memory_space<hbm>>
        %dma_start3A_428 = arith.constant 0 : i32
        %dma_start3A_429 = arith.constant 0 : i32
        %dma_start3A_430 = tpu.memref_slice %arg4[%dma_start3A_428, %dma_start3A_429] : memref<272x129xf32, #tpu.memory_space<vmem>> -> memref<128x128xf32, #tpu.memory_space<vmem>>
        %dma_start3A_431 = arith.constant 0 : i32
        %dma_start3A_432 = arith.constant 0 : i32
        %dma_start3A_433 = tpu.memref_slice %arg2[%while3A_190, %dma_start3A_431, %dma_start3A_432] : memref<2x262144x128xf32, #tpu.memory_space<hbm>> -> memref<1x262144x128xf32, #tpu.memory_space<hbm>>
        %dma_start3A_434 = tpu.memref_squeeze %dma_start3A_433 : memref<1x262144x128xf32, #tpu.memory_space<hbm>> -> memref<262144x128xf32, #tpu.memory_space<hbm>>
        %dma_start3A_435 = arith.constant 0 : i32
        %dma_start3A_436 = tpu.memref_slice %dma_start3A_434[%mul3A_418, %dma_start3A_435] : memref<262144x128xf32, #tpu.memory_space<hbm>> -> memref<128x128xf32, #tpu.memory_space<hbm>>
        tpu.enqueue_dma source(%dma_start3A_436 : memref<128x128xf32, #tpu.memory_space<hbm>>) target(%dma_start3A_430 : memref<128x128xf32, #tpu.memory_space<vmem>>) target_semaphore(%arg7 : memref<!tpu.dma_semaphore, #tpu.memory_space<semaphore_mem>>)
        %dma_start3A_437 = arith.constant 136 : i32
        %dma_start3A_438 = arith.constant 0 : i32
        %dma_start3A_439 = tpu.memref_slice %arg4[%dma_start3A_437, %dma_start3A_438] : memref<272x129xf32, #tpu.memory_space<vmem>> -> memref<128x128xf32, #tpu.memory_space<vmem>>
        %dma_start3A_440 = arith.constant 0 : i32
        %dma_start3A_441 = arith.constant 0 : i32
        %dma_start3A_442 = tpu.memref_slice %arg2[%while3A_191, %dma_start3A_440, %dma_start3A_441] : memref<2x262144x128xf32, #tpu.memory_space<hbm>> -> memref<1x262144x128xf32, #tpu.memory_space<hbm>>
        %dma_start3A_443 = tpu.memref_squeeze %dma_start3A_442 : memref<1x262144x128xf32, #tpu.memory_space<hbm>> -> memref<262144x128xf32, #tpu.memory_space<hbm>>
        %dma_start3A_444 = arith.constant 0 : i32
        %dma_start3A_445 = tpu.memref_slice %dma_start3A_443[%mul3A_418, %dma_start3A_444] : memref<262144x128xf32, #tpu.memory_space<hbm>> -> memref<128x128xf32, #tpu.memory_space<hbm>>
        %dma_start3A_446 = arith.constant 136 : i32
        %dma_start3A_447 = arith.constant 0 : i32
        %dma_start3A_448 = tpu.memref_slice %arg4[%dma_start3A_446, %dma_start3A_447] : memref<272x129xf32, #tpu.memory_space<vmem>> -> memref<128x128xf32, #tpu.memory_space<vmem>>
        %dma_start3A_449 = arith.constant 0 : i32
        %dma_start3A_450 = arith.constant 0 : i32
        %dma_start3A_451 = tpu.memref_slice %arg2[%while3A_191, %dma_start3A_449, %dma_start3A_450] : memref<2x262144x128xf32, #tpu.memory_space<hbm>> -> memref<1x262144x128xf32, #tpu.memory_space<hbm>>
        %dma_start3A_452 = tpu.memref_squeeze %dma_start3A_451 : memref<1x262144x128xf32, #tpu.memory_space<hbm>> -> memref<262144x128xf32, #tpu.memory_space<hbm>>
        %dma_start3A_453 = arith.constant 0 : i32
        %dma_start3A_454 = tpu.memref_slice %dma_start3A_452[%mul3A_418, %dma_start3A_453] : memref<262144x128xf32, #tpu.memory_space<hbm>> -> memref<128x128xf32, #tpu.memory_space<hbm>>
        tpu.enqueue_dma source(%dma_start3A_454 : memref<128x128xf32, #tpu.memory_space<hbm>>) target(%dma_start3A_448 : memref<128x128xf32, #tpu.memory_space<vmem>>) target_semaphore(%arg7 : memref<!tpu.dma_semaphore, #tpu.memory_space<semaphore_mem>>)
      } else {
      }
      %mul3A_261 = arith.constant 131072 : i32
      %mul3A_262 = arith.muli %add3A, %mul3A_261 : i32
      %mul3A_263 = arith.constant 2048 : i32
      %mul3A_264 = arith.muli %add3A_206, %mul3A_263 : i32
      %add3A_265 = arith.addi %mul3A_262, %mul3A_264 : i32
      %mul3A_266 = arith.constant 16 : i32
      %mul3A_267 = arith.muli %add3A_265, %mul3A_266 : i32
      %jit3A_268 = arith.constant 128 : i64
      %convert_element_type3A_269 = arith.trunci %jit3A_268 : i64 to i32
      %div3A_270 = arith.divsi %mul3A_267, %convert_element_type3A_269 : i32
      %sign3A_271 = arith.constant 0 : i32
      %sign3A_272 = arith.cmpi sgt, %mul3A_267, %sign3A_271 : i32
      %sign3A_273 = arith.extui %sign3A_272 : i1 to i32
      %sign3A_274 = arith.constant 0 : i32
      %sign3A_275 = arith.cmpi slt, %mul3A_267, %sign3A_274 : i32
      %sign3A_276 = arith.extui %sign3A_275 : i1 to i32
      %sign3A_277 = arith.subi %sign3A_273, %sign3A_276 : i32
      %sign3A_278 = arith.constant 0 : i32
      %sign3A_279 = arith.cmpi sgt, %convert_element_type3A_269, %sign3A_278 : i32
      %sign3A_280 = arith.extui %sign3A_279 : i1 to i32
      %sign3A_281 = arith.constant 0 : i32
      %sign3A_282 = arith.cmpi slt, %convert_element_type3A_269, %sign3A_281 : i32
      %sign3A_283 = arith.extui %sign3A_282 : i1 to i32
      %sign3A_284 = arith.subi %sign3A_280, %sign3A_283 : i32
      %ne3A_285 = arith.cmpi ne, %sign3A_277, %sign3A_284 : i32
      %rem3A_286 = arith.remsi %mul3A_267, %convert_element_type3A_269 : i32
      %ne3A_287 = arith.constant 0 : i32
      %ne3A_288 = arith.cmpi ne, %rem3A_286, %ne3A_287 : i32
      %and3A_289 = arith.andi %ne3A_285, %ne3A_288 : i1
      %sub3A_290 = arith.constant 1 : i32
      %sub3A_291 = arith.subi %div3A_270, %sub3A_290 : i32
      %select_n3A_292 = arith.select %and3A_289, %sub3A_291, %div3A_270 : i32
      "tpu.region"() ({
        %run_scoped3A = tpu.sem_alloc : memref<!tpu.dma_semaphore, #tpu.memory_space<semaphore_mem>>
        %dma_start3A_385 = arith.constant 0 : i32
        %dma_start3A_386 = tpu.memref_slice %arg3[%select_n3A_292, %dma_start3A_385] : memref<524288x128xf32, #tpu.memory_space<hbm>> -> memref<256x128xf32, #tpu.memory_space<hbm>>
        %dma_start3A_387 = arith.constant 0 : i32
        %dma_start3A_388 = tpu.memref_slice %arg3[%select_n3A_292, %dma_start3A_387] : memref<524288x128xf32, #tpu.memory_space<hbm>> -> memref<256x128xf32, #tpu.memory_space<hbm>>
        tpu.enqueue_dma source(%arg6 : memref<256x128xf32, #tpu.memory_space<vmem>>) target(%dma_start3A_388 : memref<256x128xf32, #tpu.memory_space<hbm>>) target_semaphore(%run_scoped3A : memref<!tpu.dma_semaphore, #tpu.memory_space<semaphore_mem>>)
        %dma_wait3A_389 = arith.constant 0 : i32
        %dma_wait3A_390 = tpu.memref_slice %arg3[%select_n3A_292, %dma_wait3A_389] : memref<524288x128xf32, #tpu.memory_space<hbm>> -> memref<256x128xf32, #tpu.memory_space<hbm>>
        %dma_wait3A_391 = arith.constant 0 : i32
        %dma_wait3A_392 = tpu.memref_slice %arg3[%select_n3A_292, %dma_wait3A_391] : memref<524288x128xf32, #tpu.memory_space<hbm>> -> memref<256x128xf32, #tpu.memory_space<hbm>>
        tpu.wait_dma2 semaphore(%run_scoped3A : memref<!tpu.dma_semaphore, #tpu.memory_space<semaphore_mem>>) src(%arg6 : memref<256x128xf32, #tpu.memory_space<vmem>>) dst(%dma_wait3A_392 : memref<256x128xf32, #tpu.memory_space<hbm>>)
        tpu.yield
      }) : () -> ()
      %mul3A_293 = arith.constant 2 : i32
      %mul3A_294 = arith.muli %mul3A_293, %while3A_202 : i32
      %add3A_295 = arith.constant 1 : i32
      %add3A_296 = arith.addi %mul3A_294, %add3A_295 : i32
      %dma_wait3A_297 = arith.constant 0 : i32
      %dma_wait3A_298 = arith.constant 0 : i32
      %dma_wait3A_299 = tpu.memref_slice %arg5[%dma_wait3A_297, %dma_wait3A_298] : memref<272x129xf32, #tpu.memory_space<vmem>> -> memref<128x128xf32, #tpu.memory_space<vmem>>
      %dma_wait3A_300 = arith.constant 0 : i32
      %dma_wait3A_301 = arith.constant 0 : i32
      %dma_wait3A_302 = tpu.memref_slice %arg2[%while3A_190, %dma_wait3A_300, %dma_wait3A_301] : memref<2x262144x128xf32, #tpu.memory_space<hbm>> -> memref<1x262144x128xf32, #tpu.memory_space<hbm>>
      %dma_wait3A_303 = tpu.memref_squeeze %dma_wait3A_302 : memref<1x262144x128xf32, #tpu.memory_space<hbm>> -> memref<262144x128xf32, #tpu.memory_space<hbm>>
      %dma_wait3A_304 = arith.constant 0 : i32
      %dma_wait3A_305 = arith.constant 0 : i32
      %dma_wait3A_306 = tpu.memref_slice %dma_wait3A_303[%dma_wait3A_304, %dma_wait3A_305] : memref<262144x128xf32, #tpu.memory_space<hbm>> -> memref<128x128xf32, #tpu.memory_space<hbm>>
      %dma_wait3A_307 = arith.constant 0 : i32
      %dma_wait3A_308 = arith.constant 0 : i32
      %dma_wait3A_309 = tpu.memref_slice %arg5[%dma_wait3A_307, %dma_wait3A_308] : memref<272x129xf32, #tpu.memory_space<vmem>> -> memref<128x128xf32, #tpu.memory_space<vmem>>
      %dma_wait3A_310 = arith.constant 0 : i32
      %dma_wait3A_311 = arith.constant 0 : i32
      %dma_wait3A_312 = tpu.memref_slice %arg2[%while3A_190, %dma_wait3A_310, %dma_wait3A_311] : memref<2x262144x128xf32, #tpu.memory_space<hbm>> -> memref<1x262144x128xf32, #tpu.memory_space<hbm>>
      %dma_wait3A_313 = tpu.memref_squeeze %dma_wait3A_312 : memref<1x262144x128xf32, #tpu.memory_space<hbm>> -> memref<262144x128xf32, #tpu.memory_space<hbm>>
      %dma_wait3A_314 = arith.constant 0 : i32
      %dma_wait3A_315 = arith.constant 0 : i32
      %dma_wait3A_316 = tpu.memref_slice %dma_wait3A_313[%dma_wait3A_314, %dma_wait3A_315] : memref<262144x128xf32, #tpu.memory_space<hbm>> -> memref<128x128xf32, #tpu.memory_space<hbm>>
      tpu.wait_dma2 semaphore(%arg8 : memref<!tpu.dma_semaphore, #tpu.memory_space<semaphore_mem>>) src(%dma_wait3A_316 : memref<128x128xf32, #tpu.memory_space<hbm>>) dst(%dma_wait3A_309 : memref<128x128xf32, #tpu.memory_space<vmem>>)
      %dma_wait3A_317 = arith.constant 136 : i32
      %dma_wait3A_318 = arith.constant 0 : i32
      %dma_wait3A_319 = tpu.memref_slice %arg5[%dma_wait3A_317, %dma_wait3A_318] : memref<272x129xf32, #tpu.memory_space<vmem>> -> memref<128x128xf32, #tpu.memory_space<vmem>>
      %dma_wait3A_320 = arith.constant 0 : i32
      %dma_wait3A_321 = arith.constant 0 : i32
      %dma_wait3A_322 = tpu.memref_slice %arg2[%while3A_190, %dma_wait3A_320, %dma_wait3A_321] : memref<2x262144x128xf32, #tpu.memory_space<hbm>> -> memref<1x262144x128xf32, #tpu.memory_space<hbm>>
      %dma_wait3A_323 = tpu.memref_squeeze %dma_wait3A_322 : memref<1x262144x128xf32, #tpu.memory_space<hbm>> -> memref<262144x128xf32, #tpu.memory_space<hbm>>
      %dma_wait3A_324 = arith.constant 0 : i32
      %dma_wait3A_325 = arith.constant 0 : i32
      %dma_wait3A_326 = tpu.memref_slice %dma_wait3A_323[%dma_wait3A_324, %dma_wait3A_325] : memref<262144x128xf32, #tpu.memory_space<hbm>> -> memref<128x128xf32, #tpu.memory_space<hbm>>
      %dma_wait3A_327 = arith.constant 136 : i32
      %dma_wait3A_328 = arith.constant 0 : i32
      %dma_wait3A_329 = tpu.memref_slice %arg5[%dma_wait3A_327, %dma_wait3A_328] : memref<272x129xf32, #tpu.memory_space<vmem>> -> memref<128x128xf32, #tpu.memory_space<vmem>>
      %dma_wait3A_330 = arith.constant 0 : i32
      %dma_wait3A_331 = arith.constant 0 : i32
      %dma_wait3A_332 = tpu.memref_slice %arg2[%while3A_190, %dma_wait3A_330, %dma_wait3A_331] : memref<2x262144x128xf32, #tpu.memory_space<hbm>> -> memref<1x262144x128xf32, #tpu.memory_space<hbm>>
      %dma_wait3A_333 = tpu.memref_squeeze %dma_wait3A_332 : memref<1x262144x128xf32, #tpu.memory_space<hbm>> -> memref<262144x128xf32, #tpu.memory_space<hbm>>
      %dma_wait3A_334 = arith.constant 0 : i32
      %dma_wait3A_335 = arith.constant 0 : i32
      %dma_wait3A_336 = tpu.memref_slice %dma_wait3A_333[%dma_wait3A_334, %dma_wait3A_335] : memref<262144x128xf32, #tpu.memory_space<hbm>> -> memref<128x128xf32, #tpu.memory_space<hbm>>
      tpu.wait_dma2 semaphore(%arg8 : memref<!tpu.dma_semaphore, #tpu.memory_space<semaphore_mem>>) src(%dma_wait3A_336 : memref<128x128xf32, #tpu.memory_space<hbm>>) dst(%dma_wait3A_329 : memref<128x128xf32, #tpu.memory_space<vmem>>)
      %while3A_337 = arith.constant 0 : i64
      %while3A_338 = arith.constant 0 : i32
      %while3A_339 = arith.constant 128 : i32
      %while3A_340 = arith.subi %while3A_339, %while3A_338 : i32
      %while3A_341 = arith.addi %while3A_338, %while3A_340 : i32
      %while3A_342 = arith.constant 1 : i32
      %while3A_343 = arith.divsi %while3A_340, %while3A_342 : i32
      %while3A_344 = arith.muli %while3A_343, %while3A_342 : i32
      %while3A_345 = arith.addi %while3A_338, %while3A_344 : i32
      %while3A_346 = arith.constant 1 : i32
      scf.for %while3A_385 = %while3A_338 to %while3A_345 step %while3A_346  : i32 {
        %jit3A_386 = arith.constant 8 : i64
        %convert_element_type3A_387 = arith.trunci %jit3A_386 : i64 to i32
        %div3A_388 = arith.divsi %while3A_385, %convert_element_type3A_387 : i32
        %sign3A_389 = arith.constant 0 : i32
        %sign3A_390 = arith.cmpi sgt, %while3A_385, %sign3A_389 : i32
        %sign3A_391 = arith.extui %sign3A_390 : i1 to i32
        %sign3A_392 = arith.constant 0 : i32
        %sign3A_393 = arith.cmpi slt, %while3A_385, %sign3A_392 : i32
        %sign3A_394 = arith.extui %sign3A_393 : i1 to i32
        %sign3A_395 = arith.subi %sign3A_391, %sign3A_394 : i32
        %sign3A_396 = arith.constant 0 : i32
        %sign3A_397 = arith.cmpi sgt, %convert_element_type3A_387, %sign3A_396 : i32
        %sign3A_398 = arith.extui %sign3A_397 : i1 to i32
        %sign3A_399 = arith.constant 0 : i32
        %sign3A_400 = arith.cmpi slt, %convert_element_type3A_387, %sign3A_399 : i32
        %sign3A_401 = arith.extui %sign3A_400 : i1 to i32
        %sign3A_402 = arith.subi %sign3A_398, %sign3A_401 : i32
        %ne3A_403 = arith.cmpi ne, %sign3A_395, %sign3A_402 : i32
        %rem3A_404 = arith.remsi %while3A_385, %convert_element_type3A_387 : i32
        %ne3A_405 = arith.constant 0 : i32
        %ne3A_406 = arith.cmpi ne, %rem3A_404, %ne3A_405 : i32
        %and3A_407 = arith.andi %ne3A_403, %ne3A_406 : i1
        %sub3A_408 = arith.constant 1 : i32
        %sub3A_409 = arith.subi %div3A_388, %sub3A_408 : i32
        %select_n3A_410 = arith.select %and3A_407, %sub3A_409, %div3A_388 : i32
        %mul3A_411 = arith.constant 8 : i32
        %mul3A_412 = arith.muli %select_n3A_410, %mul3A_411 : i32
        %add3A_413 = vector.broadcast %mul3A_412 : i32 to vector<16xi32>
        %add3A_414 = arith.addi %add3A_48, %add3A_413 : vector<16xi32>
        %jit3A_415 = arith.constant 8 : i64
        %convert_element_type3A_416 = arith.trunci %jit3A_415 : i64 to i32
        %eq3A_417 = arith.constant 0 : i32
        %eq3A_418 = arith.cmpi eq, %convert_element_type3A_416, %eq3A_417 : i32
        %jit3A_419 = arith.constant 1 : i32
        %select_n3A_420 = arith.select %eq3A_418, %jit3A_419, %convert_element_type3A_416 : i32
        %rem3A_421 = arith.remsi %while3A_385, %select_n3A_420 : i32
        %ne3A_422 = arith.constant 0 : i32
        %ne3A_423 = arith.cmpi ne, %rem3A_421, %ne3A_422 : i32
        %lt3A_424 = arith.constant 0 : i32
        %lt3A_425 = arith.cmpi slt, %rem3A_421, %lt3A_424 : i32
        %lt3A_426 = arith.constant 0 : i32
        %lt3A_427 = arith.cmpi slt, %select_n3A_420, %lt3A_426 : i32
        %ne3A_428 = arith.xori %lt3A_425, %lt3A_427 : i1
        %and3A_429 = arith.andi %ne3A_428, %ne3A_423 : i1
        %add3A_430 = arith.addi %rem3A_421, %select_n3A_420 : i32
        %select_n3A_431 = arith.select %and3A_429, %add3A_430, %rem3A_421 : i32
        %mul3A_432 = arith.constant 16 : i32
        %mul3A_433 = arith.muli %select_n3A_431, %mul3A_432 : i32
        %add3A_434 = arith.constant 0 : i32
        %add3A_435 = arith.addi %mul3A_433, %add3A_434 : i32
        %broadcast_in_dim3A = vector.broadcast %add3A_435 : i32 to vector<16xi32>
        %gather3A = tpu.vector_load_idx %arg5[%add3A_414, %broadcast_in_dim3A] : memref<272x129xf32, #tpu.memory_space<vmem>>[vector<16xi32>, vector<16xi32>], vector<16xf32>,
        %mul3A_436 = arith.constant 2 : i32
        %mul3A_437 = arith.muli %mul3A_436, %while3A_385 : i32
        %add3A_438 = arith.constant 0 : i32
        %add3A_439 = arith.addi %mul3A_437, %add3A_438 : i32
        %swap3A = arith.index_cast %add3A_439 : i32 to index
        %swap3A_440 = arith.constant 0 : index
        %swap3A_441 = tpu.vector_load %arg6[%swap3A, %swap3A_440] {strides = array<i32>} : memref<256x128xf32, #tpu.memory_space<vmem>>, vector<16xf32>,
        tpu.vector_store %arg6[%swap3A, %swap3A_440], %gather3A {strides = array<i32>} : memref<256x128xf32, #tpu.memory_space<vmem>>, vector<16xf32>,
        %add3A_442 = arith.constant 1 : i32
        %add3A_443 = arith.addi %mul3A_433, %add3A_442 : i32
        %broadcast_in_dim3A_444 = vector.broadcast %add3A_443 : i32 to vector<16xi32>
        %gather3A_445 = tpu.vector_load_idx %arg5[%add3A_414, %broadcast_in_dim3A_444] : memref<272x129xf32, #tpu.memory_space<vmem>>[vector<16xi32>, vector<16xi32>], vector<16xf32>,
        %mul3A_446 = arith.constant 2 : i32
        %mul3A_447 = arith.muli %mul3A_446, %while3A_385 : i32
        %add3A_448 = arith.constant 0 : i32
        %add3A_449 = arith.addi %mul3A_447, %add3A_448 : i32
        %swap3A_450 = arith.index_cast %add3A_449 : i32 to index
        %swap3A_451 = arith.constant 16 : index
        %swap3A_452 = tpu.vector_load %arg6[%swap3A_450, %swap3A_451] {strides = array<i32>} : memref<256x128xf32, #tpu.memory_space<vmem>>, vector<16xf32>,
        tpu.vector_store %arg6[%swap3A_450, %swap3A_451], %gather3A_445 {strides = array<i32>} : memref<256x128xf32, #tpu.memory_space<vmem>>, vector<16xf32>,
        %add3A_453 = arith.constant 2 : i32
        %add3A_454 = arith.addi %mul3A_433, %add3A_453 : i32
        %broadcast_in_dim3A_455 = vector.broadcast %add3A_454 : i32 to vector<16xi32>
        %gather3A_456 = tpu.vector_load_idx %arg5[%add3A_414, %broadcast_in_dim3A_455] : memref<272x129xf32, #tpu.memory_space<vmem>>[vector<16xi32>, vector<16xi32>], vector<16xf32>,
        %mul3A_457 = arith.constant 2 : i32
        %mul3A_458 = arith.muli %mul3A_457, %while3A_385 : i32
        %add3A_459 = arith.constant 0 : i32
        %add3A_460 = arith.addi %mul3A_458, %add3A_459 : i32
        %swap3A_461 = arith.index_cast %add3A_460 : i32 to index
        %swap3A_462 = arith.constant 32 : index
        %swap3A_463 = tpu.vector_load %arg6[%swap3A_461, %swap3A_462] {strides = array<i32>} : memref<256x128xf32, #tpu.memory_space<vmem>>, vector<16xf32>,
        tpu.vector_store %arg6[%swap3A_461, %swap3A_462], %gather3A_456 {strides = array<i32>} : memref<256x128xf32, #tpu.memory_space<vmem>>, vector<16xf32>,
        %add3A_464 = arith.constant 3 : i32
        %add3A_465 = arith.addi %mul3A_433, %add3A_464 : i32
        %broadcast_in_dim3A_466 = vector.broadcast %add3A_465 : i32 to vector<16xi32>
        %gather3A_467 = tpu.vector_load_idx %arg5[%add3A_414, %broadcast_in_dim3A_466] : memref<272x129xf32, #tpu.memory_space<vmem>>[vector<16xi32>, vector<16xi32>], vector<16xf32>,
        %mul3A_468 = arith.constant 2 : i32
        %mul3A_469 = arith.muli %mul3A_468, %while3A_385 : i32
        %add3A_470 = arith.constant 0 : i32
        %add3A_471 = arith.addi %mul3A_469, %add3A_470 : i32
        %swap3A_472 = arith.index_cast %add3A_471 : i32 to index
        %swap3A_473 = arith.constant 48 : index
        %swap3A_474 = tpu.vector_load %arg6[%swap3A_472, %swap3A_473] {strides = array<i32>} : memref<256x128xf32, #tpu.memory_space<vmem>>, vector<16xf32>,
        tpu.vector_store %arg6[%swap3A_472, %swap3A_473], %gather3A_467 {strides = array<i32>} : memref<256x128xf32, #tpu.memory_space<vmem>>, vector<16xf32>,
        %add3A_475 = arith.constant 4 : i32
        %add3A_476 = arith.addi %mul3A_433, %add3A_475 : i32
        %broadcast_in_dim3A_477 = vector.broadcast %add3A_476 : i32 to vector<16xi32>
        %gather3A_478 = tpu.vector_load_idx %arg5[%add3A_414, %broadcast_in_dim3A_477] : memref<272x129xf32, #tpu.memory_space<vmem>>[vector<16xi32>, vector<16xi32>], vector<16xf32>,
        %mul3A_479 = arith.constant 2 : i32
        %mul3A_480 = arith.muli %mul3A_479, %while3A_385 : i32
        %add3A_481 = arith.constant 0 : i32
        %add3A_482 = arith.addi %mul3A_480, %add3A_481 : i32
        %swap3A_483 = arith.index_cast %add3A_482 : i32 to index
        %swap3A_484 = arith.constant 64 : index
        %swap3A_485 = tpu.vector_load %arg6[%swap3A_483, %swap3A_484] {strides = array<i32>} : memref<256x128xf32, #tpu.memory_space<vmem>>, vector<16xf32>,
        tpu.vector_store %arg6[%swap3A_483, %swap3A_484], %gather3A_478 {strides = array<i32>} : memref<256x128xf32, #tpu.memory_space<vmem>>, vector<16xf32>,
        %add3A_486 = arith.constant 5 : i32
        %add3A_487 = arith.addi %mul3A_433, %add3A_486 : i32
        %broadcast_in_dim3A_488 = vector.broadcast %add3A_487 : i32 to vector<16xi32>
        %gather3A_489 = tpu.vector_load_idx %arg5[%add3A_414, %broadcast_in_dim3A_488] : memref<272x129xf32, #tpu.memory_space<vmem>>[vector<16xi32>, vector<16xi32>], vector<16xf32>,
        %mul3A_490 = arith.constant 2 : i32
        %mul3A_491 = arith.muli %mul3A_490, %while3A_385 : i32
        %add3A_492 = arith.constant 0 : i32
        %add3A_493 = arith.addi %mul3A_491, %add3A_492 : i32
        %swap3A_494 = arith.index_cast %add3A_493 : i32 to index
        %swap3A_495 = arith.constant 80 : index
        %swap3A_496 = tpu.vector_load %arg6[%swap3A_494, %swap3A_495] {strides = array<i32>} : memref<256x128xf32, #tpu.memory_space<vmem>>, vector<16xf32>,
        tpu.vector_store %arg6[%swap3A_494, %swap3A_495], %gather3A_489 {strides = array<i32>} : memref<256x128xf32, #tpu.memory_space<vmem>>, vector<16xf32>,
        %add3A_497 = arith.constant 6 : i32
        %add3A_498 = arith.addi %mul3A_433, %add3A_497 : i32
        %broadcast_in_dim3A_499 = vector.broadcast %add3A_498 : i32 to vector<16xi32>
        %gather3A_500 = tpu.vector_load_idx %arg5[%add3A_414, %broadcast_in_dim3A_499] : memref<272x129xf32, #tpu.memory_space<vmem>>[vector<16xi32>, vector<16xi32>], vector<16xf32>,
        %mul3A_501 = arith.constant 2 : i32
        %mul3A_502 = arith.muli %mul3A_501, %while3A_385 : i32
        %add3A_503 = arith.constant 0 : i32
        %add3A_504 = arith.addi %mul3A_502, %add3A_503 : i32
        %swap3A_505 = arith.index_cast %add3A_504 : i32 to index
        %swap3A_506 = arith.constant 96 : index
        %swap3A_507 = tpu.vector_load %arg6[%swap3A_505, %swap3A_506] {strides = array<i32>} : memref<256x128xf32, #tpu.memory_space<vmem>>, vector<16xf32>,
        tpu.vector_store %arg6[%swap3A_505, %swap3A_506], %gather3A_500 {strides = array<i32>} : memref<256x128xf32, #tpu.memory_space<vmem>>, vector<16xf32>,
        %add3A_508 = arith.constant 7 : i32
        %add3A_509 = arith.addi %mul3A_433, %add3A_508 : i32
        %broadcast_in_dim3A_510 = vector.broadcast %add3A_509 : i32 to vector<16xi32>
        %gather3A_511 = tpu.vector_load_idx %arg5[%add3A_414, %broadcast_in_dim3A_510] : memref<272x129xf32, #tpu.memory_space<vmem>>[vector<16xi32>, vector<16xi32>], vector<16xf32>,
        %mul3A_512 = arith.constant 2 : i32
        %mul3A_513 = arith.muli %mul3A_512, %while3A_385 : i32
        %add3A_514 = arith.constant 0 : i32
        %add3A_515 = arith.addi %mul3A_513, %add3A_514 : i32
        %swap3A_516 = arith.index_cast %add3A_515 : i32 to index
        %swap3A_517 = arith.constant 112 : index
        %swap3A_518 = tpu.vector_load %arg6[%swap3A_516, %swap3A_517] {strides = array<i32>} : memref<256x128xf32, #tpu.memory_space<vmem>>, vector<16xf32>,
        tpu.vector_store %arg6[%swap3A_516, %swap3A_517], %gather3A_511 {strides = array<i32>} : memref<256x128xf32, #tpu.memory_space<vmem>>, vector<16xf32>,
        %add3A_519 = arith.constant 8 : i32
        %add3A_520 = arith.addi %mul3A_433, %add3A_519 : i32
        %broadcast_in_dim3A_521 = vector.broadcast %add3A_520 : i32 to vector<16xi32>
        %gather3A_522 = tpu.vector_load_idx %arg5[%add3A_414, %broadcast_in_dim3A_521] : memref<272x129xf32, #tpu.memory_space<vmem>>[vector<16xi32>, vector<16xi32>], vector<16xf32>,
        %mul3A_523 = arith.constant 2 : i32
        %mul3A_524 = arith.muli %mul3A_523, %while3A_385 : i32
        %add3A_525 = arith.constant 1 : i32
        %add3A_526 = arith.addi %mul3A_524, %add3A_525 : i32
        %swap3A_527 = arith.index_cast %add3A_526 : i32 to index
        %swap3A_528 = arith.constant 0 : index
        %swap3A_529 = tpu.vector_load %arg6[%swap3A_527, %swap3A_528] {strides = array<i32>} : memref<256x128xf32, #tpu.memory_space<vmem>>, vector<16xf32>,
        tpu.vector_store %arg6[%swap3A_527, %swap3A_528], %gather3A_522 {strides = array<i32>} : memref<256x128xf32, #tpu.memory_space<vmem>>, vector<16xf32>,
        %add3A_530 = arith.constant 9 : i32
        %add3A_531 = arith.addi %mul3A_433, %add3A_530 : i32
        %broadcast_in_dim3A_532 = vector.broadcast %add3A_531 : i32 to vector<16xi32>
        %gather3A_533 = tpu.vector_load_idx %arg5[%add3A_414, %broadcast_in_dim3A_532] : memref<272x129xf32, #tpu.memory_space<vmem>>[vector<16xi32>, vector<16xi32>], vector<16xf32>,
        %mul3A_534 = arith.constant 2 : i32
        %mul3A_535 = arith.muli %mul3A_534, %while3A_385 : i32
        %add3A_536 = arith.constant 1 : i32
        %add3A_537 = arith.addi %mul3A_535, %add3A_536 : i32
        %swap3A_538 = arith.index_cast %add3A_537 : i32 to index
        %swap3A_539 = arith.constant 16 : index
        %swap3A_540 = tpu.vector_load %arg6[%swap3A_538, %swap3A_539] {strides = array<i32>} : memref<256x128xf32, #tpu.memory_space<vmem>>, vector<16xf32>,
        tpu.vector_store %arg6[%swap3A_538, %swap3A_539], %gather3A_533 {strides = array<i32>} : memref<256x128xf32, #tpu.memory_space<vmem>>, vector<16xf32>,
        %add3A_541 = arith.constant 10 : i32
        %add3A_542 = arith.addi %mul3A_433, %add3A_541 : i32
        %broadcast_in_dim3A_543 = vector.broadcast %add3A_542 : i32 to vector<16xi32>
        %gather3A_544 = tpu.vector_load_idx %arg5[%add3A_414, %broadcast_in_dim3A_543] : memref<272x129xf32, #tpu.memory_space<vmem>>[vector<16xi32>, vector<16xi32>], vector<16xf32>,
        %mul3A_545 = arith.constant 2 : i32
        %mul3A_546 = arith.muli %mul3A_545, %while3A_385 : i32
        %add3A_547 = arith.constant 1 : i32
        %add3A_548 = arith.addi %mul3A_546, %add3A_547 : i32
        %swap3A_549 = arith.index_cast %add3A_548 : i32 to index
        %swap3A_550 = arith.constant 32 : index
        %swap3A_551 = tpu.vector_load %arg6[%swap3A_549, %swap3A_550] {strides = array<i32>} : memref<256x128xf32, #tpu.memory_space<vmem>>, vector<16xf32>,
        tpu.vector_store %arg6[%swap3A_549, %swap3A_550], %gather3A_544 {strides = array<i32>} : memref<256x128xf32, #tpu.memory_space<vmem>>, vector<16xf32>,
        %add3A_552 = arith.constant 11 : i32
        %add3A_553 = arith.addi %mul3A_433, %add3A_552 : i32
        %broadcast_in_dim3A_554 = vector.broadcast %add3A_553 : i32 to vector<16xi32>
        %gather3A_555 = tpu.vector_load_idx %arg5[%add3A_414, %broadcast_in_dim3A_554] : memref<272x129xf32, #tpu.memory_space<vmem>>[vector<16xi32>, vector<16xi32>], vector<16xf32>,
        %mul3A_556 = arith.constant 2 : i32
        %mul3A_557 = arith.muli %mul3A_556, %while3A_385 : i32
        %add3A_558 = arith.constant 1 : i32
        %add3A_559 = arith.addi %mul3A_557, %add3A_558 : i32
        %swap3A_560 = arith.index_cast %add3A_559 : i32 to index
        %swap3A_561 = arith.constant 48 : index
        %swap3A_562 = tpu.vector_load %arg6[%swap3A_560, %swap3A_561] {strides = array<i32>} : memref<256x128xf32, #tpu.memory_space<vmem>>, vector<16xf32>,
        tpu.vector_store %arg6[%swap3A_560, %swap3A_561], %gather3A_555 {strides = array<i32>} : memref<256x128xf32, #tpu.memory_space<vmem>>, vector<16xf32>,
        %add3A_563 = arith.constant 12 : i32
        %add3A_564 = arith.addi %mul3A_433, %add3A_563 : i32
        %broadcast_in_dim3A_565 = vector.broadcast %add3A_564 : i32 to vector<16xi32>
        %gather3A_566 = tpu.vector_load_idx %arg5[%add3A_414, %broadcast_in_dim3A_565] : memref<272x129xf32, #tpu.memory_space<vmem>>[vector<16xi32>, vector<16xi32>], vector<16xf32>,
        %mul3A_567 = arith.constant 2 : i32
        %mul3A_568 = arith.muli %mul3A_567, %while3A_385 : i32
        %add3A_569 = arith.constant 1 : i32
        %add3A_570 = arith.addi %mul3A_568, %add3A_569 : i32
        %swap3A_571 = arith.index_cast %add3A_570 : i32 to index
        %swap3A_572 = arith.constant 64 : index
        %swap3A_573 = tpu.vector_load %arg6[%swap3A_571, %swap3A_572] {strides = array<i32>} : memref<256x128xf32, #tpu.memory_space<vmem>>, vector<16xf32>,
        tpu.vector_store %arg6[%swap3A_571, %swap3A_572], %gather3A_566 {strides = array<i32>} : memref<256x128xf32, #tpu.memory_space<vmem>>, vector<16xf32>,
        %add3A_574 = arith.constant 13 : i32
        %add3A_575 = arith.addi %mul3A_433, %add3A_574 : i32
        %broadcast_in_dim3A_576 = vector.broadcast %add3A_575 : i32 to vector<16xi32>
        %gather3A_577 = tpu.vector_load_idx %arg5[%add3A_414, %broadcast_in_dim3A_576] : memref<272x129xf32, #tpu.memory_space<vmem>>[vector<16xi32>, vector<16xi32>], vector<16xf32>,
        %mul3A_578 = arith.constant 2 : i32
        %mul3A_579 = arith.muli %mul3A_578, %while3A_385 : i32
        %add3A_580 = arith.constant 1 : i32
        %add3A_581 = arith.addi %mul3A_579, %add3A_580 : i32
        %swap3A_582 = arith.index_cast %add3A_581 : i32 to index
        %swap3A_583 = arith.constant 80 : index
        %swap3A_584 = tpu.vector_load %arg6[%swap3A_582, %swap3A_583] {strides = array<i32>} : memref<256x128xf32, #tpu.memory_space<vmem>>, vector<16xf32>,
        tpu.vector_store %arg6[%swap3A_582, %swap3A_583], %gather3A_577 {strides = array<i32>} : memref<256x128xf32, #tpu.memory_space<vmem>>, vector<16xf32>,
        %add3A_585 = arith.constant 14 : i32
        %add3A_586 = arith.addi %mul3A_433, %add3A_585 : i32
        %broadcast_in_dim3A_587 = vector.broadcast %add3A_586 : i32 to vector<16xi32>
        %gather3A_588 = tpu.vector_load_idx %arg5[%add3A_414, %broadcast_in_dim3A_587] : memref<272x129xf32, #tpu.memory_space<vmem>>[vector<16xi32>, vector<16xi32>], vector<16xf32>,
        %mul3A_589 = arith.constant 2 : i32
        %mul3A_590 = arith.muli %mul3A_589, %while3A_385 : i32
        %add3A_591 = arith.constant 1 : i32
        %add3A_592 = arith.addi %mul3A_590, %add3A_591 : i32
        %swap3A_593 = arith.index_cast %add3A_592 : i32 to index
        %swap3A_594 = arith.constant 96 : index
        %swap3A_595 = tpu.vector_load %arg6[%swap3A_593, %swap3A_594] {strides = array<i32>} : memref<256x128xf32, #tpu.memory_space<vmem>>, vector<16xf32>,
        tpu.vector_store %arg6[%swap3A_593, %swap3A_594], %gather3A_588 {strides = array<i32>} : memref<256x128xf32, #tpu.memory_space<vmem>>, vector<16xf32>,
        %add3A_596 = arith.constant 15 : i32
        %add3A_597 = arith.addi %mul3A_433, %add3A_596 : i32
        %broadcast_in_dim3A_598 = vector.broadcast %add3A_597 : i32 to vector<16xi32>
        %gather3A_599 = tpu.vector_load_idx %arg5[%add3A_414, %broadcast_in_dim3A_598] : memref<272x129xf32, #tpu.memory_space<vmem>>[vector<16xi32>, vector<16xi32>], vector<16xf32>,
        %mul3A_600 = arith.constant 2 : i32
        %mul3A_601 = arith.muli %mul3A_600, %while3A_385 : i32
        %add3A_602 = arith.constant 1 : i32
        %add3A_603 = arith.addi %mul3A_601, %add3A_602 : i32
        %swap3A_604 = arith.index_cast %add3A_603 : i32 to index
        %swap3A_605 = arith.constant 112 : index
        %swap3A_606 = tpu.vector_load %arg6[%swap3A_604, %swap3A_605] {strides = array<i32>} : memref<256x128xf32, #tpu.memory_space<vmem>>, vector<16xf32>,
        tpu.vector_store %arg6[%swap3A_604, %swap3A_605], %gather3A_599 {strides = array<i32>} : memref<256x128xf32, #tpu.memory_space<vmem>>, vector<16xf32>,
      }
      %while3A_347 = arith.constant 1 : i32
      scf.for %while3A_385 = %while3A_345 to %while3A_341 step %while3A_347  : i32 {
        %jit3A_386 = arith.constant 8 : i64
        %convert_element_type3A_387 = arith.trunci %jit3A_386 : i64 to i32
        %div3A_388 = arith.divsi %while3A_385, %convert_element_type3A_387 : i32
        %sign3A_389 = arith.constant 0 : i32
        %sign3A_390 = arith.cmpi sgt, %while3A_385, %sign3A_389 : i32
        %sign3A_391 = arith.extui %sign3A_390 : i1 to i32
        %sign3A_392 = arith.constant 0 : i32
        %sign3A_393 = arith.cmpi slt, %while3A_385, %sign3A_392 : i32
        %sign3A_394 = arith.extui %sign3A_393 : i1 to i32
        %sign3A_395 = arith.subi %sign3A_391, %sign3A_394 : i32
        %sign3A_396 = arith.constant 0 : i32
        %sign3A_397 = arith.cmpi sgt, %convert_element_type3A_387, %sign3A_396 : i32
        %sign3A_398 = arith.extui %sign3A_397 : i1 to i32
        %sign3A_399 = arith.constant 0 : i32
        %sign3A_400 = arith.cmpi slt, %convert_element_type3A_387, %sign3A_399 : i32
        %sign3A_401 = arith.extui %sign3A_400 : i1 to i32
        %sign3A_402 = arith.subi %sign3A_398, %sign3A_401 : i32
        %ne3A_403 = arith.cmpi ne, %sign3A_395, %sign3A_402 : i32
        %rem3A_404 = arith.remsi %while3A_385, %convert_element_type3A_387 : i32
        %ne3A_405 = arith.constant 0 : i32
        %ne3A_406 = arith.cmpi ne, %rem3A_404, %ne3A_405 : i32
        %and3A_407 = arith.andi %ne3A_403, %ne3A_406 : i1
        %sub3A_408 = arith.constant 1 : i32
        %sub3A_409 = arith.subi %div3A_388, %sub3A_408 : i32
        %select_n3A_410 = arith.select %and3A_407, %sub3A_409, %div3A_388 : i32
        %mul3A_411 = arith.constant 8 : i32
        %mul3A_412 = arith.muli %select_n3A_410, %mul3A_411 : i32
        %add3A_413 = vector.broadcast %mul3A_412 : i32 to vector<16xi32>
        %add3A_414 = arith.addi %add3A_48, %add3A_413 : vector<16xi32>
        %jit3A_415 = arith.constant 8 : i64
        %convert_element_type3A_416 = arith.trunci %jit3A_415 : i64 to i32
        %eq3A_417 = arith.constant 0 : i32
        %eq3A_418 = arith.cmpi eq, %convert_element_type3A_416, %eq3A_417 : i32
        %jit3A_419 = arith.constant 1 : i32
        %select_n3A_420 = arith.select %eq3A_418, %jit3A_419, %convert_element_type3A_416 : i32
        %rem3A_421 = arith.remsi %while3A_385, %select_n3A_420 : i32
        %ne3A_422 = arith.constant 0 : i32
        %ne3A_423 = arith.cmpi ne, %rem3A_421, %ne3A_422 : i32
        %lt3A_424 = arith.constant 0 : i32
        %lt3A_425 = arith.cmpi slt, %rem3A_421, %lt3A_424 : i32
        %lt3A_426 = arith.constant 0 : i32
        %lt3A_427 = arith.cmpi slt, %select_n3A_420, %lt3A_426 : i32
        %ne3A_428 = arith.xori %lt3A_425, %lt3A_427 : i1
        %and3A_429 = arith.andi %ne3A_428, %ne3A_423 : i1
        %add3A_430 = arith.addi %rem3A_421, %select_n3A_420 : i32
        %select_n3A_431 = arith.select %and3A_429, %add3A_430, %rem3A_421 : i32
        %mul3A_432 = arith.constant 16 : i32
        %mul3A_433 = arith.muli %select_n3A_431, %mul3A_432 : i32
        %add3A_434 = arith.constant 0 : i32
        %add3A_435 = arith.addi %mul3A_433, %add3A_434 : i32
        %broadcast_in_dim3A = vector.broadcast %add3A_435 : i32 to vector<16xi32>
        %gather3A = tpu.vector_load_idx %arg5[%add3A_414, %broadcast_in_dim3A] : memref<272x129xf32, #tpu.memory_space<vmem>>[vector<16xi32>, vector<16xi32>], vector<16xf32>,
        %mul3A_436 = arith.constant 2 : i32
        %mul3A_437 = arith.muli %mul3A_436, %while3A_385 : i32
        %add3A_438 = arith.constant 0 : i32
        %add3A_439 = arith.addi %mul3A_437, %add3A_438 : i32
        %swap3A = arith.index_cast %add3A_439 : i32 to index
        %swap3A_440 = arith.constant 0 : index
        %swap3A_441 = tpu.vector_load %arg6[%swap3A, %swap3A_440] {strides = array<i32>} : memref<256x128xf32, #tpu.memory_space<vmem>>, vector<16xf32>,
        tpu.vector_store %arg6[%swap3A, %swap3A_440], %gather3A {strides = array<i32>} : memref<256x128xf32, #tpu.memory_space<vmem>>, vector<16xf32>,
        %add3A_442 = arith.constant 1 : i32
        %add3A_443 = arith.addi %mul3A_433, %add3A_442 : i32
        %broadcast_in_dim3A_444 = vector.broadcast %add3A_443 : i32 to vector<16xi32>
        %gather3A_445 = tpu.vector_load_idx %arg5[%add3A_414, %broadcast_in_dim3A_444] : memref<272x129xf32, #tpu.memory_space<vmem>>[vector<16xi32>, vector<16xi32>], vector<16xf32>,
        %mul3A_446 = arith.constant 2 : i32
        %mul3A_447 = arith.muli %mul3A_446, %while3A_385 : i32
        %add3A_448 = arith.constant 0 : i32
        %add3A_449 = arith.addi %mul3A_447, %add3A_448 : i32
        %swap3A_450 = arith.index_cast %add3A_449 : i32 to index
        %swap3A_451 = arith.constant 16 : index
        %swap3A_452 = tpu.vector_load %arg6[%swap3A_450, %swap3A_451] {strides = array<i32>} : memref<256x128xf32, #tpu.memory_space<vmem>>, vector<16xf32>,
        tpu.vector_store %arg6[%swap3A_450, %swap3A_451], %gather3A_445 {strides = array<i32>} : memref<256x128xf32, #tpu.memory_space<vmem>>, vector<16xf32>,
        %add3A_453 = arith.constant 2 : i32
        %add3A_454 = arith.addi %mul3A_433, %add3A_453 : i32
        %broadcast_in_dim3A_455 = vector.broadcast %add3A_454 : i32 to vector<16xi32>
        %gather3A_456 = tpu.vector_load_idx %arg5[%add3A_414, %broadcast_in_dim3A_455] : memref<272x129xf32, #tpu.memory_space<vmem>>[vector<16xi32>, vector<16xi32>], vector<16xf32>,
        %mul3A_457 = arith.constant 2 : i32
        %mul3A_458 = arith.muli %mul3A_457, %while3A_385 : i32
        %add3A_459 = arith.constant 0 : i32
        %add3A_460 = arith.addi %mul3A_458, %add3A_459 : i32
        %swap3A_461 = arith.index_cast %add3A_460 : i32 to index
        %swap3A_462 = arith.constant 32 : index
        %swap3A_463 = tpu.vector_load %arg6[%swap3A_461, %swap3A_462] {strides = array<i32>} : memref<256x128xf32, #tpu.memory_space<vmem>>, vector<16xf32>,
        tpu.vector_store %arg6[%swap3A_461, %swap3A_462], %gather3A_456 {strides = array<i32>} : memref<256x128xf32, #tpu.memory_space<vmem>>, vector<16xf32>,
        %add3A_464 = arith.constant 3 : i32
        %add3A_465 = arith.addi %mul3A_433, %add3A_464 : i32
        %broadcast_in_dim3A_466 = vector.broadcast %add3A_465 : i32 to vector<16xi32>
        %gather3A_467 = tpu.vector_load_idx %arg5[%add3A_414, %broadcast_in_dim3A_466] : memref<272x129xf32, #tpu.memory_space<vmem>>[vector<16xi32>, vector<16xi32>], vector<16xf32>,
        %mul3A_468 = arith.constant 2 : i32
        %mul3A_469 = arith.muli %mul3A_468, %while3A_385 : i32
        %add3A_470 = arith.constant 0 : i32
        %add3A_471 = arith.addi %mul3A_469, %add3A_470 : i32
        %swap3A_472 = arith.index_cast %add3A_471 : i32 to index
        %swap3A_473 = arith.constant 48 : index
        %swap3A_474 = tpu.vector_load %arg6[%swap3A_472, %swap3A_473] {strides = array<i32>} : memref<256x128xf32, #tpu.memory_space<vmem>>, vector<16xf32>,
        tpu.vector_store %arg6[%swap3A_472, %swap3A_473], %gather3A_467 {strides = array<i32>} : memref<256x128xf32, #tpu.memory_space<vmem>>, vector<16xf32>,
        %add3A_475 = arith.constant 4 : i32
        %add3A_476 = arith.addi %mul3A_433, %add3A_475 : i32
        %broadcast_in_dim3A_477 = vector.broadcast %add3A_476 : i32 to vector<16xi32>
        %gather3A_478 = tpu.vector_load_idx %arg5[%add3A_414, %broadcast_in_dim3A_477] : memref<272x129xf32, #tpu.memory_space<vmem>>[vector<16xi32>, vector<16xi32>], vector<16xf32>,
        %mul3A_479 = arith.constant 2 : i32
        %mul3A_480 = arith.muli %mul3A_479, %while3A_385 : i32
        %add3A_481 = arith.constant 0 : i32
        %add3A_482 = arith.addi %mul3A_480, %add3A_481 : i32
        %swap3A_483 = arith.index_cast %add3A_482 : i32 to index
        %swap3A_484 = arith.constant 64 : index
        %swap3A_485 = tpu.vector_load %arg6[%swap3A_483, %swap3A_484] {strides = array<i32>} : memref<256x128xf32, #tpu.memory_space<vmem>>, vector<16xf32>,
        tpu.vector_store %arg6[%swap3A_483, %swap3A_484], %gather3A_478 {strides = array<i32>} : memref<256x128xf32, #tpu.memory_space<vmem>>, vector<16xf32>,
        %add3A_486 = arith.constant 5 : i32
        %add3A_487 = arith.addi %mul3A_433, %add3A_486 : i32
        %broadcast_in_dim3A_488 = vector.broadcast %add3A_487 : i32 to vector<16xi32>
        %gather3A_489 = tpu.vector_load_idx %arg5[%add3A_414, %broadcast_in_dim3A_488] : memref<272x129xf32, #tpu.memory_space<vmem>>[vector<16xi32>, vector<16xi32>], vector<16xf32>,
        %mul3A_490 = arith.constant 2 : i32
        %mul3A_491 = arith.muli %mul3A_490, %while3A_385 : i32
        %add3A_492 = arith.constant 0 : i32
        %add3A_493 = arith.addi %mul3A_491, %add3A_492 : i32
        %swap3A_494 = arith.index_cast %add3A_493 : i32 to index
        %swap3A_495 = arith.constant 80 : index
        %swap3A_496 = tpu.vector_load %arg6[%swap3A_494, %swap3A_495] {strides = array<i32>} : memref<256x128xf32, #tpu.memory_space<vmem>>, vector<16xf32>,
        tpu.vector_store %arg6[%swap3A_494, %swap3A_495], %gather3A_489 {strides = array<i32>} : memref<256x128xf32, #tpu.memory_space<vmem>>, vector<16xf32>,
        %add3A_497 = arith.constant 6 : i32
        %add3A_498 = arith.addi %mul3A_433, %add3A_497 : i32
        %broadcast_in_dim3A_499 = vector.broadcast %add3A_498 : i32 to vector<16xi32>
        %gather3A_500 = tpu.vector_load_idx %arg5[%add3A_414, %broadcast_in_dim3A_499] : memref<272x129xf32, #tpu.memory_space<vmem>>[vector<16xi32>, vector<16xi32>], vector<16xf32>,
        %mul3A_501 = arith.constant 2 : i32
        %mul3A_502 = arith.muli %mul3A_501, %while3A_385 : i32
        %add3A_503 = arith.constant 0 : i32
        %add3A_504 = arith.addi %mul3A_502, %add3A_503 : i32
        %swap3A_505 = arith.index_cast %add3A_504 : i32 to index
        %swap3A_506 = arith.constant 96 : index
        %swap3A_507 = tpu.vector_load %arg6[%swap3A_505, %swap3A_506] {strides = array<i32>} : memref<256x128xf32, #tpu.memory_space<vmem>>, vector<16xf32>,
        tpu.vector_store %arg6[%swap3A_505, %swap3A_506], %gather3A_500 {strides = array<i32>} : memref<256x128xf32, #tpu.memory_space<vmem>>, vector<16xf32>,
        %add3A_508 = arith.constant 7 : i32
        %add3A_509 = arith.addi %mul3A_433, %add3A_508 : i32
        %broadcast_in_dim3A_510 = vector.broadcast %add3A_509 : i32 to vector<16xi32>
        %gather3A_511 = tpu.vector_load_idx %arg5[%add3A_414, %broadcast_in_dim3A_510] : memref<272x129xf32, #tpu.memory_space<vmem>>[vector<16xi32>, vector<16xi32>], vector<16xf32>,
        %mul3A_512 = arith.constant 2 : i32
        %mul3A_513 = arith.muli %mul3A_512, %while3A_385 : i32
        %add3A_514 = arith.constant 0 : i32
        %add3A_515 = arith.addi %mul3A_513, %add3A_514 : i32
        %swap3A_516 = arith.index_cast %add3A_515 : i32 to index
        %swap3A_517 = arith.constant 112 : index
        %swap3A_518 = tpu.vector_load %arg6[%swap3A_516, %swap3A_517] {strides = array<i32>} : memref<256x128xf32, #tpu.memory_space<vmem>>, vector<16xf32>,
        tpu.vector_store %arg6[%swap3A_516, %swap3A_517], %gather3A_511 {strides = array<i32>} : memref<256x128xf32, #tpu.memory_space<vmem>>, vector<16xf32>,
        %add3A_519 = arith.constant 8 : i32
        %add3A_520 = arith.addi %mul3A_433, %add3A_519 : i32
        %broadcast_in_dim3A_521 = vector.broadcast %add3A_520 : i32 to vector<16xi32>
        %gather3A_522 = tpu.vector_load_idx %arg5[%add3A_414, %broadcast_in_dim3A_521] : memref<272x129xf32, #tpu.memory_space<vmem>>[vector<16xi32>, vector<16xi32>], vector<16xf32>,
        %mul3A_523 = arith.constant 2 : i32
        %mul3A_524 = arith.muli %mul3A_523, %while3A_385 : i32
        %add3A_525 = arith.constant 1 : i32
        %add3A_526 = arith.addi %mul3A_524, %add3A_525 : i32
        %swap3A_527 = arith.index_cast %add3A_526 : i32 to index
        %swap3A_528 = arith.constant 0 : index
        %swap3A_529 = tpu.vector_load %arg6[%swap3A_527, %swap3A_528] {strides = array<i32>} : memref<256x128xf32, #tpu.memory_space<vmem>>, vector<16xf32>,
        tpu.vector_store %arg6[%swap3A_527, %swap3A_528], %gather3A_522 {strides = array<i32>} : memref<256x128xf32, #tpu.memory_space<vmem>>, vector<16xf32>,
        %add3A_530 = arith.constant 9 : i32
        %add3A_531 = arith.addi %mul3A_433, %add3A_530 : i32
        %broadcast_in_dim3A_532 = vector.broadcast %add3A_531 : i32 to vector<16xi32>
        %gather3A_533 = tpu.vector_load_idx %arg5[%add3A_414, %broadcast_in_dim3A_532] : memref<272x129xf32, #tpu.memory_space<vmem>>[vector<16xi32>, vector<16xi32>], vector<16xf32>,
        %mul3A_534 = arith.constant 2 : i32
        %mul3A_535 = arith.muli %mul3A_534, %while3A_385 : i32
        %add3A_536 = arith.constant 1 : i32
        %add3A_537 = arith.addi %mul3A_535, %add3A_536 : i32
        %swap3A_538 = arith.index_cast %add3A_537 : i32 to index
        %swap3A_539 = arith.constant 16 : index
        %swap3A_540 = tpu.vector_load %arg6[%swap3A_538, %swap3A_539] {strides = array<i32>} : memref<256x128xf32, #tpu.memory_space<vmem>>, vector<16xf32>,
        tpu.vector_store %arg6[%swap3A_538, %swap3A_539], %gather3A_533 {strides = array<i32>} : memref<256x128xf32, #tpu.memory_space<vmem>>, vector<16xf32>,
        %add3A_541 = arith.constant 10 : i32
        %add3A_542 = arith.addi %mul3A_433, %add3A_541 : i32
        %broadcast_in_dim3A_543 = vector.broadcast %add3A_542 : i32 to vector<16xi32>
        %gather3A_544 = tpu.vector_load_idx %arg5[%add3A_414, %broadcast_in_dim3A_543] : memref<272x129xf32, #tpu.memory_space<vmem>>[vector<16xi32>, vector<16xi32>], vector<16xf32>,
        %mul3A_545 = arith.constant 2 : i32
        %mul3A_546 = arith.muli %mul3A_545, %while3A_385 : i32
        %add3A_547 = arith.constant 1 : i32
        %add3A_548 = arith.addi %mul3A_546, %add3A_547 : i32
        %swap3A_549 = arith.index_cast %add3A_548 : i32 to index
        %swap3A_550 = arith.constant 32 : index
        %swap3A_551 = tpu.vector_load %arg6[%swap3A_549, %swap3A_550] {strides = array<i32>} : memref<256x128xf32, #tpu.memory_space<vmem>>, vector<16xf32>,
        tpu.vector_store %arg6[%swap3A_549, %swap3A_550], %gather3A_544 {strides = array<i32>} : memref<256x128xf32, #tpu.memory_space<vmem>>, vector<16xf32>,
        %add3A_552 = arith.constant 11 : i32
        %add3A_553 = arith.addi %mul3A_433, %add3A_552 : i32
        %broadcast_in_dim3A_554 = vector.broadcast %add3A_553 : i32 to vector<16xi32>
        %gather3A_555 = tpu.vector_load_idx %arg5[%add3A_414, %broadcast_in_dim3A_554] : memref<272x129xf32, #tpu.memory_space<vmem>>[vector<16xi32>, vector<16xi32>], vector<16xf32>,
        %mul3A_556 = arith.constant 2 : i32
        %mul3A_557 = arith.muli %mul3A_556, %while3A_385 : i32
        %add3A_558 = arith.constant 1 : i32
        %add3A_559 = arith.addi %mul3A_557, %add3A_558 : i32
        %swap3A_560 = arith.index_cast %add3A_559 : i32 to index
        %swap3A_561 = arith.constant 48 : index
        %swap3A_562 = tpu.vector_load %arg6[%swap3A_560, %swap3A_561] {strides = array<i32>} : memref<256x128xf32, #tpu.memory_space<vmem>>, vector<16xf32>,
        tpu.vector_store %arg6[%swap3A_560, %swap3A_561], %gather3A_555 {strides = array<i32>} : memref<256x128xf32, #tpu.memory_space<vmem>>, vector<16xf32>,
        %add3A_563 = arith.constant 12 : i32
        %add3A_564 = arith.addi %mul3A_433, %add3A_563 : i32
        %broadcast_in_dim3A_565 = vector.broadcast %add3A_564 : i32 to vector<16xi32>
        %gather3A_566 = tpu.vector_load_idx %arg5[%add3A_414, %broadcast_in_dim3A_565] : memref<272x129xf32, #tpu.memory_space<vmem>>[vector<16xi32>, vector<16xi32>], vector<16xf32>,
        %mul3A_567 = arith.constant 2 : i32
        %mul3A_568 = arith.muli %mul3A_567, %while3A_385 : i32
        %add3A_569 = arith.constant 1 : i32
        %add3A_570 = arith.addi %mul3A_568, %add3A_569 : i32
        %swap3A_571 = arith.index_cast %add3A_570 : i32 to index
        %swap3A_572 = arith.constant 64 : index
        %swap3A_573 = tpu.vector_load %arg6[%swap3A_571, %swap3A_572] {strides = array<i32>} : memref<256x128xf32, #tpu.memory_space<vmem>>, vector<16xf32>,
        tpu.vector_store %arg6[%swap3A_571, %swap3A_572], %gather3A_566 {strides = array<i32>} : memref<256x128xf32, #tpu.memory_space<vmem>>, vector<16xf32>,
        %add3A_574 = arith.constant 13 : i32
        %add3A_575 = arith.addi %mul3A_433, %add3A_574 : i32
        %broadcast_in_dim3A_576 = vector.broadcast %add3A_575 : i32 to vector<16xi32>
        %gather3A_577 = tpu.vector_load_idx %arg5[%add3A_414, %broadcast_in_dim3A_576] : memref<272x129xf32, #tpu.memory_space<vmem>>[vector<16xi32>, vector<16xi32>], vector<16xf32>,
        %mul3A_578 = arith.constant 2 : i32
        %mul3A_579 = arith.muli %mul3A_578, %while3A_385 : i32
        %add3A_580 = arith.constant 1 : i32
        %add3A_581 = arith.addi %mul3A_579, %add3A_580 : i32
        %swap3A_582 = arith.index_cast %add3A_581 : i32 to index
        %swap3A_583 = arith.constant 80 : index
        %swap3A_584 = tpu.vector_load %arg6[%swap3A_582, %swap3A_583] {strides = array<i32>} : memref<256x128xf32, #tpu.memory_space<vmem>>, vector<16xf32>,
        tpu.vector_store %arg6[%swap3A_582, %swap3A_583], %gather3A_577 {strides = array<i32>} : memref<256x128xf32, #tpu.memory_space<vmem>>, vector<16xf32>,
        %add3A_585 = arith.constant 14 : i32
        %add3A_586 = arith.addi %mul3A_433, %add3A_585 : i32
        %broadcast_in_dim3A_587 = vector.broadcast %add3A_586 : i32 to vector<16xi32>
        %gather3A_588 = tpu.vector_load_idx %arg5[%add3A_414, %broadcast_in_dim3A_587] : memref<272x129xf32, #tpu.memory_space<vmem>>[vector<16xi32>, vector<16xi32>], vector<16xf32>,
        %mul3A_589 = arith.constant 2 : i32
        %mul3A_590 = arith.muli %mul3A_589, %while3A_385 : i32
        %add3A_591 = arith.constant 1 : i32
        %add3A_592 = arith.addi %mul3A_590, %add3A_591 : i32
        %swap3A_593 = arith.index_cast %add3A_592 : i32 to index
        %swap3A_594 = arith.constant 96 : index
        %swap3A_595 = tpu.vector_load %arg6[%swap3A_593, %swap3A_594] {strides = array<i32>} : memref<256x128xf32, #tpu.memory_space<vmem>>, vector<16xf32>,
        tpu.vector_store %arg6[%swap3A_593, %swap3A_594], %gather3A_588 {strides = array<i32>} : memref<256x128xf32, #tpu.memory_space<vmem>>, vector<16xf32>,
        %add3A_596 = arith.constant 15 : i32
        %add3A_597 = arith.addi %mul3A_433, %add3A_596 : i32
        %broadcast_in_dim3A_598 = vector.broadcast %add3A_597 : i32 to vector<16xi32>
        %gather3A_599 = tpu.vector_load_idx %arg5[%add3A_414, %broadcast_in_dim3A_598] : memref<272x129xf32, #tpu.memory_space<vmem>>[vector<16xi32>, vector<16xi32>], vector<16xf32>,
        %mul3A_600 = arith.constant 2 : i32
        %mul3A_601 = arith.muli %mul3A_600, %while3A_385 : i32
        %add3A_602 = arith.constant 1 : i32
        %add3A_603 = arith.addi %mul3A_601, %add3A_602 : i32
        %swap3A_604 = arith.index_cast %add3A_603 : i32 to index
        %swap3A_605 = arith.constant 112 : index
        %swap3A_606 = tpu.vector_load %arg6[%swap3A_604, %swap3A_605] {strides = array<i32>} : memref<256x128xf32, #tpu.memory_space<vmem>>, vector<16xf32>,
        tpu.vector_store %arg6[%swap3A_604, %swap3A_605], %gather3A_599 {strides = array<i32>} : memref<256x128xf32, #tpu.memory_space<vmem>>, vector<16xf32>,
      }
      %lt3A_348 = arith.constant 31 : i32
      %lt3A_349 = arith.cmpi slt, %while3A_202, %lt3A_348 : i32
      %convert_element_type3A_350 = arith.extui %lt3A_349 : i1 to i32
      %cond3A_351 = arith.constant 0 : i32
      %cond3A_352 = arith.cmpi ne, %convert_element_type3A_350, %cond3A_351 : i32
      scf.if %cond3A_352 {
        %add3A_385 = arith.constant 2 : i32
        %add3A_386 = arith.addi %add3A_296, %add3A_385 : i32
        %mul3A_387 = arith.constant 131072 : i32
        %mul3A_388 = arith.muli %add3A, %mul3A_387 : i32
        %mul3A_389 = arith.constant 2048 : i32
        %mul3A_390 = arith.muli %add3A_386, %mul3A_389 : i32
        %add3A_391 = arith.addi %mul3A_388, %mul3A_390 : i32
        %jit3A_392 = arith.constant 128 : i64
        %convert_element_type3A_393 = arith.trunci %jit3A_392 : i64 to i32
        %div3A_394 = arith.divsi %add3A_391, %convert_element_type3A_393 : i32
        %sign3A_395 = arith.constant 0 : i32
        %sign3A_396 = arith.cmpi sgt, %add3A_391, %sign3A_395 : i32
        %sign3A_397 = arith.extui %sign3A_396 : i1 to i32
        %sign3A_398 = arith.constant 0 : i32
        %sign3A_399 = arith.cmpi slt, %add3A_391, %sign3A_398 : i32
        %sign3A_400 = arith.extui %sign3A_399 : i1 to i32
        %sign3A_401 = arith.subi %sign3A_397, %sign3A_400 : i32
        %sign3A_402 = arith.constant 0 : i32
        %sign3A_403 = arith.cmpi sgt, %convert_element_type3A_393, %sign3A_402 : i32
        %sign3A_404 = arith.extui %sign3A_403 : i1 to i32
        %sign3A_405 = arith.constant 0 : i32
        %sign3A_406 = arith.cmpi slt, %convert_element_type3A_393, %sign3A_405 : i32
        %sign3A_407 = arith.extui %sign3A_406 : i1 to i32
        %sign3A_408 = arith.subi %sign3A_404, %sign3A_407 : i32
        %ne3A_409 = arith.cmpi ne, %sign3A_401, %sign3A_408 : i32
        %rem3A_410 = arith.remsi %add3A_391, %convert_element_type3A_393 : i32
        %ne3A_411 = arith.constant 0 : i32
        %ne3A_412 = arith.cmpi ne, %rem3A_410, %ne3A_411 : i32
        %and3A_413 = arith.andi %ne3A_409, %ne3A_412 : i1
        %sub3A_414 = arith.constant 1 : i32
        %sub3A_415 = arith.subi %div3A_394, %sub3A_414 : i32
        %select_n3A_416 = arith.select %and3A_413, %sub3A_415, %div3A_394 : i32
        %mul3A_417 = arith.constant 8 : i32
        %mul3A_418 = arith.muli %select_n3A_416, %mul3A_417 : i32
        %dma_start3A_419 = arith.constant 0 : i32
        %dma_start3A_420 = arith.constant 0 : i32
        %dma_start3A_421 = tpu.memref_slice %arg5[%dma_start3A_419, %dma_start3A_420] : memref<272x129xf32, #tpu.memory_space<vmem>> -> memref<128x128xf32, #tpu.memory_space<vmem>>
        %dma_start3A_422 = arith.constant 0 : i32
        %dma_start3A_423 = arith.constant 0 : i32
        %dma_start3A_424 = tpu.memref_slice %arg2[%while3A_190, %dma_start3A_422, %dma_start3A_423] : memref<2x262144x128xf32, #tpu.memory_space<hbm>> -> memref<1x262144x128xf32, #tpu.memory_space<hbm>>
        %dma_start3A_425 = tpu.memref_squeeze %dma_start3A_424 : memref<1x262144x128xf32, #tpu.memory_space<hbm>> -> memref<262144x128xf32, #tpu.memory_space<hbm>>
        %dma_start3A_426 = arith.constant 0 : i32
        %dma_start3A_427 = tpu.memref_slice %dma_start3A_425[%mul3A_418, %dma_start3A_426] : memref<262144x128xf32, #tpu.memory_space<hbm>> -> memref<128x128xf32, #tpu.memory_space<hbm>>
        %dma_start3A_428 = arith.constant 0 : i32
        %dma_start3A_429 = arith.constant 0 : i32
        %dma_start3A_430 = tpu.memref_slice %arg5[%dma_start3A_428, %dma_start3A_429] : memref<272x129xf32, #tpu.memory_space<vmem>> -> memref<128x128xf32, #tpu.memory_space<vmem>>
        %dma_start3A_431 = arith.constant 0 : i32
        %dma_start3A_432 = arith.constant 0 : i32
        %dma_start3A_433 = tpu.memref_slice %arg2[%while3A_190, %dma_start3A_431, %dma_start3A_432] : memref<2x262144x128xf32, #tpu.memory_space<hbm>> -> memref<1x262144x128xf32, #tpu.memory_space<hbm>>
        %dma_start3A_434 = tpu.memref_squeeze %dma_start3A_433 : memref<1x262144x128xf32, #tpu.memory_space<hbm>> -> memref<262144x128xf32, #tpu.memory_space<hbm>>
        %dma_start3A_435 = arith.constant 0 : i32
        %dma_start3A_436 = tpu.memref_slice %dma_start3A_434[%mul3A_418, %dma_start3A_435] : memref<262144x128xf32, #tpu.memory_space<hbm>> -> memref<128x128xf32, #tpu.memory_space<hbm>>
        tpu.enqueue_dma source(%dma_start3A_436 : memref<128x128xf32, #tpu.memory_space<hbm>>) target(%dma_start3A_430 : memref<128x128xf32, #tpu.memory_space<vmem>>) target_semaphore(%arg8 : memref<!tpu.dma_semaphore, #tpu.memory_space<semaphore_mem>>)
        %dma_start3A_437 = arith.constant 136 : i32
        %dma_start3A_438 = arith.constant 0 : i32
        %dma_start3A_439 = tpu.memref_slice %arg5[%dma_start3A_437, %dma_start3A_438] : memref<272x129xf32, #tpu.memory_space<vmem>> -> memref<128x128xf32, #tpu.memory_space<vmem>>
        %dma_start3A_440 = arith.constant 0 : i32
        %dma_start3A_441 = arith.constant 0 : i32
        %dma_start3A_442 = tpu.memref_slice %arg2[%while3A_191, %dma_start3A_440, %dma_start3A_441] : memref<2x262144x128xf32, #tpu.memory_space<hbm>> -> memref<1x262144x128xf32, #tpu.memory_space<hbm>>
        %dma_start3A_443 = tpu.memref_squeeze %dma_start3A_442 : memref<1x262144x128xf32, #tpu.memory_space<hbm>> -> memref<262144x128xf32, #tpu.memory_space<hbm>>
        %dma_start3A_444 = arith.constant 0 : i32
        %dma_start3A_445 = tpu.memref_slice %dma_start3A_443[%mul3A_418, %dma_start3A_444] : memref<262144x128xf32, #tpu.memory_space<hbm>> -> memref<128x128xf32, #tpu.memory_space<hbm>>
        %dma_start3A_446 = arith.constant 136 : i32
        %dma_start3A_447 = arith.constant 0 : i32
        %dma_start3A_448 = tpu.memref_slice %arg5[%dma_start3A_446, %dma_start3A_447] : memref<272x129xf32, #tpu.memory_space<vmem>> -> memref<128x128xf32, #tpu.memory_space<vmem>>
        %dma_start3A_449 = arith.constant 0 : i32
        %dma_start3A_450 = arith.constant 0 : i32
        %dma_start3A_451 = tpu.memref_slice %arg2[%while3A_191, %dma_start3A_449, %dma_start3A_450] : memref<2x262144x128xf32, #tpu.memory_space<hbm>> -> memref<1x262144x128xf32, #tpu.memory_space<hbm>>
        %dma_start3A_452 = tpu.memref_squeeze %dma_start3A_451 : memref<1x262144x128xf32, #tpu.memory_space<hbm>> -> memref<262144x128xf32, #tpu.memory_space<hbm>>
        %dma_start3A_453 = arith.constant 0 : i32
        %dma_start3A_454 = tpu.memref_slice %dma_start3A_452[%mul3A_418, %dma_start3A_453] : memref<262144x128xf32, #tpu.memory_space<hbm>> -> memref<128x128xf32, #tpu.memory_space<hbm>>
        tpu.enqueue_dma source(%dma_start3A_454 : memref<128x128xf32, #tpu.memory_space<hbm>>) target(%dma_start3A_448 : memref<128x128xf32, #tpu.memory_space<vmem>>) target_semaphore(%arg8 : memref<!tpu.dma_semaphore, #tpu.memory_space<semaphore_mem>>)
      } else {
      }
      %mul3A_353 = arith.constant 131072 : i32
      %mul3A_354 = arith.muli %add3A, %mul3A_353 : i32
      %mul3A_355 = arith.constant 2048 : i32
      %mul3A_356 = arith.muli %add3A_296, %mul3A_355 : i32
      %add3A_357 = arith.addi %mul3A_354, %mul3A_356 : i32
      %mul3A_358 = arith.constant 16 : i32
      %mul3A_359 = arith.muli %add3A_357, %mul3A_358 : i32
      %jit3A_360 = arith.constant 128 : i64
      %convert_element_type3A_361 = arith.trunci %jit3A_360 : i64 to i32
      %div3A_362 = arith.divsi %mul3A_359, %convert_element_type3A_361 : i32
      %sign3A_363 = arith.constant 0 : i32
      %sign3A_364 = arith.cmpi sgt, %mul3A_359, %sign3A_363 : i32
      %sign3A_365 = arith.extui %sign3A_364 : i1 to i32
      %sign3A_366 = arith.constant 0 : i32
      %sign3A_367 = arith.cmpi slt, %mul3A_359, %sign3A_366 : i32
      %sign3A_368 = arith.extui %sign3A_367 : i1 to i32
      %sign3A_369 = arith.subi %sign3A_365, %sign3A_368 : i32
      %sign3A_370 = arith.constant 0 : i32
      %sign3A_371 = arith.cmpi sgt, %convert_element_type3A_361, %sign3A_370 : i32
      %sign3A_372 = arith.extui %sign3A_371 : i1 to i32
      %sign3A_373 = arith.constant 0 : i32
      %sign3A_374 = arith.cmpi slt, %convert_element_type3A_361, %sign3A_373 : i32
      %sign3A_375 = arith.extui %sign3A_374 : i1 to i32
      %sign3A_376 = arith.subi %sign3A_372, %sign3A_375 : i32
      %ne3A_377 = arith.cmpi ne, %sign3A_369, %sign3A_376 : i32
      %rem3A_378 = arith.remsi %mul3A_359, %convert_element_type3A_361 : i32
      %ne3A_379 = arith.constant 0 : i32
      %ne3A_380 = arith.cmpi ne, %rem3A_378, %ne3A_379 : i32
      %and3A_381 = arith.andi %ne3A_377, %ne3A_380 : i1
      %sub3A_382 = arith.constant 1 : i32
      %sub3A_383 = arith.subi %div3A_362, %sub3A_382 : i32
      %select_n3A_384 = arith.select %and3A_381, %sub3A_383, %div3A_362 : i32
      "tpu.region"() ({
        %run_scoped3A = tpu.sem_alloc : memref<!tpu.dma_semaphore, #tpu.memory_space<semaphore_mem>>
        %dma_start3A_385 = arith.constant 0 : i32
        %dma_start3A_386 = tpu.memref_slice %arg3[%select_n3A_384, %dma_start3A_385] : memref<524288x128xf32, #tpu.memory_space<hbm>> -> memref<256x128xf32, #tpu.memory_space<hbm>>
        %dma_start3A_387 = arith.constant 0 : i32
        %dma_start3A_388 = tpu.memref_slice %arg3[%select_n3A_384, %dma_start3A_387] : memref<524288x128xf32, #tpu.memory_space<hbm>> -> memref<256x128xf32, #tpu.memory_space<hbm>>
        tpu.enqueue_dma source(%arg6 : memref<256x128xf32, #tpu.memory_space<vmem>>) target(%dma_start3A_388 : memref<256x128xf32, #tpu.memory_space<hbm>>) target_semaphore(%run_scoped3A : memref<!tpu.dma_semaphore, #tpu.memory_space<semaphore_mem>>)
        %dma_wait3A_389 = arith.constant 0 : i32
        %dma_wait3A_390 = tpu.memref_slice %arg3[%select_n3A_384, %dma_wait3A_389] : memref<524288x128xf32, #tpu.memory_space<hbm>> -> memref<256x128xf32, #tpu.memory_space<hbm>>
        %dma_wait3A_391 = arith.constant 0 : i32
        %dma_wait3A_392 = tpu.memref_slice %arg3[%select_n3A_384, %dma_wait3A_391] : memref<524288x128xf32, #tpu.memory_space<hbm>> -> memref<256x128xf32, #tpu.memory_space<hbm>>
        tpu.wait_dma2 semaphore(%run_scoped3A : memref<!tpu.dma_semaphore, #tpu.memory_space<semaphore_mem>>) src(%arg6 : memref<256x128xf32, #tpu.memory_space<vmem>>) dst(%dma_wait3A_392 : memref<256x128xf32, #tpu.memory_space<hbm>>)
        tpu.yield
      }) : () -> ()
    }
    %while3A_201 = arith.constant 1 : i32
    scf.for %while3A_202 = %while3A_199 to %while3A_195 step %while3A_201  : i32 {
      %mul3A_203 = arith.constant 2 : i32
      %mul3A_204 = arith.muli %mul3A_203, %while3A_202 : i32
      %add3A_205 = arith.constant 0 : i32
      %add3A_206 = arith.addi %mul3A_204, %add3A_205 : i32
      %dma_wait3A = arith.constant 0 : i32
      %dma_wait3A_207 = arith.constant 0 : i32
      %dma_wait3A_208 = tpu.memref_slice %arg4[%dma_wait3A, %dma_wait3A_207] : memref<272x129xf32, #tpu.memory_space<vmem>> -> memref<128x128xf32, #tpu.memory_space<vmem>>
      %dma_wait3A_209 = arith.constant 0 : i32
      %dma_wait3A_210 = arith.constant 0 : i32
      %dma_wait3A_211 = tpu.memref_slice %arg2[%while3A_190, %dma_wait3A_209, %dma_wait3A_210] : memref<2x262144x128xf32, #tpu.memory_space<hbm>> -> memref<1x262144x128xf32, #tpu.memory_space<hbm>>
      %dma_wait3A_212 = tpu.memref_squeeze %dma_wait3A_211 : memref<1x262144x128xf32, #tpu.memory_space<hbm>> -> memref<262144x128xf32, #tpu.memory_space<hbm>>
      %dma_wait3A_213 = arith.constant 0 : i32
      %dma_wait3A_214 = arith.constant 0 : i32
      %dma_wait3A_215 = tpu.memref_slice %dma_wait3A_212[%dma_wait3A_213, %dma_wait3A_214] : memref<262144x128xf32, #tpu.memory_space<hbm>> -> memref<128x128xf32, #tpu.memory_space<hbm>>
      %dma_wait3A_216 = arith.constant 0 : i32
      %dma_wait3A_217 = arith.constant 0 : i32
      %dma_wait3A_218 = tpu.memref_slice %arg4[%dma_wait3A_216, %dma_wait3A_217] : memref<272x129xf32, #tpu.memory_space<vmem>> -> memref<128x128xf32, #tpu.memory_space<vmem>>
      %dma_wait3A_219 = arith.constant 0 : i32
      %dma_wait3A_220 = arith.constant 0 : i32
      %dma_wait3A_221 = tpu.memref_slice %arg2[%while3A_190, %dma_wait3A_219, %dma_wait3A_220] : memref<2x262144x128xf32, #tpu.memory_space<hbm>> -> memref<1x262144x128xf32, #tpu.memory_space<hbm>>
      %dma_wait3A_222 = tpu.memref_squeeze %dma_wait3A_221 : memref<1x262144x128xf32, #tpu.memory_space<hbm>> -> memref<262144x128xf32, #tpu.memory_space<hbm>>
      %dma_wait3A_223 = arith.constant 0 : i32
      %dma_wait3A_224 = arith.constant 0 : i32
      %dma_wait3A_225 = tpu.memref_slice %dma_wait3A_222[%dma_wait3A_223, %dma_wait3A_224] : memref<262144x128xf32, #tpu.memory_space<hbm>> -> memref<128x128xf32, #tpu.memory_space<hbm>>
      tpu.wait_dma2 semaphore(%arg7 : memref<!tpu.dma_semaphore, #tpu.memory_space<semaphore_mem>>) src(%dma_wait3A_225 : memref<128x128xf32, #tpu.memory_space<hbm>>) dst(%dma_wait3A_218 : memref<128x128xf32, #tpu.memory_space<vmem>>)
      %dma_wait3A_226 = arith.constant 136 : i32
      %dma_wait3A_227 = arith.constant 0 : i32
      %dma_wait3A_228 = tpu.memref_slice %arg4[%dma_wait3A_226, %dma_wait3A_227] : memref<272x129xf32, #tpu.memory_space<vmem>> -> memref<128x128xf32, #tpu.memory_space<vmem>>
      %dma_wait3A_229 = arith.constant 0 : i32
      %dma_wait3A_230 = arith.constant 0 : i32
      %dma_wait3A_231 = tpu.memref_slice %arg2[%while3A_190, %dma_wait3A_229, %dma_wait3A_230] : memref<2x262144x128xf32, #tpu.memory_space<hbm>> -> memref<1x262144x128xf32, #tpu.memory_space<hbm>>
      %dma_wait3A_232 = tpu.memref_squeeze %dma_wait3A_231 : memref<1x262144x128xf32, #tpu.memory_space<hbm>> -> memref<262144x128xf32, #tpu.memory_space<hbm>>
      %dma_wait3A_233 = arith.constant 0 : i32
      %dma_wait3A_234 = arith.constant 0 : i32
      %dma_wait3A_235 = tpu.memref_slice %dma_wait3A_232[%dma_wait3A_233, %dma_wait3A_234] : memref<262144x128xf32, #tpu.memory_space<hbm>> -> memref<128x128xf32, #tpu.memory_space<hbm>>
      %dma_wait3A_236 = arith.constant 136 : i32
      %dma_wait3A_237 = arith.constant 0 : i32
      %dma_wait3A_238 = tpu.memref_slice %arg4[%dma_wait3A_236, %dma_wait3A_237] : memref<272x129xf32, #tpu.memory_space<vmem>> -> memref<128x128xf32, #tpu.memory_space<vmem>>
      %dma_wait3A_239 = arith.constant 0 : i32
      %dma_wait3A_240 = arith.constant 0 : i32
      %dma_wait3A_241 = tpu.memref_slice %arg2[%while3A_190, %dma_wait3A_239, %dma_wait3A_240] : memref<2x262144x128xf32, #tpu.memory_space<hbm>> -> memref<1x262144x128xf32, #tpu.memory_space<hbm>>
      %dma_wait3A_242 = tpu.memref_squeeze %dma_wait3A_241 : memref<1x262144x128xf32, #tpu.memory_space<hbm>> -> memref<262144x128xf32, #tpu.memory_space<hbm>>
      %dma_wait3A_243 = arith.constant 0 : i32
      %dma_wait3A_244 = arith.constant 0 : i32
      %dma_wait3A_245 = tpu.memref_slice %dma_wait3A_242[%dma_wait3A_243, %dma_wait3A_244] : memref<262144x128xf32, #tpu.memory_space<hbm>> -> memref<128x128xf32, #tpu.memory_space<hbm>>
      tpu.wait_dma2 semaphore(%arg7 : memref<!tpu.dma_semaphore, #tpu.memory_space<semaphore_mem>>) src(%dma_wait3A_245 : memref<128x128xf32, #tpu.memory_space<hbm>>) dst(%dma_wait3A_238 : memref<128x128xf32, #tpu.memory_space<vmem>>)
      %while3A_246 = arith.constant 0 : i64
      %while3A_247 = arith.constant 0 : i32
      %while3A_248 = arith.constant 128 : i32
      %while3A_249 = arith.subi %while3A_248, %while3A_247 : i32
      %while3A_250 = arith.addi %while3A_247, %while3A_249 : i32
      %while3A_251 = arith.constant 1 : i32
      %while3A_252 = arith.divsi %while3A_249, %while3A_251 : i32
      %while3A_253 = arith.muli %while3A_252, %while3A_251 : i32
      %while3A_254 = arith.addi %while3A_247, %while3A_253 : i32
      %while3A_255 = arith.constant 1 : i32
      scf.for %while3A_385 = %while3A_247 to %while3A_254 step %while3A_255  : i32 {
        %jit3A_386 = arith.constant 8 : i64
        %convert_element_type3A_387 = arith.trunci %jit3A_386 : i64 to i32
        %div3A_388 = arith.divsi %while3A_385, %convert_element_type3A_387 : i32
        %sign3A_389 = arith.constant 0 : i32
        %sign3A_390 = arith.cmpi sgt, %while3A_385, %sign3A_389 : i32
        %sign3A_391 = arith.extui %sign3A_390 : i1 to i32
        %sign3A_392 = arith.constant 0 : i32
        %sign3A_393 = arith.cmpi slt, %while3A_385, %sign3A_392 : i32
        %sign3A_394 = arith.extui %sign3A_393 : i1 to i32
        %sign3A_395 = arith.subi %sign3A_391, %sign3A_394 : i32
        %sign3A_396 = arith.constant 0 : i32
        %sign3A_397 = arith.cmpi sgt, %convert_element_type3A_387, %sign3A_396 : i32
        %sign3A_398 = arith.extui %sign3A_397 : i1 to i32
        %sign3A_399 = arith.constant 0 : i32
        %sign3A_400 = arith.cmpi slt, %convert_element_type3A_387, %sign3A_399 : i32
        %sign3A_401 = arith.extui %sign3A_400 : i1 to i32
        %sign3A_402 = arith.subi %sign3A_398, %sign3A_401 : i32
        %ne3A_403 = arith.cmpi ne, %sign3A_395, %sign3A_402 : i32
        %rem3A_404 = arith.remsi %while3A_385, %convert_element_type3A_387 : i32
        %ne3A_405 = arith.constant 0 : i32
        %ne3A_406 = arith.cmpi ne, %rem3A_404, %ne3A_405 : i32
        %and3A_407 = arith.andi %ne3A_403, %ne3A_406 : i1
        %sub3A_408 = arith.constant 1 : i32
        %sub3A_409 = arith.subi %div3A_388, %sub3A_408 : i32
        %select_n3A_410 = arith.select %and3A_407, %sub3A_409, %div3A_388 : i32
        %mul3A_411 = arith.constant 8 : i32
        %mul3A_412 = arith.muli %select_n3A_410, %mul3A_411 : i32
        %add3A_413 = vector.broadcast %mul3A_412 : i32 to vector<16xi32>
        %add3A_414 = arith.addi %add3A_48, %add3A_413 : vector<16xi32>
        %jit3A_415 = arith.constant 8 : i64
        %convert_element_type3A_416 = arith.trunci %jit3A_415 : i64 to i32
        %eq3A_417 = arith.constant 0 : i32
        %eq3A_418 = arith.cmpi eq, %convert_element_type3A_416, %eq3A_417 : i32
        %jit3A_419 = arith.constant 1 : i32
        %select_n3A_420 = arith.select %eq3A_418, %jit3A_419, %convert_element_type3A_416 : i32
        %rem3A_421 = arith.remsi %while3A_385, %select_n3A_420 : i32
        %ne3A_422 = arith.constant 0 : i32
        %ne3A_423 = arith.cmpi ne, %rem3A_421, %ne3A_422 : i32
        %lt3A_424 = arith.constant 0 : i32
        %lt3A_425 = arith.cmpi slt, %rem3A_421, %lt3A_424 : i32
        %lt3A_426 = arith.constant 0 : i32
        %lt3A_427 = arith.cmpi slt, %select_n3A_420, %lt3A_426 : i32
        %ne3A_428 = arith.xori %lt3A_425, %lt3A_427 : i1
        %and3A_429 = arith.andi %ne3A_428, %ne3A_423 : i1
        %add3A_430 = arith.addi %rem3A_421, %select_n3A_420 : i32
        %select_n3A_431 = arith.select %and3A_429, %add3A_430, %rem3A_421 : i32
        %mul3A_432 = arith.constant 16 : i32
        %mul3A_433 = arith.muli %select_n3A_431, %mul3A_432 : i32
        %add3A_434 = arith.constant 0 : i32
        %add3A_435 = arith.addi %mul3A_433, %add3A_434 : i32
        %broadcast_in_dim3A = vector.broadcast %add3A_435 : i32 to vector<16xi32>
        %gather3A = tpu.vector_load_idx %arg4[%add3A_414, %broadcast_in_dim3A] : memref<272x129xf32, #tpu.memory_space<vmem>>[vector<16xi32>, vector<16xi32>], vector<16xf32>,
        %mul3A_436 = arith.constant 2 : i32
        %mul3A_437 = arith.muli %mul3A_436, %while3A_385 : i32
        %add3A_438 = arith.constant 0 : i32
        %add3A_439 = arith.addi %mul3A_437, %add3A_438 : i32
        %swap3A = arith.index_cast %add3A_439 : i32 to index
        %swap3A_440 = arith.constant 0 : index
        %swap3A_441 = tpu.vector_load %arg6[%swap3A, %swap3A_440] {strides = array<i32>} : memref<256x128xf32, #tpu.memory_space<vmem>>, vector<16xf32>,
        tpu.vector_store %arg6[%swap3A, %swap3A_440], %gather3A {strides = array<i32>} : memref<256x128xf32, #tpu.memory_space<vmem>>, vector<16xf32>,
        %add3A_442 = arith.constant 1 : i32
        %add3A_443 = arith.addi %mul3A_433, %add3A_442 : i32
        %broadcast_in_dim3A_444 = vector.broadcast %add3A_443 : i32 to vector<16xi32>
        %gather3A_445 = tpu.vector_load_idx %arg4[%add3A_414, %broadcast_in_dim3A_444] : memref<272x129xf32, #tpu.memory_space<vmem>>[vector<16xi32>, vector<16xi32>], vector<16xf32>,
        %mul3A_446 = arith.constant 2 : i32
        %mul3A_447 = arith.muli %mul3A_446, %while3A_385 : i32
        %add3A_448 = arith.constant 0 : i32
        %add3A_449 = arith.addi %mul3A_447, %add3A_448 : i32
        %swap3A_450 = arith.index_cast %add3A_449 : i32 to index
        %swap3A_451 = arith.constant 16 : index
        %swap3A_452 = tpu.vector_load %arg6[%swap3A_450, %swap3A_451] {strides = array<i32>} : memref<256x128xf32, #tpu.memory_space<vmem>>, vector<16xf32>,
        tpu.vector_store %arg6[%swap3A_450, %swap3A_451], %gather3A_445 {strides = array<i32>} : memref<256x128xf32, #tpu.memory_space<vmem>>, vector<16xf32>,
        %add3A_453 = arith.constant 2 : i32
        %add3A_454 = arith.addi %mul3A_433, %add3A_453 : i32
        %broadcast_in_dim3A_455 = vector.broadcast %add3A_454 : i32 to vector<16xi32>
        %gather3A_456 = tpu.vector_load_idx %arg4[%add3A_414, %broadcast_in_dim3A_455] : memref<272x129xf32, #tpu.memory_space<vmem>>[vector<16xi32>, vector<16xi32>], vector<16xf32>,
        %mul3A_457 = arith.constant 2 : i32
        %mul3A_458 = arith.muli %mul3A_457, %while3A_385 : i32
        %add3A_459 = arith.constant 0 : i32
        %add3A_460 = arith.addi %mul3A_458, %add3A_459 : i32
        %swap3A_461 = arith.index_cast %add3A_460 : i32 to index
        %swap3A_462 = arith.constant 32 : index
        %swap3A_463 = tpu.vector_load %arg6[%swap3A_461, %swap3A_462] {strides = array<i32>} : memref<256x128xf32, #tpu.memory_space<vmem>>, vector<16xf32>,
        tpu.vector_store %arg6[%swap3A_461, %swap3A_462], %gather3A_456 {strides = array<i32>} : memref<256x128xf32, #tpu.memory_space<vmem>>, vector<16xf32>,
        %add3A_464 = arith.constant 3 : i32
        %add3A_465 = arith.addi %mul3A_433, %add3A_464 : i32
        %broadcast_in_dim3A_466 = vector.broadcast %add3A_465 : i32 to vector<16xi32>
        %gather3A_467 = tpu.vector_load_idx %arg4[%add3A_414, %broadcast_in_dim3A_466] : memref<272x129xf32, #tpu.memory_space<vmem>>[vector<16xi32>, vector<16xi32>], vector<16xf32>,
        %mul3A_468 = arith.constant 2 : i32
        %mul3A_469 = arith.muli %mul3A_468, %while3A_385 : i32
        %add3A_470 = arith.constant 0 : i32
        %add3A_471 = arith.addi %mul3A_469, %add3A_470 : i32
        %swap3A_472 = arith.index_cast %add3A_471 : i32 to index
        %swap3A_473 = arith.constant 48 : index
        %swap3A_474 = tpu.vector_load %arg6[%swap3A_472, %swap3A_473] {strides = array<i32>} : memref<256x128xf32, #tpu.memory_space<vmem>>, vector<16xf32>,
        tpu.vector_store %arg6[%swap3A_472, %swap3A_473], %gather3A_467 {strides = array<i32>} : memref<256x128xf32, #tpu.memory_space<vmem>>, vector<16xf32>,
        %add3A_475 = arith.constant 4 : i32
        %add3A_476 = arith.addi %mul3A_433, %add3A_475 : i32
        %broadcast_in_dim3A_477 = vector.broadcast %add3A_476 : i32 to vector<16xi32>
        %gather3A_478 = tpu.vector_load_idx %arg4[%add3A_414, %broadcast_in_dim3A_477] : memref<272x129xf32, #tpu.memory_space<vmem>>[vector<16xi32>, vector<16xi32>], vector<16xf32>,
        %mul3A_479 = arith.constant 2 : i32
        %mul3A_480 = arith.muli %mul3A_479, %while3A_385 : i32
        %add3A_481 = arith.constant 0 : i32
        %add3A_482 = arith.addi %mul3A_480, %add3A_481 : i32
        %swap3A_483 = arith.index_cast %add3A_482 : i32 to index
        %swap3A_484 = arith.constant 64 : index
        %swap3A_485 = tpu.vector_load %arg6[%swap3A_483, %swap3A_484] {strides = array<i32>} : memref<256x128xf32, #tpu.memory_space<vmem>>, vector<16xf32>,
        tpu.vector_store %arg6[%swap3A_483, %swap3A_484], %gather3A_478 {strides = array<i32>} : memref<256x128xf32, #tpu.memory_space<vmem>>, vector<16xf32>,
        %add3A_486 = arith.constant 5 : i32
        %add3A_487 = arith.addi %mul3A_433, %add3A_486 : i32
        %broadcast_in_dim3A_488 = vector.broadcast %add3A_487 : i32 to vector<16xi32>
        %gather3A_489 = tpu.vector_load_idx %arg4[%add3A_414, %broadcast_in_dim3A_488] : memref<272x129xf32, #tpu.memory_space<vmem>>[vector<16xi32>, vector<16xi32>], vector<16xf32>,
        %mul3A_490 = arith.constant 2 : i32
        %mul3A_491 = arith.muli %mul3A_490, %while3A_385 : i32
        %add3A_492 = arith.constant 0 : i32
        %add3A_493 = arith.addi %mul3A_491, %add3A_492 : i32
        %swap3A_494 = arith.index_cast %add3A_493 : i32 to index
        %swap3A_495 = arith.constant 80 : index
        %swap3A_496 = tpu.vector_load %arg6[%swap3A_494, %swap3A_495] {strides = array<i32>} : memref<256x128xf32, #tpu.memory_space<vmem>>, vector<16xf32>,
        tpu.vector_store %arg6[%swap3A_494, %swap3A_495], %gather3A_489 {strides = array<i32>} : memref<256x128xf32, #tpu.memory_space<vmem>>, vector<16xf32>,
        %add3A_497 = arith.constant 6 : i32
        %add3A_498 = arith.addi %mul3A_433, %add3A_497 : i32
        %broadcast_in_dim3A_499 = vector.broadcast %add3A_498 : i32 to vector<16xi32>
        %gather3A_500 = tpu.vector_load_idx %arg4[%add3A_414, %broadcast_in_dim3A_499] : memref<272x129xf32, #tpu.memory_space<vmem>>[vector<16xi32>, vector<16xi32>], vector<16xf32>,
        %mul3A_501 = arith.constant 2 : i32
        %mul3A_502 = arith.muli %mul3A_501, %while3A_385 : i32
        %add3A_503 = arith.constant 0 : i32
        %add3A_504 = arith.addi %mul3A_502, %add3A_503 : i32
        %swap3A_505 = arith.index_cast %add3A_504 : i32 to index
        %swap3A_506 = arith.constant 96 : index
        %swap3A_507 = tpu.vector_load %arg6[%swap3A_505, %swap3A_506] {strides = array<i32>} : memref<256x128xf32, #tpu.memory_space<vmem>>, vector<16xf32>,
        tpu.vector_store %arg6[%swap3A_505, %swap3A_506], %gather3A_500 {strides = array<i32>} : memref<256x128xf32, #tpu.memory_space<vmem>>, vector<16xf32>,
        %add3A_508 = arith.constant 7 : i32
        %add3A_509 = arith.addi %mul3A_433, %add3A_508 : i32
        %broadcast_in_dim3A_510 = vector.broadcast %add3A_509 : i32 to vector<16xi32>
        %gather3A_511 = tpu.vector_load_idx %arg4[%add3A_414, %broadcast_in_dim3A_510] : memref<272x129xf32, #tpu.memory_space<vmem>>[vector<16xi32>, vector<16xi32>], vector<16xf32>,
        %mul3A_512 = arith.constant 2 : i32
        %mul3A_513 = arith.muli %mul3A_512, %while3A_385 : i32
        %add3A_514 = arith.constant 0 : i32
        %add3A_515 = arith.addi %mul3A_513, %add3A_514 : i32
        %swap3A_516 = arith.index_cast %add3A_515 : i32 to index
        %swap3A_517 = arith.constant 112 : index
        %swap3A_518 = tpu.vector_load %arg6[%swap3A_516, %swap3A_517] {strides = array<i32>} : memref<256x128xf32, #tpu.memory_space<vmem>>, vector<16xf32>,
        tpu.vector_store %arg6[%swap3A_516, %swap3A_517], %gather3A_511 {strides = array<i32>} : memref<256x128xf32, #tpu.memory_space<vmem>>, vector<16xf32>,
        %add3A_519 = arith.constant 8 : i32
        %add3A_520 = arith.addi %mul3A_433, %add3A_519 : i32
        %broadcast_in_dim3A_521 = vector.broadcast %add3A_520 : i32 to vector<16xi32>
        %gather3A_522 = tpu.vector_load_idx %arg4[%add3A_414, %broadcast_in_dim3A_521] : memref<272x129xf32, #tpu.memory_space<vmem>>[vector<16xi32>, vector<16xi32>], vector<16xf32>,
        %mul3A_523 = arith.constant 2 : i32
        %mul3A_524 = arith.muli %mul3A_523, %while3A_385 : i32
        %add3A_525 = arith.constant 1 : i32
        %add3A_526 = arith.addi %mul3A_524, %add3A_525 : i32
        %swap3A_527 = arith.index_cast %add3A_526 : i32 to index
        %swap3A_528 = arith.constant 0 : index
        %swap3A_529 = tpu.vector_load %arg6[%swap3A_527, %swap3A_528] {strides = array<i32>} : memref<256x128xf32, #tpu.memory_space<vmem>>, vector<16xf32>,
        tpu.vector_store %arg6[%swap3A_527, %swap3A_528], %gather3A_522 {strides = array<i32>} : memref<256x128xf32, #tpu.memory_space<vmem>>, vector<16xf32>,
        %add3A_530 = arith.constant 9 : i32
        %add3A_531 = arith.addi %mul3A_433, %add3A_530 : i32
        %broadcast_in_dim3A_532 = vector.broadcast %add3A_531 : i32 to vector<16xi32>
        %gather3A_533 = tpu.vector_load_idx %arg4[%add3A_414, %broadcast_in_dim3A_532] : memref<272x129xf32, #tpu.memory_space<vmem>>[vector<16xi32>, vector<16xi32>], vector<16xf32>,
        %mul3A_534 = arith.constant 2 : i32
        %mul3A_535 = arith.muli %mul3A_534, %while3A_385 : i32
        %add3A_536 = arith.constant 1 : i32
        %add3A_537 = arith.addi %mul3A_535, %add3A_536 : i32
        %swap3A_538 = arith.index_cast %add3A_537 : i32 to index
        %swap3A_539 = arith.constant 16 : index
        %swap3A_540 = tpu.vector_load %arg6[%swap3A_538, %swap3A_539] {strides = array<i32>} : memref<256x128xf32, #tpu.memory_space<vmem>>, vector<16xf32>,
        tpu.vector_store %arg6[%swap3A_538, %swap3A_539], %gather3A_533 {strides = array<i32>} : memref<256x128xf32, #tpu.memory_space<vmem>>, vector<16xf32>,
        %add3A_541 = arith.constant 10 : i32
        %add3A_542 = arith.addi %mul3A_433, %add3A_541 : i32
        %broadcast_in_dim3A_543 = vector.broadcast %add3A_542 : i32 to vector<16xi32>
        %gather3A_544 = tpu.vector_load_idx %arg4[%add3A_414, %broadcast_in_dim3A_543] : memref<272x129xf32, #tpu.memory_space<vmem>>[vector<16xi32>, vector<16xi32>], vector<16xf32>,
        %mul3A_545 = arith.constant 2 : i32
        %mul3A_546 = arith.muli %mul3A_545, %while3A_385 : i32
        %add3A_547 = arith.constant 1 : i32
        %add3A_548 = arith.addi %mul3A_546, %add3A_547 : i32
        %swap3A_549 = arith.index_cast %add3A_548 : i32 to index
        %swap3A_550 = arith.constant 32 : index
        %swap3A_551 = tpu.vector_load %arg6[%swap3A_549, %swap3A_550] {strides = array<i32>} : memref<256x128xf32, #tpu.memory_space<vmem>>, vector<16xf32>,
        tpu.vector_store %arg6[%swap3A_549, %swap3A_550], %gather3A_544 {strides = array<i32>} : memref<256x128xf32, #tpu.memory_space<vmem>>, vector<16xf32>,
        %add3A_552 = arith.constant 11 : i32
        %add3A_553 = arith.addi %mul3A_433, %add3A_552 : i32
        %broadcast_in_dim3A_554 = vector.broadcast %add3A_553 : i32 to vector<16xi32>
        %gather3A_555 = tpu.vector_load_idx %arg4[%add3A_414, %broadcast_in_dim3A_554] : memref<272x129xf32, #tpu.memory_space<vmem>>[vector<16xi32>, vector<16xi32>], vector<16xf32>,
        %mul3A_556 = arith.constant 2 : i32
        %mul3A_557 = arith.muli %mul3A_556, %while3A_385 : i32
        %add3A_558 = arith.constant 1 : i32
        %add3A_559 = arith.addi %mul3A_557, %add3A_558 : i32
        %swap3A_560 = arith.index_cast %add3A_559 : i32 to index
        %swap3A_561 = arith.constant 48 : index
        %swap3A_562 = tpu.vector_load %arg6[%swap3A_560, %swap3A_561] {strides = array<i32>} : memref<256x128xf32, #tpu.memory_space<vmem>>, vector<16xf32>,
        tpu.vector_store %arg6[%swap3A_560, %swap3A_561], %gather3A_555 {strides = array<i32>} : memref<256x128xf32, #tpu.memory_space<vmem>>, vector<16xf32>,
        %add3A_563 = arith.constant 12 : i32
        %add3A_564 = arith.addi %mul3A_433, %add3A_563 : i32
        %broadcast_in_dim3A_565 = vector.broadcast %add3A_564 : i32 to vector<16xi32>
        %gather3A_566 = tpu.vector_load_idx %arg4[%add3A_414, %broadcast_in_dim3A_565] : memref<272x129xf32, #tpu.memory_space<vmem>>[vector<16xi32>, vector<16xi32>], vector<16xf32>,
        %mul3A_567 = arith.constant 2 : i32
        %mul3A_568 = arith.muli %mul3A_567, %while3A_385 : i32
        %add3A_569 = arith.constant 1 : i32
        %add3A_570 = arith.addi %mul3A_568, %add3A_569 : i32
        %swap3A_571 = arith.index_cast %add3A_570 : i32 to index
        %swap3A_572 = arith.constant 64 : index
        %swap3A_573 = tpu.vector_load %arg6[%swap3A_571, %swap3A_572] {strides = array<i32>} : memref<256x128xf32, #tpu.memory_space<vmem>>, vector<16xf32>,
        tpu.vector_store %arg6[%swap3A_571, %swap3A_572], %gather3A_566 {strides = array<i32>} : memref<256x128xf32, #tpu.memory_space<vmem>>, vector<16xf32>,
        %add3A_574 = arith.constant 13 : i32
        %add3A_575 = arith.addi %mul3A_433, %add3A_574 : i32
        %broadcast_in_dim3A_576 = vector.broadcast %add3A_575 : i32 to vector<16xi32>
        %gather3A_577 = tpu.vector_load_idx %arg4[%add3A_414, %broadcast_in_dim3A_576] : memref<272x129xf32, #tpu.memory_space<vmem>>[vector<16xi32>, vector<16xi32>], vector<16xf32>,
        %mul3A_578 = arith.constant 2 : i32
        %mul3A_579 = arith.muli %mul3A_578, %while3A_385 : i32
        %add3A_580 = arith.constant 1 : i32
        %add3A_581 = arith.addi %mul3A_579, %add3A_580 : i32
        %swap3A_582 = arith.index_cast %add3A_581 : i32 to index
        %swap3A_583 = arith.constant 80 : index
        %swap3A_584 = tpu.vector_load %arg6[%swap3A_582, %swap3A_583] {strides = array<i32>} : memref<256x128xf32, #tpu.memory_space<vmem>>, vector<16xf32>,
        tpu.vector_store %arg6[%swap3A_582, %swap3A_583], %gather3A_577 {strides = array<i32>} : memref<256x128xf32, #tpu.memory_space<vmem>>, vector<16xf32>,
        %add3A_585 = arith.constant 14 : i32
        %add3A_586 = arith.addi %mul3A_433, %add3A_585 : i32
        %broadcast_in_dim3A_587 = vector.broadcast %add3A_586 : i32 to vector<16xi32>
        %gather3A_588 = tpu.vector_load_idx %arg4[%add3A_414, %broadcast_in_dim3A_587] : memref<272x129xf32, #tpu.memory_space<vmem>>[vector<16xi32>, vector<16xi32>], vector<16xf32>,
        %mul3A_589 = arith.constant 2 : i32
        %mul3A_590 = arith.muli %mul3A_589, %while3A_385 : i32
        %add3A_591 = arith.constant 1 : i32
        %add3A_592 = arith.addi %mul3A_590, %add3A_591 : i32
        %swap3A_593 = arith.index_cast %add3A_592 : i32 to index
        %swap3A_594 = arith.constant 96 : index
        %swap3A_595 = tpu.vector_load %arg6[%swap3A_593, %swap3A_594] {strides = array<i32>} : memref<256x128xf32, #tpu.memory_space<vmem>>, vector<16xf32>,
        tpu.vector_store %arg6[%swap3A_593, %swap3A_594], %gather3A_588 {strides = array<i32>} : memref<256x128xf32, #tpu.memory_space<vmem>>, vector<16xf32>,
        %add3A_596 = arith.constant 15 : i32
        %add3A_597 = arith.addi %mul3A_433, %add3A_596 : i32
        %broadcast_in_dim3A_598 = vector.broadcast %add3A_597 : i32 to vector<16xi32>
        %gather3A_599 = tpu.vector_load_idx %arg4[%add3A_414, %broadcast_in_dim3A_598] : memref<272x129xf32, #tpu.memory_space<vmem>>[vector<16xi32>, vector<16xi32>], vector<16xf32>,
        %mul3A_600 = arith.constant 2 : i32
        %mul3A_601 = arith.muli %mul3A_600, %while3A_385 : i32
        %add3A_602 = arith.constant 1 : i32
        %add3A_603 = arith.addi %mul3A_601, %add3A_602 : i32
        %swap3A_604 = arith.index_cast %add3A_603 : i32 to index
        %swap3A_605 = arith.constant 112 : index
        %swap3A_606 = tpu.vector_load %arg6[%swap3A_604, %swap3A_605] {strides = array<i32>} : memref<256x128xf32, #tpu.memory_space<vmem>>, vector<16xf32>,
        tpu.vector_store %arg6[%swap3A_604, %swap3A_605], %gather3A_599 {strides = array<i32>} : memref<256x128xf32, #tpu.memory_space<vmem>>, vector<16xf32>,
      }
      %while3A_256 = arith.constant 1 : i32
      scf.for %while3A_385 = %while3A_254 to %while3A_250 step %while3A_256  : i32 {
        %jit3A_386 = arith.constant 8 : i64
        %convert_element_type3A_387 = arith.trunci %jit3A_386 : i64 to i32
        %div3A_388 = arith.divsi %while3A_385, %convert_element_type3A_387 : i32
        %sign3A_389 = arith.constant 0 : i32
        %sign3A_390 = arith.cmpi sgt, %while3A_385, %sign3A_389 : i32
        %sign3A_391 = arith.extui %sign3A_390 : i1 to i32
        %sign3A_392 = arith.constant 0 : i32
        %sign3A_393 = arith.cmpi slt, %while3A_385, %sign3A_392 : i32
        %sign3A_394 = arith.extui %sign3A_393 : i1 to i32
        %sign3A_395 = arith.subi %sign3A_391, %sign3A_394 : i32
        %sign3A_396 = arith.constant 0 : i32
        %sign3A_397 = arith.cmpi sgt, %convert_element_type3A_387, %sign3A_396 : i32
        %sign3A_398 = arith.extui %sign3A_397 : i1 to i32
        %sign3A_399 = arith.constant 0 : i32
        %sign3A_400 = arith.cmpi slt, %convert_element_type3A_387, %sign3A_399 : i32
        %sign3A_401 = arith.extui %sign3A_400 : i1 to i32
        %sign3A_402 = arith.subi %sign3A_398, %sign3A_401 : i32
        %ne3A_403 = arith.cmpi ne, %sign3A_395, %sign3A_402 : i32
        %rem3A_404 = arith.remsi %while3A_385, %convert_element_type3A_387 : i32
        %ne3A_405 = arith.constant 0 : i32
        %ne3A_406 = arith.cmpi ne, %rem3A_404, %ne3A_405 : i32
        %and3A_407 = arith.andi %ne3A_403, %ne3A_406 : i1
        %sub3A_408 = arith.constant 1 : i32
        %sub3A_409 = arith.subi %div3A_388, %sub3A_408 : i32
        %select_n3A_410 = arith.select %and3A_407, %sub3A_409, %div3A_388 : i32
        %mul3A_411 = arith.constant 8 : i32
        %mul3A_412 = arith.muli %select_n3A_410, %mul3A_411 : i32
        %add3A_413 = vector.broadcast %mul3A_412 : i32 to vector<16xi32>
        %add3A_414 = arith.addi %add3A_48, %add3A_413 : vector<16xi32>
        %jit3A_415 = arith.constant 8 : i64
        %convert_element_type3A_416 = arith.trunci %jit3A_415 : i64 to i32
        %eq3A_417 = arith.constant 0 : i32
        %eq3A_418 = arith.cmpi eq, %convert_element_type3A_416, %eq3A_417 : i32
        %jit3A_419 = arith.constant 1 : i32
        %select_n3A_420 = arith.select %eq3A_418, %jit3A_419, %convert_element_type3A_416 : i32
        %rem3A_421 = arith.remsi %while3A_385, %select_n3A_420 : i32
        %ne3A_422 = arith.constant 0 : i32
        %ne3A_423 = arith.cmpi ne, %rem3A_421, %ne3A_422 : i32
        %lt3A_424 = arith.constant 0 : i32
        %lt3A_425 = arith.cmpi slt, %rem3A_421, %lt3A_424 : i32
        %lt3A_426 = arith.constant 0 : i32
        %lt3A_427 = arith.cmpi slt, %select_n3A_420, %lt3A_426 : i32
        %ne3A_428 = arith.xori %lt3A_425, %lt3A_427 : i1
        %and3A_429 = arith.andi %ne3A_428, %ne3A_423 : i1
        %add3A_430 = arith.addi %rem3A_421, %select_n3A_420 : i32
        %select_n3A_431 = arith.select %and3A_429, %add3A_430, %rem3A_421 : i32
        %mul3A_432 = arith.constant 16 : i32
        %mul3A_433 = arith.muli %select_n3A_431, %mul3A_432 : i32
        %add3A_434 = arith.constant 0 : i32
        %add3A_435 = arith.addi %mul3A_433, %add3A_434 : i32
        %broadcast_in_dim3A = vector.broadcast %add3A_435 : i32 to vector<16xi32>
        %gather3A = tpu.vector_load_idx %arg4[%add3A_414, %broadcast_in_dim3A] : memref<272x129xf32, #tpu.memory_space<vmem>>[vector<16xi32>, vector<16xi32>], vector<16xf32>,
        %mul3A_436 = arith.constant 2 : i32
        %mul3A_437 = arith.muli %mul3A_436, %while3A_385 : i32
        %add3A_438 = arith.constant 0 : i32
        %add3A_439 = arith.addi %mul3A_437, %add3A_438 : i32
        %swap3A = arith.index_cast %add3A_439 : i32 to index
        %swap3A_440 = arith.constant 0 : index
        %swap3A_441 = tpu.vector_load %arg6[%swap3A, %swap3A_440] {strides = array<i32>} : memref<256x128xf32, #tpu.memory_space<vmem>>, vector<16xf32>,
        tpu.vector_store %arg6[%swap3A, %swap3A_440], %gather3A {strides = array<i32>} : memref<256x128xf32, #tpu.memory_space<vmem>>, vector<16xf32>,
        %add3A_442 = arith.constant 1 : i32
        %add3A_443 = arith.addi %mul3A_433, %add3A_442 : i32
        %broadcast_in_dim3A_444 = vector.broadcast %add3A_443 : i32 to vector<16xi32>
        %gather3A_445 = tpu.vector_load_idx %arg4[%add3A_414, %broadcast_in_dim3A_444] : memref<272x129xf32, #tpu.memory_space<vmem>>[vector<16xi32>, vector<16xi32>], vector<16xf32>,
        %mul3A_446 = arith.constant 2 : i32
        %mul3A_447 = arith.muli %mul3A_446, %while3A_385 : i32
        %add3A_448 = arith.constant 0 : i32
        %add3A_449 = arith.addi %mul3A_447, %add3A_448 : i32
        %swap3A_450 = arith.index_cast %add3A_449 : i32 to index
        %swap3A_451 = arith.constant 16 : index
        %swap3A_452 = tpu.vector_load %arg6[%swap3A_450, %swap3A_451] {strides = array<i32>} : memref<256x128xf32, #tpu.memory_space<vmem>>, vector<16xf32>,
        tpu.vector_store %arg6[%swap3A_450, %swap3A_451], %gather3A_445 {strides = array<i32>} : memref<256x128xf32, #tpu.memory_space<vmem>>, vector<16xf32>,
        %add3A_453 = arith.constant 2 : i32
        %add3A_454 = arith.addi %mul3A_433, %add3A_453 : i32
        %broadcast_in_dim3A_455 = vector.broadcast %add3A_454 : i32 to vector<16xi32>
        %gather3A_456 = tpu.vector_load_idx %arg4[%add3A_414, %broadcast_in_dim3A_455] : memref<272x129xf32, #tpu.memory_space<vmem>>[vector<16xi32>, vector<16xi32>], vector<16xf32>,
        %mul3A_457 = arith.constant 2 : i32
        %mul3A_458 = arith.muli %mul3A_457, %while3A_385 : i32
        %add3A_459 = arith.constant 0 : i32
        %add3A_460 = arith.addi %mul3A_458, %add3A_459 : i32
        %swap3A_461 = arith.index_cast %add3A_460 : i32 to index
        %swap3A_462 = arith.constant 32 : index
        %swap3A_463 = tpu.vector_load %arg6[%swap3A_461, %swap3A_462] {strides = array<i32>} : memref<256x128xf32, #tpu.memory_space<vmem>>, vector<16xf32>,
        tpu.vector_store %arg6[%swap3A_461, %swap3A_462], %gather3A_456 {strides = array<i32>} : memref<256x128xf32, #tpu.memory_space<vmem>>, vector<16xf32>,
        %add3A_464 = arith.constant 3 : i32
        %add3A_465 = arith.addi %mul3A_433, %add3A_464 : i32
        %broadcast_in_dim3A_466 = vector.broadcast %add3A_465 : i32 to vector<16xi32>
        %gather3A_467 = tpu.vector_load_idx %arg4[%add3A_414, %broadcast_in_dim3A_466] : memref<272x129xf32, #tpu.memory_space<vmem>>[vector<16xi32>, vector<16xi32>], vector<16xf32>,
        %mul3A_468 = arith.constant 2 : i32
        %mul3A_469 = arith.muli %mul3A_468, %while3A_385 : i32
        %add3A_470 = arith.constant 0 : i32
        %add3A_471 = arith.addi %mul3A_469, %add3A_470 : i32
        %swap3A_472 = arith.index_cast %add3A_471 : i32 to index
        %swap3A_473 = arith.constant 48 : index
        %swap3A_474 = tpu.vector_load %arg6[%swap3A_472, %swap3A_473] {strides = array<i32>} : memref<256x128xf32, #tpu.memory_space<vmem>>, vector<16xf32>,
        tpu.vector_store %arg6[%swap3A_472, %swap3A_473], %gather3A_467 {strides = array<i32>} : memref<256x128xf32, #tpu.memory_space<vmem>>, vector<16xf32>,
        %add3A_475 = arith.constant 4 : i32
        %add3A_476 = arith.addi %mul3A_433, %add3A_475 : i32
        %broadcast_in_dim3A_477 = vector.broadcast %add3A_476 : i32 to vector<16xi32>
        %gather3A_478 = tpu.vector_load_idx %arg4[%add3A_414, %broadcast_in_dim3A_477] : memref<272x129xf32, #tpu.memory_space<vmem>>[vector<16xi32>, vector<16xi32>], vector<16xf32>,
        %mul3A_479 = arith.constant 2 : i32
        %mul3A_480 = arith.muli %mul3A_479, %while3A_385 : i32
        %add3A_481 = arith.constant 0 : i32
        %add3A_482 = arith.addi %mul3A_480, %add3A_481 : i32
        %swap3A_483 = arith.index_cast %add3A_482 : i32 to index
        %swap3A_484 = arith.constant 64 : index
        %swap3A_485 = tpu.vector_load %arg6[%swap3A_483, %swap3A_484] {strides = array<i32>} : memref<256x128xf32, #tpu.memory_space<vmem>>, vector<16xf32>,
        tpu.vector_store %arg6[%swap3A_483, %swap3A_484], %gather3A_478 {strides = array<i32>} : memref<256x128xf32, #tpu.memory_space<vmem>>, vector<16xf32>,
        %add3A_486 = arith.constant 5 : i32
        %add3A_487 = arith.addi %mul3A_433, %add3A_486 : i32
        %broadcast_in_dim3A_488 = vector.broadcast %add3A_487 : i32 to vector<16xi32>
        %gather3A_489 = tpu.vector_load_idx %arg4[%add3A_414, %broadcast_in_dim3A_488] : memref<272x129xf32, #tpu.memory_space<vmem>>[vector<16xi32>, vector<16xi32>], vector<16xf32>,
        %mul3A_490 = arith.constant 2 : i32
        %mul3A_491 = arith.muli %mul3A_490, %while3A_385 : i32
        %add3A_492 = arith.constant 0 : i32
        %add3A_493 = arith.addi %mul3A_491, %add3A_492 : i32
        %swap3A_494 = arith.index_cast %add3A_493 : i32 to index
        %swap3A_495 = arith.constant 80 : index
        %swap3A_496 = tpu.vector_load %arg6[%swap3A_494, %swap3A_495] {strides = array<i32>} : memref<256x128xf32, #tpu.memory_space<vmem>>, vector<16xf32>,
        tpu.vector_store %arg6[%swap3A_494, %swap3A_495], %gather3A_489 {strides = array<i32>} : memref<256x128xf32, #tpu.memory_space<vmem>>, vector<16xf32>,
        %add3A_497 = arith.constant 6 : i32
        %add3A_498 = arith.addi %mul3A_433, %add3A_497 : i32
        %broadcast_in_dim3A_499 = vector.broadcast %add3A_498 : i32 to vector<16xi32>
        %gather3A_500 = tpu.vector_load_idx %arg4[%add3A_414, %broadcast_in_dim3A_499] : memref<272x129xf32, #tpu.memory_space<vmem>>[vector<16xi32>, vector<16xi32>], vector<16xf32>,
        %mul3A_501 = arith.constant 2 : i32
        %mul3A_502 = arith.muli %mul3A_501, %while3A_385 : i32
        %add3A_503 = arith.constant 0 : i32
        %add3A_504 = arith.addi %mul3A_502, %add3A_503 : i32
        %swap3A_505 = arith.index_cast %add3A_504 : i32 to index
        %swap3A_506 = arith.constant 96 : index
        %swap3A_507 = tpu.vector_load %arg6[%swap3A_505, %swap3A_506] {strides = array<i32>} : memref<256x128xf32, #tpu.memory_space<vmem>>, vector<16xf32>,
        tpu.vector_store %arg6[%swap3A_505, %swap3A_506], %gather3A_500 {strides = array<i32>} : memref<256x128xf32, #tpu.memory_space<vmem>>, vector<16xf32>,
        %add3A_508 = arith.constant 7 : i32
        %add3A_509 = arith.addi %mul3A_433, %add3A_508 : i32
        %broadcast_in_dim3A_510 = vector.broadcast %add3A_509 : i32 to vector<16xi32>
        %gather3A_511 = tpu.vector_load_idx %arg4[%add3A_414, %broadcast_in_dim3A_510] : memref<272x129xf32, #tpu.memory_space<vmem>>[vector<16xi32>, vector<16xi32>], vector<16xf32>,
        %mul3A_512 = arith.constant 2 : i32
        %mul3A_513 = arith.muli %mul3A_512, %while3A_385 : i32
        %add3A_514 = arith.constant 0 : i32
        %add3A_515 = arith.addi %mul3A_513, %add3A_514 : i32
        %swap3A_516 = arith.index_cast %add3A_515 : i32 to index
        %swap3A_517 = arith.constant 112 : index
        %swap3A_518 = tpu.vector_load %arg6[%swap3A_516, %swap3A_517] {strides = array<i32>} : memref<256x128xf32, #tpu.memory_space<vmem>>, vector<16xf32>,
        tpu.vector_store %arg6[%swap3A_516, %swap3A_517], %gather3A_511 {strides = array<i32>} : memref<256x128xf32, #tpu.memory_space<vmem>>, vector<16xf32>,
        %add3A_519 = arith.constant 8 : i32
        %add3A_520 = arith.addi %mul3A_433, %add3A_519 : i32
        %broadcast_in_dim3A_521 = vector.broadcast %add3A_520 : i32 to vector<16xi32>
        %gather3A_522 = tpu.vector_load_idx %arg4[%add3A_414, %broadcast_in_dim3A_521] : memref<272x129xf32, #tpu.memory_space<vmem>>[vector<16xi32>, vector<16xi32>], vector<16xf32>,
        %mul3A_523 = arith.constant 2 : i32
        %mul3A_524 = arith.muli %mul3A_523, %while3A_385 : i32
        %add3A_525 = arith.constant 1 : i32
        %add3A_526 = arith.addi %mul3A_524, %add3A_525 : i32
        %swap3A_527 = arith.index_cast %add3A_526 : i32 to index
        %swap3A_528 = arith.constant 0 : index
        %swap3A_529 = tpu.vector_load %arg6[%swap3A_527, %swap3A_528] {strides = array<i32>} : memref<256x128xf32, #tpu.memory_space<vmem>>, vector<16xf32>,
        tpu.vector_store %arg6[%swap3A_527, %swap3A_528], %gather3A_522 {strides = array<i32>} : memref<256x128xf32, #tpu.memory_space<vmem>>, vector<16xf32>,
        %add3A_530 = arith.constant 9 : i32
        %add3A_531 = arith.addi %mul3A_433, %add3A_530 : i32
        %broadcast_in_dim3A_532 = vector.broadcast %add3A_531 : i32 to vector<16xi32>
        %gather3A_533 = tpu.vector_load_idx %arg4[%add3A_414, %broadcast_in_dim3A_532] : memref<272x129xf32, #tpu.memory_space<vmem>>[vector<16xi32>, vector<16xi32>], vector<16xf32>,
        %mul3A_534 = arith.constant 2 : i32
        %mul3A_535 = arith.muli %mul3A_534, %while3A_385 : i32
        %add3A_536 = arith.constant 1 : i32
        %add3A_537 = arith.addi %mul3A_535, %add3A_536 : i32
        %swap3A_538 = arith.index_cast %add3A_537 : i32 to index
        %swap3A_539 = arith.constant 16 : index
        %swap3A_540 = tpu.vector_load %arg6[%swap3A_538, %swap3A_539] {strides = array<i32>} : memref<256x128xf32, #tpu.memory_space<vmem>>, vector<16xf32>,
        tpu.vector_store %arg6[%swap3A_538, %swap3A_539], %gather3A_533 {strides = array<i32>} : memref<256x128xf32, #tpu.memory_space<vmem>>, vector<16xf32>,
        %add3A_541 = arith.constant 10 : i32
        %add3A_542 = arith.addi %mul3A_433, %add3A_541 : i32
        %broadcast_in_dim3A_543 = vector.broadcast %add3A_542 : i32 to vector<16xi32>
        %gather3A_544 = tpu.vector_load_idx %arg4[%add3A_414, %broadcast_in_dim3A_543] : memref<272x129xf32, #tpu.memory_space<vmem>>[vector<16xi32>, vector<16xi32>], vector<16xf32>,
        %mul3A_545 = arith.constant 2 : i32
        %mul3A_546 = arith.muli %mul3A_545, %while3A_385 : i32
        %add3A_547 = arith.constant 1 : i32
        %add3A_548 = arith.addi %mul3A_546, %add3A_547 : i32
        %swap3A_549 = arith.index_cast %add3A_548 : i32 to index
        %swap3A_550 = arith.constant 32 : index
        %swap3A_551 = tpu.vector_load %arg6[%swap3A_549, %swap3A_550] {strides = array<i32>} : memref<256x128xf32, #tpu.memory_space<vmem>>, vector<16xf32>,
        tpu.vector_store %arg6[%swap3A_549, %swap3A_550], %gather3A_544 {strides = array<i32>} : memref<256x128xf32, #tpu.memory_space<vmem>>, vector<16xf32>,
        %add3A_552 = arith.constant 11 : i32
        %add3A_553 = arith.addi %mul3A_433, %add3A_552 : i32
        %broadcast_in_dim3A_554 = vector.broadcast %add3A_553 : i32 to vector<16xi32>
        %gather3A_555 = tpu.vector_load_idx %arg4[%add3A_414, %broadcast_in_dim3A_554] : memref<272x129xf32, #tpu.memory_space<vmem>>[vector<16xi32>, vector<16xi32>], vector<16xf32>,
        %mul3A_556 = arith.constant 2 : i32
        %mul3A_557 = arith.muli %mul3A_556, %while3A_385 : i32
        %add3A_558 = arith.constant 1 : i32
        %add3A_559 = arith.addi %mul3A_557, %add3A_558 : i32
        %swap3A_560 = arith.index_cast %add3A_559 : i32 to index
        %swap3A_561 = arith.constant 48 : index
        %swap3A_562 = tpu.vector_load %arg6[%swap3A_560, %swap3A_561] {strides = array<i32>} : memref<256x128xf32, #tpu.memory_space<vmem>>, vector<16xf32>,
        tpu.vector_store %arg6[%swap3A_560, %swap3A_561], %gather3A_555 {strides = array<i32>} : memref<256x128xf32, #tpu.memory_space<vmem>>, vector<16xf32>,
        %add3A_563 = arith.constant 12 : i32
        %add3A_564 = arith.addi %mul3A_433, %add3A_563 : i32
        %broadcast_in_dim3A_565 = vector.broadcast %add3A_564 : i32 to vector<16xi32>
        %gather3A_566 = tpu.vector_load_idx %arg4[%add3A_414, %broadcast_in_dim3A_565] : memref<272x129xf32, #tpu.memory_space<vmem>>[vector<16xi32>, vector<16xi32>], vector<16xf32>,
        %mul3A_567 = arith.constant 2 : i32
        %mul3A_568 = arith.muli %mul3A_567, %while3A_385 : i32
        %add3A_569 = arith.constant 1 : i32
        %add3A_570 = arith.addi %mul3A_568, %add3A_569 : i32
        %swap3A_571 = arith.index_cast %add3A_570 : i32 to index
        %swap3A_572 = arith.constant 64 : index
        %swap3A_573 = tpu.vector_load %arg6[%swap3A_571, %swap3A_572] {strides = array<i32>} : memref<256x128xf32, #tpu.memory_space<vmem>>, vector<16xf32>,
        tpu.vector_store %arg6[%swap3A_571, %swap3A_572], %gather3A_566 {strides = array<i32>} : memref<256x128xf32, #tpu.memory_space<vmem>>, vector<16xf32>,
        %add3A_574 = arith.constant 13 : i32
        %add3A_575 = arith.addi %mul3A_433, %add3A_574 : i32
        %broadcast_in_dim3A_576 = vector.broadcast %add3A_575 : i32 to vector<16xi32>
        %gather3A_577 = tpu.vector_load_idx %arg4[%add3A_414, %broadcast_in_dim3A_576] : memref<272x129xf32, #tpu.memory_space<vmem>>[vector<16xi32>, vector<16xi32>], vector<16xf32>,
        %mul3A_578 = arith.constant 2 : i32
        %mul3A_579 = arith.muli %mul3A_578, %while3A_385 : i32
        %add3A_580 = arith.constant 1 : i32
        %add3A_581 = arith.addi %mul3A_579, %add3A_580 : i32
        %swap3A_582 = arith.index_cast %add3A_581 : i32 to index
        %swap3A_583 = arith.constant 80 : index
        %swap3A_584 = tpu.vector_load %arg6[%swap3A_582, %swap3A_583] {strides = array<i32>} : memref<256x128xf32, #tpu.memory_space<vmem>>, vector<16xf32>,
        tpu.vector_store %arg6[%swap3A_582, %swap3A_583], %gather3A_577 {strides = array<i32>} : memref<256x128xf32, #tpu.memory_space<vmem>>, vector<16xf32>,
        %add3A_585 = arith.constant 14 : i32
        %add3A_586 = arith.addi %mul3A_433, %add3A_585 : i32
        %broadcast_in_dim3A_587 = vector.broadcast %add3A_586 : i32 to vector<16xi32>
        %gather3A_588 = tpu.vector_load_idx %arg4[%add3A_414, %broadcast_in_dim3A_587] : memref<272x129xf32, #tpu.memory_space<vmem>>[vector<16xi32>, vector<16xi32>], vector<16xf32>,
        %mul3A_589 = arith.constant 2 : i32
        %mul3A_590 = arith.muli %mul3A_589, %while3A_385 : i32
        %add3A_591 = arith.constant 1 : i32
        %add3A_592 = arith.addi %mul3A_590, %add3A_591 : i32
        %swap3A_593 = arith.index_cast %add3A_592 : i32 to index
        %swap3A_594 = arith.constant 96 : index
        %swap3A_595 = tpu.vector_load %arg6[%swap3A_593, %swap3A_594] {strides = array<i32>} : memref<256x128xf32, #tpu.memory_space<vmem>>, vector<16xf32>,
        tpu.vector_store %arg6[%swap3A_593, %swap3A_594], %gather3A_588 {strides = array<i32>} : memref<256x128xf32, #tpu.memory_space<vmem>>, vector<16xf32>,
        %add3A_596 = arith.constant 15 : i32
        %add3A_597 = arith.addi %mul3A_433, %add3A_596 : i32
        %broadcast_in_dim3A_598 = vector.broadcast %add3A_597 : i32 to vector<16xi32>
        %gather3A_599 = tpu.vector_load_idx %arg4[%add3A_414, %broadcast_in_dim3A_598] : memref<272x129xf32, #tpu.memory_space<vmem>>[vector<16xi32>, vector<16xi32>], vector<16xf32>,
        %mul3A_600 = arith.constant 2 : i32
        %mul3A_601 = arith.muli %mul3A_600, %while3A_385 : i32
        %add3A_602 = arith.constant 1 : i32
        %add3A_603 = arith.addi %mul3A_601, %add3A_602 : i32
        %swap3A_604 = arith.index_cast %add3A_603 : i32 to index
        %swap3A_605 = arith.constant 112 : index
        %swap3A_606 = tpu.vector_load %arg6[%swap3A_604, %swap3A_605] {strides = array<i32>} : memref<256x128xf32, #tpu.memory_space<vmem>>, vector<16xf32>,
        tpu.vector_store %arg6[%swap3A_604, %swap3A_605], %gather3A_599 {strides = array<i32>} : memref<256x128xf32, #tpu.memory_space<vmem>>, vector<16xf32>,
      }
      %lt3A_257 = arith.constant 31 : i32
      %lt3A_258 = arith.cmpi slt, %while3A_202, %lt3A_257 : i32
      %convert_element_type3A_259 = arith.extui %lt3A_258 : i1 to i32
      %cond3A = arith.constant 0 : i32
      %cond3A_260 = arith.cmpi ne, %convert_element_type3A_259, %cond3A : i32
      scf.if %cond3A_260 {
        %add3A_385 = arith.constant 2 : i32
        %add3A_386 = arith.addi %add3A_206, %add3A_385 : i32
        %mul3A_387 = arith.constant 131072 : i32
        %mul3A_388 = arith.muli %add3A, %mul3A_387 : i32
        %mul3A_389 = arith.constant 2048 : i32
        %mul3A_390 = arith.muli %add3A_386, %mul3A_389 : i32
        %add3A_391 = arith.addi %mul3A_388, %mul3A_390 : i32
        %jit3A_392 = arith.constant 128 : i64
        %convert_element_type3A_393 = arith.trunci %jit3A_392 : i64 to i32
        %div3A_394 = arith.divsi %add3A_391, %convert_element_type3A_393 : i32
        %sign3A_395 = arith.constant 0 : i32
        %sign3A_396 = arith.cmpi sgt, %add3A_391, %sign3A_395 : i32
        %sign3A_397 = arith.extui %sign3A_396 : i1 to i32
        %sign3A_398 = arith.constant 0 : i32
        %sign3A_399 = arith.cmpi slt, %add3A_391, %sign3A_398 : i32
        %sign3A_400 = arith.extui %sign3A_399 : i1 to i32
        %sign3A_401 = arith.subi %sign3A_397, %sign3A_400 : i32
        %sign3A_402 = arith.constant 0 : i32
        %sign3A_403 = arith.cmpi sgt, %convert_element_type3A_393, %sign3A_402 : i32
        %sign3A_404 = arith.extui %sign3A_403 : i1 to i32
        %sign3A_405 = arith.constant 0 : i32
        %sign3A_406 = arith.cmpi slt, %convert_element_type3A_393, %sign3A_405 : i32
        %sign3A_407 = arith.extui %sign3A_406 : i1 to i32
        %sign3A_408 = arith.subi %sign3A_404, %sign3A_407 : i32
        %ne3A_409 = arith.cmpi ne, %sign3A_401, %sign3A_408 : i32
        %rem3A_410 = arith.remsi %add3A_391, %convert_element_type3A_393 : i32
        %ne3A_411 = arith.constant 0 : i32
        %ne3A_412 = arith.cmpi ne, %rem3A_410, %ne3A_411 : i32
        %and3A_413 = arith.andi %ne3A_409, %ne3A_412 : i1
        %sub3A_414 = arith.constant 1 : i32
        %sub3A_415 = arith.subi %div3A_394, %sub3A_414 : i32
        %select_n3A_416 = arith.select %and3A_413, %sub3A_415, %div3A_394 : i32
        %mul3A_417 = arith.constant 8 : i32
        %mul3A_418 = arith.muli %select_n3A_416, %mul3A_417 : i32
        %dma_start3A_419 = arith.constant 0 : i32
        %dma_start3A_420 = arith.constant 0 : i32
        %dma_start3A_421 = tpu.memref_slice %arg4[%dma_start3A_419, %dma_start3A_420] : memref<272x129xf32, #tpu.memory_space<vmem>> -> memref<128x128xf32, #tpu.memory_space<vmem>>
        %dma_start3A_422 = arith.constant 0 : i32
        %dma_start3A_423 = arith.constant 0 : i32
        %dma_start3A_424 = tpu.memref_slice %arg2[%while3A_190, %dma_start3A_422, %dma_start3A_423] : memref<2x262144x128xf32, #tpu.memory_space<hbm>> -> memref<1x262144x128xf32, #tpu.memory_space<hbm>>
        %dma_start3A_425 = tpu.memref_squeeze %dma_start3A_424 : memref<1x262144x128xf32, #tpu.memory_space<hbm>> -> memref<262144x128xf32, #tpu.memory_space<hbm>>
        %dma_start3A_426 = arith.constant 0 : i32
        %dma_start3A_427 = tpu.memref_slice %dma_start3A_425[%mul3A_418, %dma_start3A_426] : memref<262144x128xf32, #tpu.memory_space<hbm>> -> memref<128x128xf32, #tpu.memory_space<hbm>>
        %dma_start3A_428 = arith.constant 0 : i32
        %dma_start3A_429 = arith.constant 0 : i32
        %dma_start3A_430 = tpu.memref_slice %arg4[%dma_start3A_428, %dma_start3A_429] : memref<272x129xf32, #tpu.memory_space<vmem>> -> memref<128x128xf32, #tpu.memory_space<vmem>>
        %dma_start3A_431 = arith.constant 0 : i32
        %dma_start3A_432 = arith.constant 0 : i32
        %dma_start3A_433 = tpu.memref_slice %arg2[%while3A_190, %dma_start3A_431, %dma_start3A_432] : memref<2x262144x128xf32, #tpu.memory_space<hbm>> -> memref<1x262144x128xf32, #tpu.memory_space<hbm>>
        %dma_start3A_434 = tpu.memref_squeeze %dma_start3A_433 : memref<1x262144x128xf32, #tpu.memory_space<hbm>> -> memref<262144x128xf32, #tpu.memory_space<hbm>>
        %dma_start3A_435 = arith.constant 0 : i32
        %dma_start3A_436 = tpu.memref_slice %dma_start3A_434[%mul3A_418, %dma_start3A_435] : memref<262144x128xf32, #tpu.memory_space<hbm>> -> memref<128x128xf32, #tpu.memory_space<hbm>>
        tpu.enqueue_dma source(%dma_start3A_436 : memref<128x128xf32, #tpu.memory_space<hbm>>) target(%dma_start3A_430 : memref<128x128xf32, #tpu.memory_space<vmem>>) target_semaphore(%arg7 : memref<!tpu.dma_semaphore, #tpu.memory_space<semaphore_mem>>)
        %dma_start3A_437 = arith.constant 136 : i32
        %dma_start3A_438 = arith.constant 0 : i32
        %dma_start3A_439 = tpu.memref_slice %arg4[%dma_start3A_437, %dma_start3A_438] : memref<272x129xf32, #tpu.memory_space<vmem>> -> memref<128x128xf32, #tpu.memory_space<vmem>>
        %dma_start3A_440 = arith.constant 0 : i32
        %dma_start3A_441 = arith.constant 0 : i32
        %dma_start3A_442 = tpu.memref_slice %arg2[%while3A_191, %dma_start3A_440, %dma_start3A_441] : memref<2x262144x128xf32, #tpu.memory_space<hbm>> -> memref<1x262144x128xf32, #tpu.memory_space<hbm>>
        %dma_start3A_443 = tpu.memref_squeeze %dma_start3A_442 : memref<1x262144x128xf32, #tpu.memory_space<hbm>> -> memref<262144x128xf32, #tpu.memory_space<hbm>>
        %dma_start3A_444 = arith.constant 0 : i32
        %dma_start3A_445 = tpu.memref_slice %dma_start3A_443[%mul3A_418, %dma_start3A_444] : memref<262144x128xf32, #tpu.memory_space<hbm>> -> memref<128x128xf32, #tpu.memory_space<hbm>>
        %dma_start3A_446 = arith.constant 136 : i32
        %dma_start3A_447 = arith.constant 0 : i32
        %dma_start3A_448 = tpu.memref_slice %arg4[%dma_start3A_446, %dma_start3A_447] : memref<272x129xf32, #tpu.memory_space<vmem>> -> memref<128x128xf32, #tpu.memory_space<vmem>>
        %dma_start3A_449 = arith.constant 0 : i32
        %dma_start3A_450 = arith.constant 0 : i32
        %dma_start3A_451 = tpu.memref_slice %arg2[%while3A_191, %dma_start3A_449, %dma_start3A_450] : memref<2x262144x128xf32, #tpu.memory_space<hbm>> -> memref<1x262144x128xf32, #tpu.memory_space<hbm>>
        %dma_start3A_452 = tpu.memref_squeeze %dma_start3A_451 : memref<1x262144x128xf32, #tpu.memory_space<hbm>> -> memref<262144x128xf32, #tpu.memory_space<hbm>>
        %dma_start3A_453 = arith.constant 0 : i32
        %dma_start3A_454 = tpu.memref_slice %dma_start3A_452[%mul3A_418, %dma_start3A_453] : memref<262144x128xf32, #tpu.memory_space<hbm>> -> memref<128x128xf32, #tpu.memory_space<hbm>>
        tpu.enqueue_dma source(%dma_start3A_454 : memref<128x128xf32, #tpu.memory_space<hbm>>) target(%dma_start3A_448 : memref<128x128xf32, #tpu.memory_space<vmem>>) target_semaphore(%arg7 : memref<!tpu.dma_semaphore, #tpu.memory_space<semaphore_mem>>)
      } else {
      }
      %mul3A_261 = arith.constant 131072 : i32
      %mul3A_262 = arith.muli %add3A, %mul3A_261 : i32
      %mul3A_263 = arith.constant 2048 : i32
      %mul3A_264 = arith.muli %add3A_206, %mul3A_263 : i32
      %add3A_265 = arith.addi %mul3A_262, %mul3A_264 : i32
      %mul3A_266 = arith.constant 16 : i32
      %mul3A_267 = arith.muli %add3A_265, %mul3A_266 : i32
      %jit3A_268 = arith.constant 128 : i64
      %convert_element_type3A_269 = arith.trunci %jit3A_268 : i64 to i32
      %div3A_270 = arith.divsi %mul3A_267, %convert_element_type3A_269 : i32
      %sign3A_271 = arith.constant 0 : i32
      %sign3A_272 = arith.cmpi sgt, %mul3A_267, %sign3A_271 : i32
      %sign3A_273 = arith.extui %sign3A_272 : i1 to i32
      %sign3A_274 = arith.constant 0 : i32
      %sign3A_275 = arith.cmpi slt, %mul3A_267, %sign3A_274 : i32
      %sign3A_276 = arith.extui %sign3A_275 : i1 to i32
      %sign3A_277 = arith.subi %sign3A_273, %sign3A_276 : i32
      %sign3A_278 = arith.constant 0 : i32
      %sign3A_279 = arith.cmpi sgt, %convert_element_type3A_269, %sign3A_278 : i32
      %sign3A_280 = arith.extui %sign3A_279 : i1 to i32
      %sign3A_281 = arith.constant 0 : i32
      %sign3A_282 = arith.cmpi slt, %convert_element_type3A_269, %sign3A_281 : i32
      %sign3A_283 = arith.extui %sign3A_282 : i1 to i32
      %sign3A_284 = arith.subi %sign3A_280, %sign3A_283 : i32
      %ne3A_285 = arith.cmpi ne, %sign3A_277, %sign3A_284 : i32
      %rem3A_286 = arith.remsi %mul3A_267, %convert_element_type3A_269 : i32
      %ne3A_287 = arith.constant 0 : i32
      %ne3A_288 = arith.cmpi ne, %rem3A_286, %ne3A_287 : i32
      %and3A_289 = arith.andi %ne3A_285, %ne3A_288 : i1
      %sub3A_290 = arith.constant 1 : i32
      %sub3A_291 = arith.subi %div3A_270, %sub3A_290 : i32
      %select_n3A_292 = arith.select %and3A_289, %sub3A_291, %div3A_270 : i32
      "tpu.region"() ({
        %run_scoped3A = tpu.sem_alloc : memref<!tpu.dma_semaphore, #tpu.memory_space<semaphore_mem>>
        %dma_start3A_385 = arith.constant 0 : i32
        %dma_start3A_386 = tpu.memref_slice %arg3[%select_n3A_292, %dma_start3A_385] : memref<524288x128xf32, #tpu.memory_space<hbm>> -> memref<256x128xf32, #tpu.memory_space<hbm>>
        %dma_start3A_387 = arith.constant 0 : i32
        %dma_start3A_388 = tpu.memref_slice %arg3[%select_n3A_292, %dma_start3A_387] : memref<524288x128xf32, #tpu.memory_space<hbm>> -> memref<256x128xf32, #tpu.memory_space<hbm>>
        tpu.enqueue_dma source(%arg6 : memref<256x128xf32, #tpu.memory_space<vmem>>) target(%dma_start3A_388 : memref<256x128xf32, #tpu.memory_space<hbm>>) target_semaphore(%run_scoped3A : memref<!tpu.dma_semaphore, #tpu.memory_space<semaphore_mem>>)
        %dma_wait3A_389 = arith.constant 0 : i32
        %dma_wait3A_390 = tpu.memref_slice %arg3[%select_n3A_292, %dma_wait3A_389] : memref<524288x128xf32, #tpu.memory_space<hbm>> -> memref<256x128xf32, #tpu.memory_space<hbm>>
        %dma_wait3A_391 = arith.constant 0 : i32
        %dma_wait3A_392 = tpu.memref_slice %arg3[%select_n3A_292, %dma_wait3A_391] : memref<524288x128xf32, #tpu.memory_space<hbm>> -> memref<256x128xf32, #tpu.memory_space<hbm>>
        tpu.wait_dma2 semaphore(%run_scoped3A : memref<!tpu.dma_semaphore, #tpu.memory_space<semaphore_mem>>) src(%arg6 : memref<256x128xf32, #tpu.memory_space<vmem>>) dst(%dma_wait3A_392 : memref<256x128xf32, #tpu.memory_space<hbm>>)
        tpu.yield
      }) : () -> ()
      %mul3A_293 = arith.constant 2 : i32
      %mul3A_294 = arith.muli %mul3A_293, %while3A_202 : i32
      %add3A_295 = arith.constant 1 : i32
      %add3A_296 = arith.addi %mul3A_294, %add3A_295 : i32
      %dma_wait3A_297 = arith.constant 0 : i32
      %dma_wait3A_298 = arith.constant 0 : i32
      %dma_wait3A_299 = tpu.memref_slice %arg5[%dma_wait3A_297, %dma_wait3A_298] : memref<272x129xf32, #tpu.memory_space<vmem>> -> memref<128x128xf32, #tpu.memory_space<vmem>>
      %dma_wait3A_300 = arith.constant 0 : i32
      %dma_wait3A_301 = arith.constant 0 : i32
      %dma_wait3A_302 = tpu.memref_slice %arg2[%while3A_190, %dma_wait3A_300, %dma_wait3A_301] : memref<2x262144x128xf32, #tpu.memory_space<hbm>> -> memref<1x262144x128xf32, #tpu.memory_space<hbm>>
      %dma_wait3A_303 = tpu.memref_squeeze %dma_wait3A_302 : memref<1x262144x128xf32, #tpu.memory_space<hbm>> -> memref<262144x128xf32, #tpu.memory_space<hbm>>
      %dma_wait3A_304 = arith.constant 0 : i32
      %dma_wait3A_305 = arith.constant 0 : i32
      %dma_wait3A_306 = tpu.memref_slice %dma_wait3A_303[%dma_wait3A_304, %dma_wait3A_305] : memref<262144x128xf32, #tpu.memory_space<hbm>> -> memref<128x128xf32, #tpu.memory_space<hbm>>
      %dma_wait3A_307 = arith.constant 0 : i32
      %dma_wait3A_308 = arith.constant 0 : i32
      %dma_wait3A_309 = tpu.memref_slice %arg5[%dma_wait3A_307, %dma_wait3A_308] : memref<272x129xf32, #tpu.memory_space<vmem>> -> memref<128x128xf32, #tpu.memory_space<vmem>>
      %dma_wait3A_310 = arith.constant 0 : i32
      %dma_wait3A_311 = arith.constant 0 : i32
      %dma_wait3A_312 = tpu.memref_slice %arg2[%while3A_190, %dma_wait3A_310, %dma_wait3A_311] : memref<2x262144x128xf32, #tpu.memory_space<hbm>> -> memref<1x262144x128xf32, #tpu.memory_space<hbm>>
      %dma_wait3A_313 = tpu.memref_squeeze %dma_wait3A_312 : memref<1x262144x128xf32, #tpu.memory_space<hbm>> -> memref<262144x128xf32, #tpu.memory_space<hbm>>
      %dma_wait3A_314 = arith.constant 0 : i32
      %dma_wait3A_315 = arith.constant 0 : i32
      %dma_wait3A_316 = tpu.memref_slice %dma_wait3A_313[%dma_wait3A_314, %dma_wait3A_315] : memref<262144x128xf32, #tpu.memory_space<hbm>> -> memref<128x128xf32, #tpu.memory_space<hbm>>
      tpu.wait_dma2 semaphore(%arg8 : memref<!tpu.dma_semaphore, #tpu.memory_space<semaphore_mem>>) src(%dma_wait3A_316 : memref<128x128xf32, #tpu.memory_space<hbm>>) dst(%dma_wait3A_309 : memref<128x128xf32, #tpu.memory_space<vmem>>)
      %dma_wait3A_317 = arith.constant 136 : i32
      %dma_wait3A_318 = arith.constant 0 : i32
      %dma_wait3A_319 = tpu.memref_slice %arg5[%dma_wait3A_317, %dma_wait3A_318] : memref<272x129xf32, #tpu.memory_space<vmem>> -> memref<128x128xf32, #tpu.memory_space<vmem>>
      %dma_wait3A_320 = arith.constant 0 : i32
      %dma_wait3A_321 = arith.constant 0 : i32
      %dma_wait3A_322 = tpu.memref_slice %arg2[%while3A_190, %dma_wait3A_320, %dma_wait3A_321] : memref<2x262144x128xf32, #tpu.memory_space<hbm>> -> memref<1x262144x128xf32, #tpu.memory_space<hbm>>
      %dma_wait3A_323 = tpu.memref_squeeze %dma_wait3A_322 : memref<1x262144x128xf32, #tpu.memory_space<hbm>> -> memref<262144x128xf32, #tpu.memory_space<hbm>>
      %dma_wait3A_324 = arith.constant 0 : i32
      %dma_wait3A_325 = arith.constant 0 : i32
      %dma_wait3A_326 = tpu.memref_slice %dma_wait3A_323[%dma_wait3A_324, %dma_wait3A_325] : memref<262144x128xf32, #tpu.memory_space<hbm>> -> memref<128x128xf32, #tpu.memory_space<hbm>>
      %dma_wait3A_327 = arith.constant 136 : i32
      %dma_wait3A_328 = arith.constant 0 : i32
      %dma_wait3A_329 = tpu.memref_slice %arg5[%dma_wait3A_327, %dma_wait3A_328] : memref<272x129xf32, #tpu.memory_space<vmem>> -> memref<128x128xf32, #tpu.memory_space<vmem>>
      %dma_wait3A_330 = arith.constant 0 : i32
      %dma_wait3A_331 = arith.constant 0 : i32
      %dma_wait3A_332 = tpu.memref_slice %arg2[%while3A_190, %dma_wait3A_330, %dma_wait3A_331] : memref<2x262144x128xf32, #tpu.memory_space<hbm>> -> memref<1x262144x128xf32, #tpu.memory_space<hbm>>
      %dma_wait3A_333 = tpu.memref_squeeze %dma_wait3A_332 : memref<1x262144x128xf32, #tpu.memory_space<hbm>> -> memref<262144x128xf32, #tpu.memory_space<hbm>>
      %dma_wait3A_334 = arith.constant 0 : i32
      %dma_wait3A_335 = arith.constant 0 : i32
      %dma_wait3A_336 = tpu.memref_slice %dma_wait3A_333[%dma_wait3A_334, %dma_wait3A_335] : memref<262144x128xf32, #tpu.memory_space<hbm>> -> memref<128x128xf32, #tpu.memory_space<hbm>>
      tpu.wait_dma2 semaphore(%arg8 : memref<!tpu.dma_semaphore, #tpu.memory_space<semaphore_mem>>) src(%dma_wait3A_336 : memref<128x128xf32, #tpu.memory_space<hbm>>) dst(%dma_wait3A_329 : memref<128x128xf32, #tpu.memory_space<vmem>>)
      %while3A_337 = arith.constant 0 : i64
      %while3A_338 = arith.constant 0 : i32
      %while3A_339 = arith.constant 128 : i32
      %while3A_340 = arith.subi %while3A_339, %while3A_338 : i32
      %while3A_341 = arith.addi %while3A_338, %while3A_340 : i32
      %while3A_342 = arith.constant 1 : i32
      %while3A_343 = arith.divsi %while3A_340, %while3A_342 : i32
      %while3A_344 = arith.muli %while3A_343, %while3A_342 : i32
      %while3A_345 = arith.addi %while3A_338, %while3A_344 : i32
      %while3A_346 = arith.constant 1 : i32
      scf.for %while3A_385 = %while3A_338 to %while3A_345 step %while3A_346  : i32 {
        %jit3A_386 = arith.constant 8 : i64
        %convert_element_type3A_387 = arith.trunci %jit3A_386 : i64 to i32
        %div3A_388 = arith.divsi %while3A_385, %convert_element_type3A_387 : i32
        %sign3A_389 = arith.constant 0 : i32
        %sign3A_390 = arith.cmpi sgt, %while3A_385, %sign3A_389 : i32
        %sign3A_391 = arith.extui %sign3A_390 : i1 to i32
        %sign3A_392 = arith.constant 0 : i32
        %sign3A_393 = arith.cmpi slt, %while3A_385, %sign3A_392 : i32
        %sign3A_394 = arith.extui %sign3A_393 : i1 to i32
        %sign3A_395 = arith.subi %sign3A_391, %sign3A_394 : i32
        %sign3A_396 = arith.constant 0 : i32
        %sign3A_397 = arith.cmpi sgt, %convert_element_type3A_387, %sign3A_396 : i32
        %sign3A_398 = arith.extui %sign3A_397 : i1 to i32
        %sign3A_399 = arith.constant 0 : i32
        %sign3A_400 = arith.cmpi slt, %convert_element_type3A_387, %sign3A_399 : i32
        %sign3A_401 = arith.extui %sign3A_400 : i1 to i32
        %sign3A_402 = arith.subi %sign3A_398, %sign3A_401 : i32
        %ne3A_403 = arith.cmpi ne, %sign3A_395, %sign3A_402 : i32
        %rem3A_404 = arith.remsi %while3A_385, %convert_element_type3A_387 : i32
        %ne3A_405 = arith.constant 0 : i32
        %ne3A_406 = arith.cmpi ne, %rem3A_404, %ne3A_405 : i32
        %and3A_407 = arith.andi %ne3A_403, %ne3A_406 : i1
        %sub3A_408 = arith.constant 1 : i32
        %sub3A_409 = arith.subi %div3A_388, %sub3A_408 : i32
        %select_n3A_410 = arith.select %and3A_407, %sub3A_409, %div3A_388 : i32
        %mul3A_411 = arith.constant 8 : i32
        %mul3A_412 = arith.muli %select_n3A_410, %mul3A_411 : i32
        %add3A_413 = vector.broadcast %mul3A_412 : i32 to vector<16xi32>
        %add3A_414 = arith.addi %add3A_48, %add3A_413 : vector<16xi32>
        %jit3A_415 = arith.constant 8 : i64
        %convert_element_type3A_416 = arith.trunci %jit3A_415 : i64 to i32
        %eq3A_417 = arith.constant 0 : i32
        %eq3A_418 = arith.cmpi eq, %convert_element_type3A_416, %eq3A_417 : i32
        %jit3A_419 = arith.constant 1 : i32
        %select_n3A_420 = arith.select %eq3A_418, %jit3A_419, %convert_element_type3A_416 : i32
        %rem3A_421 = arith.remsi %while3A_385, %select_n3A_420 : i32
        %ne3A_422 = arith.constant 0 : i32
        %ne3A_423 = arith.cmpi ne, %rem3A_421, %ne3A_422 : i32
        %lt3A_424 = arith.constant 0 : i32
        %lt3A_425 = arith.cmpi slt, %rem3A_421, %lt3A_424 : i32
        %lt3A_426 = arith.constant 0 : i32
        %lt3A_427 = arith.cmpi slt, %select_n3A_420, %lt3A_426 : i32
        %ne3A_428 = arith.xori %lt3A_425, %lt3A_427 : i1
        %and3A_429 = arith.andi %ne3A_428, %ne3A_423 : i1
        %add3A_430 = arith.addi %rem3A_421, %select_n3A_420 : i32
        %select_n3A_431 = arith.select %and3A_429, %add3A_430, %rem3A_421 : i32
        %mul3A_432 = arith.constant 16 : i32
        %mul3A_433 = arith.muli %select_n3A_431, %mul3A_432 : i32
        %add3A_434 = arith.constant 0 : i32
        %add3A_435 = arith.addi %mul3A_433, %add3A_434 : i32
        %broadcast_in_dim3A = vector.broadcast %add3A_435 : i32 to vector<16xi32>
        %gather3A = tpu.vector_load_idx %arg5[%add3A_414, %broadcast_in_dim3A] : memref<272x129xf32, #tpu.memory_space<vmem>>[vector<16xi32>, vector<16xi32>], vector<16xf32>,
        %mul3A_436 = arith.constant 2 : i32
        %mul3A_437 = arith.muli %mul3A_436, %while3A_385 : i32
        %add3A_438 = arith.constant 0 : i32
        %add3A_439 = arith.addi %mul3A_437, %add3A_438 : i32
        %swap3A = arith.index_cast %add3A_439 : i32 to index
        %swap3A_440 = arith.constant 0 : index
        %swap3A_441 = tpu.vector_load %arg6[%swap3A, %swap3A_440] {strides = array<i32>} : memref<256x128xf32, #tpu.memory_space<vmem>>, vector<16xf32>,
        tpu.vector_store %arg6[%swap3A, %swap3A_440], %gather3A {strides = array<i32>} : memref<256x128xf32, #tpu.memory_space<vmem>>, vector<16xf32>,
        %add3A_442 = arith.constant 1 : i32
        %add3A_443 = arith.addi %mul3A_433, %add3A_442 : i32
        %broadcast_in_dim3A_444 = vector.broadcast %add3A_443 : i32 to vector<16xi32>
        %gather3A_445 = tpu.vector_load_idx %arg5[%add3A_414, %broadcast_in_dim3A_444] : memref<272x129xf32, #tpu.memory_space<vmem>>[vector<16xi32>, vector<16xi32>], vector<16xf32>,
        %mul3A_446 = arith.constant 2 : i32
        %mul3A_447 = arith.muli %mul3A_446, %while3A_385 : i32
        %add3A_448 = arith.constant 0 : i32
        %add3A_449 = arith.addi %mul3A_447, %add3A_448 : i32
        %swap3A_450 = arith.index_cast %add3A_449 : i32 to index
        %swap3A_451 = arith.constant 16 : index
        %swap3A_452 = tpu.vector_load %arg6[%swap3A_450, %swap3A_451] {strides = array<i32>} : memref<256x128xf32, #tpu.memory_space<vmem>>, vector<16xf32>,
        tpu.vector_store %arg6[%swap3A_450, %swap3A_451], %gather3A_445 {strides = array<i32>} : memref<256x128xf32, #tpu.memory_space<vmem>>, vector<16xf32>,
        %add3A_453 = arith.constant 2 : i32
        %add3A_454 = arith.addi %mul3A_433, %add3A_453 : i32
        %broadcast_in_dim3A_455 = vector.broadcast %add3A_454 : i32 to vector<16xi32>
        %gather3A_456 = tpu.vector_load_idx %arg5[%add3A_414, %broadcast_in_dim3A_455] : memref<272x129xf32, #tpu.memory_space<vmem>>[vector<16xi32>, vector<16xi32>], vector<16xf32>,
        %mul3A_457 = arith.constant 2 : i32
        %mul3A_458 = arith.muli %mul3A_457, %while3A_385 : i32
        %add3A_459 = arith.constant 0 : i32
        %add3A_460 = arith.addi %mul3A_458, %add3A_459 : i32
        %swap3A_461 = arith.index_cast %add3A_460 : i32 to index
        %swap3A_462 = arith.constant 32 : index
        %swap3A_463 = tpu.vector_load %arg6[%swap3A_461, %swap3A_462] {strides = array<i32>} : memref<256x128xf32, #tpu.memory_space<vmem>>, vector<16xf32>,
        tpu.vector_store %arg6[%swap3A_461, %swap3A_462], %gather3A_456 {strides = array<i32>} : memref<256x128xf32, #tpu.memory_space<vmem>>, vector<16xf32>,
        %add3A_464 = arith.constant 3 : i32
        %add3A_465 = arith.addi %mul3A_433, %add3A_464 : i32
        %broadcast_in_dim3A_466 = vector.broadcast %add3A_465 : i32 to vector<16xi32>
        %gather3A_467 = tpu.vector_load_idx %arg5[%add3A_414, %broadcast_in_dim3A_466] : memref<272x129xf32, #tpu.memory_space<vmem>>[vector<16xi32>, vector<16xi32>], vector<16xf32>,
        %mul3A_468 = arith.constant 2 : i32
        %mul3A_469 = arith.muli %mul3A_468, %while3A_385 : i32
        %add3A_470 = arith.constant 0 : i32
        %add3A_471 = arith.addi %mul3A_469, %add3A_470 : i32
        %swap3A_472 = arith.index_cast %add3A_471 : i32 to index
        %swap3A_473 = arith.constant 48 : index
        %swap3A_474 = tpu.vector_load %arg6[%swap3A_472, %swap3A_473] {strides = array<i32>} : memref<256x128xf32, #tpu.memory_space<vmem>>, vector<16xf32>,
        tpu.vector_store %arg6[%swap3A_472, %swap3A_473], %gather3A_467 {strides = array<i32>} : memref<256x128xf32, #tpu.memory_space<vmem>>, vector<16xf32>,
        %add3A_475 = arith.constant 4 : i32
        %add3A_476 = arith.addi %mul3A_433, %add3A_475 : i32
        %broadcast_in_dim3A_477 = vector.broadcast %add3A_476 : i32 to vector<16xi32>
        %gather3A_478 = tpu.vector_load_idx %arg5[%add3A_414, %broadcast_in_dim3A_477] : memref<272x129xf32, #tpu.memory_space<vmem>>[vector<16xi32>, vector<16xi32>], vector<16xf32>,
        %mul3A_479 = arith.constant 2 : i32
        %mul3A_480 = arith.muli %mul3A_479, %while3A_385 : i32
        %add3A_481 = arith.constant 0 : i32
        %add3A_482 = arith.addi %mul3A_480, %add3A_481 : i32
        %swap3A_483 = arith.index_cast %add3A_482 : i32 to index
        %swap3A_484 = arith.constant 64 : index
        %swap3A_485 = tpu.vector_load %arg6[%swap3A_483, %swap3A_484] {strides = array<i32>} : memref<256x128xf32, #tpu.memory_space<vmem>>, vector<16xf32>,
        tpu.vector_store %arg6[%swap3A_483, %swap3A_484], %gather3A_478 {strides = array<i32>} : memref<256x128xf32, #tpu.memory_space<vmem>>, vector<16xf32>,
        %add3A_486 = arith.constant 5 : i32
        %add3A_487 = arith.addi %mul3A_433, %add3A_486 : i32
        %broadcast_in_dim3A_488 = vector.broadcast %add3A_487 : i32 to vector<16xi32>
        %gather3A_489 = tpu.vector_load_idx %arg5[%add3A_414, %broadcast_in_dim3A_488] : memref<272x129xf32, #tpu.memory_space<vmem>>[vector<16xi32>, vector<16xi32>], vector<16xf32>,
        %mul3A_490 = arith.constant 2 : i32
        %mul3A_491 = arith.muli %mul3A_490, %while3A_385 : i32
        %add3A_492 = arith.constant 0 : i32
        %add3A_493 = arith.addi %mul3A_491, %add3A_492 : i32
        %swap3A_494 = arith.index_cast %add3A_493 : i32 to index
        %swap3A_495 = arith.constant 80 : index
        %swap3A_496 = tpu.vector_load %arg6[%swap3A_494, %swap3A_495] {strides = array<i32>} : memref<256x128xf32, #tpu.memory_space<vmem>>, vector<16xf32>,
        tpu.vector_store %arg6[%swap3A_494, %swap3A_495], %gather3A_489 {strides = array<i32>} : memref<256x128xf32, #tpu.memory_space<vmem>>, vector<16xf32>,
        %add3A_497 = arith.constant 6 : i32
        %add3A_498 = arith.addi %mul3A_433, %add3A_497 : i32
        %broadcast_in_dim3A_499 = vector.broadcast %add3A_498 : i32 to vector<16xi32>
        %gather3A_500 = tpu.vector_load_idx %arg5[%add3A_414, %broadcast_in_dim3A_499] : memref<272x129xf32, #tpu.memory_space<vmem>>[vector<16xi32>, vector<16xi32>], vector<16xf32>,
        %mul3A_501 = arith.constant 2 : i32
        %mul3A_502 = arith.muli %mul3A_501, %while3A_385 : i32
        %add3A_503 = arith.constant 0 : i32
        %add3A_504 = arith.addi %mul3A_502, %add3A_503 : i32
        %swap3A_505 = arith.index_cast %add3A_504 : i32 to index
        %swap3A_506 = arith.constant 96 : index
        %swap3A_507 = tpu.vector_load %arg6[%swap3A_505, %swap3A_506] {strides = array<i32>} : memref<256x128xf32, #tpu.memory_space<vmem>>, vector<16xf32>,
        tpu.vector_store %arg6[%swap3A_505, %swap3A_506], %gather3A_500 {strides = array<i32>} : memref<256x128xf32, #tpu.memory_space<vmem>>, vector<16xf32>,
        %add3A_508 = arith.constant 7 : i32
        %add3A_509 = arith.addi %mul3A_433, %add3A_508 : i32
        %broadcast_in_dim3A_510 = vector.broadcast %add3A_509 : i32 to vector<16xi32>
        %gather3A_511 = tpu.vector_load_idx %arg5[%add3A_414, %broadcast_in_dim3A_510] : memref<272x129xf32, #tpu.memory_space<vmem>>[vector<16xi32>, vector<16xi32>], vector<16xf32>,
        %mul3A_512 = arith.constant 2 : i32
        %mul3A_513 = arith.muli %mul3A_512, %while3A_385 : i32
        %add3A_514 = arith.constant 0 : i32
        %add3A_515 = arith.addi %mul3A_513, %add3A_514 : i32
        %swap3A_516 = arith.index_cast %add3A_515 : i32 to index
        %swap3A_517 = arith.constant 112 : index
        %swap3A_518 = tpu.vector_load %arg6[%swap3A_516, %swap3A_517] {strides = array<i32>} : memref<256x128xf32, #tpu.memory_space<vmem>>, vector<16xf32>,
        tpu.vector_store %arg6[%swap3A_516, %swap3A_517], %gather3A_511 {strides = array<i32>} : memref<256x128xf32, #tpu.memory_space<vmem>>, vector<16xf32>,
        %add3A_519 = arith.constant 8 : i32
        %add3A_520 = arith.addi %mul3A_433, %add3A_519 : i32
        %broadcast_in_dim3A_521 = vector.broadcast %add3A_520 : i32 to vector<16xi32>
        %gather3A_522 = tpu.vector_load_idx %arg5[%add3A_414, %broadcast_in_dim3A_521] : memref<272x129xf32, #tpu.memory_space<vmem>>[vector<16xi32>, vector<16xi32>], vector<16xf32>,
        %mul3A_523 = arith.constant 2 : i32
        %mul3A_524 = arith.muli %mul3A_523, %while3A_385 : i32
        %add3A_525 = arith.constant 1 : i32
        %add3A_526 = arith.addi %mul3A_524, %add3A_525 : i32
        %swap3A_527 = arith.index_cast %add3A_526 : i32 to index
        %swap3A_528 = arith.constant 0 : index
        %swap3A_529 = tpu.vector_load %arg6[%swap3A_527, %swap3A_528] {strides = array<i32>} : memref<256x128xf32, #tpu.memory_space<vmem>>, vector<16xf32>,
        tpu.vector_store %arg6[%swap3A_527, %swap3A_528], %gather3A_522 {strides = array<i32>} : memref<256x128xf32, #tpu.memory_space<vmem>>, vector<16xf32>,
        %add3A_530 = arith.constant 9 : i32
        %add3A_531 = arith.addi %mul3A_433, %add3A_530 : i32
        %broadcast_in_dim3A_532 = vector.broadcast %add3A_531 : i32 to vector<16xi32>
        %gather3A_533 = tpu.vector_load_idx %arg5[%add3A_414, %broadcast_in_dim3A_532] : memref<272x129xf32, #tpu.memory_space<vmem>>[vector<16xi32>, vector<16xi32>], vector<16xf32>,
        %mul3A_534 = arith.constant 2 : i32
        %mul3A_535 = arith.muli %mul3A_534, %while3A_385 : i32
        %add3A_536 = arith.constant 1 : i32
        %add3A_537 = arith.addi %mul3A_535, %add3A_536 : i32
        %swap3A_538 = arith.index_cast %add3A_537 : i32 to index
        %swap3A_539 = arith.constant 16 : index
        %swap3A_540 = tpu.vector_load %arg6[%swap3A_538, %swap3A_539] {strides = array<i32>} : memref<256x128xf32, #tpu.memory_space<vmem>>, vector<16xf32>,
        tpu.vector_store %arg6[%swap3A_538, %swap3A_539], %gather3A_533 {strides = array<i32>} : memref<256x128xf32, #tpu.memory_space<vmem>>, vector<16xf32>,
        %add3A_541 = arith.constant 10 : i32
        %add3A_542 = arith.addi %mul3A_433, %add3A_541 : i32
        %broadcast_in_dim3A_543 = vector.broadcast %add3A_542 : i32 to vector<16xi32>
        %gather3A_544 = tpu.vector_load_idx %arg5[%add3A_414, %broadcast_in_dim3A_543] : memref<272x129xf32, #tpu.memory_space<vmem>>[vector<16xi32>, vector<16xi32>], vector<16xf32>,
        %mul3A_545 = arith.constant 2 : i32
        %mul3A_546 = arith.muli %mul3A_545, %while3A_385 : i32
        %add3A_547 = arith.constant 1 : i32
        %add3A_548 = arith.addi %mul3A_546, %add3A_547 : i32
        %swap3A_549 = arith.index_cast %add3A_548 : i32 to index
        %swap3A_550 = arith.constant 32 : index
        %swap3A_551 = tpu.vector_load %arg6[%swap3A_549, %swap3A_550] {strides = array<i32>} : memref<256x128xf32, #tpu.memory_space<vmem>>, vector<16xf32>,
        tpu.vector_store %arg6[%swap3A_549, %swap3A_550], %gather3A_544 {strides = array<i32>} : memref<256x128xf32, #tpu.memory_space<vmem>>, vector<16xf32>,
        %add3A_552 = arith.constant 11 : i32
        %add3A_553 = arith.addi %mul3A_433, %add3A_552 : i32
        %broadcast_in_dim3A_554 = vector.broadcast %add3A_553 : i32 to vector<16xi32>
        %gather3A_555 = tpu.vector_load_idx %arg5[%add3A_414, %broadcast_in_dim3A_554] : memref<272x129xf32, #tpu.memory_space<vmem>>[vector<16xi32>, vector<16xi32>], vector<16xf32>,
        %mul3A_556 = arith.constant 2 : i32
        %mul3A_557 = arith.muli %mul3A_556, %while3A_385 : i32
        %add3A_558 = arith.constant 1 : i32
        %add3A_559 = arith.addi %mul3A_557, %add3A_558 : i32
        %swap3A_560 = arith.index_cast %add3A_559 : i32 to index
        %swap3A_561 = arith.constant 48 : index
        %swap3A_562 = tpu.vector_load %arg6[%swap3A_560, %swap3A_561] {strides = array<i32>} : memref<256x128xf32, #tpu.memory_space<vmem>>, vector<16xf32>,
        tpu.vector_store %arg6[%swap3A_560, %swap3A_561], %gather3A_555 {strides = array<i32>} : memref<256x128xf32, #tpu.memory_space<vmem>>, vector<16xf32>,
        %add3A_563 = arith.constant 12 : i32
        %add3A_564 = arith.addi %mul3A_433, %add3A_563 : i32
        %broadcast_in_dim3A_565 = vector.broadcast %add3A_564 : i32 to vector<16xi32>
        %gather3A_566 = tpu.vector_load_idx %arg5[%add3A_414, %broadcast_in_dim3A_565] : memref<272x129xf32, #tpu.memory_space<vmem>>[vector<16xi32>, vector<16xi32>], vector<16xf32>,
        %mul3A_567 = arith.constant 2 : i32
        %mul3A_568 = arith.muli %mul3A_567, %while3A_385 : i32
        %add3A_569 = arith.constant 1 : i32
        %add3A_570 = arith.addi %mul3A_568, %add3A_569 : i32
        %swap3A_571 = arith.index_cast %add3A_570 : i32 to index
        %swap3A_572 = arith.constant 64 : index
        %swap3A_573 = tpu.vector_load %arg6[%swap3A_571, %swap3A_572] {strides = array<i32>} : memref<256x128xf32, #tpu.memory_space<vmem>>, vector<16xf32>,
        tpu.vector_store %arg6[%swap3A_571, %swap3A_572], %gather3A_566 {strides = array<i32>} : memref<256x128xf32, #tpu.memory_space<vmem>>, vector<16xf32>,
        %add3A_574 = arith.constant 13 : i32
        %add3A_575 = arith.addi %mul3A_433, %add3A_574 : i32
        %broadcast_in_dim3A_576 = vector.broadcast %add3A_575 : i32 to vector<16xi32>
        %gather3A_577 = tpu.vector_load_idx %arg5[%add3A_414, %broadcast_in_dim3A_576] : memref<272x129xf32, #tpu.memory_space<vmem>>[vector<16xi32>, vector<16xi32>], vector<16xf32>,
        %mul3A_578 = arith.constant 2 : i32
        %mul3A_579 = arith.muli %mul3A_578, %while3A_385 : i32
        %add3A_580 = arith.constant 1 : i32
        %add3A_581 = arith.addi %mul3A_579, %add3A_580 : i32
        %swap3A_582 = arith.index_cast %add3A_581 : i32 to index
        %swap3A_583 = arith.constant 80 : index
        %swap3A_584 = tpu.vector_load %arg6[%swap3A_582, %swap3A_583] {strides = array<i32>} : memref<256x128xf32, #tpu.memory_space<vmem>>, vector<16xf32>,
        tpu.vector_store %arg6[%swap3A_582, %swap3A_583], %gather3A_577 {strides = array<i32>} : memref<256x128xf32, #tpu.memory_space<vmem>>, vector<16xf32>,
        %add3A_585 = arith.constant 14 : i32
        %add3A_586 = arith.addi %mul3A_433, %add3A_585 : i32
        %broadcast_in_dim3A_587 = vector.broadcast %add3A_586 : i32 to vector<16xi32>
        %gather3A_588 = tpu.vector_load_idx %arg5[%add3A_414, %broadcast_in_dim3A_587] : memref<272x129xf32, #tpu.memory_space<vmem>>[vector<16xi32>, vector<16xi32>], vector<16xf32>,
        %mul3A_589 = arith.constant 2 : i32
        %mul3A_590 = arith.muli %mul3A_589, %while3A_385 : i32
        %add3A_591 = arith.constant 1 : i32
        %add3A_592 = arith.addi %mul3A_590, %add3A_591 : i32
        %swap3A_593 = arith.index_cast %add3A_592 : i32 to index
        %swap3A_594 = arith.constant 96 : index
        %swap3A_595 = tpu.vector_load %arg6[%swap3A_593, %swap3A_594] {strides = array<i32>} : memref<256x128xf32, #tpu.memory_space<vmem>>, vector<16xf32>,
        tpu.vector_store %arg6[%swap3A_593, %swap3A_594], %gather3A_588 {strides = array<i32>} : memref<256x128xf32, #tpu.memory_space<vmem>>, vector<16xf32>,
        %add3A_596 = arith.constant 15 : i32
        %add3A_597 = arith.addi %mul3A_433, %add3A_596 : i32
        %broadcast_in_dim3A_598 = vector.broadcast %add3A_597 : i32 to vector<16xi32>
        %gather3A_599 = tpu.vector_load_idx %arg5[%add3A_414, %broadcast_in_dim3A_598] : memref<272x129xf32, #tpu.memory_space<vmem>>[vector<16xi32>, vector<16xi32>], vector<16xf32>,
        %mul3A_600 = arith.constant 2 : i32
        %mul3A_601 = arith.muli %mul3A_600, %while3A_385 : i32
        %add3A_602 = arith.constant 1 : i32
        %add3A_603 = arith.addi %mul3A_601, %add3A_602 : i32
        %swap3A_604 = arith.index_cast %add3A_603 : i32 to index
        %swap3A_605 = arith.constant 112 : index
        %swap3A_606 = tpu.vector_load %arg6[%swap3A_604, %swap3A_605] {strides = array<i32>} : memref<256x128xf32, #tpu.memory_space<vmem>>, vector<16xf32>,
        tpu.vector_store %arg6[%swap3A_604, %swap3A_605], %gather3A_599 {strides = array<i32>} : memref<256x128xf32, #tpu.memory_space<vmem>>, vector<16xf32>,
      }
      %while3A_347 = arith.constant 1 : i32
      scf.for %while3A_385 = %while3A_345 to %while3A_341 step %while3A_347  : i32 {
        %jit3A_386 = arith.constant 8 : i64
        %convert_element_type3A_387 = arith.trunci %jit3A_386 : i64 to i32
        %div3A_388 = arith.divsi %while3A_385, %convert_element_type3A_387 : i32
        %sign3A_389 = arith.constant 0 : i32
        %sign3A_390 = arith.cmpi sgt, %while3A_385, %sign3A_389 : i32
        %sign3A_391 = arith.extui %sign3A_390 : i1 to i32
        %sign3A_392 = arith.constant 0 : i32
        %sign3A_393 = arith.cmpi slt, %while3A_385, %sign3A_392 : i32
        %sign3A_394 = arith.extui %sign3A_393 : i1 to i32
        %sign3A_395 = arith.subi %sign3A_391, %sign3A_394 : i32
        %sign3A_396 = arith.constant 0 : i32
        %sign3A_397 = arith.cmpi sgt, %convert_element_type3A_387, %sign3A_396 : i32
        %sign3A_398 = arith.extui %sign3A_397 : i1 to i32
        %sign3A_399 = arith.constant 0 : i32
        %sign3A_400 = arith.cmpi slt, %convert_element_type3A_387, %sign3A_399 : i32
        %sign3A_401 = arith.extui %sign3A_400 : i1 to i32
        %sign3A_402 = arith.subi %sign3A_398, %sign3A_401 : i32
        %ne3A_403 = arith.cmpi ne, %sign3A_395, %sign3A_402 : i32
        %rem3A_404 = arith.remsi %while3A_385, %convert_element_type3A_387 : i32
        %ne3A_405 = arith.constant 0 : i32
        %ne3A_406 = arith.cmpi ne, %rem3A_404, %ne3A_405 : i32
        %and3A_407 = arith.andi %ne3A_403, %ne3A_406 : i1
        %sub3A_408 = arith.constant 1 : i32
        %sub3A_409 = arith.subi %div3A_388, %sub3A_408 : i32
        %select_n3A_410 = arith.select %and3A_407, %sub3A_409, %div3A_388 : i32
        %mul3A_411 = arith.constant 8 : i32
        %mul3A_412 = arith.muli %select_n3A_410, %mul3A_411 : i32
        %add3A_413 = vector.broadcast %mul3A_412 : i32 to vector<16xi32>
        %add3A_414 = arith.addi %add3A_48, %add3A_413 : vector<16xi32>
        %jit3A_415 = arith.constant 8 : i64
        %convert_element_type3A_416 = arith.trunci %jit3A_415 : i64 to i32
        %eq3A_417 = arith.constant 0 : i32
        %eq3A_418 = arith.cmpi eq, %convert_element_type3A_416, %eq3A_417 : i32
        %jit3A_419 = arith.constant 1 : i32
        %select_n3A_420 = arith.select %eq3A_418, %jit3A_419, %convert_element_type3A_416 : i32
        %rem3A_421 = arith.remsi %while3A_385, %select_n3A_420 : i32
        %ne3A_422 = arith.constant 0 : i32
        %ne3A_423 = arith.cmpi ne, %rem3A_421, %ne3A_422 : i32
        %lt3A_424 = arith.constant 0 : i32
        %lt3A_425 = arith.cmpi slt, %rem3A_421, %lt3A_424 : i32
        %lt3A_426 = arith.constant 0 : i32
        %lt3A_427 = arith.cmpi slt, %select_n3A_420, %lt3A_426 : i32
        %ne3A_428 = arith.xori %lt3A_425, %lt3A_427 : i1
        %and3A_429 = arith.andi %ne3A_428, %ne3A_423 : i1
        %add3A_430 = arith.addi %rem3A_421, %select_n3A_420 : i32
        %select_n3A_431 = arith.select %and3A_429, %add3A_430, %rem3A_421 : i32
        %mul3A_432 = arith.constant 16 : i32
        %mul3A_433 = arith.muli %select_n3A_431, %mul3A_432 : i32
        %add3A_434 = arith.constant 0 : i32
        %add3A_435 = arith.addi %mul3A_433, %add3A_434 : i32
        %broadcast_in_dim3A = vector.broadcast %add3A_435 : i32 to vector<16xi32>
        %gather3A = tpu.vector_load_idx %arg5[%add3A_414, %broadcast_in_dim3A] : memref<272x129xf32, #tpu.memory_space<vmem>>[vector<16xi32>, vector<16xi32>], vector<16xf32>,
        %mul3A_436 = arith.constant 2 : i32
        %mul3A_437 = arith.muli %mul3A_436, %while3A_385 : i32
        %add3A_438 = arith.constant 0 : i32
        %add3A_439 = arith.addi %mul3A_437, %add3A_438 : i32
        %swap3A = arith.index_cast %add3A_439 : i32 to index
        %swap3A_440 = arith.constant 0 : index
        %swap3A_441 = tpu.vector_load %arg6[%swap3A, %swap3A_440] {strides = array<i32>} : memref<256x128xf32, #tpu.memory_space<vmem>>, vector<16xf32>,
        tpu.vector_store %arg6[%swap3A, %swap3A_440], %gather3A {strides = array<i32>} : memref<256x128xf32, #tpu.memory_space<vmem>>, vector<16xf32>,
        %add3A_442 = arith.constant 1 : i32
        %add3A_443 = arith.addi %mul3A_433, %add3A_442 : i32
        %broadcast_in_dim3A_444 = vector.broadcast %add3A_443 : i32 to vector<16xi32>
        %gather3A_445 = tpu.vector_load_idx %arg5[%add3A_414, %broadcast_in_dim3A_444] : memref<272x129xf32, #tpu.memory_space<vmem>>[vector<16xi32>, vector<16xi32>], vector<16xf32>,
        %mul3A_446 = arith.constant 2 : i32
        %mul3A_447 = arith.muli %mul3A_446, %while3A_385 : i32
        %add3A_448 = arith.constant 0 : i32
        %add3A_449 = arith.addi %mul3A_447, %add3A_448 : i32
        %swap3A_450 = arith.index_cast %add3A_449 : i32 to index
        %swap3A_451 = arith.constant 16 : index
        %swap3A_452 = tpu.vector_load %arg6[%swap3A_450, %swap3A_451] {strides = array<i32>} : memref<256x128xf32, #tpu.memory_space<vmem>>, vector<16xf32>,
        tpu.vector_store %arg6[%swap3A_450, %swap3A_451], %gather3A_445 {strides = array<i32>} : memref<256x128xf32, #tpu.memory_space<vmem>>, vector<16xf32>,
        %add3A_453 = arith.constant 2 : i32
        %add3A_454 = arith.addi %mul3A_433, %add3A_453 : i32
        %broadcast_in_dim3A_455 = vector.broadcast %add3A_454 : i32 to vector<16xi32>
        %gather3A_456 = tpu.vector_load_idx %arg5[%add3A_414, %broadcast_in_dim3A_455] : memref<272x129xf32, #tpu.memory_space<vmem>>[vector<16xi32>, vector<16xi32>], vector<16xf32>,
        %mul3A_457 = arith.constant 2 : i32
        %mul3A_458 = arith.muli %mul3A_457, %while3A_385 : i32
        %add3A_459 = arith.constant 0 : i32
        %add3A_460 = arith.addi %mul3A_458, %add3A_459 : i32
        %swap3A_461 = arith.index_cast %add3A_460 : i32 to index
        %swap3A_462 = arith.constant 32 : index
        %swap3A_463 = tpu.vector_load %arg6[%swap3A_461, %swap3A_462] {strides = array<i32>} : memref<256x128xf32, #tpu.memory_space<vmem>>, vector<16xf32>,
        tpu.vector_store %arg6[%swap3A_461, %swap3A_462], %gather3A_456 {strides = array<i32>} : memref<256x128xf32, #tpu.memory_space<vmem>>, vector<16xf32>,
        %add3A_464 = arith.constant 3 : i32
        %add3A_465 = arith.addi %mul3A_433, %add3A_464 : i32
        %broadcast_in_dim3A_466 = vector.broadcast %add3A_465 : i32 to vector<16xi32>
        %gather3A_467 = tpu.vector_load_idx %arg5[%add3A_414, %broadcast_in_dim3A_466] : memref<272x129xf32, #tpu.memory_space<vmem>>[vector<16xi32>, vector<16xi32>], vector<16xf32>,
        %mul3A_468 = arith.constant 2 : i32
        %mul3A_469 = arith.muli %mul3A_468, %while3A_385 : i32
        %add3A_470 = arith.constant 0 : i32
        %add3A_471 = arith.addi %mul3A_469, %add3A_470 : i32
        %swap3A_472 = arith.index_cast %add3A_471 : i32 to index
        %swap3A_473 = arith.constant 48 : index
        %swap3A_474 = tpu.vector_load %arg6[%swap3A_472, %swap3A_473] {strides = array<i32>} : memref<256x128xf32, #tpu.memory_space<vmem>>, vector<16xf32>,
        tpu.vector_store %arg6[%swap3A_472, %swap3A_473], %gather3A_467 {strides = array<i32>} : memref<256x128xf32, #tpu.memory_space<vmem>>, vector<16xf32>,
        %add3A_475 = arith.constant 4 : i32
        %add3A_476 = arith.addi %mul3A_433, %add3A_475 : i32
        %broadcast_in_dim3A_477 = vector.broadcast %add3A_476 : i32 to vector<16xi32>
        %gather3A_478 = tpu.vector_load_idx %arg5[%add3A_414, %broadcast_in_dim3A_477] : memref<272x129xf32, #tpu.memory_space<vmem>>[vector<16xi32>, vector<16xi32>], vector<16xf32>,
        %mul3A_479 = arith.constant 2 : i32
        %mul3A_480 = arith.muli %mul3A_479, %while3A_385 : i32
        %add3A_481 = arith.constant 0 : i32
        %add3A_482 = arith.addi %mul3A_480, %add3A_481 : i32
        %swap3A_483 = arith.index_cast %add3A_482 : i32 to index
        %swap3A_484 = arith.constant 64 : index
        %swap3A_485 = tpu.vector_load %arg6[%swap3A_483, %swap3A_484] {strides = array<i32>} : memref<256x128xf32, #tpu.memory_space<vmem>>, vector<16xf32>,
        tpu.vector_store %arg6[%swap3A_483, %swap3A_484], %gather3A_478 {strides = array<i32>} : memref<256x128xf32, #tpu.memory_space<vmem>>, vector<16xf32>,
        %add3A_486 = arith.constant 5 : i32
        %add3A_487 = arith.addi %mul3A_433, %add3A_486 : i32
        %broadcast_in_dim3A_488 = vector.broadcast %add3A_487 : i32 to vector<16xi32>
        %gather3A_489 = tpu.vector_load_idx %arg5[%add3A_414, %broadcast_in_dim3A_488] : memref<272x129xf32, #tpu.memory_space<vmem>>[vector<16xi32>, vector<16xi32>], vector<16xf32>,
        %mul3A_490 = arith.constant 2 : i32
        %mul3A_491 = arith.muli %mul3A_490, %while3A_385 : i32
        %add3A_492 = arith.constant 0 : i32
        %add3A_493 = arith.addi %mul3A_491, %add3A_492 : i32
        %swap3A_494 = arith.index_cast %add3A_493 : i32 to index
        %swap3A_495 = arith.constant 80 : index
        %swap3A_496 = tpu.vector_load %arg6[%swap3A_494, %swap3A_495] {strides = array<i32>} : memref<256x128xf32, #tpu.memory_space<vmem>>, vector<16xf32>,
        tpu.vector_store %arg6[%swap3A_494, %swap3A_495], %gather3A_489 {strides = array<i32>} : memref<256x128xf32, #tpu.memory_space<vmem>>, vector<16xf32>,
        %add3A_497 = arith.constant 6 : i32
        %add3A_498 = arith.addi %mul3A_433, %add3A_497 : i32
        %broadcast_in_dim3A_499 = vector.broadcast %add3A_498 : i32 to vector<16xi32>
        %gather3A_500 = tpu.vector_load_idx %arg5[%add3A_414, %broadcast_in_dim3A_499] : memref<272x129xf32, #tpu.memory_space<vmem>>[vector<16xi32>, vector<16xi32>], vector<16xf32>,
        %mul3A_501 = arith.constant 2 : i32
        %mul3A_502 = arith.muli %mul3A_501, %while3A_385 : i32
        %add3A_503 = arith.constant 0 : i32
        %add3A_504 = arith.addi %mul3A_502, %add3A_503 : i32
        %swap3A_505 = arith.index_cast %add3A_504 : i32 to index
        %swap3A_506 = arith.constant 96 : index
        %swap3A_507 = tpu.vector_load %arg6[%swap3A_505, %swap3A_506] {strides = array<i32>} : memref<256x128xf32, #tpu.memory_space<vmem>>, vector<16xf32>,
        tpu.vector_store %arg6[%swap3A_505, %swap3A_506], %gather3A_500 {strides = array<i32>} : memref<256x128xf32, #tpu.memory_space<vmem>>, vector<16xf32>,
        %add3A_508 = arith.constant 7 : i32
        %add3A_509 = arith.addi %mul3A_433, %add3A_508 : i32
        %broadcast_in_dim3A_510 = vector.broadcast %add3A_509 : i32 to vector<16xi32>
        %gather3A_511 = tpu.vector_load_idx %arg5[%add3A_414, %broadcast_in_dim3A_510] : memref<272x129xf32, #tpu.memory_space<vmem>>[vector<16xi32>, vector<16xi32>], vector<16xf32>,
        %mul3A_512 = arith.constant 2 : i32
        %mul3A_513 = arith.muli %mul3A_512, %while3A_385 : i32
        %add3A_514 = arith.constant 0 : i32
        %add3A_515 = arith.addi %mul3A_513, %add3A_514 : i32
        %swap3A_516 = arith.index_cast %add3A_515 : i32 to index
        %swap3A_517 = arith.constant 112 : index
        %swap3A_518 = tpu.vector_load %arg6[%swap3A_516, %swap3A_517] {strides = array<i32>} : memref<256x128xf32, #tpu.memory_space<vmem>>, vector<16xf32>,
        tpu.vector_store %arg6[%swap3A_516, %swap3A_517], %gather3A_511 {strides = array<i32>} : memref<256x128xf32, #tpu.memory_space<vmem>>, vector<16xf32>,
        %add3A_519 = arith.constant 8 : i32
        %add3A_520 = arith.addi %mul3A_433, %add3A_519 : i32
        %broadcast_in_dim3A_521 = vector.broadcast %add3A_520 : i32 to vector<16xi32>
        %gather3A_522 = tpu.vector_load_idx %arg5[%add3A_414, %broadcast_in_dim3A_521] : memref<272x129xf32, #tpu.memory_space<vmem>>[vector<16xi32>, vector<16xi32>], vector<16xf32>,
        %mul3A_523 = arith.constant 2 : i32
        %mul3A_524 = arith.muli %mul3A_523, %while3A_385 : i32
        %add3A_525 = arith.constant 1 : i32
        %add3A_526 = arith.addi %mul3A_524, %add3A_525 : i32
        %swap3A_527 = arith.index_cast %add3A_526 : i32 to index
        %swap3A_528 = arith.constant 0 : index
        %swap3A_529 = tpu.vector_load %arg6[%swap3A_527, %swap3A_528] {strides = array<i32>} : memref<256x128xf32, #tpu.memory_space<vmem>>, vector<16xf32>,
        tpu.vector_store %arg6[%swap3A_527, %swap3A_528], %gather3A_522 {strides = array<i32>} : memref<256x128xf32, #tpu.memory_space<vmem>>, vector<16xf32>,
        %add3A_530 = arith.constant 9 : i32
        %add3A_531 = arith.addi %mul3A_433, %add3A_530 : i32
        %broadcast_in_dim3A_532 = vector.broadcast %add3A_531 : i32 to vector<16xi32>
        %gather3A_533 = tpu.vector_load_idx %arg5[%add3A_414, %broadcast_in_dim3A_532] : memref<272x129xf32, #tpu.memory_space<vmem>>[vector<16xi32>, vector<16xi32>], vector<16xf32>,
        %mul3A_534 = arith.constant 2 : i32
        %mul3A_535 = arith.muli %mul3A_534, %while3A_385 : i32
        %add3A_536 = arith.constant 1 : i32
        %add3A_537 = arith.addi %mul3A_535, %add3A_536 : i32
        %swap3A_538 = arith.index_cast %add3A_537 : i32 to index
        %swap3A_539 = arith.constant 16 : index
        %swap3A_540 = tpu.vector_load %arg6[%swap3A_538, %swap3A_539] {strides = array<i32>} : memref<256x128xf32, #tpu.memory_space<vmem>>, vector<16xf32>,
        tpu.vector_store %arg6[%swap3A_538, %swap3A_539], %gather3A_533 {strides = array<i32>} : memref<256x128xf32, #tpu.memory_space<vmem>>, vector<16xf32>,
        %add3A_541 = arith.constant 10 : i32
        %add3A_542 = arith.addi %mul3A_433, %add3A_541 : i32
        %broadcast_in_dim3A_543 = vector.broadcast %add3A_542 : i32 to vector<16xi32>
        %gather3A_544 = tpu.vector_load_idx %arg5[%add3A_414, %broadcast_in_dim3A_543] : memref<272x129xf32, #tpu.memory_space<vmem>>[vector<16xi32>, vector<16xi32>], vector<16xf32>,
        %mul3A_545 = arith.constant 2 : i32
        %mul3A_546 = arith.muli %mul3A_545, %while3A_385 : i32
        %add3A_547 = arith.constant 1 : i32
        %add3A_548 = arith.addi %mul3A_546, %add3A_547 : i32
        %swap3A_549 = arith.index_cast %add3A_548 : i32 to index
        %swap3A_550 = arith.constant 32 : index
        %swap3A_551 = tpu.vector_load %arg6[%swap3A_549, %swap3A_550] {strides = array<i32>} : memref<256x128xf32, #tpu.memory_space<vmem>>, vector<16xf32>,
        tpu.vector_store %arg6[%swap3A_549, %swap3A_550], %gather3A_544 {strides = array<i32>} : memref<256x128xf32, #tpu.memory_space<vmem>>, vector<16xf32>,
        %add3A_552 = arith.constant 11 : i32
        %add3A_553 = arith.addi %mul3A_433, %add3A_552 : i32
        %broadcast_in_dim3A_554 = vector.broadcast %add3A_553 : i32 to vector<16xi32>
        %gather3A_555 = tpu.vector_load_idx %arg5[%add3A_414, %broadcast_in_dim3A_554] : memref<272x129xf32, #tpu.memory_space<vmem>>[vector<16xi32>, vector<16xi32>], vector<16xf32>,
        %mul3A_556 = arith.constant 2 : i32
        %mul3A_557 = arith.muli %mul3A_556, %while3A_385 : i32
        %add3A_558 = arith.constant 1 : i32
        %add3A_559 = arith.addi %mul3A_557, %add3A_558 : i32
        %swap3A_560 = arith.index_cast %add3A_559 : i32 to index
        %swap3A_561 = arith.constant 48 : index
        %swap3A_562 = tpu.vector_load %arg6[%swap3A_560, %swap3A_561] {strides = array<i32>} : memref<256x128xf32, #tpu.memory_space<vmem>>, vector<16xf32>,
        tpu.vector_store %arg6[%swap3A_560, %swap3A_561], %gather3A_555 {strides = array<i32>} : memref<256x128xf32, #tpu.memory_space<vmem>>, vector<16xf32>,
        %add3A_563 = arith.constant 12 : i32
        %add3A_564 = arith.addi %mul3A_433, %add3A_563 : i32
        %broadcast_in_dim3A_565 = vector.broadcast %add3A_564 : i32 to vector<16xi32>
        %gather3A_566 = tpu.vector_load_idx %arg5[%add3A_414, %broadcast_in_dim3A_565] : memref<272x129xf32, #tpu.memory_space<vmem>>[vector<16xi32>, vector<16xi32>], vector<16xf32>,
        %mul3A_567 = arith.constant 2 : i32
        %mul3A_568 = arith.muli %mul3A_567, %while3A_385 : i32
        %add3A_569 = arith.constant 1 : i32
        %add3A_570 = arith.addi %mul3A_568, %add3A_569 : i32
        %swap3A_571 = arith.index_cast %add3A_570 : i32 to index
        %swap3A_572 = arith.constant 64 : index
        %swap3A_573 = tpu.vector_load %arg6[%swap3A_571, %swap3A_572] {strides = array<i32>} : memref<256x128xf32, #tpu.memory_space<vmem>>, vector<16xf32>,
        tpu.vector_store %arg6[%swap3A_571, %swap3A_572], %gather3A_566 {strides = array<i32>} : memref<256x128xf32, #tpu.memory_space<vmem>>, vector<16xf32>,
        %add3A_574 = arith.constant 13 : i32
        %add3A_575 = arith.addi %mul3A_433, %add3A_574 : i32
        %broadcast_in_dim3A_576 = vector.broadcast %add3A_575 : i32 to vector<16xi32>
        %gather3A_577 = tpu.vector_load_idx %arg5[%add3A_414, %broadcast_in_dim3A_576] : memref<272x129xf32, #tpu.memory_space<vmem>>[vector<16xi32>, vector<16xi32>], vector<16xf32>,
        %mul3A_578 = arith.constant 2 : i32
        %mul3A_579 = arith.muli %mul3A_578, %while3A_385 : i32
        %add3A_580 = arith.constant 1 : i32
        %add3A_581 = arith.addi %mul3A_579, %add3A_580 : i32
        %swap3A_582 = arith.index_cast %add3A_581 : i32 to index
        %swap3A_583 = arith.constant 80 : index
        %swap3A_584 = tpu.vector_load %arg6[%swap3A_582, %swap3A_583] {strides = array<i32>} : memref<256x128xf32, #tpu.memory_space<vmem>>, vector<16xf32>,
        tpu.vector_store %arg6[%swap3A_582, %swap3A_583], %gather3A_577 {strides = array<i32>} : memref<256x128xf32, #tpu.memory_space<vmem>>, vector<16xf32>,
        %add3A_585 = arith.constant 14 : i32
        %add3A_586 = arith.addi %mul3A_433, %add3A_585 : i32
        %broadcast_in_dim3A_587 = vector.broadcast %add3A_586 : i32 to vector<16xi32>
        %gather3A_588 = tpu.vector_load_idx %arg5[%add3A_414, %broadcast_in_dim3A_587] : memref<272x129xf32, #tpu.memory_space<vmem>>[vector<16xi32>, vector<16xi32>], vector<16xf32>,
        %mul3A_589 = arith.constant 2 : i32
        %mul3A_590 = arith.muli %mul3A_589, %while3A_385 : i32
        %add3A_591 = arith.constant 1 : i32
        %add3A_592 = arith.addi %mul3A_590, %add3A_591 : i32
        %swap3A_593 = arith.index_cast %add3A_592 : i32 to index
        %swap3A_594 = arith.constant 96 : index
        %swap3A_595 = tpu.vector_load %arg6[%swap3A_593, %swap3A_594] {strides = array<i32>} : memref<256x128xf32, #tpu.memory_space<vmem>>, vector<16xf32>,
        tpu.vector_store %arg6[%swap3A_593, %swap3A_594], %gather3A_588 {strides = array<i32>} : memref<256x128xf32, #tpu.memory_space<vmem>>, vector<16xf32>,
        %add3A_596 = arith.constant 15 : i32
        %add3A_597 = arith.addi %mul3A_433, %add3A_596 : i32
        %broadcast_in_dim3A_598 = vector.broadcast %add3A_597 : i32 to vector<16xi32>
        %gather3A_599 = tpu.vector_load_idx %arg5[%add3A_414, %broadcast_in_dim3A_598] : memref<272x129xf32, #tpu.memory_space<vmem>>[vector<16xi32>, vector<16xi32>], vector<16xf32>,
        %mul3A_600 = arith.constant 2 : i32
        %mul3A_601 = arith.muli %mul3A_600, %while3A_385 : i32
        %add3A_602 = arith.constant 1 : i32
        %add3A_603 = arith.addi %mul3A_601, %add3A_602 : i32
        %swap3A_604 = arith.index_cast %add3A_603 : i32 to index
        %swap3A_605 = arith.constant 112 : index
        %swap3A_606 = tpu.vector_load %arg6[%swap3A_604, %swap3A_605] {strides = array<i32>} : memref<256x128xf32, #tpu.memory_space<vmem>>, vector<16xf32>,
        tpu.vector_store %arg6[%swap3A_604, %swap3A_605], %gather3A_599 {strides = array<i32>} : memref<256x128xf32, #tpu.memory_space<vmem>>, vector<16xf32>,
      }
      %lt3A_348 = arith.constant 31 : i32
      %lt3A_349 = arith.cmpi slt, %while3A_202, %lt3A_348 : i32
      %convert_element_type3A_350 = arith.extui %lt3A_349 : i1 to i32
      %cond3A_351 = arith.constant 0 : i32
      %cond3A_352 = arith.cmpi ne, %convert_element_type3A_350, %cond3A_351 : i32
      scf.if %cond3A_352 {
        %add3A_385 = arith.constant 2 : i32
        %add3A_386 = arith.addi %add3A_296, %add3A_385 : i32
        %mul3A_387 = arith.constant 131072 : i32
        %mul3A_388 = arith.muli %add3A, %mul3A_387 : i32
        %mul3A_389 = arith.constant 2048 : i32
        %mul3A_390 = arith.muli %add3A_386, %mul3A_389 : i32
        %add3A_391 = arith.addi %mul3A_388, %mul3A_390 : i32
        %jit3A_392 = arith.constant 128 : i64
        %convert_element_type3A_393 = arith.trunci %jit3A_392 : i64 to i32
        %div3A_394 = arith.divsi %add3A_391, %convert_element_type3A_393 : i32
        %sign3A_395 = arith.constant 0 : i32
        %sign3A_396 = arith.cmpi sgt, %add3A_391, %sign3A_395 : i32
        %sign3A_397 = arith.extui %sign3A_396 : i1 to i32
        %sign3A_398 = arith.constant 0 : i32
        %sign3A_399 = arith.cmpi slt, %add3A_391, %sign3A_398 : i32
        %sign3A_400 = arith.extui %sign3A_399 : i1 to i32
        %sign3A_401 = arith.subi %sign3A_397, %sign3A_400 : i32
        %sign3A_402 = arith.constant 0 : i32
        %sign3A_403 = arith.cmpi sgt, %convert_element_type3A_393, %sign3A_402 : i32
        %sign3A_404 = arith.extui %sign3A_403 : i1 to i32
        %sign3A_405 = arith.constant 0 : i32
        %sign3A_406 = arith.cmpi slt, %convert_element_type3A_393, %sign3A_405 : i32
        %sign3A_407 = arith.extui %sign3A_406 : i1 to i32
        %sign3A_408 = arith.subi %sign3A_404, %sign3A_407 : i32
        %ne3A_409 = arith.cmpi ne, %sign3A_401, %sign3A_408 : i32
        %rem3A_410 = arith.remsi %add3A_391, %convert_element_type3A_393 : i32
        %ne3A_411 = arith.constant 0 : i32
        %ne3A_412 = arith.cmpi ne, %rem3A_410, %ne3A_411 : i32
        %and3A_413 = arith.andi %ne3A_409, %ne3A_412 : i1
        %sub3A_414 = arith.constant 1 : i32
        %sub3A_415 = arith.subi %div3A_394, %sub3A_414 : i32
        %select_n3A_416 = arith.select %and3A_413, %sub3A_415, %div3A_394 : i32
        %mul3A_417 = arith.constant 8 : i32
        %mul3A_418 = arith.muli %select_n3A_416, %mul3A_417 : i32
        %dma_start3A_419 = arith.constant 0 : i32
        %dma_start3A_420 = arith.constant 0 : i32
        %dma_start3A_421 = tpu.memref_slice %arg5[%dma_start3A_419, %dma_start3A_420] : memref<272x129xf32, #tpu.memory_space<vmem>> -> memref<128x128xf32, #tpu.memory_space<vmem>>
        %dma_start3A_422 = arith.constant 0 : i32
        %dma_start3A_423 = arith.constant 0 : i32
        %dma_start3A_424 = tpu.memref_slice %arg2[%while3A_190, %dma_start3A_422, %dma_start3A_423] : memref<2x262144x128xf32, #tpu.memory_space<hbm>> -> memref<1x262144x128xf32, #tpu.memory_space<hbm>>
        %dma_start3A_425 = tpu.memref_squeeze %dma_start3A_424 : memref<1x262144x128xf32, #tpu.memory_space<hbm>> -> memref<262144x128xf32, #tpu.memory_space<hbm>>
        %dma_start3A_426 = arith.constant 0 : i32
        %dma_start3A_427 = tpu.memref_slice %dma_start3A_425[%mul3A_418, %dma_start3A_426] : memref<262144x128xf32, #tpu.memory_space<hbm>> -> memref<128x128xf32, #tpu.memory_space<hbm>>
        %dma_start3A_428 = arith.constant 0 : i32
        %dma_start3A_429 = arith.constant 0 : i32
        %dma_start3A_430 = tpu.memref_slice %arg5[%dma_start3A_428, %dma_start3A_429] : memref<272x129xf32, #tpu.memory_space<vmem>> -> memref<128x128xf32, #tpu.memory_space<vmem>>
        %dma_start3A_431 = arith.constant 0 : i32
        %dma_start3A_432 = arith.constant 0 : i32
        %dma_start3A_433 = tpu.memref_slice %arg2[%while3A_190, %dma_start3A_431, %dma_start3A_432] : memref<2x262144x128xf32, #tpu.memory_space<hbm>> -> memref<1x262144x128xf32, #tpu.memory_space<hbm>>
        %dma_start3A_434 = tpu.memref_squeeze %dma_start3A_433 : memref<1x262144x128xf32, #tpu.memory_space<hbm>> -> memref<262144x128xf32, #tpu.memory_space<hbm>>
        %dma_start3A_435 = arith.constant 0 : i32
        %dma_start3A_436 = tpu.memref_slice %dma_start3A_434[%mul3A_418, %dma_start3A_435] : memref<262144x128xf32, #tpu.memory_space<hbm>> -> memref<128x128xf32, #tpu.memory_space<hbm>>
        tpu.enqueue_dma source(%dma_start3A_436 : memref<128x128xf32, #tpu.memory_space<hbm>>) target(%dma_start3A_430 : memref<128x128xf32, #tpu.memory_space<vmem>>) target_semaphore(%arg8 : memref<!tpu.dma_semaphore, #tpu.memory_space<semaphore_mem>>)
        %dma_start3A_437 = arith.constant 136 : i32
        %dma_start3A_438 = arith.constant 0 : i32
        %dma_start3A_439 = tpu.memref_slice %arg5[%dma_start3A_437, %dma_start3A_438] : memref<272x129xf32, #tpu.memory_space<vmem>> -> memref<128x128xf32, #tpu.memory_space<vmem>>
        %dma_start3A_440 = arith.constant 0 : i32
        %dma_start3A_441 = arith.constant 0 : i32
        %dma_start3A_442 = tpu.memref_slice %arg2[%while3A_191, %dma_start3A_440, %dma_start3A_441] : memref<2x262144x128xf32, #tpu.memory_space<hbm>> -> memref<1x262144x128xf32, #tpu.memory_space<hbm>>
        %dma_start3A_443 = tpu.memref_squeeze %dma_start3A_442 : memref<1x262144x128xf32, #tpu.memory_space<hbm>> -> memref<262144x128xf32, #tpu.memory_space<hbm>>
        %dma_start3A_444 = arith.constant 0 : i32
        %dma_start3A_445 = tpu.memref_slice %dma_start3A_443[%mul3A_418, %dma_start3A_444] : memref<262144x128xf32, #tpu.memory_space<hbm>> -> memref<128x128xf32, #tpu.memory_space<hbm>>
        %dma_start3A_446 = arith.constant 136 : i32
        %dma_start3A_447 = arith.constant 0 : i32
        %dma_start3A_448 = tpu.memref_slice %arg5[%dma_start3A_446, %dma_start3A_447] : memref<272x129xf32, #tpu.memory_space<vmem>> -> memref<128x128xf32, #tpu.memory_space<vmem>>
        %dma_start3A_449 = arith.constant 0 : i32
        %dma_start3A_450 = arith.constant 0 : i32
        %dma_start3A_451 = tpu.memref_slice %arg2[%while3A_191, %dma_start3A_449, %dma_start3A_450] : memref<2x262144x128xf32, #tpu.memory_space<hbm>> -> memref<1x262144x128xf32, #tpu.memory_space<hbm>>
        %dma_start3A_452 = tpu.memref_squeeze %dma_start3A_451 : memref<1x262144x128xf32, #tpu.memory_space<hbm>> -> memref<262144x128xf32, #tpu.memory_space<hbm>>
        %dma_start3A_453 = arith.constant 0 : i32
        %dma_start3A_454 = tpu.memref_slice %dma_start3A_452[%mul3A_418, %dma_start3A_453] : memref<262144x128xf32, #tpu.memory_space<hbm>> -> memref<128x128xf32, #tpu.memory_space<hbm>>
        tpu.enqueue_dma source(%dma_start3A_454 : memref<128x128xf32, #tpu.memory_space<hbm>>) target(%dma_start3A_448 : memref<128x128xf32, #tpu.memory_space<vmem>>) target_semaphore(%arg8 : memref<!tpu.dma_semaphore, #tpu.memory_space<semaphore_mem>>)
      } else {
      }
      %mul3A_353 = arith.constant 131072 : i32
      %mul3A_354 = arith.muli %add3A, %mul3A_353 : i32
      %mul3A_355 = arith.constant 2048 : i32
      %mul3A_356 = arith.muli %add3A_296, %mul3A_355 : i32
      %add3A_357 = arith.addi %mul3A_354, %mul3A_356 : i32
      %mul3A_358 = arith.constant 16 : i32
      %mul3A_359 = arith.muli %add3A_357, %mul3A_358 : i32
      %jit3A_360 = arith.constant 128 : i64
      %convert_element_type3A_361 = arith.trunci %jit3A_360 : i64 to i32
      %div3A_362 = arith.divsi %mul3A_359, %convert_element_type3A_361 : i32
      %sign3A_363 = arith.constant 0 : i32
      %sign3A_364 = arith.cmpi sgt, %mul3A_359, %sign3A_363 : i32
      %sign3A_365 = arith.extui %sign3A_364 : i1 to i32
      %sign3A_366 = arith.constant 0 : i32
      %sign3A_367 = arith.cmpi slt, %mul3A_359, %sign3A_366 : i32
      %sign3A_368 = arith.extui %sign3A_367 : i1 to i32
      %sign3A_369 = arith.subi %sign3A_365, %sign3A_368 : i32
      %sign3A_370 = arith.constant 0 : i32
      %sign3A_371 = arith.cmpi sgt, %convert_element_type3A_361, %sign3A_370 : i32
      %sign3A_372 = arith.extui %sign3A_371 : i1 to i32
      %sign3A_373 = arith.constant 0 : i32
      %sign3A_374 = arith.cmpi slt, %convert_element_type3A_361, %sign3A_373 : i32
      %sign3A_375 = arith.extui %sign3A_374 : i1 to i32
      %sign3A_376 = arith.subi %sign3A_372, %sign3A_375 : i32
      %ne3A_377 = arith.cmpi ne, %sign3A_369, %sign3A_376 : i32
      %rem3A_378 = arith.remsi %mul3A_359, %convert_element_type3A_361 : i32
      %ne3A_379 = arith.constant 0 : i32
      %ne3A_380 = arith.cmpi ne, %rem3A_378, %ne3A_379 : i32
      %and3A_381 = arith.andi %ne3A_377, %ne3A_380 : i1
      %sub3A_382 = arith.constant 1 : i32
      %sub3A_383 = arith.subi %div3A_362, %sub3A_382 : i32
      %select_n3A_384 = arith.select %and3A_381, %sub3A_383, %div3A_362 : i32
      "tpu.region"() ({
        %run_scoped3A = tpu.sem_alloc : memref<!tpu.dma_semaphore, #tpu.memory_space<semaphore_mem>>
        %dma_start3A_385 = arith.constant 0 : i32
        %dma_start3A_386 = tpu.memref_slice %arg3[%select_n3A_384, %dma_start3A_385] : memref<524288x128xf32, #tpu.memory_space<hbm>> -> memref<256x128xf32, #tpu.memory_space<hbm>>
        %dma_start3A_387 = arith.constant 0 : i32
        %dma_start3A_388 = tpu.memref_slice %arg3[%select_n3A_384, %dma_start3A_387] : memref<524288x128xf32, #tpu.memory_space<hbm>> -> memref<256x128xf32, #tpu.memory_space<hbm>>
        tpu.enqueue_dma source(%arg6 : memref<256x128xf32, #tpu.memory_space<vmem>>) target(%dma_start3A_388 : memref<256x128xf32, #tpu.memory_space<hbm>>) target_semaphore(%run_scoped3A : memref<!tpu.dma_semaphore, #tpu.memory_space<semaphore_mem>>)
        %dma_wait3A_389 = arith.constant 0 : i32
        %dma_wait3A_390 = tpu.memref_slice %arg3[%select_n3A_384, %dma_wait3A_389] : memref<524288x128xf32, #tpu.memory_space<hbm>> -> memref<256x128xf32, #tpu.memory_space<hbm>>
        %dma_wait3A_391 = arith.constant 0 : i32
        %dma_wait3A_392 = tpu.memref_slice %arg3[%select_n3A_384, %dma_wait3A_391] : memref<524288x128xf32, #tpu.memory_space<hbm>> -> memref<256x128xf32, #tpu.memory_space<hbm>>
        tpu.wait_dma2 semaphore(%run_scoped3A : memref<!tpu.dma_semaphore, #tpu.memory_space<semaphore_mem>>) src(%arg6 : memref<256x128xf32, #tpu.memory_space<vmem>>) dst(%dma_wait3A_392 : memref<256x128xf32, #tpu.memory_space<hbm>>)
        tpu.yield
      }) : () -> ()
    }
    return
  }
}

#map = affine_map<(d0, d1) -> (0)>
#map1 = affine_map<(d0, d1) -> (0, 0)>
#map2 = affine_map<(d0, d1) -> (0, 0, 0)>
module attributes {stable_mosaic.version = 14 : i64} {
  func.func @k2(%arg0: i32, %arg1: i32, %arg2: memref<1048576xi32, #tpu.memory_space<hbm>>, %arg3: memref<1048576xi32, #tpu.memory_space<hbm>>, %arg4: memref<1048576xi32, #tpu.memory_space<hbm>>, %arg5: memref<4194304x16xf32, #tpu.memory_space<hbm>>, %arg6: memref<2x65536x128xf32, #tpu.memory_space<hbm>>, %arg7: memref<2048xi32, #tpu.memory_space<vmem>>, %arg8: memref<2048xi32, #tpu.memory_space<vmem>>, %arg9: memref<2048xi32, #tpu.memory_space<vmem>>, %arg10: memref<2048xi32, #tpu.memory_space<vmem>>, %arg11: memref<2048x16xf32, #tpu.memory_space<vmem>>, %arg12: memref<256x129xf32, #tpu.memory_space<vmem>>, %arg13: memref<!tpu.dma_semaphore, #tpu.memory_space<semaphore_mem>>) attributes {dimension_semantics = [#tpu.dimension_semantics<core_parallel>, #tpu.dimension_semantics<subcore_parallel>], iteration_bounds = array<i64: 2, 16>, scalar_prefetch = 0 : i64, scratch_operands = 7 : i64, tpu.core_type = #tpu.core_type<sc_vector_subcore>, window_params = [{transform_indices = #map}, {transform_indices = #map}, {transform_indices = #map}, {transform_indices = #map1}, {transform_indices = #map2}]} {
    %mul3A = arith.constant 2 : i32
    %mul3A_0 = arith.muli %arg1, %mul3A : i32
    %add3A = arith.addi %mul3A_0, %arg0 : i32
    %mul3A_1 = arith.constant 32768 : i32
    %mul3A_2 = arith.muli %add3A, %mul3A_1 : i32
    %iota3A = tpu.iota {dimensions = array<i32: 0>} : vector<16xi32>
    %jit3A = arith.constant 8 : i64
    %convert_element_type3A = arith.trunci %jit3A : i64 to i32
    %div3A = vector.broadcast %convert_element_type3A : i32 to vector<16xi32>
    %div3A_3 = arith.divsi %iota3A, %div3A : vector<16xi32>
    %sign3A = arith.constant 0 : i32
    %sign3A_4 = vector.broadcast %sign3A : i32 to vector<16xi32>
    %sign3A_5 = arith.cmpi sgt, %iota3A, %sign3A_4 : vector<16xi32>
    %sign3A_6 = arith.extui %sign3A_5 : vector<16xi1> to vector<16xi32>
    %sign3A_7 = arith.constant 0 : i32
    %sign3A_8 = vector.broadcast %sign3A_7 : i32 to vector<16xi32>
    %sign3A_9 = arith.cmpi slt, %iota3A, %sign3A_8 : vector<16xi32>
    %sign3A_10 = arith.extui %sign3A_9 : vector<16xi1> to vector<16xi32>
    %sign3A_11 = arith.subi %sign3A_6, %sign3A_10 : vector<16xi32>
    %sign3A_12 = arith.constant 0 : i32
    %sign3A_13 = arith.cmpi sgt, %convert_element_type3A, %sign3A_12 : i32
    %sign3A_14 = arith.extui %sign3A_13 : i1 to i32
    %sign3A_15 = arith.constant 0 : i32
    %sign3A_16 = arith.cmpi slt, %convert_element_type3A, %sign3A_15 : i32
    %sign3A_17 = arith.extui %sign3A_16 : i1 to i32
    %sign3A_18 = arith.subi %sign3A_14, %sign3A_17 : i32
    %ne3A = vector.broadcast %sign3A_18 : i32 to vector<16xi32>
    %ne3A_19 = arith.cmpi ne, %sign3A_11, %ne3A : vector<16xi32>
    %rem3A = vector.broadcast %convert_element_type3A : i32 to vector<16xi32>
    %rem3A_20 = arith.remsi %iota3A, %rem3A : vector<16xi32>
    %ne3A_21 = arith.constant 0 : i32
    %ne3A_22 = vector.broadcast %ne3A_21 : i32 to vector<16xi32>
    %ne3A_23 = arith.cmpi ne, %rem3A_20, %ne3A_22 : vector<16xi32>
    %and3A = arith.andi %ne3A_19, %ne3A_23 : vector<16xi1>
    %sub3A = arith.constant 1 : i32
    %sub3A_24 = vector.broadcast %sub3A : i32 to vector<16xi32>
    %sub3A_25 = arith.subi %div3A_3, %sub3A_24 : vector<16xi32>
    %select_n3A = arith.select %and3A, %sub3A_25, %div3A_3 : vector<16xi1>, vector<16xi32>
    %mul3A_26 = arith.constant 128 : i32
    %mul3A_27 = vector.broadcast %mul3A_26 : i32 to vector<16xi32>
    %mul3A_28 = arith.muli %select_n3A, %mul3A_27 : vector<16xi32>
    %jit3A_29 = arith.constant 8 : i64
    %convert_element_type3A_30 = arith.trunci %jit3A_29 : i64 to i32
    %eq3A = arith.constant 0 : i32
    %eq3A_31 = arith.cmpi eq, %convert_element_type3A_30, %eq3A : i32
    %jit3A_32 = arith.constant 1 : i32
    %select_n3A_33 = arith.select %eq3A_31, %jit3A_32, %convert_element_type3A_30 : i32
    %rem3A_34 = vector.broadcast %select_n3A_33 : i32 to vector<16xi32>
    %rem3A_35 = arith.remsi %iota3A, %rem3A_34 : vector<16xi32>
    %ne3A_36 = arith.constant 0 : i32
    %ne3A_37 = vector.broadcast %ne3A_36 : i32 to vector<16xi32>
    %ne3A_38 = arith.cmpi ne, %rem3A_35, %ne3A_37 : vector<16xi32>
    %lt3A = arith.constant 0 : i32
    %lt3A_39 = vector.broadcast %lt3A : i32 to vector<16xi32>
    %lt3A_40 = arith.cmpi slt, %rem3A_35, %lt3A_39 : vector<16xi32>
    %lt3A_41 = arith.constant 0 : i32
    %lt3A_42 = arith.cmpi slt, %select_n3A_33, %lt3A_41 : i32
    %ne3A_43 = vector.broadcast %lt3A_42 : i1 to vector<16xi1>
    %ne3A_44 = vector.broadcast %ne3A_43 : vector<16xi1> to vector<16xi1>
    %ne3A_45 = arith.xori %lt3A_40, %ne3A_44 : vector<16xi1>
    %and3A_46 = arith.andi %ne3A_45, %ne3A_38 : vector<16xi1>
    %add3A_47 = vector.broadcast %select_n3A_33 : i32 to vector<16xi32>
    %add3A_48 = arith.addi %rem3A_35, %add3A_47 : vector<16xi32>
    %select_n3A_49 = arith.select %and3A_46, %add3A_48, %rem3A_35 : vector<16xi1>, vector<16xi32>
    %add3A_50 = arith.addi %mul3A_28, %select_n3A_49 : vector<16xi32>
    %while3A = arith.constant 0 : i64
    %while3A_51 = arith.constant 0 : i32
    %while3A_52 = arith.constant 16 : i32
    %while3A_53 = arith.subi %while3A_52, %while3A_51 : i32
    %while3A_54 = arith.addi %while3A_51, %while3A_53 : i32
    %while3A_55 = arith.constant 1 : i32
    %while3A_56 = arith.divsi %while3A_53, %while3A_55 : i32
    %while3A_57 = arith.muli %while3A_56, %while3A_55 : i32
    %while3A_58 = arith.addi %while3A_51, %while3A_57 : i32
    %while3A_59 = arith.constant 1 : i32
    scf.for %while3A_61 = %while3A_51 to %while3A_58 step %while3A_59  : i32 {
      %mul3A_62 = arith.constant 2048 : i32
      %mul3A_63 = arith.muli %while3A_61, %mul3A_62 : i32
      %add3A_64 = arith.addi %mul3A_2, %mul3A_63 : i32
      "tpu.region"() ({
        %run_scoped3A_119 = tpu.sem_alloc : memref<!tpu.dma_semaphore, #tpu.memory_space<semaphore_mem>>
        %dma_start3A_120 = tpu.memref_slice %arg2[%add3A_64] : memref<1048576xi32, #tpu.memory_space<hbm>> -> memref<2048xi32, #tpu.memory_space<hbm>>
        %dma_start3A_121 = tpu.memref_slice %arg2[%add3A_64] : memref<1048576xi32, #tpu.memory_space<hbm>> -> memref<2048xi32, #tpu.memory_space<hbm>>
        tpu.enqueue_dma source(%dma_start3A_121 : memref<2048xi32, #tpu.memory_space<hbm>>) target(%arg7 : memref<2048xi32, #tpu.memory_space<vmem>>) target_semaphore(%run_scoped3A_119 : memref<!tpu.dma_semaphore, #tpu.memory_space<semaphore_mem>>)
        %dma_wait3A_122 = tpu.memref_slice %arg2[%add3A_64] : memref<1048576xi32, #tpu.memory_space<hbm>> -> memref<2048xi32, #tpu.memory_space<hbm>>
        %dma_wait3A_123 = tpu.memref_slice %arg2[%add3A_64] : memref<1048576xi32, #tpu.memory_space<hbm>> -> memref<2048xi32, #tpu.memory_space<hbm>>
        tpu.wait_dma2 semaphore(%run_scoped3A_119 : memref<!tpu.dma_semaphore, #tpu.memory_space<semaphore_mem>>) src(%dma_wait3A_123 : memref<2048xi32, #tpu.memory_space<hbm>>) dst(%arg7 : memref<2048xi32, #tpu.memory_space<vmem>>)
        tpu.yield
      }) : () -> ()
      "tpu.region"() ({
        %run_scoped3A_119 = tpu.sem_alloc : memref<!tpu.dma_semaphore, #tpu.memory_space<semaphore_mem>>
        %dma_start3A_120 = tpu.memref_slice %arg3[%add3A_64] : memref<1048576xi32, #tpu.memory_space<hbm>> -> memref<2048xi32, #tpu.memory_space<hbm>>
        %dma_start3A_121 = tpu.memref_slice %arg3[%add3A_64] : memref<1048576xi32, #tpu.memory_space<hbm>> -> memref<2048xi32, #tpu.memory_space<hbm>>
        tpu.enqueue_dma source(%dma_start3A_121 : memref<2048xi32, #tpu.memory_space<hbm>>) target(%arg8 : memref<2048xi32, #tpu.memory_space<vmem>>) target_semaphore(%run_scoped3A_119 : memref<!tpu.dma_semaphore, #tpu.memory_space<semaphore_mem>>)
        %dma_wait3A_122 = tpu.memref_slice %arg3[%add3A_64] : memref<1048576xi32, #tpu.memory_space<hbm>> -> memref<2048xi32, #tpu.memory_space<hbm>>
        %dma_wait3A_123 = tpu.memref_slice %arg3[%add3A_64] : memref<1048576xi32, #tpu.memory_space<hbm>> -> memref<2048xi32, #tpu.memory_space<hbm>>
        tpu.wait_dma2 semaphore(%run_scoped3A_119 : memref<!tpu.dma_semaphore, #tpu.memory_space<semaphore_mem>>) src(%dma_wait3A_123 : memref<2048xi32, #tpu.memory_space<hbm>>) dst(%arg8 : memref<2048xi32, #tpu.memory_space<vmem>>)
        tpu.yield
      }) : () -> ()
      "tpu.region"() ({
        %run_scoped3A_119 = tpu.sem_alloc : memref<!tpu.dma_semaphore, #tpu.memory_space<semaphore_mem>>
        %dma_start3A_120 = tpu.memref_slice %arg4[%add3A_64] : memref<1048576xi32, #tpu.memory_space<hbm>> -> memref<2048xi32, #tpu.memory_space<hbm>>
        %dma_start3A_121 = tpu.memref_slice %arg4[%add3A_64] : memref<1048576xi32, #tpu.memory_space<hbm>> -> memref<2048xi32, #tpu.memory_space<hbm>>
        tpu.enqueue_dma source(%dma_start3A_121 : memref<2048xi32, #tpu.memory_space<hbm>>) target(%arg9 : memref<2048xi32, #tpu.memory_space<vmem>>) target_semaphore(%run_scoped3A_119 : memref<!tpu.dma_semaphore, #tpu.memory_space<semaphore_mem>>)
        %dma_wait3A_122 = tpu.memref_slice %arg4[%add3A_64] : memref<1048576xi32, #tpu.memory_space<hbm>> -> memref<2048xi32, #tpu.memory_space<hbm>>
        %dma_wait3A_123 = tpu.memref_slice %arg4[%add3A_64] : memref<1048576xi32, #tpu.memory_space<hbm>> -> memref<2048xi32, #tpu.memory_space<hbm>>
        tpu.wait_dma2 semaphore(%run_scoped3A_119 : memref<!tpu.dma_semaphore, #tpu.memory_space<semaphore_mem>>) src(%dma_wait3A_123 : memref<2048xi32, #tpu.memory_space<hbm>>) dst(%arg9 : memref<2048xi32, #tpu.memory_space<vmem>>)
        tpu.yield
      }) : () -> ()
      %while3A_65 = arith.constant 0 : i64
      %while3A_66 = arith.constant 0 : i32
      %while3A_67 = arith.constant 128 : i32
      %while3A_68 = arith.subi %while3A_67, %while3A_66 : i32
      %while3A_69 = arith.addi %while3A_66, %while3A_68 : i32
      %while3A_70 = arith.constant 1 : i32
      %while3A_71 = arith.divsi %while3A_68, %while3A_70 : i32
      %while3A_72 = arith.muli %while3A_71, %while3A_70 : i32
      %while3A_73 = arith.addi %while3A_66, %while3A_72 : i32
      %while3A_74 = arith.constant 1 : i32
      scf.for %while3A_119 = %while3A_66 to %while3A_73 step %while3A_74  : i32 {
        %mul3A_120 = arith.constant 16 : i32
        %mul3A_121 = arith.muli %while3A_119, %mul3A_120 : i32
        %get3A = arith.index_cast %mul3A_121 : i32 to index
        %get3A_122 = tpu.vector_load %arg7[%get3A] {strides = array<i32>} : memref<2048xi32, #tpu.memory_space<vmem>>, vector<16xi32>,
        %mul3A_123 = arith.constant 16 : i32
        %mul3A_124 = arith.muli %while3A_119, %mul3A_123 : i32
        %get3A_125 = arith.index_cast %mul3A_124 : i32 to index
        %get3A_126 = tpu.vector_load %arg8[%get3A_125] {strides = array<i32>} : memref<2048xi32, #tpu.memory_space<vmem>>, vector<16xi32>,
        %mul3A_127 = arith.constant 16 : i32
        %mul3A_128 = arith.muli %while3A_119, %mul3A_127 : i32
        %get3A_129 = arith.index_cast %mul3A_128 : i32 to index
        %get3A_130 = tpu.vector_load %arg9[%get3A_129] {strides = array<i32>} : memref<2048xi32, #tpu.memory_space<vmem>>, vector<16xi32>,
        %mul3A_131 = arith.constant 19349663 : i32
        %mul3A_132 = vector.broadcast %mul3A_131 : i32 to vector<16xi32>
        %mul3A_133 = arith.muli %get3A_126, %mul3A_132 : vector<16xi32>
        %xor3A = arith.xori %get3A_122, %mul3A_133 : vector<16xi32>
        %mul3A_134 = arith.constant 83492791 : i32
        %mul3A_135 = vector.broadcast %mul3A_134 : i32 to vector<16xi32>
        %mul3A_136 = arith.muli %get3A_130, %mul3A_135 : vector<16xi32>
        %xor3A_137 = arith.xori %xor3A, %mul3A_136 : vector<16xi32>
        %and3A_138 = arith.constant 4194303 : i32
        %and3A_139 = vector.broadcast %and3A_138 : i32 to vector<16xi32>
        %and3A_140 = arith.andi %xor3A_137, %and3A_139 : vector<16xi32>
        %mul3A_141 = arith.constant 16 : i32
        %mul3A_142 = arith.muli %while3A_119, %mul3A_141 : i32
        %swap3A = arith.index_cast %mul3A_142 : i32 to index
        %swap3A_143 = tpu.vector_load %arg10[%swap3A] {strides = array<i32>} : memref<2048xi32, #tpu.memory_space<vmem>>, vector<16xi32>,
        tpu.vector_store %arg10[%swap3A], %and3A_140 {strides = array<i32>} : memref<2048xi32, #tpu.memory_space<vmem>>, vector<16xi32>,
      }
      %while3A_75 = arith.constant 1 : i32
      scf.for %while3A_119 = %while3A_73 to %while3A_69 step %while3A_75  : i32 {
        %mul3A_120 = arith.constant 16 : i32
        %mul3A_121 = arith.muli %while3A_119, %mul3A_120 : i32
        %get3A = arith.index_cast %mul3A_121 : i32 to index
        %get3A_122 = tpu.vector_load %arg7[%get3A] {strides = array<i32>} : memref<2048xi32, #tpu.memory_space<vmem>>, vector<16xi32>,
        %mul3A_123 = arith.constant 16 : i32
        %mul3A_124 = arith.muli %while3A_119, %mul3A_123 : i32
        %get3A_125 = arith.index_cast %mul3A_124 : i32 to index
        %get3A_126 = tpu.vector_load %arg8[%get3A_125] {strides = array<i32>} : memref<2048xi32, #tpu.memory_space<vmem>>, vector<16xi32>,
        %mul3A_127 = arith.constant 16 : i32
        %mul3A_128 = arith.muli %while3A_119, %mul3A_127 : i32
        %get3A_129 = arith.index_cast %mul3A_128 : i32 to index
        %get3A_130 = tpu.vector_load %arg9[%get3A_129] {strides = array<i32>} : memref<2048xi32, #tpu.memory_space<vmem>>, vector<16xi32>,
        %mul3A_131 = arith.constant 19349663 : i32
        %mul3A_132 = vector.broadcast %mul3A_131 : i32 to vector<16xi32>
        %mul3A_133 = arith.muli %get3A_126, %mul3A_132 : vector<16xi32>
        %xor3A = arith.xori %get3A_122, %mul3A_133 : vector<16xi32>
        %mul3A_134 = arith.constant 83492791 : i32
        %mul3A_135 = vector.broadcast %mul3A_134 : i32 to vector<16xi32>
        %mul3A_136 = arith.muli %get3A_130, %mul3A_135 : vector<16xi32>
        %xor3A_137 = arith.xori %xor3A, %mul3A_136 : vector<16xi32>
        %and3A_138 = arith.constant 4194303 : i32
        %and3A_139 = vector.broadcast %and3A_138 : i32 to vector<16xi32>
        %and3A_140 = arith.andi %xor3A_137, %and3A_139 : vector<16xi32>
        %mul3A_141 = arith.constant 16 : i32
        %mul3A_142 = arith.muli %while3A_119, %mul3A_141 : i32
        %swap3A = arith.index_cast %mul3A_142 : i32 to index
        %swap3A_143 = tpu.vector_load %arg10[%swap3A] {strides = array<i32>} : memref<2048xi32, #tpu.memory_space<vmem>>, vector<16xi32>,
        tpu.vector_store %arg10[%swap3A], %and3A_140 {strides = array<i32>} : memref<2048xi32, #tpu.memory_space<vmem>>, vector<16xi32>,
      }
      %dma_start3A = arith.constant 0 : i32
      %dma_start3A_76 = arith.constant 0 : i32
      %dma_start3A_77 = tpu.memref_slice %arg5[%dma_start3A, %dma_start3A_76] : memref<4194304x16xf32, #tpu.memory_space<hbm>> -> memref<4194304x16xf32, #tpu.memory_space<hbm>>
      tpu.enqueue_indirect_dma source(%dma_start3A_77 : memref<4194304x16xf32, #tpu.memory_space<hbm>>) target(%arg11 : memref<2048x16xf32, #tpu.memory_space<vmem>>) offsets(%arg10 : memref<2048xi32, #tpu.memory_space<vmem>>) semaphore(%arg13 : memref<!tpu.dma_semaphore, #tpu.memory_space<semaphore_mem>>)
      %dma_wait3A = arith.constant 0 : i32
      %dma_wait3A_78 = arith.constant 0 : i32
      %dma_wait3A_79 = tpu.memref_slice %arg5[%dma_wait3A, %dma_wait3A_78] : memref<4194304x16xf32, #tpu.memory_space<hbm>> -> memref<4194304x16xf32, #tpu.memory_space<hbm>>
      tpu.wait_indirect_dma semaphore(%arg13 : memref<!tpu.dma_semaphore, #tpu.memory_space<semaphore_mem>>) src(%dma_wait3A_79 : memref<4194304x16xf32, #tpu.memory_space<hbm>>) dst(%arg11 : memref<2048x16xf32, #tpu.memory_space<vmem>>)
      %while3A_80 = arith.constant 0 : i64
      %while3A_81 = arith.constant 0 : i32
      %while3A_82 = arith.constant 256 : i32
      %while3A_83 = arith.subi %while3A_82, %while3A_81 : i32
      %while3A_84 = arith.addi %while3A_81, %while3A_83 : i32
      %while3A_85 = arith.constant 1 : i32
      %while3A_86 = arith.divsi %while3A_83, %while3A_85 : i32
      %while3A_87 = arith.muli %while3A_86, %while3A_85 : i32
      %while3A_88 = arith.addi %while3A_81, %while3A_87 : i32
      %while3A_89 = arith.constant 1 : i32
      scf.for %while3A_119 = %while3A_81 to %while3A_88 step %while3A_89  : i32 {
        %mul3A_120 = arith.constant 8 : i32
        %mul3A_121 = arith.muli %while3A_119, %mul3A_120 : i32
        %jit3A_122 = arith.constant 128 : i64
        %convert_element_type3A_123 = arith.trunci %jit3A_122 : i64 to i32
        %div3A_124 = arith.divsi %mul3A_121, %convert_element_type3A_123 : i32
        %sign3A_125 = arith.constant 0 : i32
        %sign3A_126 = arith.cmpi sgt, %mul3A_121, %sign3A_125 : i32
        %sign3A_127 = arith.extui %sign3A_126 : i1 to i32
        %sign3A_128 = arith.constant 0 : i32
        %sign3A_129 = arith.cmpi slt, %mul3A_121, %sign3A_128 : i32
        %sign3A_130 = arith.extui %sign3A_129 : i1 to i32
        %sign3A_131 = arith.subi %sign3A_127, %sign3A_130 : i32
        %sign3A_132 = arith.constant 0 : i32
        %sign3A_133 = arith.cmpi sgt, %convert_element_type3A_123, %sign3A_132 : i32
        %sign3A_134 = arith.extui %sign3A_133 : i1 to i32
        %sign3A_135 = arith.constant 0 : i32
        %sign3A_136 = arith.cmpi slt, %convert_element_type3A_123, %sign3A_135 : i32
        %sign3A_137 = arith.extui %sign3A_136 : i1 to i32
        %sign3A_138 = arith.subi %sign3A_134, %sign3A_137 : i32
        %ne3A_139 = arith.cmpi ne, %sign3A_131, %sign3A_138 : i32
        %rem3A_140 = arith.remsi %mul3A_121, %convert_element_type3A_123 : i32
        %ne3A_141 = arith.constant 0 : i32
        %ne3A_142 = arith.cmpi ne, %rem3A_140, %ne3A_141 : i32
        %and3A_143 = arith.andi %ne3A_139, %ne3A_142 : i1
        %sub3A_144 = arith.constant 1 : i32
        %sub3A_145 = arith.subi %div3A_124, %sub3A_144 : i32
        %select_n3A_146 = arith.select %and3A_143, %sub3A_145, %div3A_124 : i32
        %mul3A_147 = arith.constant 8 : i32
        %mul3A_148 = arith.muli %select_n3A_146, %mul3A_147 : i32
        %add3A_149 = vector.broadcast %mul3A_148 : i32 to vector<16xi32>
        %add3A_150 = arith.addi %add3A_50, %add3A_149 : vector<16xi32>
        %jit3A_151 = arith.constant 128 : i64
        %convert_element_type3A_152 = arith.trunci %jit3A_151 : i64 to i32
        %eq3A_153 = arith.constant 0 : i32
        %eq3A_154 = arith.cmpi eq, %convert_element_type3A_152, %eq3A_153 : i32
        %jit3A_155 = arith.constant 1 : i32
        %select_n3A_156 = arith.select %eq3A_154, %jit3A_155, %convert_element_type3A_152 : i32
        %rem3A_157 = arith.remsi %mul3A_121, %select_n3A_156 : i32
        %ne3A_158 = arith.constant 0 : i32
        %ne3A_159 = arith.cmpi ne, %rem3A_157, %ne3A_158 : i32
        %lt3A_160 = arith.constant 0 : i32
        %lt3A_161 = arith.cmpi slt, %rem3A_157, %lt3A_160 : i32
        %lt3A_162 = arith.constant 0 : i32
        %lt3A_163 = arith.cmpi slt, %select_n3A_156, %lt3A_162 : i32
        %ne3A_164 = arith.xori %lt3A_161, %lt3A_163 : i1
        %and3A_165 = arith.andi %ne3A_164, %ne3A_159 : i1
        %add3A_166 = arith.addi %rem3A_157, %select_n3A_156 : i32
        %select_n3A_167 = arith.select %and3A_165, %add3A_166, %rem3A_157 : i32
        %add3A_168 = arith.constant 0 : i32
        %add3A_169 = arith.addi %mul3A_121, %add3A_168 : i32
        %get3A = arith.index_cast %add3A_169 : i32 to index
        %get3A_170 = arith.constant 0 : index
        %get3A_171 = tpu.vector_load %arg11[%get3A, %get3A_170] {strides = array<i32>} : memref<2048x16xf32, #tpu.memory_space<vmem>>, vector<16xf32>,
        %add3A_172 = arith.constant 0 : i32
        %add3A_173 = arith.addi %select_n3A_167, %add3A_172 : i32
        %broadcast_in_dim3A = vector.broadcast %add3A_173 : i32 to vector<16xi32>
        tpu.vector_store_idx %arg12[%add3A_150, %broadcast_in_dim3A], %get3A_171 : memref<256x129xf32, #tpu.memory_space<vmem>>[vector<16xi32>, vector<16xi32>], vector<16xf32>,
        %add3A_174 = arith.constant 1 : i32
        %add3A_175 = arith.addi %mul3A_121, %add3A_174 : i32
        %get3A_176 = arith.index_cast %add3A_175 : i32 to index
        %get3A_177 = arith.constant 0 : index
        %get3A_178 = tpu.vector_load %arg11[%get3A_176, %get3A_177] {strides = array<i32>} : memref<2048x16xf32, #tpu.memory_space<vmem>>, vector<16xf32>,
        %add3A_179 = arith.constant 1 : i32
        %add3A_180 = arith.addi %select_n3A_167, %add3A_179 : i32
        %broadcast_in_dim3A_181 = vector.broadcast %add3A_180 : i32 to vector<16xi32>
        tpu.vector_store_idx %arg12[%add3A_150, %broadcast_in_dim3A_181], %get3A_178 : memref<256x129xf32, #tpu.memory_space<vmem>>[vector<16xi32>, vector<16xi32>], vector<16xf32>,
        %add3A_182 = arith.constant 2 : i32
        %add3A_183 = arith.addi %mul3A_121, %add3A_182 : i32
        %get3A_184 = arith.index_cast %add3A_183 : i32 to index
        %get3A_185 = arith.constant 0 : index
        %get3A_186 = tpu.vector_load %arg11[%get3A_184, %get3A_185] {strides = array<i32>} : memref<2048x16xf32, #tpu.memory_space<vmem>>, vector<16xf32>,
        %add3A_187 = arith.constant 2 : i32
        %add3A_188 = arith.addi %select_n3A_167, %add3A_187 : i32
        %broadcast_in_dim3A_189 = vector.broadcast %add3A_188 : i32 to vector<16xi32>
        tpu.vector_store_idx %arg12[%add3A_150, %broadcast_in_dim3A_189], %get3A_186 : memref<256x129xf32, #tpu.memory_space<vmem>>[vector<16xi32>, vector<16xi32>], vector<16xf32>,
        %add3A_190 = arith.constant 3 : i32
        %add3A_191 = arith.addi %mul3A_121, %add3A_190 : i32
        %get3A_192 = arith.index_cast %add3A_191 : i32 to index
        %get3A_193 = arith.constant 0 : index
        %get3A_194 = tpu.vector_load %arg11[%get3A_192, %get3A_193] {strides = array<i32>} : memref<2048x16xf32, #tpu.memory_space<vmem>>, vector<16xf32>,
        %add3A_195 = arith.constant 3 : i32
        %add3A_196 = arith.addi %select_n3A_167, %add3A_195 : i32
        %broadcast_in_dim3A_197 = vector.broadcast %add3A_196 : i32 to vector<16xi32>
        tpu.vector_store_idx %arg12[%add3A_150, %broadcast_in_dim3A_197], %get3A_194 : memref<256x129xf32, #tpu.memory_space<vmem>>[vector<16xi32>, vector<16xi32>], vector<16xf32>,
        %add3A_198 = arith.constant 4 : i32
        %add3A_199 = arith.addi %mul3A_121, %add3A_198 : i32
        %get3A_200 = arith.index_cast %add3A_199 : i32 to index
        %get3A_201 = arith.constant 0 : index
        %get3A_202 = tpu.vector_load %arg11[%get3A_200, %get3A_201] {strides = array<i32>} : memref<2048x16xf32, #tpu.memory_space<vmem>>, vector<16xf32>,
        %add3A_203 = arith.constant 4 : i32
        %add3A_204 = arith.addi %select_n3A_167, %add3A_203 : i32
        %broadcast_in_dim3A_205 = vector.broadcast %add3A_204 : i32 to vector<16xi32>
        tpu.vector_store_idx %arg12[%add3A_150, %broadcast_in_dim3A_205], %get3A_202 : memref<256x129xf32, #tpu.memory_space<vmem>>[vector<16xi32>, vector<16xi32>], vector<16xf32>,
        %add3A_206 = arith.constant 5 : i32
        %add3A_207 = arith.addi %mul3A_121, %add3A_206 : i32
        %get3A_208 = arith.index_cast %add3A_207 : i32 to index
        %get3A_209 = arith.constant 0 : index
        %get3A_210 = tpu.vector_load %arg11[%get3A_208, %get3A_209] {strides = array<i32>} : memref<2048x16xf32, #tpu.memory_space<vmem>>, vector<16xf32>,
        %add3A_211 = arith.constant 5 : i32
        %add3A_212 = arith.addi %select_n3A_167, %add3A_211 : i32
        %broadcast_in_dim3A_213 = vector.broadcast %add3A_212 : i32 to vector<16xi32>
        tpu.vector_store_idx %arg12[%add3A_150, %broadcast_in_dim3A_213], %get3A_210 : memref<256x129xf32, #tpu.memory_space<vmem>>[vector<16xi32>, vector<16xi32>], vector<16xf32>,
        %add3A_214 = arith.constant 6 : i32
        %add3A_215 = arith.addi %mul3A_121, %add3A_214 : i32
        %get3A_216 = arith.index_cast %add3A_215 : i32 to index
        %get3A_217 = arith.constant 0 : index
        %get3A_218 = tpu.vector_load %arg11[%get3A_216, %get3A_217] {strides = array<i32>} : memref<2048x16xf32, #tpu.memory_space<vmem>>, vector<16xf32>,
        %add3A_219 = arith.constant 6 : i32
        %add3A_220 = arith.addi %select_n3A_167, %add3A_219 : i32
        %broadcast_in_dim3A_221 = vector.broadcast %add3A_220 : i32 to vector<16xi32>
        tpu.vector_store_idx %arg12[%add3A_150, %broadcast_in_dim3A_221], %get3A_218 : memref<256x129xf32, #tpu.memory_space<vmem>>[vector<16xi32>, vector<16xi32>], vector<16xf32>,
        %add3A_222 = arith.constant 7 : i32
        %add3A_223 = arith.addi %mul3A_121, %add3A_222 : i32
        %get3A_224 = arith.index_cast %add3A_223 : i32 to index
        %get3A_225 = arith.constant 0 : index
        %get3A_226 = tpu.vector_load %arg11[%get3A_224, %get3A_225] {strides = array<i32>} : memref<2048x16xf32, #tpu.memory_space<vmem>>, vector<16xf32>,
        %add3A_227 = arith.constant 7 : i32
        %add3A_228 = arith.addi %select_n3A_167, %add3A_227 : i32
        %broadcast_in_dim3A_229 = vector.broadcast %add3A_228 : i32 to vector<16xi32>
        tpu.vector_store_idx %arg12[%add3A_150, %broadcast_in_dim3A_229], %get3A_226 : memref<256x129xf32, #tpu.memory_space<vmem>>[vector<16xi32>, vector<16xi32>], vector<16xf32>,
      }
      %while3A_90 = arith.constant 1 : i32
      scf.for %while3A_119 = %while3A_88 to %while3A_84 step %while3A_90  : i32 {
        %mul3A_120 = arith.constant 8 : i32
        %mul3A_121 = arith.muli %while3A_119, %mul3A_120 : i32
        %jit3A_122 = arith.constant 128 : i64
        %convert_element_type3A_123 = arith.trunci %jit3A_122 : i64 to i32
        %div3A_124 = arith.divsi %mul3A_121, %convert_element_type3A_123 : i32
        %sign3A_125 = arith.constant 0 : i32
        %sign3A_126 = arith.cmpi sgt, %mul3A_121, %sign3A_125 : i32
        %sign3A_127 = arith.extui %sign3A_126 : i1 to i32
        %sign3A_128 = arith.constant 0 : i32
        %sign3A_129 = arith.cmpi slt, %mul3A_121, %sign3A_128 : i32
        %sign3A_130 = arith.extui %sign3A_129 : i1 to i32
        %sign3A_131 = arith.subi %sign3A_127, %sign3A_130 : i32
        %sign3A_132 = arith.constant 0 : i32
        %sign3A_133 = arith.cmpi sgt, %convert_element_type3A_123, %sign3A_132 : i32
        %sign3A_134 = arith.extui %sign3A_133 : i1 to i32
        %sign3A_135 = arith.constant 0 : i32
        %sign3A_136 = arith.cmpi slt, %convert_element_type3A_123, %sign3A_135 : i32
        %sign3A_137 = arith.extui %sign3A_136 : i1 to i32
        %sign3A_138 = arith.subi %sign3A_134, %sign3A_137 : i32
        %ne3A_139 = arith.cmpi ne, %sign3A_131, %sign3A_138 : i32
        %rem3A_140 = arith.remsi %mul3A_121, %convert_element_type3A_123 : i32
        %ne3A_141 = arith.constant 0 : i32
        %ne3A_142 = arith.cmpi ne, %rem3A_140, %ne3A_141 : i32
        %and3A_143 = arith.andi %ne3A_139, %ne3A_142 : i1
        %sub3A_144 = arith.constant 1 : i32
        %sub3A_145 = arith.subi %div3A_124, %sub3A_144 : i32
        %select_n3A_146 = arith.select %and3A_143, %sub3A_145, %div3A_124 : i32
        %mul3A_147 = arith.constant 8 : i32
        %mul3A_148 = arith.muli %select_n3A_146, %mul3A_147 : i32
        %add3A_149 = vector.broadcast %mul3A_148 : i32 to vector<16xi32>
        %add3A_150 = arith.addi %add3A_50, %add3A_149 : vector<16xi32>
        %jit3A_151 = arith.constant 128 : i64
        %convert_element_type3A_152 = arith.trunci %jit3A_151 : i64 to i32
        %eq3A_153 = arith.constant 0 : i32
        %eq3A_154 = arith.cmpi eq, %convert_element_type3A_152, %eq3A_153 : i32
        %jit3A_155 = arith.constant 1 : i32
        %select_n3A_156 = arith.select %eq3A_154, %jit3A_155, %convert_element_type3A_152 : i32
        %rem3A_157 = arith.remsi %mul3A_121, %select_n3A_156 : i32
        %ne3A_158 = arith.constant 0 : i32
        %ne3A_159 = arith.cmpi ne, %rem3A_157, %ne3A_158 : i32
        %lt3A_160 = arith.constant 0 : i32
        %lt3A_161 = arith.cmpi slt, %rem3A_157, %lt3A_160 : i32
        %lt3A_162 = arith.constant 0 : i32
        %lt3A_163 = arith.cmpi slt, %select_n3A_156, %lt3A_162 : i32
        %ne3A_164 = arith.xori %lt3A_161, %lt3A_163 : i1
        %and3A_165 = arith.andi %ne3A_164, %ne3A_159 : i1
        %add3A_166 = arith.addi %rem3A_157, %select_n3A_156 : i32
        %select_n3A_167 = arith.select %and3A_165, %add3A_166, %rem3A_157 : i32
        %add3A_168 = arith.constant 0 : i32
        %add3A_169 = arith.addi %mul3A_121, %add3A_168 : i32
        %get3A = arith.index_cast %add3A_169 : i32 to index
        %get3A_170 = arith.constant 0 : index
        %get3A_171 = tpu.vector_load %arg11[%get3A, %get3A_170] {strides = array<i32>} : memref<2048x16xf32, #tpu.memory_space<vmem>>, vector<16xf32>,
        %add3A_172 = arith.constant 0 : i32
        %add3A_173 = arith.addi %select_n3A_167, %add3A_172 : i32
        %broadcast_in_dim3A = vector.broadcast %add3A_173 : i32 to vector<16xi32>
        tpu.vector_store_idx %arg12[%add3A_150, %broadcast_in_dim3A], %get3A_171 : memref<256x129xf32, #tpu.memory_space<vmem>>[vector<16xi32>, vector<16xi32>], vector<16xf32>,
        %add3A_174 = arith.constant 1 : i32
        %add3A_175 = arith.addi %mul3A_121, %add3A_174 : i32
        %get3A_176 = arith.index_cast %add3A_175 : i32 to index
        %get3A_177 = arith.constant 0 : index
        %get3A_178 = tpu.vector_load %arg11[%get3A_176, %get3A_177] {strides = array<i32>} : memref<2048x16xf32, #tpu.memory_space<vmem>>, vector<16xf32>,
        %add3A_179 = arith.constant 1 : i32
        %add3A_180 = arith.addi %select_n3A_167, %add3A_179 : i32
        %broadcast_in_dim3A_181 = vector.broadcast %add3A_180 : i32 to vector<16xi32>
        tpu.vector_store_idx %arg12[%add3A_150, %broadcast_in_dim3A_181], %get3A_178 : memref<256x129xf32, #tpu.memory_space<vmem>>[vector<16xi32>, vector<16xi32>], vector<16xf32>,
        %add3A_182 = arith.constant 2 : i32
        %add3A_183 = arith.addi %mul3A_121, %add3A_182 : i32
        %get3A_184 = arith.index_cast %add3A_183 : i32 to index
        %get3A_185 = arith.constant 0 : index
        %get3A_186 = tpu.vector_load %arg11[%get3A_184, %get3A_185] {strides = array<i32>} : memref<2048x16xf32, #tpu.memory_space<vmem>>, vector<16xf32>,
        %add3A_187 = arith.constant 2 : i32
        %add3A_188 = arith.addi %select_n3A_167, %add3A_187 : i32
        %broadcast_in_dim3A_189 = vector.broadcast %add3A_188 : i32 to vector<16xi32>
        tpu.vector_store_idx %arg12[%add3A_150, %broadcast_in_dim3A_189], %get3A_186 : memref<256x129xf32, #tpu.memory_space<vmem>>[vector<16xi32>, vector<16xi32>], vector<16xf32>,
        %add3A_190 = arith.constant 3 : i32
        %add3A_191 = arith.addi %mul3A_121, %add3A_190 : i32
        %get3A_192 = arith.index_cast %add3A_191 : i32 to index
        %get3A_193 = arith.constant 0 : index
        %get3A_194 = tpu.vector_load %arg11[%get3A_192, %get3A_193] {strides = array<i32>} : memref<2048x16xf32, #tpu.memory_space<vmem>>, vector<16xf32>,
        %add3A_195 = arith.constant 3 : i32
        %add3A_196 = arith.addi %select_n3A_167, %add3A_195 : i32
        %broadcast_in_dim3A_197 = vector.broadcast %add3A_196 : i32 to vector<16xi32>
        tpu.vector_store_idx %arg12[%add3A_150, %broadcast_in_dim3A_197], %get3A_194 : memref<256x129xf32, #tpu.memory_space<vmem>>[vector<16xi32>, vector<16xi32>], vector<16xf32>,
        %add3A_198 = arith.constant 4 : i32
        %add3A_199 = arith.addi %mul3A_121, %add3A_198 : i32
        %get3A_200 = arith.index_cast %add3A_199 : i32 to index
        %get3A_201 = arith.constant 0 : index
        %get3A_202 = tpu.vector_load %arg11[%get3A_200, %get3A_201] {strides = array<i32>} : memref<2048x16xf32, #tpu.memory_space<vmem>>, vector<16xf32>,
        %add3A_203 = arith.constant 4 : i32
        %add3A_204 = arith.addi %select_n3A_167, %add3A_203 : i32
        %broadcast_in_dim3A_205 = vector.broadcast %add3A_204 : i32 to vector<16xi32>
        tpu.vector_store_idx %arg12[%add3A_150, %broadcast_in_dim3A_205], %get3A_202 : memref<256x129xf32, #tpu.memory_space<vmem>>[vector<16xi32>, vector<16xi32>], vector<16xf32>,
        %add3A_206 = arith.constant 5 : i32
        %add3A_207 = arith.addi %mul3A_121, %add3A_206 : i32
        %get3A_208 = arith.index_cast %add3A_207 : i32 to index
        %get3A_209 = arith.constant 0 : index
        %get3A_210 = tpu.vector_load %arg11[%get3A_208, %get3A_209] {strides = array<i32>} : memref<2048x16xf32, #tpu.memory_space<vmem>>, vector<16xf32>,
        %add3A_211 = arith.constant 5 : i32
        %add3A_212 = arith.addi %select_n3A_167, %add3A_211 : i32
        %broadcast_in_dim3A_213 = vector.broadcast %add3A_212 : i32 to vector<16xi32>
        tpu.vector_store_idx %arg12[%add3A_150, %broadcast_in_dim3A_213], %get3A_210 : memref<256x129xf32, #tpu.memory_space<vmem>>[vector<16xi32>, vector<16xi32>], vector<16xf32>,
        %add3A_214 = arith.constant 6 : i32
        %add3A_215 = arith.addi %mul3A_121, %add3A_214 : i32
        %get3A_216 = arith.index_cast %add3A_215 : i32 to index
        %get3A_217 = arith.constant 0 : index
        %get3A_218 = tpu.vector_load %arg11[%get3A_216, %get3A_217] {strides = array<i32>} : memref<2048x16xf32, #tpu.memory_space<vmem>>, vector<16xf32>,
        %add3A_219 = arith.constant 6 : i32
        %add3A_220 = arith.addi %select_n3A_167, %add3A_219 : i32
        %broadcast_in_dim3A_221 = vector.broadcast %add3A_220 : i32 to vector<16xi32>
        tpu.vector_store_idx %arg12[%add3A_150, %broadcast_in_dim3A_221], %get3A_218 : memref<256x129xf32, #tpu.memory_space<vmem>>[vector<16xi32>, vector<16xi32>], vector<16xf32>,
        %add3A_222 = arith.constant 7 : i32
        %add3A_223 = arith.addi %mul3A_121, %add3A_222 : i32
        %get3A_224 = arith.index_cast %add3A_223 : i32 to index
        %get3A_225 = arith.constant 0 : index
        %get3A_226 = tpu.vector_load %arg11[%get3A_224, %get3A_225] {strides = array<i32>} : memref<2048x16xf32, #tpu.memory_space<vmem>>, vector<16xf32>,
        %add3A_227 = arith.constant 7 : i32
        %add3A_228 = arith.addi %select_n3A_167, %add3A_227 : i32
        %broadcast_in_dim3A_229 = vector.broadcast %add3A_228 : i32 to vector<16xi32>
        tpu.vector_store_idx %arg12[%add3A_150, %broadcast_in_dim3A_229], %get3A_226 : memref<256x129xf32, #tpu.memory_space<vmem>>[vector<16xi32>, vector<16xi32>], vector<16xf32>,
      }
      %jit3A_91 = arith.constant 128 : i64
      %convert_element_type3A_92 = arith.trunci %jit3A_91 : i64 to i32
      %div3A_93 = arith.divsi %add3A_64, %convert_element_type3A_92 : i32
      %sign3A_94 = arith.constant 0 : i32
      %sign3A_95 = arith.cmpi sgt, %add3A_64, %sign3A_94 : i32
      %sign3A_96 = arith.extui %sign3A_95 : i1 to i32
      %sign3A_97 = arith.constant 0 : i32
      %sign3A_98 = arith.cmpi slt, %add3A_64, %sign3A_97 : i32
      %sign3A_99 = arith.extui %sign3A_98 : i1 to i32
      %sign3A_100 = arith.subi %sign3A_96, %sign3A_99 : i32
      %sign3A_101 = arith.constant 0 : i32
      %sign3A_102 = arith.cmpi sgt, %convert_element_type3A_92, %sign3A_101 : i32
      %sign3A_103 = arith.extui %sign3A_102 : i1 to i32
      %sign3A_104 = arith.constant 0 : i32
      %sign3A_105 = arith.cmpi slt, %convert_element_type3A_92, %sign3A_104 : i32
      %sign3A_106 = arith.extui %sign3A_105 : i1 to i32
      %sign3A_107 = arith.subi %sign3A_103, %sign3A_106 : i32
      %ne3A_108 = arith.cmpi ne, %sign3A_100, %sign3A_107 : i32
      %rem3A_109 = arith.remsi %add3A_64, %convert_element_type3A_92 : i32
      %ne3A_110 = arith.constant 0 : i32
      %ne3A_111 = arith.cmpi ne, %rem3A_109, %ne3A_110 : i32
      %and3A_112 = arith.andi %ne3A_108, %ne3A_111 : i1
      %sub3A_113 = arith.constant 1 : i32
      %sub3A_114 = arith.subi %div3A_93, %sub3A_113 : i32
      %select_n3A_115 = arith.select %and3A_112, %sub3A_114, %div3A_93 : i32
      %mul3A_116 = arith.constant 8 : i32
      %mul3A_117 = arith.muli %select_n3A_115, %mul3A_116 : i32
      %run_scoped3A = arith.constant 0 : i32
      "tpu.region"() ({
        %run_scoped3A_119 = tpu.sem_alloc : memref<!tpu.dma_semaphore, #tpu.memory_space<semaphore_mem>>
        %dma_start3A_120 = arith.constant 0 : i32
        %dma_start3A_121 = arith.constant 0 : i32
        %dma_start3A_122 = tpu.memref_slice %arg12[%dma_start3A_120, %dma_start3A_121] : memref<256x129xf32, #tpu.memory_space<vmem>> -> memref<128x128xf32, #tpu.memory_space<vmem>>
        %dma_start3A_123 = arith.constant 0 : i32
        %dma_start3A_124 = arith.constant 0 : i32
        %dma_start3A_125 = tpu.memref_slice %arg6[%run_scoped3A, %dma_start3A_123, %dma_start3A_124] : memref<2x65536x128xf32, #tpu.memory_space<hbm>> -> memref<1x65536x128xf32, #tpu.memory_space<hbm>>
        %dma_start3A_126 = tpu.memref_squeeze %dma_start3A_125 : memref<1x65536x128xf32, #tpu.memory_space<hbm>> -> memref<65536x128xf32, #tpu.memory_space<hbm>>
        %dma_start3A_127 = arith.constant 0 : i32
        %dma_start3A_128 = tpu.memref_slice %dma_start3A_126[%mul3A_117, %dma_start3A_127] : memref<65536x128xf32, #tpu.memory_space<hbm>> -> memref<128x128xf32, #tpu.memory_space<hbm>>
        %dma_start3A_129 = arith.constant 0 : i32
        %dma_start3A_130 = arith.constant 0 : i32
        %dma_start3A_131 = tpu.memref_slice %arg6[%run_scoped3A, %dma_start3A_129, %dma_start3A_130] : memref<2x65536x128xf32, #tpu.memory_space<hbm>> -> memref<1x65536x128xf32, #tpu.memory_space<hbm>>
        %dma_start3A_132 = tpu.memref_squeeze %dma_start3A_131 : memref<1x65536x128xf32, #tpu.memory_space<hbm>> -> memref<65536x128xf32, #tpu.memory_space<hbm>>
        %dma_start3A_133 = arith.constant 0 : i32
        %dma_start3A_134 = tpu.memref_slice %dma_start3A_132[%mul3A_117, %dma_start3A_133] : memref<65536x128xf32, #tpu.memory_space<hbm>> -> memref<128x128xf32, #tpu.memory_space<hbm>>
        %dma_start3A_135 = arith.constant 0 : i32
        %dma_start3A_136 = arith.constant 0 : i32
        %dma_start3A_137 = tpu.memref_slice %arg12[%dma_start3A_135, %dma_start3A_136] : memref<256x129xf32, #tpu.memory_space<vmem>> -> memref<128x128xf32, #tpu.memory_space<vmem>>
        tpu.enqueue_dma source(%dma_start3A_137 : memref<128x128xf32, #tpu.memory_space<vmem>>) target(%dma_start3A_134 : memref<128x128xf32, #tpu.memory_space<hbm>>) target_semaphore(%run_scoped3A_119 : memref<!tpu.dma_semaphore, #tpu.memory_space<semaphore_mem>>)
        %dma_wait3A_138 = arith.constant 0 : i32
        %dma_wait3A_139 = arith.constant 0 : i32
        %dma_wait3A_140 = tpu.memref_slice %arg12[%dma_wait3A_138, %dma_wait3A_139] : memref<256x129xf32, #tpu.memory_space<vmem>> -> memref<128x128xf32, #tpu.memory_space<vmem>>
        %dma_wait3A_141 = arith.constant 0 : i32
        %dma_wait3A_142 = arith.constant 0 : i32
        %dma_wait3A_143 = tpu.memref_slice %arg6[%run_scoped3A, %dma_wait3A_141, %dma_wait3A_142] : memref<2x65536x128xf32, #tpu.memory_space<hbm>> -> memref<1x65536x128xf32, #tpu.memory_space<hbm>>
        %dma_wait3A_144 = tpu.memref_squeeze %dma_wait3A_143 : memref<1x65536x128xf32, #tpu.memory_space<hbm>> -> memref<65536x128xf32, #tpu.memory_space<hbm>>
        %dma_wait3A_145 = arith.constant 0 : i32
        %dma_wait3A_146 = tpu.memref_slice %dma_wait3A_144[%mul3A_117, %dma_wait3A_145] : memref<65536x128xf32, #tpu.memory_space<hbm>> -> memref<128x128xf32, #tpu.memory_space<hbm>>
        %dma_wait3A_147 = arith.constant 0 : i32
        %dma_wait3A_148 = arith.constant 0 : i32
        %dma_wait3A_149 = tpu.memref_slice %arg6[%run_scoped3A, %dma_wait3A_147, %dma_wait3A_148] : memref<2x65536x128xf32, #tpu.memory_space<hbm>> -> memref<1x65536x128xf32, #tpu.memory_space<hbm>>
        %dma_wait3A_150 = tpu.memref_squeeze %dma_wait3A_149 : memref<1x65536x128xf32, #tpu.memory_space<hbm>> -> memref<65536x128xf32, #tpu.memory_space<hbm>>
        %dma_wait3A_151 = arith.constant 0 : i32
        %dma_wait3A_152 = tpu.memref_slice %dma_wait3A_150[%mul3A_117, %dma_wait3A_151] : memref<65536x128xf32, #tpu.memory_space<hbm>> -> memref<128x128xf32, #tpu.memory_space<hbm>>
        %dma_wait3A_153 = arith.constant 0 : i32
        %dma_wait3A_154 = arith.constant 0 : i32
        %dma_wait3A_155 = tpu.memref_slice %arg12[%dma_wait3A_153, %dma_wait3A_154] : memref<256x129xf32, #tpu.memory_space<vmem>> -> memref<128x128xf32, #tpu.memory_space<vmem>>
        tpu.wait_dma2 semaphore(%run_scoped3A_119 : memref<!tpu.dma_semaphore, #tpu.memory_space<semaphore_mem>>) src(%dma_wait3A_155 : memref<128x128xf32, #tpu.memory_space<vmem>>) dst(%dma_wait3A_152 : memref<128x128xf32, #tpu.memory_space<hbm>>)
        tpu.yield
      }) : () -> ()
      %run_scoped3A_118 = arith.constant 1 : i32
      "tpu.region"() ({
        %run_scoped3A_119 = tpu.sem_alloc : memref<!tpu.dma_semaphore, #tpu.memory_space<semaphore_mem>>
        %dma_start3A_120 = arith.constant 128 : i32
        %dma_start3A_121 = arith.constant 0 : i32
        %dma_start3A_122 = tpu.memref_slice %arg12[%dma_start3A_120, %dma_start3A_121] : memref<256x129xf32, #tpu.memory_space<vmem>> -> memref<128x128xf32, #tpu.memory_space<vmem>>
        %dma_start3A_123 = arith.constant 0 : i32
        %dma_start3A_124 = arith.constant 0 : i32
        %dma_start3A_125 = tpu.memref_slice %arg6[%run_scoped3A_118, %dma_start3A_123, %dma_start3A_124] : memref<2x65536x128xf32, #tpu.memory_space<hbm>> -> memref<1x65536x128xf32, #tpu.memory_space<hbm>>
        %dma_start3A_126 = tpu.memref_squeeze %dma_start3A_125 : memref<1x65536x128xf32, #tpu.memory_space<hbm>> -> memref<65536x128xf32, #tpu.memory_space<hbm>>
        %dma_start3A_127 = arith.constant 0 : i32
        %dma_start3A_128 = tpu.memref_slice %dma_start3A_126[%mul3A_117, %dma_start3A_127] : memref<65536x128xf32, #tpu.memory_space<hbm>> -> memref<128x128xf32, #tpu.memory_space<hbm>>
        %dma_start3A_129 = arith.constant 0 : i32
        %dma_start3A_130 = arith.constant 0 : i32
        %dma_start3A_131 = tpu.memref_slice %arg6[%run_scoped3A_118, %dma_start3A_129, %dma_start3A_130] : memref<2x65536x128xf32, #tpu.memory_space<hbm>> -> memref<1x65536x128xf32, #tpu.memory_space<hbm>>
        %dma_start3A_132 = tpu.memref_squeeze %dma_start3A_131 : memref<1x65536x128xf32, #tpu.memory_space<hbm>> -> memref<65536x128xf32, #tpu.memory_space<hbm>>
        %dma_start3A_133 = arith.constant 0 : i32
        %dma_start3A_134 = tpu.memref_slice %dma_start3A_132[%mul3A_117, %dma_start3A_133] : memref<65536x128xf32, #tpu.memory_space<hbm>> -> memref<128x128xf32, #tpu.memory_space<hbm>>
        %dma_start3A_135 = arith.constant 128 : i32
        %dma_start3A_136 = arith.constant 0 : i32
        %dma_start3A_137 = tpu.memref_slice %arg12[%dma_start3A_135, %dma_start3A_136] : memref<256x129xf32, #tpu.memory_space<vmem>> -> memref<128x128xf32, #tpu.memory_space<vmem>>
        tpu.enqueue_dma source(%dma_start3A_137 : memref<128x128xf32, #tpu.memory_space<vmem>>) target(%dma_start3A_134 : memref<128x128xf32, #tpu.memory_space<hbm>>) target_semaphore(%run_scoped3A_119 : memref<!tpu.dma_semaphore, #tpu.memory_space<semaphore_mem>>)
        %dma_wait3A_138 = arith.constant 128 : i32
        %dma_wait3A_139 = arith.constant 0 : i32
        %dma_wait3A_140 = tpu.memref_slice %arg12[%dma_wait3A_138, %dma_wait3A_139] : memref<256x129xf32, #tpu.memory_space<vmem>> -> memref<128x128xf32, #tpu.memory_space<vmem>>
        %dma_wait3A_141 = arith.constant 0 : i32
        %dma_wait3A_142 = arith.constant 0 : i32
        %dma_wait3A_143 = tpu.memref_slice %arg6[%run_scoped3A_118, %dma_wait3A_141, %dma_wait3A_142] : memref<2x65536x128xf32, #tpu.memory_space<hbm>> -> memref<1x65536x128xf32, #tpu.memory_space<hbm>>
        %dma_wait3A_144 = tpu.memref_squeeze %dma_wait3A_143 : memref<1x65536x128xf32, #tpu.memory_space<hbm>> -> memref<65536x128xf32, #tpu.memory_space<hbm>>
        %dma_wait3A_145 = arith.constant 0 : i32
        %dma_wait3A_146 = tpu.memref_slice %dma_wait3A_144[%mul3A_117, %dma_wait3A_145] : memref<65536x128xf32, #tpu.memory_space<hbm>> -> memref<128x128xf32, #tpu.memory_space<hbm>>
        %dma_wait3A_147 = arith.constant 0 : i32
        %dma_wait3A_148 = arith.constant 0 : i32
        %dma_wait3A_149 = tpu.memref_slice %arg6[%run_scoped3A_118, %dma_wait3A_147, %dma_wait3A_148] : memref<2x65536x128xf32, #tpu.memory_space<hbm>> -> memref<1x65536x128xf32, #tpu.memory_space<hbm>>
        %dma_wait3A_150 = tpu.memref_squeeze %dma_wait3A_149 : memref<1x65536x128xf32, #tpu.memory_space<hbm>> -> memref<65536x128xf32, #tpu.memory_space<hbm>>
        %dma_wait3A_151 = arith.constant 0 : i32
        %dma_wait3A_152 = tpu.memref_slice %dma_wait3A_150[%mul3A_117, %dma_wait3A_151] : memref<65536x128xf32, #tpu.memory_space<hbm>> -> memref<128x128xf32, #tpu.memory_space<hbm>>
        %dma_wait3A_153 = arith.constant 128 : i32
        %dma_wait3A_154 = arith.constant 0 : i32
        %dma_wait3A_155 = tpu.memref_slice %arg12[%dma_wait3A_153, %dma_wait3A_154] : memref<256x129xf32, #tpu.memory_space<vmem>> -> memref<128x128xf32, #tpu.memory_space<vmem>>
        tpu.wait_dma2 semaphore(%run_scoped3A_119 : memref<!tpu.dma_semaphore, #tpu.memory_space<semaphore_mem>>) src(%dma_wait3A_155 : memref<128x128xf32, #tpu.memory_space<vmem>>) dst(%dma_wait3A_152 : memref<128x128xf32, #tpu.memory_space<hbm>>)
        tpu.yield
      }) : () -> ()
    }
    %while3A_60 = arith.constant 1 : i32
    scf.for %while3A_61 = %while3A_58 to %while3A_54 step %while3A_60  : i32 {
      %mul3A_62 = arith.constant 2048 : i32
      %mul3A_63 = arith.muli %while3A_61, %mul3A_62 : i32
      %add3A_64 = arith.addi %mul3A_2, %mul3A_63 : i32
      "tpu.region"() ({
        %run_scoped3A_119 = tpu.sem_alloc : memref<!tpu.dma_semaphore, #tpu.memory_space<semaphore_mem>>
        %dma_start3A_120 = tpu.memref_slice %arg2[%add3A_64] : memref<1048576xi32, #tpu.memory_space<hbm>> -> memref<2048xi32, #tpu.memory_space<hbm>>
        %dma_start3A_121 = tpu.memref_slice %arg2[%add3A_64] : memref<1048576xi32, #tpu.memory_space<hbm>> -> memref<2048xi32, #tpu.memory_space<hbm>>
        tpu.enqueue_dma source(%dma_start3A_121 : memref<2048xi32, #tpu.memory_space<hbm>>) target(%arg7 : memref<2048xi32, #tpu.memory_space<vmem>>) target_semaphore(%run_scoped3A_119 : memref<!tpu.dma_semaphore, #tpu.memory_space<semaphore_mem>>)
        %dma_wait3A_122 = tpu.memref_slice %arg2[%add3A_64] : memref<1048576xi32, #tpu.memory_space<hbm>> -> memref<2048xi32, #tpu.memory_space<hbm>>
        %dma_wait3A_123 = tpu.memref_slice %arg2[%add3A_64] : memref<1048576xi32, #tpu.memory_space<hbm>> -> memref<2048xi32, #tpu.memory_space<hbm>>
        tpu.wait_dma2 semaphore(%run_scoped3A_119 : memref<!tpu.dma_semaphore, #tpu.memory_space<semaphore_mem>>) src(%dma_wait3A_123 : memref<2048xi32, #tpu.memory_space<hbm>>) dst(%arg7 : memref<2048xi32, #tpu.memory_space<vmem>>)
        tpu.yield
      }) : () -> ()
      "tpu.region"() ({
        %run_scoped3A_119 = tpu.sem_alloc : memref<!tpu.dma_semaphore, #tpu.memory_space<semaphore_mem>>
        %dma_start3A_120 = tpu.memref_slice %arg3[%add3A_64] : memref<1048576xi32, #tpu.memory_space<hbm>> -> memref<2048xi32, #tpu.memory_space<hbm>>
        %dma_start3A_121 = tpu.memref_slice %arg3[%add3A_64] : memref<1048576xi32, #tpu.memory_space<hbm>> -> memref<2048xi32, #tpu.memory_space<hbm>>
        tpu.enqueue_dma source(%dma_start3A_121 : memref<2048xi32, #tpu.memory_space<hbm>>) target(%arg8 : memref<2048xi32, #tpu.memory_space<vmem>>) target_semaphore(%run_scoped3A_119 : memref<!tpu.dma_semaphore, #tpu.memory_space<semaphore_mem>>)
        %dma_wait3A_122 = tpu.memref_slice %arg3[%add3A_64] : memref<1048576xi32, #tpu.memory_space<hbm>> -> memref<2048xi32, #tpu.memory_space<hbm>>
        %dma_wait3A_123 = tpu.memref_slice %arg3[%add3A_64] : memref<1048576xi32, #tpu.memory_space<hbm>> -> memref<2048xi32, #tpu.memory_space<hbm>>
        tpu.wait_dma2 semaphore(%run_scoped3A_119 : memref<!tpu.dma_semaphore, #tpu.memory_space<semaphore_mem>>) src(%dma_wait3A_123 : memref<2048xi32, #tpu.memory_space<hbm>>) dst(%arg8 : memref<2048xi32, #tpu.memory_space<vmem>>)
        tpu.yield
      }) : () -> ()
      "tpu.region"() ({
        %run_scoped3A_119 = tpu.sem_alloc : memref<!tpu.dma_semaphore, #tpu.memory_space<semaphore_mem>>
        %dma_start3A_120 = tpu.memref_slice %arg4[%add3A_64] : memref<1048576xi32, #tpu.memory_space<hbm>> -> memref<2048xi32, #tpu.memory_space<hbm>>
        %dma_start3A_121 = tpu.memref_slice %arg4[%add3A_64] : memref<1048576xi32, #tpu.memory_space<hbm>> -> memref<2048xi32, #tpu.memory_space<hbm>>
        tpu.enqueue_dma source(%dma_start3A_121 : memref<2048xi32, #tpu.memory_space<hbm>>) target(%arg9 : memref<2048xi32, #tpu.memory_space<vmem>>) target_semaphore(%run_scoped3A_119 : memref<!tpu.dma_semaphore, #tpu.memory_space<semaphore_mem>>)
        %dma_wait3A_122 = tpu.memref_slice %arg4[%add3A_64] : memref<1048576xi32, #tpu.memory_space<hbm>> -> memref<2048xi32, #tpu.memory_space<hbm>>
        %dma_wait3A_123 = tpu.memref_slice %arg4[%add3A_64] : memref<1048576xi32, #tpu.memory_space<hbm>> -> memref<2048xi32, #tpu.memory_space<hbm>>
        tpu.wait_dma2 semaphore(%run_scoped3A_119 : memref<!tpu.dma_semaphore, #tpu.memory_space<semaphore_mem>>) src(%dma_wait3A_123 : memref<2048xi32, #tpu.memory_space<hbm>>) dst(%arg9 : memref<2048xi32, #tpu.memory_space<vmem>>)
        tpu.yield
      }) : () -> ()
      %while3A_65 = arith.constant 0 : i64
      %while3A_66 = arith.constant 0 : i32
      %while3A_67 = arith.constant 128 : i32
      %while3A_68 = arith.subi %while3A_67, %while3A_66 : i32
      %while3A_69 = arith.addi %while3A_66, %while3A_68 : i32
      %while3A_70 = arith.constant 1 : i32
      %while3A_71 = arith.divsi %while3A_68, %while3A_70 : i32
      %while3A_72 = arith.muli %while3A_71, %while3A_70 : i32
      %while3A_73 = arith.addi %while3A_66, %while3A_72 : i32
      %while3A_74 = arith.constant 1 : i32
      scf.for %while3A_119 = %while3A_66 to %while3A_73 step %while3A_74  : i32 {
        %mul3A_120 = arith.constant 16 : i32
        %mul3A_121 = arith.muli %while3A_119, %mul3A_120 : i32
        %get3A = arith.index_cast %mul3A_121 : i32 to index
        %get3A_122 = tpu.vector_load %arg7[%get3A] {strides = array<i32>} : memref<2048xi32, #tpu.memory_space<vmem>>, vector<16xi32>,
        %mul3A_123 = arith.constant 16 : i32
        %mul3A_124 = arith.muli %while3A_119, %mul3A_123 : i32
        %get3A_125 = arith.index_cast %mul3A_124 : i32 to index
        %get3A_126 = tpu.vector_load %arg8[%get3A_125] {strides = array<i32>} : memref<2048xi32, #tpu.memory_space<vmem>>, vector<16xi32>,
        %mul3A_127 = arith.constant 16 : i32
        %mul3A_128 = arith.muli %while3A_119, %mul3A_127 : i32
        %get3A_129 = arith.index_cast %mul3A_128 : i32 to index
        %get3A_130 = tpu.vector_load %arg9[%get3A_129] {strides = array<i32>} : memref<2048xi32, #tpu.memory_space<vmem>>, vector<16xi32>,
        %mul3A_131 = arith.constant 19349663 : i32
        %mul3A_132 = vector.broadcast %mul3A_131 : i32 to vector<16xi32>
        %mul3A_133 = arith.muli %get3A_126, %mul3A_132 : vector<16xi32>
        %xor3A = arith.xori %get3A_122, %mul3A_133 : vector<16xi32>
        %mul3A_134 = arith.constant 83492791 : i32
        %mul3A_135 = vector.broadcast %mul3A_134 : i32 to vector<16xi32>
        %mul3A_136 = arith.muli %get3A_130, %mul3A_135 : vector<16xi32>
        %xor3A_137 = arith.xori %xor3A, %mul3A_136 : vector<16xi32>
        %and3A_138 = arith.constant 4194303 : i32
        %and3A_139 = vector.broadcast %and3A_138 : i32 to vector<16xi32>
        %and3A_140 = arith.andi %xor3A_137, %and3A_139 : vector<16xi32>
        %mul3A_141 = arith.constant 16 : i32
        %mul3A_142 = arith.muli %while3A_119, %mul3A_141 : i32
        %swap3A = arith.index_cast %mul3A_142 : i32 to index
        %swap3A_143 = tpu.vector_load %arg10[%swap3A] {strides = array<i32>} : memref<2048xi32, #tpu.memory_space<vmem>>, vector<16xi32>,
        tpu.vector_store %arg10[%swap3A], %and3A_140 {strides = array<i32>} : memref<2048xi32, #tpu.memory_space<vmem>>, vector<16xi32>,
      }
      %while3A_75 = arith.constant 1 : i32
      scf.for %while3A_119 = %while3A_73 to %while3A_69 step %while3A_75  : i32 {
        %mul3A_120 = arith.constant 16 : i32
        %mul3A_121 = arith.muli %while3A_119, %mul3A_120 : i32
        %get3A = arith.index_cast %mul3A_121 : i32 to index
        %get3A_122 = tpu.vector_load %arg7[%get3A] {strides = array<i32>} : memref<2048xi32, #tpu.memory_space<vmem>>, vector<16xi32>,
        %mul3A_123 = arith.constant 16 : i32
        %mul3A_124 = arith.muli %while3A_119, %mul3A_123 : i32
        %get3A_125 = arith.index_cast %mul3A_124 : i32 to index
        %get3A_126 = tpu.vector_load %arg8[%get3A_125] {strides = array<i32>} : memref<2048xi32, #tpu.memory_space<vmem>>, vector<16xi32>,
        %mul3A_127 = arith.constant 16 : i32
        %mul3A_128 = arith.muli %while3A_119, %mul3A_127 : i32
        %get3A_129 = arith.index_cast %mul3A_128 : i32 to index
        %get3A_130 = tpu.vector_load %arg9[%get3A_129] {strides = array<i32>} : memref<2048xi32, #tpu.memory_space<vmem>>, vector<16xi32>,
        %mul3A_131 = arith.constant 19349663 : i32
        %mul3A_132 = vector.broadcast %mul3A_131 : i32 to vector<16xi32>
        %mul3A_133 = arith.muli %get3A_126, %mul3A_132 : vector<16xi32>
        %xor3A = arith.xori %get3A_122, %mul3A_133 : vector<16xi32>
        %mul3A_134 = arith.constant 83492791 : i32
        %mul3A_135 = vector.broadcast %mul3A_134 : i32 to vector<16xi32>
        %mul3A_136 = arith.muli %get3A_130, %mul3A_135 : vector<16xi32>
        %xor3A_137 = arith.xori %xor3A, %mul3A_136 : vector<16xi32>
        %and3A_138 = arith.constant 4194303 : i32
        %and3A_139 = vector.broadcast %and3A_138 : i32 to vector<16xi32>
        %and3A_140 = arith.andi %xor3A_137, %and3A_139 : vector<16xi32>
        %mul3A_141 = arith.constant 16 : i32
        %mul3A_142 = arith.muli %while3A_119, %mul3A_141 : i32
        %swap3A = arith.index_cast %mul3A_142 : i32 to index
        %swap3A_143 = tpu.vector_load %arg10[%swap3A] {strides = array<i32>} : memref<2048xi32, #tpu.memory_space<vmem>>, vector<16xi32>,
        tpu.vector_store %arg10[%swap3A], %and3A_140 {strides = array<i32>} : memref<2048xi32, #tpu.memory_space<vmem>>, vector<16xi32>,
      }
      %dma_start3A = arith.constant 0 : i32
      %dma_start3A_76 = arith.constant 0 : i32
      %dma_start3A_77 = tpu.memref_slice %arg5[%dma_start3A, %dma_start3A_76] : memref<4194304x16xf32, #tpu.memory_space<hbm>> -> memref<4194304x16xf32, #tpu.memory_space<hbm>>
      tpu.enqueue_indirect_dma source(%dma_start3A_77 : memref<4194304x16xf32, #tpu.memory_space<hbm>>) target(%arg11 : memref<2048x16xf32, #tpu.memory_space<vmem>>) offsets(%arg10 : memref<2048xi32, #tpu.memory_space<vmem>>) semaphore(%arg13 : memref<!tpu.dma_semaphore, #tpu.memory_space<semaphore_mem>>)
      %dma_wait3A = arith.constant 0 : i32
      %dma_wait3A_78 = arith.constant 0 : i32
      %dma_wait3A_79 = tpu.memref_slice %arg5[%dma_wait3A, %dma_wait3A_78] : memref<4194304x16xf32, #tpu.memory_space<hbm>> -> memref<4194304x16xf32, #tpu.memory_space<hbm>>
      tpu.wait_indirect_dma semaphore(%arg13 : memref<!tpu.dma_semaphore, #tpu.memory_space<semaphore_mem>>) src(%dma_wait3A_79 : memref<4194304x16xf32, #tpu.memory_space<hbm>>) dst(%arg11 : memref<2048x16xf32, #tpu.memory_space<vmem>>)
      %while3A_80 = arith.constant 0 : i64
      %while3A_81 = arith.constant 0 : i32
      %while3A_82 = arith.constant 256 : i32
      %while3A_83 = arith.subi %while3A_82, %while3A_81 : i32
      %while3A_84 = arith.addi %while3A_81, %while3A_83 : i32
      %while3A_85 = arith.constant 1 : i32
      %while3A_86 = arith.divsi %while3A_83, %while3A_85 : i32
      %while3A_87 = arith.muli %while3A_86, %while3A_85 : i32
      %while3A_88 = arith.addi %while3A_81, %while3A_87 : i32
      %while3A_89 = arith.constant 1 : i32
      scf.for %while3A_119 = %while3A_81 to %while3A_88 step %while3A_89  : i32 {
        %mul3A_120 = arith.constant 8 : i32
        %mul3A_121 = arith.muli %while3A_119, %mul3A_120 : i32
        %jit3A_122 = arith.constant 128 : i64
        %convert_element_type3A_123 = arith.trunci %jit3A_122 : i64 to i32
        %div3A_124 = arith.divsi %mul3A_121, %convert_element_type3A_123 : i32
        %sign3A_125 = arith.constant 0 : i32
        %sign3A_126 = arith.cmpi sgt, %mul3A_121, %sign3A_125 : i32
        %sign3A_127 = arith.extui %sign3A_126 : i1 to i32
        %sign3A_128 = arith.constant 0 : i32
        %sign3A_129 = arith.cmpi slt, %mul3A_121, %sign3A_128 : i32
        %sign3A_130 = arith.extui %sign3A_129 : i1 to i32
        %sign3A_131 = arith.subi %sign3A_127, %sign3A_130 : i32
        %sign3A_132 = arith.constant 0 : i32
        %sign3A_133 = arith.cmpi sgt, %convert_element_type3A_123, %sign3A_132 : i32
        %sign3A_134 = arith.extui %sign3A_133 : i1 to i32
        %sign3A_135 = arith.constant 0 : i32
        %sign3A_136 = arith.cmpi slt, %convert_element_type3A_123, %sign3A_135 : i32
        %sign3A_137 = arith.extui %sign3A_136 : i1 to i32
        %sign3A_138 = arith.subi %sign3A_134, %sign3A_137 : i32
        %ne3A_139 = arith.cmpi ne, %sign3A_131, %sign3A_138 : i32
        %rem3A_140 = arith.remsi %mul3A_121, %convert_element_type3A_123 : i32
        %ne3A_141 = arith.constant 0 : i32
        %ne3A_142 = arith.cmpi ne, %rem3A_140, %ne3A_141 : i32
        %and3A_143 = arith.andi %ne3A_139, %ne3A_142 : i1
        %sub3A_144 = arith.constant 1 : i32
        %sub3A_145 = arith.subi %div3A_124, %sub3A_144 : i32
        %select_n3A_146 = arith.select %and3A_143, %sub3A_145, %div3A_124 : i32
        %mul3A_147 = arith.constant 8 : i32
        %mul3A_148 = arith.muli %select_n3A_146, %mul3A_147 : i32
        %add3A_149 = vector.broadcast %mul3A_148 : i32 to vector<16xi32>
        %add3A_150 = arith.addi %add3A_50, %add3A_149 : vector<16xi32>
        %jit3A_151 = arith.constant 128 : i64
        %convert_element_type3A_152 = arith.trunci %jit3A_151 : i64 to i32
        %eq3A_153 = arith.constant 0 : i32
        %eq3A_154 = arith.cmpi eq, %convert_element_type3A_152, %eq3A_153 : i32
        %jit3A_155 = arith.constant 1 : i32
        %select_n3A_156 = arith.select %eq3A_154, %jit3A_155, %convert_element_type3A_152 : i32
        %rem3A_157 = arith.remsi %mul3A_121, %select_n3A_156 : i32
        %ne3A_158 = arith.constant 0 : i32
        %ne3A_159 = arith.cmpi ne, %rem3A_157, %ne3A_158 : i32
        %lt3A_160 = arith.constant 0 : i32
        %lt3A_161 = arith.cmpi slt, %rem3A_157, %lt3A_160 : i32
        %lt3A_162 = arith.constant 0 : i32
        %lt3A_163 = arith.cmpi slt, %select_n3A_156, %lt3A_162 : i32
        %ne3A_164 = arith.xori %lt3A_161, %lt3A_163 : i1
        %and3A_165 = arith.andi %ne3A_164, %ne3A_159 : i1
        %add3A_166 = arith.addi %rem3A_157, %select_n3A_156 : i32
        %select_n3A_167 = arith.select %and3A_165, %add3A_166, %rem3A_157 : i32
        %add3A_168 = arith.constant 0 : i32
        %add3A_169 = arith.addi %mul3A_121, %add3A_168 : i32
        %get3A = arith.index_cast %add3A_169 : i32 to index
        %get3A_170 = arith.constant 0 : index
        %get3A_171 = tpu.vector_load %arg11[%get3A, %get3A_170] {strides = array<i32>} : memref<2048x16xf32, #tpu.memory_space<vmem>>, vector<16xf32>,
        %add3A_172 = arith.constant 0 : i32
        %add3A_173 = arith.addi %select_n3A_167, %add3A_172 : i32
        %broadcast_in_dim3A = vector.broadcast %add3A_173 : i32 to vector<16xi32>
        tpu.vector_store_idx %arg12[%add3A_150, %broadcast_in_dim3A], %get3A_171 : memref<256x129xf32, #tpu.memory_space<vmem>>[vector<16xi32>, vector<16xi32>], vector<16xf32>,
        %add3A_174 = arith.constant 1 : i32
        %add3A_175 = arith.addi %mul3A_121, %add3A_174 : i32
        %get3A_176 = arith.index_cast %add3A_175 : i32 to index
        %get3A_177 = arith.constant 0 : index
        %get3A_178 = tpu.vector_load %arg11[%get3A_176, %get3A_177] {strides = array<i32>} : memref<2048x16xf32, #tpu.memory_space<vmem>>, vector<16xf32>,
        %add3A_179 = arith.constant 1 : i32
        %add3A_180 = arith.addi %select_n3A_167, %add3A_179 : i32
        %broadcast_in_dim3A_181 = vector.broadcast %add3A_180 : i32 to vector<16xi32>
        tpu.vector_store_idx %arg12[%add3A_150, %broadcast_in_dim3A_181], %get3A_178 : memref<256x129xf32, #tpu.memory_space<vmem>>[vector<16xi32>, vector<16xi32>], vector<16xf32>,
        %add3A_182 = arith.constant 2 : i32
        %add3A_183 = arith.addi %mul3A_121, %add3A_182 : i32
        %get3A_184 = arith.index_cast %add3A_183 : i32 to index
        %get3A_185 = arith.constant 0 : index
        %get3A_186 = tpu.vector_load %arg11[%get3A_184, %get3A_185] {strides = array<i32>} : memref<2048x16xf32, #tpu.memory_space<vmem>>, vector<16xf32>,
        %add3A_187 = arith.constant 2 : i32
        %add3A_188 = arith.addi %select_n3A_167, %add3A_187 : i32
        %broadcast_in_dim3A_189 = vector.broadcast %add3A_188 : i32 to vector<16xi32>
        tpu.vector_store_idx %arg12[%add3A_150, %broadcast_in_dim3A_189], %get3A_186 : memref<256x129xf32, #tpu.memory_space<vmem>>[vector<16xi32>, vector<16xi32>], vector<16xf32>,
        %add3A_190 = arith.constant 3 : i32
        %add3A_191 = arith.addi %mul3A_121, %add3A_190 : i32
        %get3A_192 = arith.index_cast %add3A_191 : i32 to index
        %get3A_193 = arith.constant 0 : index
        %get3A_194 = tpu.vector_load %arg11[%get3A_192, %get3A_193] {strides = array<i32>} : memref<2048x16xf32, #tpu.memory_space<vmem>>, vector<16xf32>,
        %add3A_195 = arith.constant 3 : i32
        %add3A_196 = arith.addi %select_n3A_167, %add3A_195 : i32
        %broadcast_in_dim3A_197 = vector.broadcast %add3A_196 : i32 to vector<16xi32>
        tpu.vector_store_idx %arg12[%add3A_150, %broadcast_in_dim3A_197], %get3A_194 : memref<256x129xf32, #tpu.memory_space<vmem>>[vector<16xi32>, vector<16xi32>], vector<16xf32>,
        %add3A_198 = arith.constant 4 : i32
        %add3A_199 = arith.addi %mul3A_121, %add3A_198 : i32
        %get3A_200 = arith.index_cast %add3A_199 : i32 to index
        %get3A_201 = arith.constant 0 : index
        %get3A_202 = tpu.vector_load %arg11[%get3A_200, %get3A_201] {strides = array<i32>} : memref<2048x16xf32, #tpu.memory_space<vmem>>, vector<16xf32>,
        %add3A_203 = arith.constant 4 : i32
        %add3A_204 = arith.addi %select_n3A_167, %add3A_203 : i32
        %broadcast_in_dim3A_205 = vector.broadcast %add3A_204 : i32 to vector<16xi32>
        tpu.vector_store_idx %arg12[%add3A_150, %broadcast_in_dim3A_205], %get3A_202 : memref<256x129xf32, #tpu.memory_space<vmem>>[vector<16xi32>, vector<16xi32>], vector<16xf32>,
        %add3A_206 = arith.constant 5 : i32
        %add3A_207 = arith.addi %mul3A_121, %add3A_206 : i32
        %get3A_208 = arith.index_cast %add3A_207 : i32 to index
        %get3A_209 = arith.constant 0 : index
        %get3A_210 = tpu.vector_load %arg11[%get3A_208, %get3A_209] {strides = array<i32>} : memref<2048x16xf32, #tpu.memory_space<vmem>>, vector<16xf32>,
        %add3A_211 = arith.constant 5 : i32
        %add3A_212 = arith.addi %select_n3A_167, %add3A_211 : i32
        %broadcast_in_dim3A_213 = vector.broadcast %add3A_212 : i32 to vector<16xi32>
        tpu.vector_store_idx %arg12[%add3A_150, %broadcast_in_dim3A_213], %get3A_210 : memref<256x129xf32, #tpu.memory_space<vmem>>[vector<16xi32>, vector<16xi32>], vector<16xf32>,
        %add3A_214 = arith.constant 6 : i32
        %add3A_215 = arith.addi %mul3A_121, %add3A_214 : i32
        %get3A_216 = arith.index_cast %add3A_215 : i32 to index
        %get3A_217 = arith.constant 0 : index
        %get3A_218 = tpu.vector_load %arg11[%get3A_216, %get3A_217] {strides = array<i32>} : memref<2048x16xf32, #tpu.memory_space<vmem>>, vector<16xf32>,
        %add3A_219 = arith.constant 6 : i32
        %add3A_220 = arith.addi %select_n3A_167, %add3A_219 : i32
        %broadcast_in_dim3A_221 = vector.broadcast %add3A_220 : i32 to vector<16xi32>
        tpu.vector_store_idx %arg12[%add3A_150, %broadcast_in_dim3A_221], %get3A_218 : memref<256x129xf32, #tpu.memory_space<vmem>>[vector<16xi32>, vector<16xi32>], vector<16xf32>,
        %add3A_222 = arith.constant 7 : i32
        %add3A_223 = arith.addi %mul3A_121, %add3A_222 : i32
        %get3A_224 = arith.index_cast %add3A_223 : i32 to index
        %get3A_225 = arith.constant 0 : index
        %get3A_226 = tpu.vector_load %arg11[%get3A_224, %get3A_225] {strides = array<i32>} : memref<2048x16xf32, #tpu.memory_space<vmem>>, vector<16xf32>,
        %add3A_227 = arith.constant 7 : i32
        %add3A_228 = arith.addi %select_n3A_167, %add3A_227 : i32
        %broadcast_in_dim3A_229 = vector.broadcast %add3A_228 : i32 to vector<16xi32>
        tpu.vector_store_idx %arg12[%add3A_150, %broadcast_in_dim3A_229], %get3A_226 : memref<256x129xf32, #tpu.memory_space<vmem>>[vector<16xi32>, vector<16xi32>], vector<16xf32>,
      }
      %while3A_90 = arith.constant 1 : i32
      scf.for %while3A_119 = %while3A_88 to %while3A_84 step %while3A_90  : i32 {
        %mul3A_120 = arith.constant 8 : i32
        %mul3A_121 = arith.muli %while3A_119, %mul3A_120 : i32
        %jit3A_122 = arith.constant 128 : i64
        %convert_element_type3A_123 = arith.trunci %jit3A_122 : i64 to i32
        %div3A_124 = arith.divsi %mul3A_121, %convert_element_type3A_123 : i32
        %sign3A_125 = arith.constant 0 : i32
        %sign3A_126 = arith.cmpi sgt, %mul3A_121, %sign3A_125 : i32
        %sign3A_127 = arith.extui %sign3A_126 : i1 to i32
        %sign3A_128 = arith.constant 0 : i32
        %sign3A_129 = arith.cmpi slt, %mul3A_121, %sign3A_128 : i32
        %sign3A_130 = arith.extui %sign3A_129 : i1 to i32
        %sign3A_131 = arith.subi %sign3A_127, %sign3A_130 : i32
        %sign3A_132 = arith.constant 0 : i32
        %sign3A_133 = arith.cmpi sgt, %convert_element_type3A_123, %sign3A_132 : i32
        %sign3A_134 = arith.extui %sign3A_133 : i1 to i32
        %sign3A_135 = arith.constant 0 : i32
        %sign3A_136 = arith.cmpi slt, %convert_element_type3A_123, %sign3A_135 : i32
        %sign3A_137 = arith.extui %sign3A_136 : i1 to i32
        %sign3A_138 = arith.subi %sign3A_134, %sign3A_137 : i32
        %ne3A_139 = arith.cmpi ne, %sign3A_131, %sign3A_138 : i32
        %rem3A_140 = arith.remsi %mul3A_121, %convert_element_type3A_123 : i32
        %ne3A_141 = arith.constant 0 : i32
        %ne3A_142 = arith.cmpi ne, %rem3A_140, %ne3A_141 : i32
        %and3A_143 = arith.andi %ne3A_139, %ne3A_142 : i1
        %sub3A_144 = arith.constant 1 : i32
        %sub3A_145 = arith.subi %div3A_124, %sub3A_144 : i32
        %select_n3A_146 = arith.select %and3A_143, %sub3A_145, %div3A_124 : i32
        %mul3A_147 = arith.constant 8 : i32
        %mul3A_148 = arith.muli %select_n3A_146, %mul3A_147 : i32
        %add3A_149 = vector.broadcast %mul3A_148 : i32 to vector<16xi32>
        %add3A_150 = arith.addi %add3A_50, %add3A_149 : vector<16xi32>
        %jit3A_151 = arith.constant 128 : i64
        %convert_element_type3A_152 = arith.trunci %jit3A_151 : i64 to i32
        %eq3A_153 = arith.constant 0 : i32
        %eq3A_154 = arith.cmpi eq, %convert_element_type3A_152, %eq3A_153 : i32
        %jit3A_155 = arith.constant 1 : i32
        %select_n3A_156 = arith.select %eq3A_154, %jit3A_155, %convert_element_type3A_152 : i32
        %rem3A_157 = arith.remsi %mul3A_121, %select_n3A_156 : i32
        %ne3A_158 = arith.constant 0 : i32
        %ne3A_159 = arith.cmpi ne, %rem3A_157, %ne3A_158 : i32
        %lt3A_160 = arith.constant 0 : i32
        %lt3A_161 = arith.cmpi slt, %rem3A_157, %lt3A_160 : i32
        %lt3A_162 = arith.constant 0 : i32
        %lt3A_163 = arith.cmpi slt, %select_n3A_156, %lt3A_162 : i32
        %ne3A_164 = arith.xori %lt3A_161, %lt3A_163 : i1
        %and3A_165 = arith.andi %ne3A_164, %ne3A_159 : i1
        %add3A_166 = arith.addi %rem3A_157, %select_n3A_156 : i32
        %select_n3A_167 = arith.select %and3A_165, %add3A_166, %rem3A_157 : i32
        %add3A_168 = arith.constant 0 : i32
        %add3A_169 = arith.addi %mul3A_121, %add3A_168 : i32
        %get3A = arith.index_cast %add3A_169 : i32 to index
        %get3A_170 = arith.constant 0 : index
        %get3A_171 = tpu.vector_load %arg11[%get3A, %get3A_170] {strides = array<i32>} : memref<2048x16xf32, #tpu.memory_space<vmem>>, vector<16xf32>,
        %add3A_172 = arith.constant 0 : i32
        %add3A_173 = arith.addi %select_n3A_167, %add3A_172 : i32
        %broadcast_in_dim3A = vector.broadcast %add3A_173 : i32 to vector<16xi32>
        tpu.vector_store_idx %arg12[%add3A_150, %broadcast_in_dim3A], %get3A_171 : memref<256x129xf32, #tpu.memory_space<vmem>>[vector<16xi32>, vector<16xi32>], vector<16xf32>,
        %add3A_174 = arith.constant 1 : i32
        %add3A_175 = arith.addi %mul3A_121, %add3A_174 : i32
        %get3A_176 = arith.index_cast %add3A_175 : i32 to index
        %get3A_177 = arith.constant 0 : index
        %get3A_178 = tpu.vector_load %arg11[%get3A_176, %get3A_177] {strides = array<i32>} : memref<2048x16xf32, #tpu.memory_space<vmem>>, vector<16xf32>,
        %add3A_179 = arith.constant 1 : i32
        %add3A_180 = arith.addi %select_n3A_167, %add3A_179 : i32
        %broadcast_in_dim3A_181 = vector.broadcast %add3A_180 : i32 to vector<16xi32>
        tpu.vector_store_idx %arg12[%add3A_150, %broadcast_in_dim3A_181], %get3A_178 : memref<256x129xf32, #tpu.memory_space<vmem>>[vector<16xi32>, vector<16xi32>], vector<16xf32>,
        %add3A_182 = arith.constant 2 : i32
        %add3A_183 = arith.addi %mul3A_121, %add3A_182 : i32
        %get3A_184 = arith.index_cast %add3A_183 : i32 to index
        %get3A_185 = arith.constant 0 : index
        %get3A_186 = tpu.vector_load %arg11[%get3A_184, %get3A_185] {strides = array<i32>} : memref<2048x16xf32, #tpu.memory_space<vmem>>, vector<16xf32>,
        %add3A_187 = arith.constant 2 : i32
        %add3A_188 = arith.addi %select_n3A_167, %add3A_187 : i32
        %broadcast_in_dim3A_189 = vector.broadcast %add3A_188 : i32 to vector<16xi32>
        tpu.vector_store_idx %arg12[%add3A_150, %broadcast_in_dim3A_189], %get3A_186 : memref<256x129xf32, #tpu.memory_space<vmem>>[vector<16xi32>, vector<16xi32>], vector<16xf32>,
        %add3A_190 = arith.constant 3 : i32
        %add3A_191 = arith.addi %mul3A_121, %add3A_190 : i32
        %get3A_192 = arith.index_cast %add3A_191 : i32 to index
        %get3A_193 = arith.constant 0 : index
        %get3A_194 = tpu.vector_load %arg11[%get3A_192, %get3A_193] {strides = array<i32>} : memref<2048x16xf32, #tpu.memory_space<vmem>>, vector<16xf32>,
        %add3A_195 = arith.constant 3 : i32
        %add3A_196 = arith.addi %select_n3A_167, %add3A_195 : i32
        %broadcast_in_dim3A_197 = vector.broadcast %add3A_196 : i32 to vector<16xi32>
        tpu.vector_store_idx %arg12[%add3A_150, %broadcast_in_dim3A_197], %get3A_194 : memref<256x129xf32, #tpu.memory_space<vmem>>[vector<16xi32>, vector<16xi32>], vector<16xf32>,
        %add3A_198 = arith.constant 4 : i32
        %add3A_199 = arith.addi %mul3A_121, %add3A_198 : i32
        %get3A_200 = arith.index_cast %add3A_199 : i32 to index
        %get3A_201 = arith.constant 0 : index
        %get3A_202 = tpu.vector_load %arg11[%get3A_200, %get3A_201] {strides = array<i32>} : memref<2048x16xf32, #tpu.memory_space<vmem>>, vector<16xf32>,
        %add3A_203 = arith.constant 4 : i32
        %add3A_204 = arith.addi %select_n3A_167, %add3A_203 : i32
        %broadcast_in_dim3A_205 = vector.broadcast %add3A_204 : i32 to vector<16xi32>
        tpu.vector_store_idx %arg12[%add3A_150, %broadcast_in_dim3A_205], %get3A_202 : memref<256x129xf32, #tpu.memory_space<vmem>>[vector<16xi32>, vector<16xi32>], vector<16xf32>,
        %add3A_206 = arith.constant 5 : i32
        %add3A_207 = arith.addi %mul3A_121, %add3A_206 : i32
        %get3A_208 = arith.index_cast %add3A_207 : i32 to index
        %get3A_209 = arith.constant 0 : index
        %get3A_210 = tpu.vector_load %arg11[%get3A_208, %get3A_209] {strides = array<i32>} : memref<2048x16xf32, #tpu.memory_space<vmem>>, vector<16xf32>,
        %add3A_211 = arith.constant 5 : i32
        %add3A_212 = arith.addi %select_n3A_167, %add3A_211 : i32
        %broadcast_in_dim3A_213 = vector.broadcast %add3A_212 : i32 to vector<16xi32>
        tpu.vector_store_idx %arg12[%add3A_150, %broadcast_in_dim3A_213], %get3A_210 : memref<256x129xf32, #tpu.memory_space<vmem>>[vector<16xi32>, vector<16xi32>], vector<16xf32>,
        %add3A_214 = arith.constant 6 : i32
        %add3A_215 = arith.addi %mul3A_121, %add3A_214 : i32
        %get3A_216 = arith.index_cast %add3A_215 : i32 to index
        %get3A_217 = arith.constant 0 : index
        %get3A_218 = tpu.vector_load %arg11[%get3A_216, %get3A_217] {strides = array<i32>} : memref<2048x16xf32, #tpu.memory_space<vmem>>, vector<16xf32>,
        %add3A_219 = arith.constant 6 : i32
        %add3A_220 = arith.addi %select_n3A_167, %add3A_219 : i32
        %broadcast_in_dim3A_221 = vector.broadcast %add3A_220 : i32 to vector<16xi32>
        tpu.vector_store_idx %arg12[%add3A_150, %broadcast_in_dim3A_221], %get3A_218 : memref<256x129xf32, #tpu.memory_space<vmem>>[vector<16xi32>, vector<16xi32>], vector<16xf32>,
        %add3A_222 = arith.constant 7 : i32
        %add3A_223 = arith.addi %mul3A_121, %add3A_222 : i32
        %get3A_224 = arith.index_cast %add3A_223 : i32 to index
        %get3A_225 = arith.constant 0 : index
        %get3A_226 = tpu.vector_load %arg11[%get3A_224, %get3A_225] {strides = array<i32>} : memref<2048x16xf32, #tpu.memory_space<vmem>>, vector<16xf32>,
        %add3A_227 = arith.constant 7 : i32
        %add3A_228 = arith.addi %select_n3A_167, %add3A_227 : i32
        %broadcast_in_dim3A_229 = vector.broadcast %add3A_228 : i32 to vector<16xi32>
        tpu.vector_store_idx %arg12[%add3A_150, %broadcast_in_dim3A_229], %get3A_226 : memref<256x129xf32, #tpu.memory_space<vmem>>[vector<16xi32>, vector<16xi32>], vector<16xf32>,
      }
      %jit3A_91 = arith.constant 128 : i64
      %convert_element_type3A_92 = arith.trunci %jit3A_91 : i64 to i32
      %div3A_93 = arith.divsi %add3A_64, %convert_element_type3A_92 : i32
      %sign3A_94 = arith.constant 0 : i32
      %sign3A_95 = arith.cmpi sgt, %add3A_64, %sign3A_94 : i32
      %sign3A_96 = arith.extui %sign3A_95 : i1 to i32
      %sign3A_97 = arith.constant 0 : i32
      %sign3A_98 = arith.cmpi slt, %add3A_64, %sign3A_97 : i32
      %sign3A_99 = arith.extui %sign3A_98 : i1 to i32
      %sign3A_100 = arith.subi %sign3A_96, %sign3A_99 : i32
      %sign3A_101 = arith.constant 0 : i32
      %sign3A_102 = arith.cmpi sgt, %convert_element_type3A_92, %sign3A_101 : i32
      %sign3A_103 = arith.extui %sign3A_102 : i1 to i32
      %sign3A_104 = arith.constant 0 : i32
      %sign3A_105 = arith.cmpi slt, %convert_element_type3A_92, %sign3A_104 : i32
      %sign3A_106 = arith.extui %sign3A_105 : i1 to i32
      %sign3A_107 = arith.subi %sign3A_103, %sign3A_106 : i32
      %ne3A_108 = arith.cmpi ne, %sign3A_100, %sign3A_107 : i32
      %rem3A_109 = arith.remsi %add3A_64, %convert_element_type3A_92 : i32
      %ne3A_110 = arith.constant 0 : i32
      %ne3A_111 = arith.cmpi ne, %rem3A_109, %ne3A_110 : i32
      %and3A_112 = arith.andi %ne3A_108, %ne3A_111 : i1
      %sub3A_113 = arith.constant 1 : i32
      %sub3A_114 = arith.subi %div3A_93, %sub3A_113 : i32
      %select_n3A_115 = arith.select %and3A_112, %sub3A_114, %div3A_93 : i32
      %mul3A_116 = arith.constant 8 : i32
      %mul3A_117 = arith.muli %select_n3A_115, %mul3A_116 : i32
      %run_scoped3A = arith.constant 0 : i32
      "tpu.region"() ({
        %run_scoped3A_119 = tpu.sem_alloc : memref<!tpu.dma_semaphore, #tpu.memory_space<semaphore_mem>>
        %dma_start3A_120 = arith.constant 0 : i32
        %dma_start3A_121 = arith.constant 0 : i32
        %dma_start3A_122 = tpu.memref_slice %arg12[%dma_start3A_120, %dma_start3A_121] : memref<256x129xf32, #tpu.memory_space<vmem>> -> memref<128x128xf32, #tpu.memory_space<vmem>>
        %dma_start3A_123 = arith.constant 0 : i32
        %dma_start3A_124 = arith.constant 0 : i32
        %dma_start3A_125 = tpu.memref_slice %arg6[%run_scoped3A, %dma_start3A_123, %dma_start3A_124] : memref<2x65536x128xf32, #tpu.memory_space<hbm>> -> memref<1x65536x128xf32, #tpu.memory_space<hbm>>
        %dma_start3A_126 = tpu.memref_squeeze %dma_start3A_125 : memref<1x65536x128xf32, #tpu.memory_space<hbm>> -> memref<65536x128xf32, #tpu.memory_space<hbm>>
        %dma_start3A_127 = arith.constant 0 : i32
        %dma_start3A_128 = tpu.memref_slice %dma_start3A_126[%mul3A_117, %dma_start3A_127] : memref<65536x128xf32, #tpu.memory_space<hbm>> -> memref<128x128xf32, #tpu.memory_space<hbm>>
        %dma_start3A_129 = arith.constant 0 : i32
        %dma_start3A_130 = arith.constant 0 : i32
        %dma_start3A_131 = tpu.memref_slice %arg6[%run_scoped3A, %dma_start3A_129, %dma_start3A_130] : memref<2x65536x128xf32, #tpu.memory_space<hbm>> -> memref<1x65536x128xf32, #tpu.memory_space<hbm>>
        %dma_start3A_132 = tpu.memref_squeeze %dma_start3A_131 : memref<1x65536x128xf32, #tpu.memory_space<hbm>> -> memref<65536x128xf32, #tpu.memory_space<hbm>>
        %dma_start3A_133 = arith.constant 0 : i32
        %dma_start3A_134 = tpu.memref_slice %dma_start3A_132[%mul3A_117, %dma_start3A_133] : memref<65536x128xf32, #tpu.memory_space<hbm>> -> memref<128x128xf32, #tpu.memory_space<hbm>>
        %dma_start3A_135 = arith.constant 0 : i32
        %dma_start3A_136 = arith.constant 0 : i32
        %dma_start3A_137 = tpu.memref_slice %arg12[%dma_start3A_135, %dma_start3A_136] : memref<256x129xf32, #tpu.memory_space<vmem>> -> memref<128x128xf32, #tpu.memory_space<vmem>>
        tpu.enqueue_dma source(%dma_start3A_137 : memref<128x128xf32, #tpu.memory_space<vmem>>) target(%dma_start3A_134 : memref<128x128xf32, #tpu.memory_space<hbm>>) target_semaphore(%run_scoped3A_119 : memref<!tpu.dma_semaphore, #tpu.memory_space<semaphore_mem>>)
        %dma_wait3A_138 = arith.constant 0 : i32
        %dma_wait3A_139 = arith.constant 0 : i32
        %dma_wait3A_140 = tpu.memref_slice %arg12[%dma_wait3A_138, %dma_wait3A_139] : memref<256x129xf32, #tpu.memory_space<vmem>> -> memref<128x128xf32, #tpu.memory_space<vmem>>
        %dma_wait3A_141 = arith.constant 0 : i32
        %dma_wait3A_142 = arith.constant 0 : i32
        %dma_wait3A_143 = tpu.memref_slice %arg6[%run_scoped3A, %dma_wait3A_141, %dma_wait3A_142] : memref<2x65536x128xf32, #tpu.memory_space<hbm>> -> memref<1x65536x128xf32, #tpu.memory_space<hbm>>
        %dma_wait3A_144 = tpu.memref_squeeze %dma_wait3A_143 : memref<1x65536x128xf32, #tpu.memory_space<hbm>> -> memref<65536x128xf32, #tpu.memory_space<hbm>>
        %dma_wait3A_145 = arith.constant 0 : i32
        %dma_wait3A_146 = tpu.memref_slice %dma_wait3A_144[%mul3A_117, %dma_wait3A_145] : memref<65536x128xf32, #tpu.memory_space<hbm>> -> memref<128x128xf32, #tpu.memory_space<hbm>>
        %dma_wait3A_147 = arith.constant 0 : i32
        %dma_wait3A_148 = arith.constant 0 : i32
        %dma_wait3A_149 = tpu.memref_slice %arg6[%run_scoped3A, %dma_wait3A_147, %dma_wait3A_148] : memref<2x65536x128xf32, #tpu.memory_space<hbm>> -> memref<1x65536x128xf32, #tpu.memory_space<hbm>>
        %dma_wait3A_150 = tpu.memref_squeeze %dma_wait3A_149 : memref<1x65536x128xf32, #tpu.memory_space<hbm>> -> memref<65536x128xf32, #tpu.memory_space<hbm>>
        %dma_wait3A_151 = arith.constant 0 : i32
        %dma_wait3A_152 = tpu.memref_slice %dma_wait3A_150[%mul3A_117, %dma_wait3A_151] : memref<65536x128xf32, #tpu.memory_space<hbm>> -> memref<128x128xf32, #tpu.memory_space<hbm>>
        %dma_wait3A_153 = arith.constant 0 : i32
        %dma_wait3A_154 = arith.constant 0 : i32
        %dma_wait3A_155 = tpu.memref_slice %arg12[%dma_wait3A_153, %dma_wait3A_154] : memref<256x129xf32, #tpu.memory_space<vmem>> -> memref<128x128xf32, #tpu.memory_space<vmem>>
        tpu.wait_dma2 semaphore(%run_scoped3A_119 : memref<!tpu.dma_semaphore, #tpu.memory_space<semaphore_mem>>) src(%dma_wait3A_155 : memref<128x128xf32, #tpu.memory_space<vmem>>) dst(%dma_wait3A_152 : memref<128x128xf32, #tpu.memory_space<hbm>>)
        tpu.yield
      }) : () -> ()
      %run_scoped3A_118 = arith.constant 1 : i32
      "tpu.region"() ({
        %run_scoped3A_119 = tpu.sem_alloc : memref<!tpu.dma_semaphore, #tpu.memory_space<semaphore_mem>>
        %dma_start3A_120 = arith.constant 128 : i32
        %dma_start3A_121 = arith.constant 0 : i32
        %dma_start3A_122 = tpu.memref_slice %arg12[%dma_start3A_120, %dma_start3A_121] : memref<256x129xf32, #tpu.memory_space<vmem>> -> memref<128x128xf32, #tpu.memory_space<vmem>>
        %dma_start3A_123 = arith.constant 0 : i32
        %dma_start3A_124 = arith.constant 0 : i32
        %dma_start3A_125 = tpu.memref_slice %arg6[%run_scoped3A_118, %dma_start3A_123, %dma_start3A_124] : memref<2x65536x128xf32, #tpu.memory_space<hbm>> -> memref<1x65536x128xf32, #tpu.memory_space<hbm>>
        %dma_start3A_126 = tpu.memref_squeeze %dma_start3A_125 : memref<1x65536x128xf32, #tpu.memory_space<hbm>> -> memref<65536x128xf32, #tpu.memory_space<hbm>>
        %dma_start3A_127 = arith.constant 0 : i32
        %dma_start3A_128 = tpu.memref_slice %dma_start3A_126[%mul3A_117, %dma_start3A_127] : memref<65536x128xf32, #tpu.memory_space<hbm>> -> memref<128x128xf32, #tpu.memory_space<hbm>>
        %dma_start3A_129 = arith.constant 0 : i32
        %dma_start3A_130 = arith.constant 0 : i32
        %dma_start3A_131 = tpu.memref_slice %arg6[%run_scoped3A_118, %dma_start3A_129, %dma_start3A_130] : memref<2x65536x128xf32, #tpu.memory_space<hbm>> -> memref<1x65536x128xf32, #tpu.memory_space<hbm>>
        %dma_start3A_132 = tpu.memref_squeeze %dma_start3A_131 : memref<1x65536x128xf32, #tpu.memory_space<hbm>> -> memref<65536x128xf32, #tpu.memory_space<hbm>>
        %dma_start3A_133 = arith.constant 0 : i32
        %dma_start3A_134 = tpu.memref_slice %dma_start3A_132[%mul3A_117, %dma_start3A_133] : memref<65536x128xf32, #tpu.memory_space<hbm>> -> memref<128x128xf32, #tpu.memory_space<hbm>>
        %dma_start3A_135 = arith.constant 128 : i32
        %dma_start3A_136 = arith.constant 0 : i32
        %dma_start3A_137 = tpu.memref_slice %arg12[%dma_start3A_135, %dma_start3A_136] : memref<256x129xf32, #tpu.memory_space<vmem>> -> memref<128x128xf32, #tpu.memory_space<vmem>>
        tpu.enqueue_dma source(%dma_start3A_137 : memref<128x128xf32, #tpu.memory_space<vmem>>) target(%dma_start3A_134 : memref<128x128xf32, #tpu.memory_space<hbm>>) target_semaphore(%run_scoped3A_119 : memref<!tpu.dma_semaphore, #tpu.memory_space<semaphore_mem>>)
        %dma_wait3A_138 = arith.constant 128 : i32
        %dma_wait3A_139 = arith.constant 0 : i32
        %dma_wait3A_140 = tpu.memref_slice %arg12[%dma_wait3A_138, %dma_wait3A_139] : memref<256x129xf32, #tpu.memory_space<vmem>> -> memref<128x128xf32, #tpu.memory_space<vmem>>
        %dma_wait3A_141 = arith.constant 0 : i32
        %dma_wait3A_142 = arith.constant 0 : i32
        %dma_wait3A_143 = tpu.memref_slice %arg6[%run_scoped3A_118, %dma_wait3A_141, %dma_wait3A_142] : memref<2x65536x128xf32, #tpu.memory_space<hbm>> -> memref<1x65536x128xf32, #tpu.memory_space<hbm>>
        %dma_wait3A_144 = tpu.memref_squeeze %dma_wait3A_143 : memref<1x65536x128xf32, #tpu.memory_space<hbm>> -> memref<65536x128xf32, #tpu.memory_space<hbm>>
        %dma_wait3A_145 = arith.constant 0 : i32
        %dma_wait3A_146 = tpu.memref_slice %dma_wait3A_144[%mul3A_117, %dma_wait3A_145] : memref<65536x128xf32, #tpu.memory_space<hbm>> -> memref<128x128xf32, #tpu.memory_space<hbm>>
        %dma_wait3A_147 = arith.constant 0 : i32
        %dma_wait3A_148 = arith.constant 0 : i32
        %dma_wait3A_149 = tpu.memref_slice %arg6[%run_scoped3A_118, %dma_wait3A_147, %dma_wait3A_148] : memref<2x65536x128xf32, #tpu.memory_space<hbm>> -> memref<1x65536x128xf32, #tpu.memory_space<hbm>>
        %dma_wait3A_150 = tpu.memref_squeeze %dma_wait3A_149 : memref<1x65536x128xf32, #tpu.memory_space<hbm>> -> memref<65536x128xf32, #tpu.memory_space<hbm>>
        %dma_wait3A_151 = arith.constant 0 : i32
        %dma_wait3A_152 = tpu.memref_slice %dma_wait3A_150[%mul3A_117, %dma_wait3A_151] : memref<65536x128xf32, #tpu.memory_space<hbm>> -> memref<128x128xf32, #tpu.memory_space<hbm>>
        %dma_wait3A_153 = arith.constant 128 : i32
        %dma_wait3A_154 = arith.constant 0 : i32
        %dma_wait3A_155 = tpu.memref_slice %arg12[%dma_wait3A_153, %dma_wait3A_154] : memref<256x129xf32, #tpu.memory_space<vmem>> -> memref<128x128xf32, #tpu.memory_space<vmem>>
        tpu.wait_dma2 semaphore(%run_scoped3A_119 : memref<!tpu.dma_semaphore, #tpu.memory_space<semaphore_mem>>) src(%dma_wait3A_155 : memref<128x128xf32, #tpu.memory_space<vmem>>) dst(%dma_wait3A_152 : memref<128x128xf32, #tpu.memory_space<hbm>>)
        tpu.yield
      }) : () -> ()
    }
    return
  }
}

</mosaic_0001>

<sc_bundles>
// kernel: kernel.4.cloned.1.call-start
scs
__scs_entry_jumppad:
0x0: {  	(pc) =	sbr.rel $0x88, $3  }
0x1: {  	(tag) =	ssettag $0x0;
	lr =	simm.s32 $0x1  }
0x2: {  	[smem:$0x3F9F] =	sst lr;
	_ =	strace $0xD0000000  }
0x3: {  	_ = 	snop  }
0x4: {  	_ = 	snop  }
0x5: {  	_ = 	snop  }
0x6: {  	_ = 	snop  }
0x7: {  	_ = 	snop  }
__scs_overlays_trampoline_lowered:
0x8: {  	[smem:$0x3FAE] =	sst s0  }
0x9: {  	[smem:$0x3FAF] =	sst s1  }
0xa: {  	[smem:$0x3FB0] =	sst s2  }
0xb: {  	[smem:$0x3FB1] =	sst s3  }
0xc: {  	[smem:$0x3FB2] =	sst s4  }
0xd: {  	[smem:$0x3FB3] =	sst s5  }
0xe: {  	[smem:$0x3FB4] =	sst s6  }
0xf: {  	[smem:$0x3FB5] =	sst s7  }
0x10: {  	[smem:$0x3FB6] =	sst s8  }
0x11: {  	[smem:$0x3FB7] =	sst s9;
	s0 =	simm.s32 @!p0 $0x0  }
0x12: {  	s1 =	sld [smem:$0x3F9D];
	s0 =	simm.s32 @p0 $0x1  }
0x13: {  	[smem:$0x3FB8] =	sst s0;
	s0 =	simm.s32 @!p1 $0x0  }
0x14: {  	s2 =	sld [smem:$0x3F9C];
	s0 =	simm.s32 @p1 $0x1  }
0x15: {  	[smem:$0x3FB9] =	sst s0;
	s0 =	simm.s32 @!p2 $0x0  }
0x16: {  	s3 =	sld [smem:$0x3FDB];
	s0 =	simm.s32 @p2 $0x1  }
0x17: {  	s4 =	simm.s32 $0x1BF5;
	[smem:$0x3FBB] =	sst s0  }
0x18: {  	s0 =	sld [smem:$0x3F9E];
	_ =	swait.ge [sflag:s4], $0x0  }
0x19: {  	s7 =	sld [smem:$0x3F9F]  }
0x1a: {  	s8 =	sadd.s32 $0xFFFFE003, lr  }
0x1b: {  	s9 =	sadd.s32 $0xFFFFFEF7, lr;
	s5 =	simm.s32 $0xFFFFFFFF;
	p2 =	slt.u32 s8, $0xFFFFF086  }
0x1c: {  	p1 =	slt.u32 s9, $0xF7A;
	s5 =	simm.s32 @!p2 $0x0  }
0x1d: {  	s5 =	simm.s32 @p1 $0x1;
	p0 =	seq.s32 s7, s2  }
0x1e: {  	s7 =	smul.u32 @!p0 $0xF7A, s2;
	p2 =	seq.s32 @!p0 s5, $0x0  }
0x1f: {  	s9 =	smul.u32 $0xF7A, s1;
	s8 =	simm.s32 @!p0 $0x1BF5;
	p2 =	por !p2, p0  }
0x20: {  	[sflag:s8] =	ssyncset.s32 @!p0 $0xFFFFF086;
	s6 =	sadd.s32 @!p0 s3, s7;
	s7 =	simm.s32 @!p0 $0x108  }
0x21: {  	s3 =	sadd.s32 s3, s9;
	s6 =	sadd.s32 @!p0 $0x88, s6;
	s7 =	simm.s32 @p2 $0x1082  }
0x22: {  	[simem:s7], [sflag:s8] =	dma.local @!p0 [hbm:s6], $0xF7A  }
0x23: {  	s9 =	sor.u32 $0xD0000000, s2;
	s6 =	simm.s32 $0x108;
	_ =	swait.ge @!p0 [sflag:s8], $0x0  }
0x24: {  	s3 =	sadd.s32 $0x88, s3;
	s6 =	simm.s32 @!p1 $0x1082;
	[sflag:s4] =	ssyncset.s32 $0xFFFFF086  }
0x25: {  	[simem:s6], [sflag:s4] =	dma.local [hbm:s3], $0xF7A  }
0x26: {  	[smem:$0x3F9F] =	sst s1;
	(tag) =	ssettag s2;
	_ =	strace s9  }
0x27: {  	s1 =	sld [smem:$0x3FAF]  }
0x28: {  	s2 =	sld [smem:$0x3FB0]  }
0x29: {  	s4 =	sld [smem:$0x3FB2]  }
0x2a: {  	p0 =	seq.s32 s5, $0x0;
	s5 =	sld [smem:$0x3FB3]  }
0x2b: {  	s6 =	sld [smem:$0x3FB4]  }
0x2c: {  	s7 =	sld [smem:$0x3FB5]  }
0x2d: {  	s3 =	simm.s32 $0x108;
	s8 =	sld [smem:$0x3FB6]  }
0x2e: {  	s3 =	simm.s32 @!p0 $0x1082;
	s9 =	sld [smem:$0x3FB7]  }
0x2f: {  	lr =	sadd.s32 s0, s3;
	s0 =	sld [smem:$0x3FAE]  }
0x30: {  	s3 =	sld [smem:$0x3FB1]  }
0x31: {  	[smem:$0x3FBA] =	sst s10  }
0x32: {  	s10 =	sld [smem:$0x3FB8];
	_ =	sdelay $0x3  }
0x33: {  	p0 =	seq.s32 s10, $0x1;
	s10 =	sld [smem:$0x3FBA];
	_ =	sdelay $0x3  }
0x34: {  	[smem:$0x3FBA] =	sst s10  }
0x35: {  	s10 =	sld [smem:$0x3FB9];
	_ =	sdelay $0x3  }
0x36: {  	p1 =	seq.s32 s10, $0x1;
	s10 =	sld [smem:$0x3FBA];
	_ =	sdelay $0x3  }
0x37: {  	[smem:$0x3FBA] =	sst s10  }
0x38: {  	s10 =	sld [smem:$0x3FBB]  }
0x39: {  	_ = 	snop;
	(pc) =	sbr.ind lr, $3  }
0x3a: {  	_ = 	snop  }
0x3b: {  	_ = 	snop  }
0x3c: {  	p2 =	seq.s32 s10, $0x1;
	s10 =	sld [smem:$0x3FBA]  }
0x3d: {  	_ =	shalt  }
0x3e: {  	_ =	shalt  }
0x3f: {  	_ =	shalt  }
0x40: {  	_ =	shalt  }
0x41: {  	_ =	shalt  }
0x42: {  	_ =	shalt  }
0x43: {  	_ =	shalt  }
0x44: {  	_ =	shalt  }
0x45: {  	_ =	shalt  }
0x46: {  	_ =	shalt  }
0x47: {  	_ =	shalt  }
0x48: {  	_ =	shalt  }
0x49: {  	_ =	shalt  }
0x4a: {  	_ =	shalt  }
0x4b: {  	_ =	shalt  }
0x4c: {  	_ =	shalt  }
0x4d: {  	_ =	shalt  }
0x4e: {  	_ =	shalt  }
0x4f: {  	_ =	shalt  }
0x50: {  	_ =	shalt  }
0x51: {  	_ =	shalt  }
0x52: {  	_ =	shalt  }
0x53: {  	_ =	shalt  }
0x54: {  	_ =	shalt  }
0x55: {  	_ =	shalt  }
0x56: {  	_ =	shalt  }
0x57: {  	_ =	shalt  }
0x58: {  	_ =	shalt  }
0x59: {  	_ =	shalt  }
0x5a: {  	_ =	shalt  }
0x5b: {  	_ =	shalt  }
0x5c: {  	_ =	shalt  }
0x5d: {  	_ =	shalt  }
0x5e: {  	_ =	shalt  }
0x5f: {  	_ =	shalt  }
0x60: {  	_ =	shalt  }
0x61: {  	_ =	shalt  }
0x62: {  	_ =	shalt  }
0x63: {  	_ =	shalt  }
0x64: {  	_ =	shalt  }
0x65: {  	_ =	shalt  }
0x66: {  	_ =	shalt  }
0x67: {  	_ =	shalt  }
0x68: {  	_ =	shalt  }
0x69: {  	_ =	shalt  }
0x6a: {  	_ =	shalt  }
0x6b: {  	_ =	shalt  }
0x6c: {  	_ =	shalt  }
0x6d: {  	_ =	shalt  }
0x6e: {  	_ =	shalt  }
0x6f: {  	_ =	shalt  }
0x70: {  	_ =	shalt  }
0x71: {  	_ =	shalt  }
0x72: {  	_ =	shalt  }
0x73: {  	_ =	shalt  }
0x74: {  	_ =	shalt  }
0x75: {  	_ =	shalt  }
0x76: {  	_ =	shalt  }
0x77: {  	_ =	shalt  }
0x78: {  	_ =	shalt  }
0x79: {  	_ =	shalt  }
0x7a: {  	_ =	shalt  }
0x7b: {  	_ =	shalt  }
0x7c: {  	_ =	shalt  }
0x7d: {  	_ =	shalt  }
0x7e: {  	_ =	shalt  }
0x7f: {  	_ =	shalt  }
0x80: {  	_ =	shalt  }
0x81: {  	_ =	shalt  }
0x82: {  	_ =	shalt  }
0x83: {  	_ =	shalt  }
0x84: {  	_ =	shalt  }
0x85: {  	_ =	shalt  }
0x86: {  	_ =	shalt  }
0x87: {  	_ =	shalt  }
.Lfunc_end0:
.L_simem_size_0:
called_computation_lowered:
.L_overlay_start_0:
0x88: {  	s2 =	sld [smem:$0x3FD9]  }
0x89: {  	s3 =	sld [smem:$0x3FFE];
	_ =	sdelay $0x1  }
0x8a: {  	s1 =	srdreg.scid  }
0x8b: {  	s0 =	sand.u32 $0x1, s1  }
0x8c: {  	s17 =	sshll.u32 s0, $0xA;
	s2 =	sadd.s32 s3, s2  }
0x8d: {  	s2 =	sadd.s32 s2, s17  }
0x8e: {  	[smem:$0x3FC6] =	sst s2  }
0x8f: {  	_ = 	snop  }
0x90: {  	s2 =	sld [smem:$0x3FC8];
	(tm) =	ssettm $0x1  }
0x91: {  	s18 =	sld [smem:$0x3FFB];
	_ =	sdelay $0x3  }
0x92: {  	_ =	strace s18  }
0x93: {  	s3 =	sld [smem:$0x3FFC];
	_ =	sdelay $0x3  }
0x94: {  	_ =	strace s3  }
0x95: {  	s3 =	sld [smem:$0x3FFD];
	_ =	sdelay $0x3  }
0x96: {  	_ =	strace s3  }
0x97: {  	_ =	strace $0x8FFFFFFF  }
0x98: {  	s19 =	sld [smem:$0x3FDB];
	_ =	sdelay $0x1  }
0x99: {  	s4 =	simm.s32 $_scs_section_size  }
0x9a: {  	s5 =	simm.s32 $_size__tile_overlayer_lowered;
	s6 =	simm.s32 $_tile_overlayer_lowered  }
0x9b: {  	s22 =	simm.s32 $0x1BFF;
	s21 =	sshll.u32 s6, $0x1;
	s3 =	sadd.s32 s4, s19  }
0x9c: {  	s7 =	simm.s32 $0x0;
	s20 =	sshll.u32 s5, $0x1;
	s5 =	sadd.s32 s21, s3  }
0x9d: {  	[timem:s7], [sflag:s22] =	dma.local [hbm:s5], s20  }
0x9e: {  	_ =	swait.ge [sflag:s22], s20  }
0x9f: {  	s4 =	ssub.s32 $0x0, s20;
	[sflag:s22] =	ssyncset.done $0x0  }
0xa0: {  	[sflag:s22] =	ssyncadd.s32 s4;
	_ =	sdelay $0x1  }
0xa1: {  	s23 =	simm.s32 $0x1B8B  }
0xa2: {  	_ =	swait.ge [sflag:s23], $0x1  }
0xa3: {  	[sflag:s23] =	ssyncset.done $0x0  }
0xa4: {  	s25 =	simm.s32 $0x1B8E;
	s24 =	sld [smem:$0x3FFE];
	[sflag:s23] =	ssyncadd.s32 $0xFFFFFFFF  }
0xa5: {  	s26 =	simm.s32 $execute0_lowered;
	[smem:$0x3FD2] =	sst s25  }
0xa6: {  	s5 =	sshll.u32 s26, $0x1;
	_ =	strace $0x80000046;
	[dreg:$0x1] =	wrdreg $0xFFFFFFFF  }
0xa7: {  	s28 =	simm.s32 $_size_execute0_lowered;
	s3 =	sadd.s32 s3, s5;
	[dreg:$0x0] =	wrdreg $0x0  }
0xa8: {  	s5 =	sshll.u32 s28, $0x1;
	[dreg:$0x2] =	wrdreg s3  }
0xa9: {  	[dreg:$0x3] =	wrdreg s5  }
0xaa: {  	[dreg:$0x4] =	wrdreg $0xC0  }
0xab: {  	_ =	task [dreg:s7], $0x5FFFF  }
0xac: {  	[dreg:$0x1] =	wrdreg $0xFFFFFFFF  }
0xad: {  	[dreg:$0x0] =	wrdreg $0x60  }
0xae: {  	[dreg:$0x2] =	wrdreg s2  }
0xaf: {  	[dreg:$0x3] =	wrdreg s24  }
0xb0: {  	[dreg:$0x4] =	wrdreg $0x9  }
0xb1: {  	_ =	task.clear_ibuf [dreg:s7], $0x5FFFF;
	_ =	strace $0x90000046  }
0xb2: {  	s29 =	simm.s32 $0x9;
	_ =	strace $0x80000048  }
0xb3: {  	_ =	swait.ge [sflag:s29], $0x1  }
0xb4: {  	[sflag:s29] =	ssyncadd.s32 $0xFFFFFFFF  }
0xb5: {  	_ =	strace $0x90000048  }
0xb6: {  	_ =	sfence  }
0xb7: {  	s30 =	sld [smem:$0x0];
	_ =	sdelay $0x2  }
0xb8: {  	s31 =	sshll.u32 s1, $0xD;
	s1 =	sshrl.u32 s1, $0x2  }
0xb9: {  	s3 =	sand.u32 $0x4000, s31;
	s1 =	sadd.s32 s1, s30  }
0xba: {  	s0 =	sor.u32 s3, s0;
	s1 =	sshll.u32 s1, $0x11  }
0xbb: {  	s0 =	sor.u32 s1, s0  }
0xbc: {  	s0 =	sadd.s32 $0x8F2B, s0  }
0xbd: {  	[sflag:s0] =	ssyncadd.remote.s32 $0x1  }
0xbe: {  	_ =	sfence.sel $0xFFFF  }
0xbf: {  	[dreg:$0x0] =	wrdreg $0xFFFFFFFF;
	(pc) =	sbr.abs _section_cstart, $3  }
0xc0: {  	[dreg:$0x1] =	wrdreg $0xFFFFFFFF  }
0xc1: {  	_ =	task.clear_ibuf [dreg:s7], $0x2FFFF;
	_ =	strace $0x9FFFFFFF  }
0xc2: {  	(tm) =	ssettm $0x7FFFFFFF  }
0xc3: {  	_ =	shalt  }
tec
execute0_lowered:
.L_overlay_start_1:
0x0: {  	(tag) =	ssettag $0x1  }
0x1: {  	v0 =	vimm.s32 $0x4BF8;
	vm0 =	vcmask $0x300  }
0x2: {  	vm1 =	vcmask $0x704;
	v0 =	vsel vm0, $0x0, v0  }
0x3: {  	vm15 =	vcmask $0xB08;
	v0 =	vsel vm1, $0x88, v0  }
0x4: {  	vm4 =	vcmask $0xF0C;
	s1 =	rddreg [dreg:$0x0];
	v0 =	vsel vm15, $0x110, v0  }
0x5: {  	vm5 =	vcmask $0x1310;
	s5 =	rddreg [dreg:$0x1];
	v0 =	vsel vm4, $0x198, v0  }
0x6: {  	vm6 =	vcmask $0x1714;
	s0 =	rddreg [dreg:$0x2];
	v0 =	vsel vm5, $0x220, v0  }
0x7: {  	s2 =	simm.s32 $0x0;
	s4 =	srdreg.scid;
	vm7 =	vcmask $0x1B18;
	s3 =	stileid.u32;
	v0 =	vsel vm6, $0x2A8, v0  }
0x8: {  	vm8 =	vcmask $0x1F1C;
	s15 =	simm.s32 $0x1;
	s16 =	simm.s32 $0x12100;
	s17 =	simm.s32 $0x3;
	v0 =	vsel vm7, $0x330, v0  }
0x9: {  	vm9 =	vcmask $0x2320;
	s18 =	simm.s32 $0x2;
	s19 =	simm.s32 $0x9080;
	s20 =	simm.s32 $0x0;
	v0 =	vsel vm8, $0x3B8, v0  }
0xa: {  	vm10 =	vcmask $0x2724;
	[smem:$0x7FF] =	sst s2;
	s4 =	sand.u32 $0x1, s4;
	s7 =	sshll.u32 s3, $0x12;
	v0 =	vsel vm9, $0x4840, v0  }
0xb: {  	vm11 =	vcmask $0x2B28;
	s5 =	sadd.s32 $0xA00, s5;
	s6 =	ssub.s32 $0x2, s4;
	s4 =	sshll.u32 s4, $0x11;
	v0 =	vsel vm10, $0x48C8, v0  }
.Ltmp0:
0xc: {  	vm12 =	vcmask $0x2F2C;
	_ =	strace $0x80000047;
	s8 =	sshrl.u32 s6, $0x1;
	v0 =	vsel vm11, $0x4950, v0;
	(pc) =	sbr.rel .LBB2_1-.Ltmp0, $4  }
0xd: {  	vm13 =	vcmask $0x3330;
	s4 =	sor.u32 s4, s7;
	s7 =	sadd.s32 $0x400000, s1;
	s13 =	ssub.s32 s6, s8;
	v0 =	vsel vm12, $0x49D8, v0  }
0xe: {  	vm14 =	vcmask $0x3734;
	s6 =	sadd.s32 s1, s4;
	s8 =	sor.u32 $0x800, s4;
	s11 =	sshll.u32 s4, $0x1;
	v0 =	vsel vm13, $0x4A60, v0  }
0xf: {  	v1 =	vimm.s32 $0x0;
	vm15 =	vcmask $0x3B38;
	s10 =	sor.u32 $0x1000, s4;
	s12 =	sor.u32 $0x1800, s4;
	s14 =	sadd.s32 s4, s7;
	v0 =	vsel vm14, $0x4AE8, v0  }
0x10: {  	v1 =	vsel vm0, $0x3, v1;
	s9 =	sadd.s32 s1, s8;
	s11 =	sadd.s32 s5, s11;
	s13 =	smax.u32 s13, $0x1;
	v0 =	vsel vm15, $0x4B70, v0  }
.LBB2_27:
0x11: {  	s20 =	sadd.s32 $0x1, s20  }
0x12: {  	p0 =	sne.s32 s20, s13  }
.Ltmp1:
0x13: {  	_ = 	snop;
	(pc) =	sbr.rel @!p0 .LBB2_28-.Ltmp1, $1  }
0x14: {  	_ =	sdelay $0x3  }
.LBB2_1:
0x15: {  	s21 =	simm.s32 $0x10  }
0x16: {  	s24 =	sadd.s32 $0x0, s6;
	s22 =	simm.s32 $0x88;
	s23 =	simm.s32 $0x0  }
.LBB2_2:
0x17: {  	[tilespmem:s23], [sflag:$0x1] =	stream.linear.gather [hbm4b:s24+s2], $0x80, $0x38;
	[tilespmem:$0x1A100] =	vst v63  }
0x18: {  	s24 =	smov.u32 s21;
	s23 =	smov.u32 s22;
	p0 =	sne.s32 s21, $0x7F0  }
.Ltmp2:
0x19: {  	s21 =	sadd.s32 $0x10, s21;
	(pc) =	sbr.rel @p0 .LBB2_2-.Ltmp2, $2  }
0x1a: {  	_ =	sdelay $0x2  }
0x1b: {  	s22 =	sadd.s32 $0x88, s22;
	s24 =	sadd.s32 s24, s6  }
0x1c: {  	[tilespmem:s23], [sflag:$0x1] =	stream.linear.gather [hbm4b:s24+s2], $0x80, $0x38;
	[tilespmem:$0x1A100] =	vst v63  }
0x1d: {  	s21 =	simm.s32 $0x4840  }
0x1e: {  	s22 =	simm.s32 $0x10;
	s24 =	sadd.s32 $0x0, s14;
	s23 =	simm.s32 $0x48C8  }
.LBB2_4:
0x1f: {  	[tilespmem:s21], [sflag:$0x1] =	stream.linear.gather [hbm4b:s24+s2], $0x80, $0x38;
	[tilespmem:$0x1A100] =	vst v63  }
0x20: {  	s24 =	smov.u32 s22;
	s21 =	smov.u32 s23;
	p0 =	sne.s32 s22, $0x7F0  }
.Ltmp3:
0x21: {  	s22 =	sadd.s32 $0x10, s22;
	(pc) =	sbr.rel @p0 .LBB2_4-.Ltmp3, $2  }
0x22: {  	_ =	sdelay $0x2  }
0x23: {  	s23 =	sadd.s32 $0x88, s23;
	s24 =	sadd.s32 s24, s14  }
0x24: {  	[tilespmem:s21], [sflag:$0x1] =	stream.linear.gather [hbm4b:s24+s2], $0x80, $0x38;
	[tilespmem:$0x1A100] =	vst v63  }
0x25: {  	s21 =	simm.s32 $0x9080  }
0x26: {  	s22 =	simm.s32 $0x10;
	s24 =	sadd.s32 $0x0, s9;
	s23 =	simm.s32 $0x9108  }
.LBB2_6:
0x27: {  	[tilespmem:s21], [sflag:$0x2] =	stream.linear.gather [hbm4b:s24+s2], $0x80, $0x38;
	[tilespmem:$0x1A100] =	vst v63  }
0x28: {  	s24 =	smov.u32 s22;
	s21 =	smov.u32 s23;
	p0 =	sne.s32 s22, $0x7F0  }
.Ltmp4:
0x29: {  	s22 =	sadd.s32 $0x10, s22;
	(pc) =	sbr.rel @p0 .LBB2_6-.Ltmp4, $2  }
0x2a: {  	_ =	sdelay $0x2  }
0x2b: {  	s23 =	sadd.s32 $0x88, s23;
	s24 =	sadd.s32 s24, s9  }
0x2c: {  	[tilespmem:s21], [sflag:$0x2] =	stream.linear.gather [hbm4b:s24+s2], $0x80, $0x38;
	[tilespmem:$0x1A100] =	vst v63  }
0x2d: {  	s22 =	sadd.s32 s8, s7;
	s21 =	simm.s32 $0x0;
	s23 =	simm.s32 $0xD8C0  }
0x2e: {  	s24 =	simm.s32 $0x10;
	s25 =	simm.s32 $0xD948;
	s26 =	sadd.s32 $0x0, s22  }
.LBB2_8:
0x2f: {  	[tilespmem:s23], [sflag:$0x2] =	stream.linear.gather [hbm4b:s26+s21], $0x80, $0x38;
	[tilespmem:$0x1A100] =	vst v63  }
0x30: {  	s26 =	smov.u32 s24;
	s23 =	smov.u32 s25;
	p0 =	sne.s32 s24, $0x7F0  }
.Ltmp5:
0x31: {  	s24 =	sadd.s32 $0x10, s24;
	(pc) =	sbr.rel @p0 .LBB2_8-.Ltmp5, $2  }
0x32: {  	_ =	sdelay $0x2  }
0x33: {  	s25 =	sadd.s32 $0x88, s25;
	s26 =	sadd.s32 s26, s22  }
.Ltmp6:
0x34: {  	(pc) =	sbr.rel .LBB2_10-.Ltmp6, $2  }
0x35: {  	_ =	sdelay $0x2  }
0x36: {  	[tilespmem:s23], [sflag:$0x2] =	stream.linear.gather [hbm4b:s26+s21], $0x80, $0x38;
	[tilespmem:$0x1A100] =	vst v63  }
.LBB2_26:
0x37: {  	s22 =	sor.u32 $0x800, s22  }
0x38: {  	s21 =	sadd.s32 $0x1, s21;
	s22 =	sadd.s32 s4, s22  }
0x39: {  	p0 =	sne.s32 s21, $0x20;
	s22 =	sshll.u32 s22, $0x1  }
.Ltmp7:
0x3a: {  	s22 =	sadd.s32 s5, s22;
	(pc) =	sbr.rel @!p0 .LBB2_27-.Ltmp7, $4  }
0x3b: {  	[hbm4b:s22+s2] =	stream.linear.scatter [tilespmem:s16], [sflag:$0x3], $0x8000, $0x38;
	[tilespmem:$0x1A100] =	vst v63  }
0x3c: {  	_ =	swait.ge [sflag:s17], $0x8000  }
0x3d: {  	[sflag:s17] =	ssyncset.done $0x0  }
0x3e: {  	[sflag:s17] =	ssyncadd.s32 $0xFFFF8000  }
.LBB2_10:
0x3f: {  	s22 =	simm.s32 $0x0  }
0x40: {  	s23 =	sand.u32 $0x78, s22  }
0x41: {  	s30 =	sand.u32 $0x70, s22;
	v2 =	vmov s23  }
0x42: {  	v3 =	vmov s30;
	v2 =	vmul.u32 $0x88, v2  }
0x43: {  	v3 =	vshrl.u32 v3, $0x3  }
0x44: {  	v3 =	vshll.u32 v3, v1;
	v2 =	vbroadcast v2, $0x0  }
0x45: {  	v3 =	vbroadcast v3, $0x0  }
0x46: {  	_ =	swait.ge [sflag:s15], $0x4000;
	v2 =	vadd.s32 v0, v2  }
0x47: {  	[sflag:s15] =	ssyncset.done $0x0;
	v3 =	vadd.s32 v2, v3  }
0x48: {  	[sflag:s15] =	ssyncadd.s32 $0xFFFFC000  }
0x49: {  	_ =	swait.ge [sflag:s15], $0x4000  }
0x4a: {  	[sflag:s15] =	ssyncset.done $0x0  }
0x4b: {  	[sflag:s15] =	ssyncadd.s32 $0xFFFFC000  }
0x4c: {  	v4 =	vld.idx.msk [tilespmem:v3+s2+$0x0], $0xffff  }
0x4d: {  	v5 =	vor.u32 $0x1, v3;
	_ =	sdelay $0x2  }
0x4e: {  	s22 =	simm.s32 $0x12180  }
0x4f: {  	[tilespmem:s22+$0xFFFFFF80] =	vst v4  }
0x50: {  	v4 =	vld.idx.msk [tilespmem:v5+s2+$0x0], $0xffff  }
0x51: {  	v5 =	vor.u32 $0x2, v3;
	_ =	sdelay $0x3  }
0x52: {  	[tilespmem:s22+$0xFFFFFF90] =	vst v4  }
0x53: {  	v4 =	vld.idx.msk [tilespmem:v5+s2+$0x0], $0xffff  }
0x54: {  	v5 =	vor.u32 $0x3, v3;
	_ =	sdelay $0x3  }
0x55: {  	[tilespmem:s22+$0xFFFFFFA0] =	vst v4  }
0x56: {  	v4 =	vld.idx.msk [tilespmem:v5+s2+$0x0], $0xffff  }
0x57: {  	v5 =	vor.u32 $0x4, v3;
	_ =	sdelay $0x3  }
0x58: {  	[tilespmem:s22+$0xFFFFFFB0] =	vst v4  }
0x59: {  	v4 =	vld.idx.msk [tilespmem:v5+s2+$0x0], $0xffff  }
0x5a: {  	v5 =	vor.u32 $0x5, v3;
	_ =	sdelay $0x3  }
0x5b: {  	[tilespmem:s22+$0xFFFFFFC0] =	vst v4  }
0x5c: {  	v4 =	vld.idx.msk [tilespmem:v5+s2+$0x0], $0xffff  }
0x5d: {  	v5 =	vor.u32 $0x6, v3;
	_ =	sdelay $0x3  }
0x5e: {  	[tilespmem:s22+$0xFFFFFFD0] =	vst v4  }
0x5f: {  	v4 =	vld.idx.msk [tilespmem:v5+s2+$0x0], $0xffff  }
0x60: {  	s23 =	sor.u32 $0x8, s30;
	v3 =	vor.u32 $0x7, v3  }
0x61: {  	v5 =	vmov s23  }
0x62: {  	v5 =	vshrl.u32 v5, $0x3  }
0x63: {  	v5 =	vshll.u32 v5, v1  }
0x64: {  	[tilespmem:s22+$0xFFFFFFE0] =	vst v4;
	v4 =	vbroadcast v5, $0x0  }
0x65: {  	v3 =	vld.idx.msk [tilespmem:v3+s2+$0x0], $0xffff  }
0x66: {  	v4 =	vadd.s32 v2, v4;
	_ =	sdelay $0x3  }
0x67: {  	[tilespmem:s22+$0xFFFFFFF0] =	vst v3  }
0x68: {  	v2 =	vld.idx.msk [tilespmem:v4+s2+$0x0], $0xffff  }
0x69: {  	v3 =	vor.u32 $0x1, v4;
	_ =	sdelay $0x3  }
0x6a: {  	[tilespmem:s22+$0x0] =	vst v2  }
0x6b: {  	v2 =	vld.idx.msk [tilespmem:v3+s2+$0x0], $0xffff  }
0x6c: {  	v3 =	vor.u32 $0x2, v4;
	_ =	sdelay $0x3  }
0x6d: {  	[tilespmem:s22+$0x10] =	vst v2  }
0x6e: {  	v2 =	vld.idx.msk [tilespmem:v3+s2+$0x0], $0xffff  }
0x6f: {  	v3 =	vor.u32 $0x3, v4;
	_ =	sdelay $0x3  }
0x70: {  	[tilespmem:s22+$0x20] =	vst v2  }
0x71: {  	v2 =	vld.idx.msk [tilespmem:v3+s2+$0x0], $0xffff  }
0x72: {  	v3 =	vor.u32 $0x4, v4;
	_ =	sdelay $0x3  }
0x73: {  	[tilespmem:s22+$0x30] =	vst v2  }
0x74: {  	v2 =	vld.idx.msk [tilespmem:v3+s2+$0x0], $0xffff  }
0x75: {  	v3 =	vor.u32 $0x5, v4;
	_ =	sdelay $0x3  }
0x76: {  	[tilespmem:s22+$0x40] =	vst v2  }
0x77: {  	v2 =	vld.idx.msk [tilespmem:v3+s2+$0x0], $0xffff  }
0x78: {  	v3 =	vor.u32 $0x6, v4;
	_ =	sdelay $0x3  }
0x79: {  	[tilespmem:s22+$0x50] =	vst v2  }
0x7a: {  	s31 =	simm.s32 $0x1;
	v2 =	vld.idx.msk [tilespmem:v3+s2+$0x0], $0xffff  }
0x7b: {  	s24 =	simm.s32 $0x2;
	s25 =	sand.u32 $0x78, s31;
	s23 =	simm.s32 $0x10;
	v3 =	vor.u32 $0x7, v4  }
.LBB2_11:
0x7c: {  	p0 =	sne.s32 s24, $0x7F;
	v4 =	vmov s25;
	s25 =	sand.u32 $0x70, s23  }
0x7d: {  	v5 =	vmov s25;
	v4 =	vmul.u32 $0x88, v4  }
0x7e: {  	v5 =	vshrl.u32 v5, $0x3  }
0x7f: {  	v4 =	vbroadcast v4, $0x0;
	v5 =	vshll.u32 v5, v1;
	[tilespmem:s22+$0x60] =	vst v2  }
0x80: {  	v2 =	vbroadcast v5, $0x0;
	v3 =	vld.idx.msk [tilespmem:v3+s2+$0x0], $0xffff  }
0x81: {  	v4 =	vadd.s32 v0, v4  }
0x82: {  	v2 =	vadd.s32 v4, v2;
	_ =	sdelay $0x3  }
0x83: {  	[tilespmem:s22+$0x70] =	vst v3  }
0x84: {  	v3 =	vld.idx.msk [tilespmem:v2+s2+$0x0], $0xffff;
	_ =	sdelay $0x1  }
0x85: {  	v5 =	vor.u32 $0x1, v2;
	_ =	sdelay $0x2  }
0x86: {  	s22 =	sadd.s32 $0x100, s22  }
0x87: {  	[tilespmem:s22+$0xFFFFFF80] =	vst v3  }
0x88: {  	v3 =	vld.idx.msk [tilespmem:v5+s2+$0x0], $0xffff;
	_ =	sdelay $0x1  }
0x89: {  	v5 =	vor.u32 $0x2, v2;
	_ =	sdelay $0x3  }
0x8a: {  	[tilespmem:s22+$0xFFFFFF90] =	vst v3  }
0x8b: {  	v3 =	vld.idx.msk [tilespmem:v5+s2+$0x0], $0xffff;
	_ =	sdelay $0x1  }
0x8c: {  	v5 =	vor.u32 $0x3, v2;
	_ =	sdelay $0x3  }
0x8d: {  	[tilespmem:s22+$0xFFFFFFA0] =	vst v3  }
0x8e: {  	v3 =	vld.idx.msk [tilespmem:v5+s2+$0x0], $0xffff;
	_ =	sdelay $0x1  }
0x8f: {  	v5 =	vor.u32 $0x4, v2;
	_ =	sdelay $0x3  }
0x90: {  	[tilespmem:s22+$0xFFFFFFB0] =	vst v3  }
0x91: {  	v3 =	vld.idx.msk [tilespmem:v5+s2+$0x0], $0xffff;
	_ =	sdelay $0x1  }
0x92: {  	v5 =	vor.u32 $0x5, v2;
	_ =	sdelay $0x3  }
0x93: {  	[tilespmem:s22+$0xFFFFFFC0] =	vst v3  }
0x94: {  	v3 =	vld.idx.msk [tilespmem:v5+s2+$0x0], $0xffff;
	_ =	sdelay $0x1  }
0x95: {  	v5 =	vor.u32 $0x6, v2;
	_ =	sdelay $0x3  }
0x96: {  	[tilespmem:s22+$0xFFFFFFD0] =	vst v3  }
0x97: {  	v3 =	vld.idx.msk [tilespmem:v5+s2+$0x0], $0xffff;
	_ =	sdelay $0x1  }
0x98: {  	v2 =	vor.u32 $0x7, v2  }
0x99: {  	s25 =	sor.u32 $0x8, s25  }
0x9a: {  	v5 =	vmov s25  }
0x9b: {  	v5 =	vshrl.u32 v5, $0x3  }
0x9c: {  	[tilespmem:s22+$0xFFFFFFE0] =	vst v3;
	v3 =	vshll.u32 v5, v1  }
0x9d: {  	v2 =	vld.idx.msk [tilespmem:v2+s2+$0x0], $0xffff;
	v3 =	vbroadcast v3, $0x0;
	_ =	sdelay $0x1  }
0x9e: {  	v3 =	vadd.s32 v4, v3;
	_ =	sdelay $0x3  }
0x9f: {  	[tilespmem:s22+$0xFFFFFFF0] =	vst v2  }
0xa0: {  	v2 =	vld.idx.msk [tilespmem:v3+s2+$0x0], $0xffff;
	_ =	sdelay $0x1  }
0xa1: {  	v4 =	vor.u32 $0x1, v3;
	_ =	sdelay $0x3  }
0xa2: {  	[tilespmem:s22+$0x0] =	vst v2  }
0xa3: {  	v2 =	vld.idx.msk [tilespmem:v4+s2+$0x0], $0xffff;
	_ =	sdelay $0x1  }
0xa4: {  	v4 =	vor.u32 $0x2, v3;
	_ =	sdelay $0x3  }
0xa5: {  	[tilespmem:s22+$0x10] =	vst v2  }
0xa6: {  	v2 =	vld.idx.msk [tilespmem:v4+s2+$0x0], $0xffff;
	_ =	sdelay $0x1  }
0xa7: {  	v4 =	vor.u32 $0x3, v3;
	_ =	sdelay $0x3  }
0xa8: {  	[tilespmem:s22+$0x20] =	vst v2  }
0xa9: {  	v2 =	vld.idx.msk [tilespmem:v4+s2+$0x0], $0xffff;
	_ =	sdelay $0x1  }
0xaa: {  	v4 =	vor.u32 $0x4, v3;
	_ =	sdelay $0x3  }
0xab: {  	[tilespmem:s22+$0x30] =	vst v2  }
0xac: {  	v2 =	vld.idx.msk [tilespmem:v4+s2+$0x0], $0xffff;
	_ =	sdelay $0x1  }
0xad: {  	v4 =	vor.u32 $0x5, v3;
	_ =	sdelay $0x3  }
0xae: {  	[tilespmem:s22+$0x40] =	vst v2  }
0xaf: {  	v2 =	vld.idx.msk [tilespmem:v4+s2+$0x0], $0xffff;
	_ =	sdelay $0x1  }
0xb0: {  	v4 =	vor.u32 $0x6, v3;
	_ =	sdelay $0x2  }
.Ltmp8:
0xb1: {  	(pc) =	sbr.rel @p0 .LBB2_11-.Ltmp8, $3  }
0xb2: {  	[tilespmem:s22+$0x50] =	vst v2  }
0xb3: {  	v2 =	vld.idx.msk [tilespmem:v4+s2+$0x0], $0xffff;
	_ =	sdelay $0x1  }
0xb4: {  	s23 =	sadd.s32 $0x10, s23;
	s25 =	sand.u32 $0x78, s24;
	s24 =	sadd.s32 $0x1, s24;
	v3 =	vor.u32 $0x7, v3  }
0xb5: {  	v4 =	vmov s25;
	s23 =	sand.u32 $0x70, s23  }
0xb6: {  	v5 =	vmov s23;
	v4 =	vmul.u32 $0x88, v4  }
0xb7: {  	v5 =	vshrl.u32 v5, $0x3  }
0xb8: {  	v4 =	vbroadcast v4, $0x0;
	v5 =	vshll.u32 v5, v1  }
0xb9: {  	[tilespmem:s22+$0x60] =	vst v2;
	v2 =	vbroadcast v5, $0x0  }
0xba: {  	v3 =	vld.idx.msk [tilespmem:v3+s2+$0x0], $0xffff;
	v4 =	vadd.s32 v0, v4  }
0xbb: {  	v2 =	vadd.s32 v4, v2;
	_ =	sdelay $0x3  }
0xbc: {  	[tilespmem:s22+$0x70] =	vst v3  }
0xbd: {  	v3 =	vld.idx.msk [tilespmem:v2+s2+$0x0], $0xffff  }
0xbe: {  	v52 =	vor.u32 $0x1, v2;
	_ =	sdelay $0x2  }
0xbf: {  	s31 =	sadd.s32 $0x100, s22  }
0xc0: {  	[tilespmem:s31+$0xFFFFFF80] =	vst v3  }
0xc1: {  	v3 =	vld.idx.msk [tilespmem:v52+s2+$0x0], $0xffff  }
0xc2: {  	v53 =	vor.u32 $0x2, v2;
	_ =	sdelay $0x3  }
0xc3: {  	[tilespmem:s31+$0xFFFFFF90] =	vst v3  }
0xc4: {  	v3 =	vld.idx.msk [tilespmem:v53+s2+$0x0], $0xffff  }
0xc5: {  	v54 =	vor.u32 $0x3, v2;
	_ =	sdelay $0x3  }
0xc6: {  	[tilespmem:s31+$0xFFFFFFA0] =	vst v3  }
0xc7: {  	v3 =	vld.idx.msk [tilespmem:v54+s2+$0x0], $0xffff  }
0xc8: {  	v55 =	vor.u32 $0x4, v2;
	_ =	sdelay $0x3  }
0xc9: {  	[tilespmem:s31+$0xFFFFFFB0] =	vst v3  }
0xca: {  	v3 =	vld.idx.msk [tilespmem:v55+s2+$0x0], $0xffff  }
0xcb: {  	v56 =	vor.u32 $0x5, v2;
	_ =	sdelay $0x3  }
0xcc: {  	[tilespmem:s31+$0xFFFFFFC0] =	vst v3  }
0xcd: {  	v3 =	vld.idx.msk [tilespmem:v56+s2+$0x0], $0xffff  }
0xce: {  	v57 =	vor.u32 $0x6, v2;
	_ =	sdelay $0x3  }
0xcf: {  	[tilespmem:s31+$0xFFFFFFD0] =	vst v3  }
0xd0: {  	v3 =	vld.idx.msk [tilespmem:v57+s2+$0x0], $0xffff  }
0xd1: {  	s23 =	sor.u32 $0x8, s23;
	v2 =	vor.u32 $0x7, v2  }
0xd2: {  	v58 =	vmov s23  }
0xd3: {  	v5 =	vshrl.u32 v58, $0x3  }
0xd4: {  	v5 =	vshll.u32 v5, v1  }
0xd5: {  	[tilespmem:s31+$0xFFFFFFE0] =	vst v3;
	v3 =	vbroadcast v5, $0x0  }
0xd6: {  	v2 =	vld.idx.msk [tilespmem:v2+s2+$0x0], $0xffff  }
0xd7: {  	v3 =	vadd.s32 v4, v3;
	_ =	sdelay $0x3  }
0xd8: {  	[tilespmem:s31+$0xFFFFFFF0] =	vst v2  }
0xd9: {  	v2 =	vld.idx.msk [tilespmem:v3+s2+$0x0], $0xffff  }
0xda: {  	v4 =	vor.u32 $0x1, v3;
	_ =	sdelay $0x3  }
0xdb: {  	[tilespmem:s31+$0x0] =	vst v2  }
0xdc: {  	v2 =	vld.idx.msk [tilespmem:v4+s2+$0x0], $0xffff  }
0xdd: {  	v59 =	vor.u32 $0x2, v3;
	_ =	sdelay $0x3  }
0xde: {  	[tilespmem:s31+$0x10] =	vst v2  }
0xdf: {  	v2 =	vld.idx.msk [tilespmem:v59+s2+$0x0], $0xffff  }
0xe0: {  	v60 =	vor.u32 $0x3, v3;
	_ =	sdelay $0x3  }
0xe1: {  	[tilespmem:s31+$0x20] =	vst v2  }
0xe2: {  	v2 =	vld.idx.msk [tilespmem:v60+s2+$0x0], $0xffff  }
0xe3: {  	v61 =	vor.u32 $0x4, v3;
	_ =	sdelay $0x3  }
0xe4: {  	[tilespmem:s31+$0x30] =	vst v2  }
0xe5: {  	v2 =	vld.idx.msk [tilespmem:v61+s2+$0x0], $0xffff  }
0xe6: {  	v62 =	vor.u32 $0x5, v3;
	_ =	sdelay $0x3  }
0xe7: {  	[tilespmem:s31+$0x40] =	vst v2  }
0xe8: {  	v2 =	vld.idx.msk [tilespmem:v62+s2+$0x0], $0xffff  }
0xe9: {  	v63 =	vor.u32 $0x6, v3;
	_ =	sdelay $0x3  }
0xea: {  	[tilespmem:s31+$0x50] =	vst v2  }
0xeb: {  	v2 =	vld.idx.msk [tilespmem:v63+s2+$0x0], $0xffff  }
0xec: {  	v3 =	vor.u32 $0x7, v3;
	_ =	sdelay $0x3  }
0xed: {  	[tilespmem:s31+$0x60] =	vst v2  }
0xee: {  	p0 =	seq.s32 s21, $0x1F;
	v2 =	vld.idx.msk [tilespmem:v3+s2+$0x0], $0xffff  }
.Ltmp9:
0xef: {  	_ = 	snop;
	(pc) =	sbr.rel @p0 .LBB2_18-.Ltmp9, $2  }
0xf0: {  	_ =	sdelay $0x2  }
0xf1: {  	s22 =	sshll.u32 s21, $0xC;
	[tilespmem:s31+$0x70] =	vst v2  }
0xf2: {  	s23 =	sadd.s32 s22, s10  }
0xf3: {  	s25 =	simm.s32 $0x0;
	s24 =	sadd.s32 s1, s23  }
0xf4: {  	s26 =	simm.s32 $0x10;
	s28 =	simm.s32 $0x88;
	s29 =	sadd.s32 $0x0, s24  }
.LBB2_14:
0xf5: {  	[tilespmem:s25], [sflag:$0x1] =	stream.linear.gather [hbm4b:s29+s2], $0x80, $0x38;
	[tilespmem:$0x1A100] =	vst v63  }
0xf6: {  	s29 =	smov.u32 s26;
	s25 =	smov.u32 s28;
	p1 =	sne.s32 s26, $0x7F0  }
.Ltmp10:
0xf7: {  	s26 =	sadd.s32 $0x10, s26;
	(pc) =	sbr.rel @p1 .LBB2_14-.Ltmp10, $2  }
0xf8: {  	_ =	sdelay $0x2  }
0xf9: {  	s28 =	sadd.s32 $0x88, s28;
	s29 =	sadd.s32 s29, s24  }
0xfa: {  	[tilespmem:s25], [sflag:$0x1] =	stream.linear.gather [hbm4b:s29+s2], $0x80, $0x38;
	[tilespmem:$0x1A100] =	vst v63  }
0xfb: {  	s23 =	sadd.s32 s7, s23;
	s24 =	simm.s32 $0x4840  }
0xfc: {  	s25 =	simm.s32 $0x10;
	s26 =	simm.s32 $0x48C8;
	s28 =	sadd.s32 $0x0, s23  }
.LBB2_16:
0xfd: {  	[tilespmem:s24], [sflag:$0x1] =	stream.linear.gather [hbm4b:s28+s2], $0x80, $0x38;
	[tilespmem:$0x1A100] =	vst v63  }
0xfe: {  	s28 =	smov.u32 s25;
	s24 =	smov.u32 s26;
	p1 =	sne.s32 s25, $0x7F0  }
.Ltmp11:
0xff: {  	s25 =	sadd.s32 $0x10, s25;
	(pc) =	sbr.rel @p1 .LBB2_16-.Ltmp11, $2  }
0x100: {  	_ =	sdelay $0x2  }
0x101: {  	s26 =	sadd.s32 $0x88, s26;
	s28 =	sadd.s32 s28, s23  }
0x102: {  	[tilespmem:s24], [sflag:$0x1] =	stream.linear.gather [hbm4b:s28+s2], $0x80, $0x38;
	[tilespmem:$0x1A100] =	vst v63  }
.LBB2_18:
0x103: {  	s23 =	simm.s32 $0x0  }
0x104: {  	s24 =	sshll.u32 s21, $0xD;
	s25 =	sand.u32 $0x78, s23  }
0x105: {  	s24 =	sadd.s32 s24, s11;
	s29 =	sand.u32 $0x70, s23;
	v2 =	vmov s25  }
0x106: {  	[hbm4b:s24+s23] =	stream.linear.scatter [tilespmem:s16], [sflag:$0x3], $0x8000, $0x38;
	v3 =	vmov s29;
	v2 =	vmul.u32 $0x88, v2;
	[tilespmem:$0x1A100] =	vst v63  }
0x107: {  	_ =	swait.ge [sflag:s17], $0x8000;
	v3 =	vshrl.u32 v3, $0x3  }
0x108: {  	[sflag:s17] =	ssyncset.done $0x0;
	v3 =	vshll.u32 v3, v1;
	v2 =	vbroadcast v2, $0x0  }
0x109: {  	[sflag:s17] =	ssyncadd.s32 $0xFFFF8000;
	v3 =	vbroadcast v3, $0x0  }
0x10a: {  	_ =	swait.ge [sflag:s18], $0x4000;
	v2 =	vadd.s32 v0, v2  }
0x10b: {  	[sflag:s18] =	ssyncset.done $0x0;
	v3 =	vadd.s32 v2, v3  }
0x10c: {  	[sflag:s18] =	ssyncadd.s32 $0xFFFFC000  }
0x10d: {  	_ =	swait.ge [sflag:s18], $0x4000  }
0x10e: {  	[sflag:s18] =	ssyncset.done $0x0  }
0x10f: {  	[sflag:s18] =	ssyncadd.s32 $0xFFFFC000  }
0x110: {  	v4 =	vld.idx.msk [tilespmem:v3+s19+$0x0], $0xffff  }
0x111: {  	v5 =	vor.u32 $0x1, v3;
	_ =	sdelay $0x2  }
0x112: {  	s23 =	simm.s32 $0x12180  }
0x113: {  	[tilespmem:s23+$0xFFFFFF80] =	vst v4  }
0x114: {  	v4 =	vld.idx.msk [tilespmem:v5+s19+$0x0], $0xffff  }
0x115: {  	v5 =	vor.u32 $0x2, v3;
	_ =	sdelay $0x3  }
0x116: {  	[tilespmem:s23+$0xFFFFFF90] =	vst v4  }
0x117: {  	v4 =	vld.idx.msk [tilespmem:v5+s19+$0x0], $0xffff  }
0x118: {  	v5 =	vor.u32 $0x3, v3;
	_ =	sdelay $0x3  }
0x119: {  	[tilespmem:s23+$0xFFFFFFA0] =	vst v4  }
0x11a: {  	v4 =	vld.idx.msk [tilespmem:v5+s19+$0x0], $0xffff  }
0x11b: {  	v5 =	vor.u32 $0x4, v3;
	_ =	sdelay $0x3  }
0x11c: {  	[tilespmem:s23+$0xFFFFFFB0] =	vst v4  }
0x11d: {  	v4 =	vld.idx.msk [tilespmem:v5+s19+$0x0], $0xffff  }
0x11e: {  	v5 =	vor.u32 $0x5, v3;
	_ =	sdelay $0x3  }
0x11f: {  	[tilespmem:s23+$0xFFFFFFC0] =	vst v4  }
0x120: {  	v4 =	vld.idx.msk [tilespmem:v5+s19+$0x0], $0xffff  }
0x121: {  	v5 =	vor.u32 $0x6, v3;
	_ =	sdelay $0x3  }
0x122: {  	[tilespmem:s23+$0xFFFFFFD0] =	vst v4  }
0x123: {  	v4 =	vld.idx.msk [tilespmem:v5+s19+$0x0], $0xffff  }
0x124: {  	s30 =	sor.u32 $0x8, s29;
	v3 =	vor.u32 $0x7, v3  }
0x125: {  	v5 =	vmov s30  }
0x126: {  	v5 =	vshrl.u32 v5, $0x3  }
0x127: {  	v5 =	vshll.u32 v5, v1  }
0x128: {  	[tilespmem:s23+$0xFFFFFFE0] =	vst v4;
	v4 =	vbroadcast v5, $0x0  }
0x129: {  	v3 =	vld.idx.msk [tilespmem:v3+s19+$0x0], $0xffff  }
0x12a: {  	v4 =	vadd.s32 v2, v4;
	_ =	sdelay $0x3  }
0x12b: {  	[tilespmem:s23+$0xFFFFFFF0] =	vst v3  }
0x12c: {  	v2 =	vld.idx.msk [tilespmem:v4+s19+$0x0], $0xffff  }
0x12d: {  	v3 =	vor.u32 $0x1, v4;
	_ =	sdelay $0x3  }
0x12e: {  	[tilespmem:s23+$0x0] =	vst v2  }
0x12f: {  	v2 =	vld.idx.msk [tilespmem:v3+s19+$0x0], $0xffff  }
0x130: {  	v3 =	vor.u32 $0x2, v4;
	_ =	sdelay $0x3  }
0x131: {  	[tilespmem:s23+$0x10] =	vst v2  }
0x132: {  	v2 =	vld.idx.msk [tilespmem:v3+s19+$0x0], $0xffff  }
0x133: {  	v3 =	vor.u32 $0x3, v4;
	_ =	sdelay $0x3  }
0x134: {  	[tilespmem:s23+$0x20] =	vst v2  }
0x135: {  	v2 =	vld.idx.msk [tilespmem:v3+s19+$0x0], $0xffff  }
0x136: {  	v3 =	vor.u32 $0x4, v4;
	_ =	sdelay $0x3  }
0x137: {  	[tilespmem:s23+$0x30] =	vst v2  }
0x138: {  	v2 =	vld.idx.msk [tilespmem:v3+s19+$0x0], $0xffff  }
0x139: {  	v3 =	vor.u32 $0x5, v4;
	_ =	sdelay $0x3  }
0x13a: {  	[tilespmem:s23+$0x40] =	vst v2  }
0x13b: {  	v2 =	vld.idx.msk [tilespmem:v3+s19+$0x0], $0xffff  }
0x13c: {  	v3 =	vor.u32 $0x6, v4;
	_ =	sdelay $0x3  }
0x13d: {  	[tilespmem:s23+$0x50] =	vst v2  }
0x13e: {  	s31 =	simm.s32 $0x1;
	v2 =	vld.idx.msk [tilespmem:v3+s19+$0x0], $0xffff  }
0x13f: {  	s26 =	sand.u32 $0x78, s31;
	s25 =	simm.s32 $0x2;
	s24 =	simm.s32 $0x10;
	v3 =	vor.u32 $0x7, v4  }
.LBB2_19:
0x140: {  	p1 =	sne.s32 s25, $0x7F;
	v4 =	vmov s26;
	s26 =	sand.u32 $0x70, s24  }
0x141: {  	v5 =	vmov s26;
	v4 =	vmul.u32 $0x88, v4  }
0x142: {  	v5 =	vshrl.u32 v5, $0x3  }
0x143: {  	v4 =	vbroadcast v4, $0x0;
	v5 =	vshll.u32 v5, v1;
	[tilespmem:s23+$0x60] =	vst v2  }
0x144: {  	v2 =	vbroadcast v5, $0x0;
	v3 =	vld.idx.msk [tilespmem:v3+s19+$0x0], $0xffff  }
0x145: {  	v4 =	vadd.s32 v0, v4  }
0x146: {  	v2 =	vadd.s32 v4, v2;
	_ =	sdelay $0x3  }
0x147: {  	[tilespmem:s23+$0x70] =	vst v3  }
0x148: {  	v3 =	vld.idx.msk [tilespmem:v2+s19+$0x0], $0xffff;
	_ =	sdelay $0x1  }
0x149: {  	v5 =	vor.u32 $0x1, v2;
	_ =	sdelay $0x2  }
0x14a: {  	s23 =	sadd.s32 $0x100, s23  }
0x14b: {  	[tilespmem:s23+$0xFFFFFF80] =	vst v3  }
0x14c: {  	v3 =	vld.idx.msk [tilespmem:v5+s19+$0x0], $0xffff;
	_ =	sdelay $0x1  }
0x14d: {  	v5 =	vor.u32 $0x2, v2;
	_ =	sdelay $0x3  }
0x14e: {  	[tilespmem:s23+$0xFFFFFF90] =	vst v3  }
0x14f: {  	v3 =	vld.idx.msk [tilespmem:v5+s19+$0x0], $0xffff;
	_ =	sdelay $0x1  }
0x150: {  	v5 =	vor.u32 $0x3, v2;
	_ =	sdelay $0x3  }
0x151: {  	[tilespmem:s23+$0xFFFFFFA0] =	vst v3  }
0x152: {  	v3 =	vld.idx.msk [tilespmem:v5+s19+$0x0], $0xffff;
	_ =	sdelay $0x1  }
0x153: {  	v5 =	vor.u32 $0x4, v2;
	_ =	sdelay $0x3  }
0x154: {  	[tilespmem:s23+$0xFFFFFFB0] =	vst v3  }
0x155: {  	v3 =	vld.idx.msk [tilespmem:v5+s19+$0x0], $0xffff;
	_ =	sdelay $0x1  }
0x156: {  	v5 =	vor.u32 $0x5, v2;
	_ =	sdelay $0x3  }
0x157: {  	[tilespmem:s23+$0xFFFFFFC0] =	vst v3  }
0x158: {  	v3 =	vld.idx.msk [tilespmem:v5+s19+$0x0], $0xffff;
	_ =	sdelay $0x1  }
0x159: {  	v5 =	vor.u32 $0x6, v2;
	_ =	sdelay $0x3  }
0x15a: {  	[tilespmem:s23+$0xFFFFFFD0] =	vst v3  }
0x15b: {  	v3 =	vld.idx.msk [tilespmem:v5+s19+$0x0], $0xffff;
	_ =	sdelay $0x1  }
0x15c: {  	v2 =	vor.u32 $0x7, v2  }
0x15d: {  	s26 =	sor.u32 $0x8, s26  }
0x15e: {  	v5 =	vmov s26  }
0x15f: {  	v5 =	vshrl.u32 v5, $0x3  }
0x160: {  	[tilespmem:s23+$0xFFFFFFE0] =	vst v3;
	v3 =	vshll.u32 v5, v1  }
0x161: {  	v2 =	vld.idx.msk [tilespmem:v2+s19+$0x0], $0xffff;
	v3 =	vbroadcast v3, $0x0;
	_ =	sdelay $0x1  }
0x162: {  	v3 =	vadd.s32 v4, v3;
	_ =	sdelay $0x3  }
0x163: {  	[tilespmem:s23+$0xFFFFFFF0] =	vst v2  }
0x164: {  	v2 =	vld.idx.msk [tilespmem:v3+s19+$0x0], $0xffff;
	_ =	sdelay $0x1  }
0x165: {  	v4 =	vor.u32 $0x1, v3;
	_ =	sdelay $0x3  }
0x166: {  	[tilespmem:s23+$0x0] =	vst v2  }
0x167: {  	v2 =	vld.idx.msk [tilespmem:v4+s19+$0x0], $0xffff;
	_ =	sdelay $0x1  }
0x168: {  	v4 =	vor.u32 $0x2, v3;
	_ =	sdelay $0x3  }
0x169: {  	[tilespmem:s23+$0x10] =	vst v2  }
0x16a: {  	v2 =	vld.idx.msk [tilespmem:v4+s19+$0x0], $0xffff;
	_ =	sdelay $0x1  }
0x16b: {  	v4 =	vor.u32 $0x3, v3;
	_ =	sdelay $0x3  }
0x16c: {  	[tilespmem:s23+$0x20] =	vst v2  }
0x16d: {  	v2 =	vld.idx.msk [tilespmem:v4+s19+$0x0], $0xffff;
	_ =	sdelay $0x1  }
0x16e: {  	v4 =	vor.u32 $0x4, v3;
	_ =	sdelay $0x3  }
0x16f: {  	[tilespmem:s23+$0x30] =	vst v2  }
0x170: {  	v2 =	vld.idx.msk [tilespmem:v4+s19+$0x0], $0xffff;
	_ =	sdelay $0x1  }
0x171: {  	v4 =	vor.u32 $0x5, v3;
	_ =	sdelay $0x3  }
0x172: {  	[tilespmem:s23+$0x40] =	vst v2  }
0x173: {  	v2 =	vld.idx.msk [tilespmem:v4+s19+$0x0], $0xffff;
	_ =	sdelay $0x1  }
0x174: {  	v4 =	vor.u32 $0x6, v3;
	_ =	sdelay $0x2  }
.Ltmp12:
0x175: {  	(pc) =	sbr.rel @p1 .LBB2_19-.Ltmp12, $3  }
0x176: {  	[tilespmem:s23+$0x50] =	vst v2  }
0x177: {  	v2 =	vld.idx.msk [tilespmem:v4+s19+$0x0], $0xffff;
	_ =	sdelay $0x1  }
0x178: {  	s24 =	sadd.s32 $0x10, s24;
	s26 =	sand.u32 $0x78, s25;
	s25 =	sadd.s32 $0x1, s25;
	v3 =	vor.u32 $0x7, v3  }
0x179: {  	v4 =	vmov s26;
	s24 =	sand.u32 $0x70, s24  }
0x17a: {  	v5 =	vmov s24;
	v4 =	vmul.u32 $0x88, v4  }
0x17b: {  	v5 =	vshrl.u32 v5, $0x3  }
0x17c: {  	v4 =	vbroadcast v4, $0x0;
	v5 =	vshll.u32 v5, v1  }
0x17d: {  	[tilespmem:s23+$0x60] =	vst v2;
	v2 =	vbroadcast v5, $0x0  }
0x17e: {  	v3 =	vld.idx.msk [tilespmem:v3+s19+$0x0], $0xffff;
	v4 =	vadd.s32 v0, v4  }
0x17f: {  	v2 =	vadd.s32 v4, v2;
	_ =	sdelay $0x3  }
0x180: {  	[tilespmem:s23+$0x70] =	vst v3  }
0x181: {  	v3 =	vld.idx.msk [tilespmem:v2+s19+$0x0], $0xffff  }
0x182: {  	v52 =	vor.u32 $0x1, v2;
	_ =	sdelay $0x2  }
0x183: {  	s31 =	sadd.s32 $0x100, s23  }
0x184: {  	[tilespmem:s31+$0xFFFFFF80] =	vst v3  }
0x185: {  	v3 =	vld.idx.msk [tilespmem:v52+s19+$0x0], $0xffff  }
0x186: {  	v53 =	vor.u32 $0x2, v2;
	_ =	sdelay $0x3  }
0x187: {  	[tilespmem:s31+$0xFFFFFF90] =	vst v3  }
0x188: {  	v3 =	vld.idx.msk [tilespmem:v53+s19+$0x0], $0xffff  }
0x189: {  	v54 =	vor.u32 $0x3, v2;
	_ =	sdelay $0x3  }
0x18a: {  	[tilespmem:s31+$0xFFFFFFA0] =	vst v3  }
0x18b: {  	v3 =	vld.idx.msk [tilespmem:v54+s19+$0x0], $0xffff  }
0x18c: {  	v55 =	vor.u32 $0x4, v2;
	_ =	sdelay $0x3  }
0x18d: {  	[tilespmem:s31+$0xFFFFFFB0] =	vst v3  }
0x18e: {  	v3 =	vld.idx.msk [tilespmem:v55+s19+$0x0], $0xffff  }
0x18f: {  	v56 =	vor.u32 $0x5, v2;
	_ =	sdelay $0x3  }
0x190: {  	[tilespmem:s31+$0xFFFFFFC0] =	vst v3  }
0x191: {  	v3 =	vld.idx.msk [tilespmem:v56+s19+$0x0], $0xffff  }
0x192: {  	v57 =	vor.u32 $0x6, v2;
	_ =	sdelay $0x3  }
0x193: {  	[tilespmem:s31+$0xFFFFFFD0] =	vst v3  }
0x194: {  	v3 =	vld.idx.msk [tilespmem:v57+s19+$0x0], $0xffff  }
0x195: {  	s24 =	sor.u32 $0x8, s24;
	v2 =	vor.u32 $0x7, v2  }
0x196: {  	v58 =	vmov s24  }
0x197: {  	v5 =	vshrl.u32 v58, $0x3  }
0x198: {  	v5 =	vshll.u32 v5, v1  }
0x199: {  	[tilespmem:s31+$0xFFFFFFE0] =	vst v3;
	v3 =	vbroadcast v5, $0x0  }
0x19a: {  	v2 =	vld.idx.msk [tilespmem:v2+s19+$0x0], $0xffff  }
0x19b: {  	v3 =	vadd.s32 v4, v3;
	_ =	sdelay $0x3  }
0x19c: {  	[tilespmem:s31+$0xFFFFFFF0] =	vst v2  }
0x19d: {  	v2 =	vld.idx.msk [tilespmem:v3+s19+$0x0], $0xffff  }
0x19e: {  	v4 =	vor.u32 $0x1, v3;
	_ =	sdelay $0x3  }
0x19f: {  	[tilespmem:s31+$0x0] =	vst v2  }
0x1a0: {  	v2 =	vld.idx.msk [tilespmem:v4+s19+$0x0], $0xffff  }
0x1a1: {  	v59 =	vor.u32 $0x2, v3;
	_ =	sdelay $0x3  }
0x1a2: {  	[tilespmem:s31+$0x10] =	vst v2  }
0x1a3: {  	v2 =	vld.idx.msk [tilespmem:v59+s19+$0x0], $0xffff  }
0x1a4: {  	v60 =	vor.u32 $0x3, v3;
	_ =	sdelay $0x3  }
0x1a5: {  	[tilespmem:s31+$0x20] =	vst v2  }
0x1a6: {  	v2 =	vld.idx.msk [tilespmem:v60+s19+$0x0], $0xffff  }
0x1a7: {  	v61 =	vor.u32 $0x4, v3;
	_ =	sdelay $0x3  }
0x1a8: {  	[tilespmem:s31+$0x30] =	vst v2  }
0x1a9: {  	v2 =	vld.idx.msk [tilespmem:v61+s19+$0x0], $0xffff  }
0x1aa: {  	v62 =	vor.u32 $0x5, v3;
	_ =	sdelay $0x3  }
0x1ab: {  	[tilespmem:s31+$0x40] =	vst v2  }
0x1ac: {  	v2 =	vld.idx.msk [tilespmem:v62+s19+$0x0], $0xffff  }
0x1ad: {  	v63 =	vor.u32 $0x6, v3;
	_ =	sdelay $0x3  }
0x1ae: {  	[tilespmem:s31+$0x50] =	vst v2  }
0x1af: {  	v2 =	vld.idx.msk [tilespmem:v63+s19+$0x0], $0xffff  }
0x1b0: {  	v3 =	vor.u32 $0x7, v3;
	_ =	sdelay $0x3  }
0x1b1: {  	[tilespmem:s31+$0x60] =	vst v2  }
0x1b2: {  	v2 =	vld.idx.msk [tilespmem:v3+s19+$0x0], $0xffff  }
.Ltmp13:
0x1b3: {  	_ = 	snop;
	(pc) =	sbr.rel @p0 .LBB2_26-.Ltmp13, $2  }
0x1b4: {  	_ =	sdelay $0x2  }
0x1b5: {  	[tilespmem:s31+$0x70] =	vst v2  }
0x1b6: {  	s23 =	sadd.s32 s22, s12  }
0x1b7: {  	s25 =	simm.s32 $0x9080;
	s24 =	sadd.s32 s1, s23  }
0x1b8: {  	s26 =	simm.s32 $0x10;
	s28 =	simm.s32 $0x9108;
	s29 =	sadd.s32 $0x0, s24  }
.LBB2_22:
0x1b9: {  	[tilespmem:s25], [sflag:$0x2] =	stream.linear.gather [hbm4b:s29+s2], $0x80, $0x38;
	[tilespmem:$0x1A100] =	vst v63  }
0x1ba: {  	s29 =	smov.u32 s26;
	s25 =	smov.u32 s28;
	p0 =	sne.s32 s26, $0x7F0  }
.Ltmp14:
0x1bb: {  	s26 =	sadd.s32 $0x10, s26;
	(pc) =	sbr.rel @p0 .LBB2_22-.Ltmp14, $2  }
0x1bc: {  	_ =	sdelay $0x2  }
0x1bd: {  	s28 =	sadd.s32 $0x88, s28;
	s29 =	sadd.s32 s29, s24  }
0x1be: {  	[tilespmem:s25], [sflag:$0x2] =	stream.linear.gather [hbm4b:s29+s2], $0x80, $0x38;
	[tilespmem:$0x1A100] =	vst v63  }
0x1bf: {  	s23 =	sadd.s32 s7, s23;
	s24 =	simm.s32 $0xD8C0  }
0x1c0: {  	s25 =	simm.s32 $0x10;
	s26 =	simm.s32 $0xD948;
	s28 =	sadd.s32 $0x0, s23  }
.LBB2_24:
0x1c1: {  	[tilespmem:s24], [sflag:$0x2] =	stream.linear.gather [hbm4b:s28+s2], $0x80, $0x38;
	[tilespmem:$0x1A100] =	vst v63  }
0x1c2: {  	s28 =	smov.u32 s25;
	s24 =	smov.u32 s26;
	p0 =	sne.s32 s25, $0x7F0  }
.Ltmp15:
0x1c3: {  	s25 =	sadd.s32 $0x10, s25;
	(pc) =	sbr.rel @p0 .LBB2_24-.Ltmp15, $2  }
0x1c4: {  	_ =	sdelay $0x2  }
0x1c5: {  	s26 =	sadd.s32 $0x88, s26;
	s28 =	sadd.s32 s28, s23  }
.Ltmp16:
0x1c6: {  	(pc) =	sbr.rel .LBB2_26-.Ltmp16, $2  }
0x1c7: {  	_ =	sdelay $0x2  }
0x1c8: {  	[tilespmem:s24], [sflag:$0x2] =	stream.linear.gather [hbm4b:s28+s2], $0x80, $0x38;
	[tilespmem:$0x1A100] =	vst v63  }
.LBB2_28:
0x1c9: {  	_ =	sfence.sel $0x180000  }
0x1ca: {  	[bflag:$0x0] =	sbarrier.arrive $0xFFFF  }
0x1cb: {  	p0 =	sne.s32 s3, $0x0;
	_ =	strace $0x90000047  }
0x1cc: {  	s0 =	sadd.s32 @!p0 $0x100000, s0;
	[bflag:$0x2] =	sbarrier.arrive $0xFFFF  }
0x1cd: {  	[sflag:s0] =	ssyncadd.tile.s32 @!p0 $0x1;
	_ =	shalt  }
.Lfunc_end2:
_tile_overlayer_lowered:
.L_overlay_start_2:
0x1ce: {  	(tag) =	ssettag $0x2  }
0x1cf: {  	s0 =	rddreg [dreg:$0x0];
	s2 =	stileid.u32  }
0x1d0: {  	s1 =	rddreg [dreg:$0x1];
	p0 =	sne.s32 s2, $0x0  }
0x1d1: {  	s3 =	rddreg [dreg:$0x2];
	[bflag:$0x3] =	sbarrier.arrive $0xFFFF;
	s2 =	simm.s32 @!p0 $0x1C03  }
0x1d2: {  	[timem:s3], [sflag:s2] =	dma.local @!p0 [hbm:s0], s1  }
0x1d3: {  	s0 =	simm.s32 @!p0 $0x3  }
0x1d4: {  	_ =	swait.ge @!p0 [sflag:s0], s1  }
0x1d5: {  	s1 =	ssub.s32 @!p0 $0x0, s1;
	[sflag:s0] =	ssyncset.done @!p0 $0x0  }
0x1d6: {  	[sflag:s0] =	ssyncadd.s32 @!p0 s1  }
0x1d7: {  	[bflag:$0x3] =	sbarrier.arrive $0xFFFF  }
0x1d8: {  	_ =	shalt  }

// kernel: kernel.7.cloned.1.call-start
scs
__scs_entry_jumppad:
0x0: {  	(pc) =	sbr.rel $0x88, $3  }
0x1: {  	(tag) =	ssettag $0x0;
	lr =	simm.s32 $0x1  }
0x2: {  	[smem:$0x3F9F] =	sst lr;
	_ =	strace $0xD0000000  }
0x3: {  	_ = 	snop  }
0x4: {  	_ = 	snop  }
0x5: {  	_ = 	snop  }
0x6: {  	_ = 	snop  }
0x7: {  	_ = 	snop  }
__scs_overlays_trampoline_lowered:
0x8: {  	[smem:$0x3FAE] =	sst s0  }
0x9: {  	[smem:$0x3FAF] =	sst s1  }
0xa: {  	[smem:$0x3FB0] =	sst s2  }
0xb: {  	[smem:$0x3FB1] =	sst s3  }
0xc: {  	[smem:$0x3FB2] =	sst s4  }
0xd: {  	[smem:$0x3FB3] =	sst s5  }
0xe: {  	[smem:$0x3FB4] =	sst s6  }
0xf: {  	[smem:$0x3FB5] =	sst s7  }
0x10: {  	[smem:$0x3FB6] =	sst s8  }
0x11: {  	[smem:$0x3FB7] =	sst s9;
	s0 =	simm.s32 @!p0 $0x0  }
0x12: {  	s1 =	sld [smem:$0x3F9D];
	s0 =	simm.s32 @p0 $0x1  }
0x13: {  	[smem:$0x3FB8] =	sst s0;
	s0 =	simm.s32 @!p1 $0x0  }
0x14: {  	s2 =	sld [smem:$0x3F9C];
	s0 =	simm.s32 @p1 $0x1  }
0x15: {  	[smem:$0x3FB9] =	sst s0;
	s0 =	simm.s32 @!p2 $0x0  }
0x16: {  	s3 =	sld [smem:$0x3FDB];
	s0 =	simm.s32 @p2 $0x1  }
0x17: {  	s4 =	simm.s32 $0x1BF5;
	[smem:$0x3FBB] =	sst s0  }
0x18: {  	s0 =	sld [smem:$0x3F9E];
	_ =	swait.ge [sflag:s4], $0x0  }
0x19: {  	s7 =	sld [smem:$0x3F9F]  }
0x1a: {  	s8 =	sadd.s32 $0xFFFFE003, lr  }
0x1b: {  	s9 =	sadd.s32 $0xFFFFFEF7, lr;
	s5 =	simm.s32 $0xFFFFFFFF;
	p2 =	slt.u32 s8, $0xFFFFF086  }
0x1c: {  	p1 =	slt.u32 s9, $0xF7A;
	s5 =	simm.s32 @!p2 $0x0  }
0x1d: {  	s5 =	simm.s32 @p1 $0x1;
	p0 =	seq.s32 s7, s2  }
0x1e: {  	s7 =	smul.u32 @!p0 $0xF7A, s2;
	p2 =	seq.s32 @!p0 s5, $0x0  }
0x1f: {  	s9 =	smul.u32 $0xF7A, s1;
	s8 =	simm.s32 @!p0 $0x1BF5;
	p2 =	por !p2, p0  }
0x20: {  	[sflag:s8] =	ssyncset.s32 @!p0 $0xFFFFF086;
	s6 =	sadd.s32 @!p0 s3, s7;
	s7 =	simm.s32 @!p0 $0x108  }
0x21: {  	s3 =	sadd.s32 s3, s9;
	s6 =	sadd.s32 @!p0 $0x88, s6;
	s7 =	simm.s32 @p2 $0x1082  }
0x22: {  	[simem:s7], [sflag:s8] =	dma.local @!p0 [hbm:s6], $0xF7A  }
0x23: {  	s9 =	sor.u32 $0xD0000000, s2;
	s6 =	simm.s32 $0x108;
	_ =	swait.ge @!p0 [sflag:s8], $0x0  }
0x24: {  	s3 =	sadd.s32 $0x88, s3;
	s6 =	simm.s32 @!p1 $0x1082;
	[sflag:s4] =	ssyncset.s32 $0xFFFFF086  }
0x25: {  	[simem:s6], [sflag:s4] =	dma.local [hbm:s3], $0xF7A  }
0x26: {  	[smem:$0x3F9F] =	sst s1;
	(tag) =	ssettag s2;
	_ =	strace s9  }
0x27: {  	s1 =	sld [smem:$0x3FAF]  }
0x28: {  	s2 =	sld [smem:$0x3FB0]  }
0x29: {  	s4 =	sld [smem:$0x3FB2]  }
0x2a: {  	p0 =	seq.s32 s5, $0x0;
	s5 =	sld [smem:$0x3FB3]  }
0x2b: {  	s6 =	sld [smem:$0x3FB4]  }
0x2c: {  	s7 =	sld [smem:$0x3FB5]  }
0x2d: {  	s3 =	simm.s32 $0x108;
	s8 =	sld [smem:$0x3FB6]  }
0x2e: {  	s3 =	simm.s32 @!p0 $0x1082;
	s9 =	sld [smem:$0x3FB7]  }
0x2f: {  	lr =	sadd.s32 s0, s3;
	s0 =	sld [smem:$0x3FAE]  }
0x30: {  	s3 =	sld [smem:$0x3FB1]  }
0x31: {  	[smem:$0x3FBA] =	sst s10  }
0x32: {  	s10 =	sld [smem:$0x3FB8];
	_ =	sdelay $0x3  }
0x33: {  	p0 =	seq.s32 s10, $0x1;
	s10 =	sld [smem:$0x3FBA];
	_ =	sdelay $0x3  }
0x34: {  	[smem:$0x3FBA] =	sst s10  }
0x35: {  	s10 =	sld [smem:$0x3FB9];
	_ =	sdelay $0x3  }
0x36: {  	p1 =	seq.s32 s10, $0x1;
	s10 =	sld [smem:$0x3FBA];
	_ =	sdelay $0x3  }
0x37: {  	[smem:$0x3FBA] =	sst s10  }
0x38: {  	s10 =	sld [smem:$0x3FBB]  }
0x39: {  	_ = 	snop;
	(pc) =	sbr.ind lr, $3  }
0x3a: {  	_ = 	snop  }
0x3b: {  	_ = 	snop  }
0x3c: {  	p2 =	seq.s32 s10, $0x1;
	s10 =	sld [smem:$0x3FBA]  }
0x3d: {  	_ =	shalt  }
0x3e: {  	_ =	shalt  }
0x3f: {  	_ =	shalt  }
0x40: {  	_ =	shalt  }
0x41: {  	_ =	shalt  }
0x42: {  	_ =	shalt  }
0x43: {  	_ =	shalt  }
0x44: {  	_ =	shalt  }
0x45: {  	_ =	shalt  }
0x46: {  	_ =	shalt  }
0x47: {  	_ =	shalt  }
0x48: {  	_ =	shalt  }
0x49: {  	_ =	shalt  }
0x4a: {  	_ =	shalt  }
0x4b: {  	_ =	shalt  }
0x4c: {  	_ =	shalt  }
0x4d: {  	_ =	shalt  }
0x4e: {  	_ =	shalt  }
0x4f: {  	_ =	shalt  }
0x50: {  	_ =	shalt  }
0x51: {  	_ =	shalt  }
0x52: {  	_ =	shalt  }
0x53: {  	_ =	shalt  }
0x54: {  	_ =	shalt  }
0x55: {  	_ =	shalt  }
0x56: {  	_ =	shalt  }
0x57: {  	_ =	shalt  }
0x58: {  	_ =	shalt  }
0x59: {  	_ =	shalt  }
0x5a: {  	_ =	shalt  }
0x5b: {  	_ =	shalt  }
0x5c: {  	_ =	shalt  }
0x5d: {  	_ =	shalt  }
0x5e: {  	_ =	shalt  }
0x5f: {  	_ =	shalt  }
0x60: {  	_ =	shalt  }
0x61: {  	_ =	shalt  }
0x62: {  	_ =	shalt  }
0x63: {  	_ =	shalt  }
0x64: {  	_ =	shalt  }
0x65: {  	_ =	shalt  }
0x66: {  	_ =	shalt  }
0x67: {  	_ =	shalt  }
0x68: {  	_ =	shalt  }
0x69: {  	_ =	shalt  }
0x6a: {  	_ =	shalt  }
0x6b: {  	_ =	shalt  }
0x6c: {  	_ =	shalt  }
0x6d: {  	_ =	shalt  }
0x6e: {  	_ =	shalt  }
0x6f: {  	_ =	shalt  }
0x70: {  	_ =	shalt  }
0x71: {  	_ =	shalt  }
0x72: {  	_ =	shalt  }
0x73: {  	_ =	shalt  }
0x74: {  	_ =	shalt  }
0x75: {  	_ =	shalt  }
0x76: {  	_ =	shalt  }
0x77: {  	_ =	shalt  }
0x78: {  	_ =	shalt  }
0x79: {  	_ =	shalt  }
0x7a: {  	_ =	shalt  }
0x7b: {  	_ =	shalt  }
0x7c: {  	_ =	shalt  }
0x7d: {  	_ =	shalt  }
0x7e: {  	_ =	shalt  }
0x7f: {  	_ =	shalt  }
0x80: {  	_ =	shalt  }
0x81: {  	_ =	shalt  }
0x82: {  	_ =	shalt  }
0x83: {  	_ =	shalt  }
0x84: {  	_ =	shalt  }
0x85: {  	_ =	shalt  }
0x86: {  	_ =	shalt  }
0x87: {  	_ =	shalt  }
.Lfunc_end0:
.L_simem_size_0:
called_computation.1_lowered:
.L_overlay_start_0:
0x88: {  	s2 =	sld [smem:$0x3FD9]  }
0x89: {  	s3 =	sld [smem:$0x3FFE];
	_ =	sdelay $0x1  }
0x8a: {  	s1 =	srdreg.scid  }
0x8b: {  	s0 =	sand.u32 $0x1, s1  }
0x8c: {  	s17 =	sshll.u32 s0, $0xA;
	s2 =	sadd.s32 s3, s2  }
0x8d: {  	s2 =	sadd.s32 s2, s17  }
0x8e: {  	[smem:$0x3FC6] =	sst s2  }
0x8f: {  	_ = 	snop  }
0x90: {  	s2 =	sld [smem:$0x3FD0];
	(tm) =	ssettm $0x1  }
0x91: {  	s18 =	sld [smem:$0x3FFB];
	_ =	sdelay $0x3  }
0x92: {  	_ =	strace s18  }
0x93: {  	s3 =	sld [smem:$0x3FFC];
	_ =	sdelay $0x3  }
0x94: {  	_ =	strace s3  }
0x95: {  	s3 =	sld [smem:$0x3FFD];
	_ =	sdelay $0x3  }
0x96: {  	_ =	strace s3  }
0x97: {  	_ =	strace $0x8FFFFFFF  }
0x98: {  	s19 =	sld [smem:$0x3FDB];
	_ =	sdelay $0x1  }
0x99: {  	s4 =	simm.s32 $_scs_section_size  }
0x9a: {  	s5 =	simm.s32 $_size__tile_overlayer_lowered;
	s6 =	simm.s32 $_tile_overlayer_lowered  }
0x9b: {  	s22 =	simm.s32 $0x1BFF;
	s21 =	sshll.u32 s6, $0x1;
	s3 =	sadd.s32 s4, s19  }
0x9c: {  	s7 =	simm.s32 $0x0;
	s20 =	sshll.u32 s5, $0x1;
	s5 =	sadd.s32 s21, s3  }
0x9d: {  	[timem:s7], [sflag:s22] =	dma.local [hbm:s5], s20  }
0x9e: {  	_ =	swait.ge [sflag:s22], s20  }
0x9f: {  	s4 =	ssub.s32 $0x0, s20;
	[sflag:s22] =	ssyncset.done $0x0  }
0xa0: {  	[sflag:s22] =	ssyncadd.s32 s4;
	_ =	sdelay $0x1  }
0xa1: {  	s23 =	simm.s32 $0x1B8B  }
0xa2: {  	_ =	swait.ge [sflag:s23], $0x1  }
0xa3: {  	[sflag:s23] =	ssyncset.done $0x0  }
0xa4: {  	s25 =	simm.s32 $0x1B8E;
	s24 =	sld [smem:$0x3FFE];
	[sflag:s23] =	ssyncadd.s32 $0xFFFFFFFF  }
0xa5: {  	s26 =	simm.s32 $execute0_lowered;
	[smem:$0x3FD2] =	sst s25  }
0xa6: {  	s5 =	sshll.u32 s26, $0x1;
	_ =	strace $0x80000049;
	[dreg:$0x1] =	wrdreg $0xFFFFFFFF  }
0xa7: {  	s28 =	simm.s32 $_size_execute0_lowered;
	s3 =	sadd.s32 s3, s5;
	[dreg:$0x0] =	wrdreg $0x0  }
0xa8: {  	s5 =	sshll.u32 s28, $0x1;
	[dreg:$0x2] =	wrdreg s3  }
0xa9: {  	[dreg:$0x3] =	wrdreg s5  }
0xaa: {  	[dreg:$0x4] =	wrdreg $0xC0  }
0xab: {  	_ =	task [dreg:s7], $0x5FFFF  }
0xac: {  	[dreg:$0x1] =	wrdreg $0xFFFFFFFF  }
0xad: {  	[dreg:$0x0] =	wrdreg $0x60  }
0xae: {  	[dreg:$0x2] =	wrdreg s24  }
0xaf: {  	[dreg:$0x3] =	wrdreg s2  }
0xb0: {  	[dreg:$0x4] =	wrdreg $0x9  }
0xb1: {  	_ =	task.clear_ibuf [dreg:s7], $0x5FFFF;
	_ =	strace $0x90000049  }
0xb2: {  	s29 =	simm.s32 $0x9;
	_ =	strace $0x8000004B  }
0xb3: {  	_ =	swait.ge [sflag:s29], $0x1  }
0xb4: {  	[sflag:s29] =	ssyncadd.s32 $0xFFFFFFFF  }
0xb5: {  	_ =	strace $0x9000004B  }
0xb6: {  	_ =	sfence  }
0xb7: {  	s30 =	sld [smem:$0x0];
	_ =	sdelay $0x2  }
0xb8: {  	s31 =	sshll.u32 s1, $0xD;
	s1 =	sshrl.u32 s1, $0x2  }
0xb9: {  	s3 =	sand.u32 $0x4000, s31;
	s1 =	sadd.s32 s1, s30  }
0xba: {  	s0 =	sor.u32 s3, s0;
	s1 =	sshll.u32 s1, $0x11  }
0xbb: {  	s0 =	sor.u32 s1, s0  }
0xbc: {  	s0 =	sadd.s32 $0x8F2B, s0  }
0xbd: {  	[sflag:s0] =	ssyncadd.remote.s32 $0x1  }
0xbe: {  	_ =	sfence.sel $0xFFFF  }
0xbf: {  	[dreg:$0x0] =	wrdreg $0xFFFFFFFF;
	(pc) =	sbr.abs _section_cstart, $3  }
0xc0: {  	[dreg:$0x1] =	wrdreg $0xFFFFFFFF  }
0xc1: {  	_ =	task.clear_ibuf [dreg:s7], $0x2FFFF;
	_ =	strace $0x9FFFFFFF  }
0xc2: {  	(tm) =	ssettm $0x7FFFFFFF  }
0xc3: {  	_ =	shalt  }
tec
execute0_lowered:
.L_overlay_start_1:
0x0: {  	(tag) =	ssettag $0x1  }
0x1: {  	v0 =	vimm.s32 $0x47B8;
	vm14 =	vcmask $0x300  }
0x2: {  	v1 =	vimm.s32 $0x47B9;
	vm13 =	vcmask $0x704;
	vm12 =	vcmask $0xB08  }
0x3: {  	vm11 =	vcmask $0xF0C;
	vm10 =	vcmask $0x1310;
	vm9 =	vcmask $0x1714  }
0x4: {  	vm8 =	vcmask $0x1B18;
	vm7 =	vcmask $0x1F1C;
	vm6 =	vcmask $0x2320  }
0x5: {  	vm5 =	vcmask $0x2724;
	vm4 =	vcmask $0x2B28;
	vm3 =	vcmask $0x2F2C  }
0x6: {  	vm2 =	vcmask $0x3330;
	vm1 =	vcmask $0x3734;
	vm0 =	vcmask $0x3B38  }
0x7: {  	v2 =	vimm.s32 $0x47BA;
	v3 =	vimm.s32 $0x47BB;
	v4 =	vimm.s32 $0x47BC  }
0x8: {  	v5 =	vimm.s32 $0x47BD;
	v6 =	vimm.s32 $0x47BE;
	v7 =	vimm.s32 $0x47BF  }
0x9: {  	v0 =	vsel vm14, $0x0, v0;
	v1 =	vsel vm14, $0x1, v1;
	v2 =	vsel vm14, $0x2, v2  }
0xa: {  	v3 =	vsel vm14, $0x3, v3;
	v4 =	vsel vm14, $0x4, v4;
	v5 =	vsel vm14, $0x5, v5  }
0xb: {  	v6 =	vsel vm14, $0x6, v6;
	v7 =	vsel vm14, $0x7, v7;
	v0 =	vsel vm13, $0x88, v0  }
0xc: {  	v1 =	vsel vm13, $0x89, v1;
	v2 =	vsel vm13, $0x8A, v2;
	v3 =	vsel vm13, $0x8B, v3  }
0xd: {  	v4 =	vsel vm13, $0x8C, v4;
	v5 =	vsel vm13, $0x8D, v5;
	v6 =	vsel vm13, $0x8E, v6  }
0xe: {  	v7 =	vsel vm13, $0x8F, v7;
	v0 =	vsel vm12, $0x110, v0;
	v1 =	vsel vm12, $0x111, v1  }
0xf: {  	v2 =	vsel vm12, $0x112, v2;
	v3 =	vsel vm12, $0x113, v3;
	v4 =	vsel vm12, $0x114, v4  }
0x10: {  	v5 =	vsel vm12, $0x115, v5;
	v6 =	vsel vm12, $0x116, v6;
	v7 =	vsel vm12, $0x117, v7  }
0x11: {  	v0 =	vsel vm11, $0x198, v0;
	v1 =	vsel vm11, $0x199, v1;
	v2 =	vsel vm11, $0x19A, v2  }
0x12: {  	v3 =	vsel vm11, $0x19B, v3;
	v4 =	vsel vm11, $0x19C, v4;
	v5 =	vsel vm11, $0x19D, v5  }
0x13: {  	v6 =	vsel vm11, $0x19E, v6;
	v7 =	vsel vm11, $0x19F, v7;
	v0 =	vsel vm10, $0x220, v0  }
0x14: {  	v1 =	vsel vm10, $0x221, v1;
	v2 =	vsel vm10, $0x222, v2;
	v3 =	vsel vm10, $0x223, v3  }
0x15: {  	v4 =	vsel vm10, $0x224, v4;
	v5 =	vsel vm10, $0x225, v5;
	v6 =	vsel vm10, $0x226, v6  }
0x16: {  	v7 =	vsel vm10, $0x227, v7;
	v0 =	vsel vm9, $0x2A8, v0;
	v1 =	vsel vm9, $0x2A9, v1  }
0x17: {  	v2 =	vsel vm9, $0x2AA, v2;
	v3 =	vsel vm9, $0x2AB, v3;
	v4 =	vsel vm9, $0x2AC, v4  }
0x18: {  	v5 =	vsel vm9, $0x2AD, v5;
	v6 =	vsel vm9, $0x2AE, v6;
	v7 =	vsel vm9, $0x2AF, v7  }
0x19: {  	v0 =	vsel vm8, $0x330, v0;
	v1 =	vsel vm8, $0x331, v1;
	v2 =	vsel vm8, $0x332, v2  }
0x1a: {  	v3 =	vsel vm8, $0x333, v3;
	v4 =	vsel vm8, $0x334, v4;
	v5 =	vsel vm8, $0x335, v5  }
0x1b: {  	v6 =	vsel vm8, $0x336, v6;
	v7 =	vsel vm8, $0x337, v7;
	v0 =	vsel vm7, $0x3B8, v0  }
0x1c: {  	v1 =	vsel vm7, $0x3B9, v1;
	v2 =	vsel vm7, $0x3BA, v2;
	v3 =	vsel vm7, $0x3BB, v3  }
0x1d: {  	v4 =	vsel vm7, $0x3BC, v4;
	v5 =	vsel vm7, $0x3BD, v5;
	v6 =	vsel vm7, $0x3BE, v6  }
0x1e: {  	v7 =	vsel vm7, $0x3BF, v7;
	v0 =	vsel vm6, $0x4400, v0;
	v1 =	vsel vm6, $0x4401, v1  }
0x1f: {  	v2 =	vsel vm6, $0x4402, v2;
	v3 =	vsel vm6, $0x4403, v3;
	v4 =	vsel vm6, $0x4404, v4  }
0x20: {  	v5 =	vsel vm6, $0x4405, v5;
	v6 =	vsel vm6, $0x4406, v6;
	v7 =	vsel vm6, $0x4407, v7  }
0x21: {  	v0 =	vsel vm5, $0x4488, v0;
	v1 =	vsel vm5, $0x4489, v1;
	v2 =	vsel vm5, $0x448A, v2  }
0x22: {  	v3 =	vsel vm5, $0x448B, v3;
	v4 =	vsel vm5, $0x448C, v4;
	v5 =	vsel vm5, $0x448D, v5  }
0x23: {  	v6 =	vsel vm5, $0x448E, v6;
	v7 =	vsel vm5, $0x448F, v7;
	v0 =	vsel vm4, $0x4510, v0  }
0x24: {  	v1 =	vsel vm4, $0x4511, v1;
	v2 =	vsel vm4, $0x4512, v2;
	v3 =	vsel vm4, $0x4513, v3  }
0x25: {  	v4 =	vsel vm4, $0x4514, v4;
	v5 =	vsel vm4, $0x4515, v5;
	v6 =	vsel vm4, $0x4516, v6  }
0x26: {  	s6 =	rddreg [dreg:$0x0];
	v7 =	vsel vm4, $0x4517, v7;
	v0 =	vsel vm3, $0x4598, v0;
	v1 =	vsel vm3, $0x4599, v1  }
0x27: {  	s1 =	rddreg [dreg:$0x1];
	v2 =	vsel vm3, $0x459A, v2;
	v3 =	vsel vm3, $0x459B, v3;
	v4 =	vsel vm3, $0x459C, v4  }
0x28: {  	s0 =	rddreg [dreg:$0x2];
	s2 =	simm.s32 $0x0;
	s7 =	srdreg.scid;
	v5 =	vsel vm3, $0x459D, v5;
	v6 =	vsel vm3, $0x459E, v6;
	v7 =	vsel vm3, $0x459F, v7  }
0x29: {  	s12 =	simm.s32 $0x800;
	s13 =	simm.s32 $0x1000;
	s14 =	simm.s32 $0x1800;
	v0 =	vsel vm2, $0x4620, v0;
	v1 =	vsel vm2, $0x4621, v1;
	v2 =	vsel vm2, $0x4622, v2  }
0x2a: {  	s15 =	simm.s32 $0x2000;
	s16 =	simm.s32 $0x1;
	s3 =	sadd.s32 $0x840A00, s6;
	v3 =	vsel vm2, $0x4623, v3;
	v4 =	vsel vm2, $0x4624, v4;
	v5 =	vsel vm2, $0x4625, v5  }
0x2b: {  	s17 =	simm.s32 $0xA000;
	s18 =	simm.s32 $0x0;
	s4 =	sadd.s32 $0x820A00, s6;
	v6 =	vsel vm2, $0x4626, v6;
	v7 =	vsel vm2, $0x4627, v7;
	v0 =	vsel vm1, $0x46A8, v0  }
0x2c: {  	[smem:$0x7FF] =	sst s2;
	s5 =	sadd.s32 $0x800A00, s6;
	s8 =	sand.u32 $0x1, s7;
	v1 =	vsel vm1, $0x46A9, v1;
	v2 =	vsel vm1, $0x46AA, v2;
	v3 =	vsel vm1, $0x46AB, v3  }
0x2d: {  	s7 =	sadd.s32 $0xA00, s6;
	s6 =	stileid.u32;
	s9 =	ssub.s32 $0x2, s8;
	v4 =	vsel vm1, $0x46AC, v4;
	v5 =	vsel vm1, $0x46AD, v5;
	v6 =	vsel vm1, $0x46AE, v6  }
0x2e: {  	s11 =	sshll.u32 s6, $0x10;
	s8 =	sshll.u32 s8, $0xF;
	s10 =	sshrl.u32 s9, $0x1;
	v7 =	vsel vm1, $0x46AF, v7;
	v0 =	vsel vm0, $0x4730, v0;
	v1 =	vsel vm0, $0x4731, v1  }
0x2f: {  	_ =	strace $0x8000004A;
	s8 =	sor.u32 s8, s11;
	s10 =	ssub.s32 s9, s10;
	v2 =	vsel vm0, $0x4732, v2;
	v3 =	vsel vm0, $0x4733, v3;
	v4 =	vsel vm0, $0x4734, v4  }
0x30: {  	s11 =	simm.s32 $0x2;
	s9 =	sadd.s32 $0x100000, s1;
	s10 =	smax.u32 s10, $0x1;
	v5 =	vsel vm0, $0x4735, v5;
	v6 =	vsel vm0, $0x4736, v6;
	v7 =	vsel vm0, $0x4737, v7  }
.LBB2_1:
0x31: {  	s19 =	simm.s32 $0x0  }
.LBB2_2:
0x32: {  	s20 =	sshll.u32 s19, $0xB  }
0x33: {  	s20 =	sadd.s32 s8, s20  }
0x34: {  	s21 =	sshrl.u32 s20, $0x3  }
0x35: {  	s23 =	simm.s32 $0x0;
	s22 =	sadd.s32 s3, s21  }
0x36: {  	[tilespmem:s23], [sflag:$0x2] =	stream.linear.gather [hbm4b:s22+s23], $0x800, $0x38;
	[tilespmem:$0x12800] =	vst v63  }
0x37: {  	_ =	swait.ge [sflag:s11], $0x800  }
0x38: {  	[sflag:s11] =	ssyncset.done $0x0  }
0x39: {  	s31 =	sadd.s32 s4, s21;
	[sflag:s11] =	ssyncadd.s32 $0xFFFFF800  }
0x3a: {  	[tilespmem:s12], [sflag:$0x2] =	stream.linear.gather [hbm4b:s31+s23], $0x800, $0x38;
	[tilespmem:$0x12800] =	vst v63  }
0x3b: {  	_ =	swait.ge [sflag:s11], $0x800  }
0x3c: {  	[sflag:s11] =	ssyncset.done $0x0  }
0x3d: {  	s21 =	sadd.s32 s5, s21;
	[sflag:s11] =	ssyncadd.s32 $0xFFFFF800  }
0x3e: {  	[tilespmem:s13], [sflag:$0x2] =	stream.linear.gather [hbm4b:s21+s23], $0x800, $0x38;
	[tilespmem:$0x12800] =	vst v63  }
0x3f: {  	_ =	swait.ge [sflag:s11], $0x800  }
0x40: {  	[sflag:s11] =	ssyncset.done $0x0  }
0x41: {  	s21 =	simm.s32 $0x0;
	[sflag:s11] =	ssyncadd.s32 $0xFFFFF800  }
0x42: {  	v8 =	vld [tilespmem:s21+$0x800]  }
0x43: {  	v9 =	vld [tilespmem:s21+$0x1000]  }
0x44: {  	v10 =	vld [tilespmem:s21+$0x0];
	_ =	sdelay $0x1  }
0x45: {  	s22 =	simm.s32 $0x40  }
.LBB2_3:
0x46: {  	s23 =	sshra.s32 s22, $0x2;
	p0 =	sne.s32 s22, $0x1FC0;
	s22 =	sadd.s32 $0x40, s22;
	v11 =	vmul.u32 $0x27409F, v8  }
.Ltmp0:
0x47: {  	v8 =	vld [tilespmem:s23+$0x800];
	v12 =	vmul.u32 $0x39FFB7, v9;
	(pc) =	sbr.rel @p0 .LBB2_3-.Ltmp0, $4  }
0x48: {  	v9 =	vld [tilespmem:s23+$0x1000];
	v11 =	vxor.u32 v10, v11  }
0x49: {  	v10 =	vld [tilespmem:s23+$0x0];
	v11 =	vxor.u32 v12, v11  }
0x4a: {  	v11 =	vand.u32 $0x3FFFFF, v11  }
0x4b: {  	[tilespmem:s21+$0x1800] =	vst v11;
	s21 =	smov.u32 s23  }
0x4c: {  	v8 =	vmul.u32 $0x27409F, v8  }
0x4d: {  	v9 =	vmul.u32 $0x39FFB7, v9  }
0x4e: {  	s22 =	simm.s32 $0x0;
	s23 =	simm.s32 $0x0;
	v8 =	vxor.u32 v10, v8  }
0x4f: {  	s22 =	sand.u32 $0x78, s22;
	s23 =	sand.u32 $0x78, s23;
	v8 =	vxor.u32 v9, v8  }
0x50: {  	v10 =	vmov s22;
	v9 =	vmov s23;
	v8 =	vand.u32 $0x3FFFFF, v8  }
0x51: {  	v9 =	vmul.u32 $0x88, v9;
	[tilespmem:s21+$0x1800] =	vst v8;
	v8 =	vshrl.u32 v10, $0x3  }
0x52: {  	[tilespmem:s15], [sflag:$0x1] =	stream.indirect.gather [hbm4b:s7+s12], $0x10, s14, s12, $0xb8;
	v8 =	vshll.u32 v8, $0x3;
	[tilespmem:$0x12800] =	vst v63  }
0x53: {  	_ =	swait.ge [sflag:s16], $0x8000;
	v8 =	vadd.s32 v9, v8  }
0x54: {  	[sflag:s16] =	ssyncset.done $0x0;
	v8 =	vbroadcast v8, $0x0  }
0x55: {  	s21 =	simm.s32 $0x2040;
	[sflag:s16] =	ssyncadd.s32 $0xFFFF8000  }
0x56: {  	v9 =	vld [tilespmem:s21+$0xFFFFFFC0];
	v10 =	vadd.s32 v0, v8;
	_ =	sdelay $0x4  }
0x57: {  	[tilespmem:v10+s17+$0x0] =	vst.idx.msk $0xffff, v9  }
0x58: {  	v10 =	vadd.s32 v1, v8;
	v9 =	vld [tilespmem:s21+$0xFFFFFFD0];
	_ =	sdelay $0x4  }
0x59: {  	[tilespmem:v10+s17+$0x0] =	vst.idx.msk $0xffff, v9  }
0x5a: {  	v10 =	vadd.s32 v2, v8;
	v9 =	vld [tilespmem:s21+$0xFFFFFFE0];
	_ =	sdelay $0x4  }
0x5b: {  	[tilespmem:v10+s17+$0x0] =	vst.idx.msk $0xffff, v9  }
0x5c: {  	v10 =	vadd.s32 v3, v8;
	v9 =	vld [tilespmem:s21+$0xFFFFFFF0];
	_ =	sdelay $0x4  }
0x5d: {  	[tilespmem:v10+s17+$0x0] =	vst.idx.msk $0xffff, v9  }
0x5e: {  	v10 =	vadd.s32 v4, v8;
	v9 =	vld [tilespmem:s21+$0x0];
	_ =	sdelay $0x4  }
0x5f: {  	[tilespmem:v10+s17+$0x0] =	vst.idx.msk $0xffff, v9  }
0x60: {  	v10 =	vadd.s32 v5, v8;
	v9 =	vld [tilespmem:s21+$0x10];
	_ =	sdelay $0x4  }
0x61: {  	[tilespmem:v10+s17+$0x0] =	vst.idx.msk $0xffff, v9  }
0x62: {  	v10 =	vadd.s32 v6, v8;
	v9 =	vld [tilespmem:s21+$0x20];
	_ =	sdelay $0x3  }
0x63: {  	s24 =	simm.s32 $0x0;
	s22 =	simm.s32 $0x8;
	s23 =	simm.s32 $0x2  }
.LBB2_5:
0x64: {  	p0 =	sne.s32 s23, $0xFF;
	s25 =	sand.u32 $0x78, s22;
	s24 =	sand.u32 $0x78, s24;
	[tilespmem:v10+s17+$0x0] =	vst.idx.msk $0xffff, v9  }
0x65: {  	v12 =	vadd.s32 v7, v8;
	v9 =	vmov s24;
	v10 =	vmov s25;
	v11 =	vld [tilespmem:s21+$0x30]  }
0x66: {  	v8 =	vshrl.u32 v10, $0x3;
	v9 =	vmul.u32 $0x88, v9  }
0x67: {  	v8 =	vshll.u32 v8, $0x3  }
0x68: {  	v8 =	vadd.s32 v9, v8  }
0x69: {  	v8 =	vbroadcast v8, $0x0  }
0x6a: {  	s21 =	sadd.s32 $0x80, s21;
	[tilespmem:v12+s17+$0x0] =	vst.idx.msk $0xffff, v11  }
0x6b: {  	v9 =	vld [tilespmem:s21+$0xFFFFFFC0];
	v10 =	vadd.s32 v0, v8;
	_ =	sdelay $0x4  }
0x6c: {  	[tilespmem:v10+s17+$0x0] =	vst.idx.msk $0xffff, v9  }
0x6d: {  	v10 =	vadd.s32 v1, v8;
	v9 =	vld [tilespmem:s21+$0xFFFFFFD0];
	_ =	sdelay $0x4  }
0x6e: {  	[tilespmem:v10+s17+$0x0] =	vst.idx.msk $0xffff, v9  }
0x6f: {  	v10 =	vadd.s32 v2, v8;
	v9 =	vld [tilespmem:s21+$0xFFFFFFE0];
	_ =	sdelay $0x4  }
0x70: {  	[tilespmem:v10+s17+$0x0] =	vst.idx.msk $0xffff, v9  }
0x71: {  	v10 =	vadd.s32 v3, v8;
	v9 =	vld [tilespmem:s21+$0xFFFFFFF0];
	_ =	sdelay $0x4  }
0x72: {  	[tilespmem:v10+s17+$0x0] =	vst.idx.msk $0xffff, v9  }
0x73: {  	v10 =	vadd.s32 v4, v8;
	v9 =	vld [tilespmem:s21+$0x0];
	_ =	sdelay $0x4  }
0x74: {  	[tilespmem:v10+s17+$0x0] =	vst.idx.msk $0xffff, v9  }
0x75: {  	v10 =	vadd.s32 v5, v8;
	v9 =	vld [tilespmem:s21+$0x10];
	_ =	sdelay $0x4  }
0x76: {  	[tilespmem:v10+s17+$0x0] =	vst.idx.msk $0xffff, v9  }
.Ltmp1:
0x77: {  	v10 =	vadd.s32 v6, v8;
	v9 =	vld [tilespmem:s21+$0x20];
	(pc) =	sbr.rel @p0 .LBB2_5-.Ltmp1, $2  }
0x78: {  	_ =	sdelay $0x2  }
0x79: {  	s22 =	sadd.s32 $0x8, s22;
	s24 =	sshrl.u32 s23, $0x1;
	s23 =	sadd.s32 $0x1, s23  }
0x7a: {  	_ =	sdelay $0x3  }
0x7b: {  	s22 =	sand.u32 $0x78, s22;
	s23 =	sand.u32 $0x78, s24;
	[tilespmem:v10+s17+$0x0] =	vst.idx.msk $0xffff, v9  }
0x7c: {  	v8 =	vadd.s32 v7, v8;
	v55 =	vmov s23;
	v56 =	vmov s22;
	v11 =	vld [tilespmem:s21+$0x30]  }
0x7d: {  	v10 =	vshrl.u32 v56, $0x3;
	v9 =	vmul.u32 $0x88, v55  }
0x7e: {  	v10 =	vshll.u32 v10, $0x3  }
0x7f: {  	v9 =	vadd.s32 v9, v10  }
0x80: {  	v9 =	vbroadcast v9, $0x0  }
0x81: {  	s31 =	sadd.s32 $0x80, s21;
	[tilespmem:v8+s17+$0x0] =	vst.idx.msk $0xffff, v11  }
0x82: {  	v8 =	vld [tilespmem:s31+$0xFFFFFFC0];
	v57 =	vadd.s32 v0, v9;
	_ =	sdelay $0x4  }
0x83: {  	[tilespmem:v57+s17+$0x0] =	vst.idx.msk $0xffff, v8  }
0x84: {  	v58 =	vadd.s32 v1, v9;
	v8 =	vld [tilespmem:s31+$0xFFFFFFD0];
	_ =	sdelay $0x4  }
0x85: {  	[tilespmem:v58+s17+$0x0] =	vst.idx.msk $0xffff, v8  }
0x86: {  	v59 =	vadd.s32 v2, v9;
	v8 =	vld [tilespmem:s31+$0xFFFFFFE0];
	_ =	sdelay $0x4  }
0x87: {  	[tilespmem:v59+s17+$0x0] =	vst.idx.msk $0xffff, v8  }
0x88: {  	v60 =	vadd.s32 v3, v9;
	v8 =	vld [tilespmem:s31+$0xFFFFFFF0];
	_ =	sdelay $0x4  }
0x89: {  	[tilespmem:v60+s17+$0x0] =	vst.idx.msk $0xffff, v8  }
0x8a: {  	v61 =	vadd.s32 v4, v9;
	v8 =	vld [tilespmem:s31+$0x0];
	_ =	sdelay $0x4  }
0x8b: {  	[tilespmem:v61+s17+$0x0] =	vst.idx.msk $0xffff, v8  }
0x8c: {  	v62 =	vadd.s32 v5, v9;
	v8 =	vld [tilespmem:s31+$0x10];
	_ =	sdelay $0x4  }
0x8d: {  	[tilespmem:v62+s17+$0x0] =	vst.idx.msk $0xffff, v8  }
0x8e: {  	v63 =	vadd.s32 v6, v9;
	v8 =	vld [tilespmem:s31+$0x20];
	_ =	sdelay $0x4  }
0x8f: {  	[tilespmem:v63+s17+$0x0] =	vst.idx.msk $0xffff, v8  }
0x90: {  	v9 =	vadd.s32 v7, v9;
	v8 =	vld [tilespmem:s31+$0x30];
	_ =	sdelay $0x3  }
0x91: {  	s24 =	simm.s32 $0xA088;
	s21 =	sadd.s32 s1, s20  }
0x92: {  	s22 =	simm.s32 $0xA000;
	s23 =	simm.s32 $0x10;
	s25 =	sadd.s32 $0x0, s21;
	[tilespmem:v9+s17+$0x0] =	vst.idx.msk $0xffff, v8  }
.LBB2_7:
0x93: {  	[hbm4b:s25+s2] =	stream.linear.scatter [tilespmem:s22], [sflag:$0x2], $0x80, $0x38;
	[tilespmem:$0x12800] =	vst v63  }
0x94: {  	s25 =	smov.u32 s23;
	s22 =	smov.u32 s24;
	p0 =	sne.s32 s23, $0x7F0  }
.Ltmp2:
0x95: {  	s23 =	sadd.s32 $0x10, s23;
	(pc) =	sbr.rel @p0 .LBB2_7-.Ltmp2, $2  }
0x96: {  	_ =	sdelay $0x2  }
0x97: {  	s24 =	sadd.s32 $0x88, s24;
	s25 =	sadd.s32 s25, s21  }
0x98: {  	[hbm4b:s25+s2] =	stream.linear.scatter [tilespmem:s22], [sflag:$0x2], $0x80, $0x38;
	[tilespmem:$0x12800] =	vst v63  }
0x99: {  	s20 =	sadd.s32 s20, s9;
	_ =	swait.ge [sflag:s11], $0x4000  }
0x9a: {  	s21 =	simm.s32 $0xE400;
	s22 =	simm.s32 $0x10;
	[sflag:s11] =	ssyncset.done $0x0  }
0x9b: {  	s23 =	simm.s32 $0xE488;
	s24 =	sadd.s32 $0x0, s20;
	[sflag:s11] =	ssyncadd.s32 $0xFFFFC000  }
.LBB2_9:
0x9c: {  	[hbm4b:s24+s2] =	stream.linear.scatter [tilespmem:s21], [sflag:$0x2], $0x80, $0x38;
	[tilespmem:$0x12800] =	vst v63  }
0x9d: {  	s24 =	smov.u32 s22;
	s21 =	smov.u32 s23;
	p0 =	sne.s32 s22, $0x7F0  }
.Ltmp3:
0x9e: {  	s22 =	sadd.s32 $0x10, s22;
	(pc) =	sbr.rel @p0 .LBB2_9-.Ltmp3, $2  }
0x9f: {  	_ =	sdelay $0x2  }
0xa0: {  	s23 =	sadd.s32 $0x88, s23;
	s24 =	sadd.s32 s24, s20  }
0xa1: {  	s19 =	sadd.s32 $0x1, s19  }
0xa2: {  	p0 =	sne.s32 s19, $0x10  }
.Ltmp4:
0xa3: {  	_ = 	snop;
	(pc) =	sbr.rel @p0 .LBB2_2-.Ltmp4, $4  }
0xa4: {  	[hbm4b:s24+s2] =	stream.linear.scatter [tilespmem:s21], [sflag:$0x2], $0x80, $0x38;
	[tilespmem:$0x12800] =	vst v63  }
0xa5: {  	_ =	swait.ge [sflag:s11], $0x4000  }
0xa6: {  	[sflag:s11] =	ssyncset.done $0x0  }
0xa7: {  	[sflag:s11] =	ssyncadd.s32 $0xFFFFC000  }
0xa8: {  	s18 =	sadd.s32 $0x1, s18  }
0xa9: {  	p0 =	sne.s32 s18, s10  }
.Ltmp5:
0xaa: {  	_ = 	snop;
	(pc) =	sbr.rel @p0 .LBB2_1-.Ltmp5, $1  }
0xab: {  	_ =	sdelay $0x3  }
0xac: {  	_ =	sfence.sel $0x180000  }
0xad: {  	[bflag:$0x0] =	sbarrier.arrive $0xFFFF  }
0xae: {  	p0 =	sne.s32 s6, $0x0;
	_ =	strace $0x9000004A  }
0xaf: {  	s0 =	sadd.s32 @!p0 $0x100000, s0;
	[bflag:$0x2] =	sbarrier.arrive $0xFFFF  }
0xb0: {  	[sflag:s0] =	ssyncadd.tile.s32 @!p0 $0x1;
	_ =	shalt  }
.Lfunc_end2:
_tile_overlayer_lowered:
.L_overlay_start_2:
0xb1: {  	(tag) =	ssettag $0x2  }
0xb2: {  	s0 =	rddreg [dreg:$0x0];
	s2 =	stileid.u32  }
0xb3: {  	s1 =	rddreg [dreg:$0x1];
	p0 =	sne.s32 s2, $0x0  }
0xb4: {  	s3 =	rddreg [dreg:$0x2];
	[bflag:$0x3] =	sbarrier.arrive $0xFFFF;
	s2 =	simm.s32 @!p0 $0x1C02  }
0xb5: {  	[timem:s3], [sflag:s2] =	dma.local @!p0 [hbm:s0], s1  }
0xb6: {  	s0 =	simm.s32 @!p0 $0x2  }
0xb7: {  	_ =	swait.ge @!p0 [sflag:s0], s1  }
0xb8: {  	s1 =	ssub.s32 @!p0 $0x0, s1;
	[sflag:s0] =	ssyncset.done @!p0 $0x0  }
0xb9: {  	[sflag:s0] =	ssyncadd.s32 @!p0 s1  }
0xba: {  	[bflag:$0x3] =	sbarrier.arrive $0xFFFF  }
0xbb: {  	_ =	shalt  }

</sc_bundles>
